<compile_context>
chip_gen: v7x
topology: tpu7x:2x2x1
jax: 0.10.2.dev20260603
libtpu: 0.0.44.dev20260713+nightly
codegen_flags: <defaults>
</compile_context>

<pallas_src>
import jax
import jax.numpy as jnp
from jax import lax
from jax.experimental import pallas as pl
from jax.experimental.pallas import tpu as pltpu
from jax.experimental.pallas import tpu_sc as plsc

BATCH = 16384
NUM_FIELDS = 26
EMBED_DIM = 16
FIELD_SIZE = 100000

_INFO = plsc.get_sparse_core_info()
NC, NS, L = _INFO.num_cores, _INFO.num_subcores, _INFO.num_lanes
NW = NC * NS

HALF = BATCH // 2
N_ITEMS = NUM_FIELDS * 2
CW = 2560
NCH = 41
FETCH = NCH * CW
ASTART_MAX = 2600064 - FETCH
NBKT = 64
BKT_CAP = 12288
HVECS = HALF // L
P_INNER = 8


def _izeros():
    return jnp.zeros((L,), jnp.int32)


def _splat(v):
    return jnp.full((L,), v, jnp.int32)


def _body(x1f_hbm, tt_hbm, ot_hbm, idxf_v, chunk_a, chunk_b, out_v, bkt_v,
          pcnt_v, starts_v, cur_v, sem_a, sem_b):
    c = lax.axis_index("c")
    s = lax.axis_index("s")
    wid = s * NC + c
    iota = lax.iota(jnp.int32, L)

    def run_item(item):
        f = item // 2
        h = item % 2
        astart = pl.multiple_of(
            jnp.minimum((f * FIELD_SIZE) // 128 * 128, ASTART_MAX), 128)
        loff = f * FIELD_SIZE - astart

        def start_chunk(o8, ch, buf, sem):
            pltpu.async_copy(
                tt_hbm.at[pl.ds(o8, 8), pl.ds(astart + ch * CW, CW)],
                buf, sem)

        def wait_chunk(o8, buf, sem):
            pltpu.make_async_copy(
                tt_hbm.at[pl.ds(o8, 8), pl.ds(astart, CW)], buf, sem).wait()

        start_chunk(pl.multiple_of(0, 8), 0, chunk_a, sem_a)

        pltpu.sync_copy(
            x1f_hbm.at[pl.ds(f * BATCH + h * HALF, HALF)], idxf_v)

        def zero(g, carry):
            pcnt_v[pl.ds(g * L, L)] = _izeros()
            return carry

        lax.fori_loop(0, NBKT // L, zero, 0)

        def count(g, carry):
            for j in range(P_INNER):
                sl = pl.ds((g * P_INNER + j) * L, L)
                iv = plsc.bitcast(idxf_v[sl], jnp.int32) + loff
                bid = ((iv >> 7) * 205) >> 12
                rank, last = plsc.scan_count(bid)
                plsc.addupdate_scatter(pcnt_v, [bid], rank, mask=last)
            return carry

        lax.fori_loop(0, HVECS // P_INNER, count, 0)

        def prefix(g, carry):
            sl = pl.ds(g * L, L)
            seg = (pcnt_v[sl] + 15) & ~15
            cs = plsc.cumsum(seg)
            starts_v[sl] = cs - seg + carry
            cur_v[sl] = cs - seg + carry
            return carry + lax.reduce_max(cs, (0,))

        lax.fori_loop(0, NBKT // L, prefix, 0)

        def place(g, carry):
            for j in range(P_INNER):
                v = g * P_INNER + j
                sl = pl.ds(v * L, L)
                iv = plsc.bitcast(idxf_v[sl], jnp.int32) + loff
                bid = ((iv >> 7) * 205) >> 12
                rank, last = plsc.scan_count(bid)
                base = plsc.load_gather(cur_v, [bid])
                pos = _splat(v * L) + iota
                plsc.store_scatter(
                    bkt_v, [base + rank - 1], (pos << 17) | iv)
                plsc.addupdate_scatter(cur_v, [bid], rank, mask=last)
            return carry

        lax.fori_loop(0, HVECS // P_INNER, place, 0)

        def resolve(ch, buf):
            start = lax.reduce_max(
                plsc.load_gather(starts_v, [_splat(ch)]), (0,))
            end = lax.reduce_max(
                plsc.load_gather(cur_v, [_splat(ch)]), (0,))
            cbase = ch * CW

            def entry(t, carry3):
                e = start + t * L
                pk = bkt_v[pl.ds(e, L)]
                m = (e + iota) < end
                col = (pk & 0x1FFFF) - cbase
                pos = lax.shift_right_logical(pk, 17)
                for d in range(8):
                    g16 = plsc.load_gather(buf, [_splat(d), col], mask=m)
                    plsc.store_scatter(out_v, [_splat(d), pos], g16, mask=m)
                return carry3

            lax.fori_loop(0, (end - start + L - 1) // L, entry, 0)

        for o in range(2):
            o8 = pl.multiple_of(o * 8, 8)
            if o == 1:
                start_chunk(o8, 0, chunk_a, sem_a)

            def pair(g, carry2, o8=o8):
                ch = g * 2
                start_chunk(o8, ch + 1, chunk_b, sem_b)
                wait_chunk(o8, chunk_a, sem_a)
                resolve(ch, chunk_a)
                start_chunk(o8, ch + 2, chunk_a, sem_a)
                wait_chunk(o8, chunk_b, sem_b)
                resolve(ch + 1, chunk_b)
                return carry2

            lax.fori_loop(0, (NCH - 1) // 2, pair, 0)
            wait_chunk(o8, chunk_a, sem_a)
            resolve(NCH - 1, chunk_a)
            pltpu.sync_copy(
                out_v,
                ot_hbm.at[f, pl.ds(o8, 8), pl.ds(h * HALF, HALF)])

    run_item(wid)

    @pl.when(wid + NW < N_ITEMS)
    def _():
        run_item(wid + NW)


@jax.jit
def _embed_t(x1f, tt):
    mesh = plsc.VectorSubcoreMesh(core_axis_name="c", subcore_axis_name="s")
    call = pl.kernel(
        _body,
        out_type=jax.ShapeDtypeStruct(
            (NUM_FIELDS, EMBED_DIM, BATCH), jnp.float32),
        mesh=mesh,
        scratch_types=[
            pltpu.VMEM((HALF,), jnp.float32),
            pltpu.VMEM((8, CW), jnp.float32),
            pltpu.VMEM((8, CW), jnp.float32),
            pltpu.VMEM((8, HALF), jnp.float32),
            pltpu.VMEM((BKT_CAP,), jnp.int32),
            pltpu.VMEM((NBKT,), jnp.int32),
            pltpu.VMEM((NBKT,), jnp.int32),
            pltpu.VMEM((NBKT,), jnp.int32),
            pltpu.SemaphoreType.DMA,
            pltpu.SemaphoreType.DMA,
        ],
        compiler_params=pltpu.CompilerParams(needs_layout_passes=False),
    )
    return call(x1f, tt)


def kernel(x, table):
    x1f = lax.bitcast_convert_type(x, jnp.float32).T.reshape(-1)
    tt = table.T
    ot = _embed_t(x1f, tt)
    return ot.transpose(2, 0, 1)

# --- scband reference (transcript-rebuilt; emitter-appended) ---
"""Pipeline reference for scband-features-embedding-22136261443935 (READ-ONLY COPY).

The authoritative reference and input builder live on the scoring server;
editing this copy changes nothing except your own understanding.
"""

import jax, jax.numpy as jnp
import numpy as np

FIELD_DIMS = [100000] * 26
EMBED_DIM = 16
BATCH = 16384
NUM_FIELDS = 26
TOTAL_ROWS = sum(FIELD_DIMS)


def _offsets():
    return np.array((0, *np.cumsum(FIELD_DIMS)[:-1]), dtype=np.int32)


def setup_inputs(seed: int = 0) -> dict:
    key = jax.random.key(seed)
    k1, k2 = jax.random.split(key)
    x = jax.random.randint(k1, (BATCH, NUM_FIELDS), 0, 100000, dtype=jnp.int32)
    # xavier uniform init for embedding table of shape (sum(field_dims), embed_dim)
    bound = float(np.sqrt(6.0 / (TOTAL_ROWS + EMBED_DIM)))
    table = jax.random.uniform(k2, (TOTAL_ROWS, EMBED_DIM), dtype=jnp.float32, minval=-bound, maxval=bound)
    return {"x": x, "table": table}


def reference(x, table):
    offsets = jnp.asarray(_offsets(), dtype=x.dtype)
    idx = x + offsets[None, :]
    # embedding lookup: gather rows from table
    return jnp.take(table, idx, axis=0)

if __name__ == "__main__":
    import jax
    _d = setup_inputs()
    print(jax.jit(kernel)(*tuple(_d.values())))

</pallas_src>

<mosaic_0001>
#map = affine_map<(d0, d1) -> (0)>
#map1 = affine_map<(d0, d1) -> (0, 0)>
#map2 = affine_map<(d0, d1) -> (0, 0, 0)>
module attributes {stable_mosaic.version = 14 : i64} {
  func.func @_body(%arg0: i32, %arg1: i32, %arg2: memref<425984xf32, #tpu.memory_space<hbm>>, %arg3: memref<16x2600000xf32, #tpu.memory_space<hbm>>, %arg4: memref<26x16x16384xf32, #tpu.memory_space<hbm>>, %arg5: memref<8192xf32, #tpu.memory_space<vmem>>, %arg6: memref<8x2560xf32, #tpu.memory_space<vmem>>, %arg7: memref<8x2560xf32, #tpu.memory_space<vmem>>, %arg8: memref<8x8192xf32, #tpu.memory_space<vmem>>, %arg9: memref<12288xi32, #tpu.memory_space<vmem>>, %arg10: memref<64xi32, #tpu.memory_space<vmem>>, %arg11: memref<64xi32, #tpu.memory_space<vmem>>, %arg12: memref<64xi32, #tpu.memory_space<vmem>>, %arg13: memref<!tpu.dma_semaphore, #tpu.memory_space<semaphore_mem>>, %arg14: memref<!tpu.dma_semaphore, #tpu.memory_space<semaphore_mem>>) attributes {dimension_semantics = [#tpu.dimension_semantics<core_parallel>, #tpu.dimension_semantics<subcore_parallel>], iteration_bounds = array<i64: 2, 16>, scalar_prefetch = 0 : i64, scratch_operands = 10 : i64, tpu.core_type = #tpu.core_type<sc_vector_subcore>, window_params = [{transform_indices = #map}, {transform_indices = #map1}, {transform_indices = #map2}]} {
    %mul3A = arith.constant 2 : i32
    %mul3A_0 = arith.muli %arg1, %mul3A : i32
    %add3A = arith.addi %mul3A_0, %arg0 : i32
    %iota3A = tpu.iota {dimensions = array<i32: 0>} : vector<16xi32>
    %jit3A = arith.constant 2 : i32
    %div3A = arith.divsi %add3A, %jit3A : i32
    %sign3A = arith.constant 0 : i32
    %sign3A_1 = arith.cmpi sgt, %add3A, %sign3A : i32
    %sign3A_2 = arith.extui %sign3A_1 : i1 to i32
    %sign3A_3 = arith.constant 0 : i32
    %sign3A_4 = arith.cmpi slt, %add3A, %sign3A_3 : i32
    %sign3A_5 = arith.extui %sign3A_4 : i1 to i32
    %sign3A_6 = arith.subi %sign3A_2, %sign3A_5 : i32
    %sign3A_7 = arith.constant 0 : i32
    %sign3A_8 = arith.cmpi sgt, %jit3A, %sign3A_7 : i32
    %sign3A_9 = arith.extui %sign3A_8 : i1 to i32
    %sign3A_10 = arith.constant 0 : i32
    %sign3A_11 = arith.cmpi slt, %jit3A, %sign3A_10 : i32
    %sign3A_12 = arith.extui %sign3A_11 : i1 to i32
    %sign3A_13 = arith.subi %sign3A_9, %sign3A_12 : i32
    %ne3A = arith.cmpi ne, %sign3A_6, %sign3A_13 : i32
    %rem3A = arith.remsi %add3A, %jit3A : i32
    %ne3A_14 = arith.constant 0 : i32
    %ne3A_15 = arith.cmpi ne, %rem3A, %ne3A_14 : i32
    %and3A = arith.andi %ne3A, %ne3A_15 : i1
    %sub3A = arith.constant 1 : i32
    %sub3A_16 = arith.subi %div3A, %sub3A : i32
    %select_n3A = arith.select %and3A, %sub3A_16, %div3A : i32
    %jit3A_17 = arith.constant 2 : i32
    %eq3A = arith.constant 0 : i32
    %eq3A_18 = arith.cmpi eq, %jit3A_17, %eq3A : i32
    %jit3A_19 = arith.constant 1 : i32
    %select_n3A_20 = arith.select %eq3A_18, %jit3A_19, %jit3A_17 : i32
    %rem3A_21 = arith.remsi %add3A, %select_n3A_20 : i32
    %ne3A_22 = arith.constant 0 : i32
    %ne3A_23 = arith.cmpi ne, %rem3A_21, %ne3A_22 : i32
    %lt3A = arith.constant 0 : i32
    %lt3A_24 = arith.cmpi slt, %rem3A_21, %lt3A : i32
    %lt3A_25 = arith.constant 0 : i32
    %lt3A_26 = arith.cmpi slt, %select_n3A_20, %lt3A_25 : i32
    %ne3A_27 = arith.xori %lt3A_24, %lt3A_26 : i1
    %and3A_28 = arith.andi %ne3A_27, %ne3A_23 : i1
    %add3A_29 = arith.addi %rem3A_21, %select_n3A_20 : i32
    %select_n3A_30 = arith.select %and3A_28, %add3A_29, %rem3A_21 : i32
    %mul3A_31 = arith.constant 100000 : i32
    %mul3A_32 = arith.muli %select_n3A, %mul3A_31 : i32
    %jit3A_33 = arith.constant 128 : i32
    %div3A_34 = arith.divsi %mul3A_32, %jit3A_33 : i32
    %sign3A_35 = arith.constant 0 : i32
    %sign3A_36 = arith.cmpi sgt, %mul3A_32, %sign3A_35 : i32
    %sign3A_37 = arith.extui %sign3A_36 : i1 to i32
    %sign3A_38 = arith.constant 0 : i32
    %sign3A_39 = arith.cmpi slt, %mul3A_32, %sign3A_38 : i32
    %sign3A_40 = arith.extui %sign3A_39 : i1 to i32
    %sign3A_41 = arith.subi %sign3A_37, %sign3A_40 : i32
    %sign3A_42 = arith.constant 0 : i32
    %sign3A_43 = arith.cmpi sgt, %jit3A_33, %sign3A_42 : i32
    %sign3A_44 = arith.extui %sign3A_43 : i1 to i32
    %sign3A_45 = arith.constant 0 : i32
    %sign3A_46 = arith.cmpi slt, %jit3A_33, %sign3A_45 : i32
    %sign3A_47 = arith.extui %sign3A_46 : i1 to i32
    %sign3A_48 = arith.subi %sign3A_44, %sign3A_47 : i32
    %ne3A_49 = arith.cmpi ne, %sign3A_41, %sign3A_48 : i32
    %rem3A_50 = arith.remsi %mul3A_32, %jit3A_33 : i32
    %ne3A_51 = arith.constant 0 : i32
    %ne3A_52 = arith.cmpi ne, %rem3A_50, %ne3A_51 : i32
    %and3A_53 = arith.andi %ne3A_49, %ne3A_52 : i1
    %sub3A_54 = arith.constant 1 : i32
    %sub3A_55 = arith.subi %div3A_34, %sub3A_54 : i32
    %select_n3A_56 = arith.select %and3A_53, %sub3A_55, %div3A_34 : i32
    %mul3A_57 = arith.constant 128 : i32
    %mul3A_58 = arith.muli %select_n3A_56, %mul3A_57 : i32
    %min3A = arith.constant 2495104 : i32
    %min3A_59 = arith.minsi %mul3A_58, %min3A : i32
    %multiple_of3A = tpu.assume_multiple %min3A_59, 128 : i32
    %mul3A_60 = arith.constant 100000 : i32
    %mul3A_61 = arith.muli %select_n3A, %mul3A_60 : i32
    %sub3A_62 = arith.subi %mul3A_61, %multiple_of3A : i32
    %multiple_of3A_63 = arith.constant 0 : i32
    %multiple_of3A_64 = tpu.assume_multiple %multiple_of3A_63, 8 : i32
    %add3A_65 = arith.constant 0 : i32
    %add3A_66 = arith.addi %multiple_of3A, %add3A_65 : i32
    %dma_start3A = tpu.memref_slice %arg3[%multiple_of3A_64, %add3A_66] : memref<16x2600000xf32, #tpu.memory_space<hbm>> -> memref<8x2560xf32, #tpu.memory_space<hbm>>
    %dma_start3A_67 = tpu.memref_slice %arg3[%multiple_of3A_64, %add3A_66] : memref<16x2600000xf32, #tpu.memory_space<hbm>> -> memref<8x2560xf32, #tpu.memory_space<hbm>>
    tpu.enqueue_dma source(%dma_start3A_67 : memref<8x2560xf32, #tpu.memory_space<hbm>>) target(%arg6 : memref<8x2560xf32, #tpu.memory_space<vmem>>) target_semaphore(%arg13 : memref<!tpu.dma_semaphore, #tpu.memory_space<semaphore_mem>>)
    %mul3A_68 = arith.constant 16384 : i32
    %mul3A_69 = arith.muli %select_n3A, %mul3A_68 : i32
    %mul3A_70 = arith.constant 8192 : i32
    %mul3A_71 = arith.muli %select_n3A_30, %mul3A_70 : i32
    %add3A_72 = arith.addi %mul3A_69, %mul3A_71 : i32
    "tpu.region"() ({
      %run_scoped3A = tpu.sem_alloc : memref<!tpu.dma_semaphore, #tpu.memory_space<semaphore_mem>>
      %dma_start3A_247 = tpu.memref_slice %arg2[%add3A_72] : memref<425984xf32, #tpu.memory_space<hbm>> -> memref<8192xf32, #tpu.memory_space<hbm>>
      %dma_start3A_248 = tpu.memref_slice %arg2[%add3A_72] : memref<425984xf32, #tpu.memory_space<hbm>> -> memref<8192xf32, #tpu.memory_space<hbm>>
      tpu.enqueue_dma source(%dma_start3A_248 : memref<8192xf32, #tpu.memory_space<hbm>>) target(%arg5 : memref<8192xf32, #tpu.memory_space<vmem>>) target_semaphore(%run_scoped3A : memref<!tpu.dma_semaphore, #tpu.memory_space<semaphore_mem>>)
      %dma_wait3A_249 = tpu.memref_slice %arg2[%add3A_72] : memref<425984xf32, #tpu.memory_space<hbm>> -> memref<8192xf32, #tpu.memory_space<hbm>>
      %dma_wait3A_250 = tpu.memref_slice %arg2[%add3A_72] : memref<425984xf32, #tpu.memory_space<hbm>> -> memref<8192xf32, #tpu.memory_space<hbm>>
      tpu.wait_dma2 semaphore(%run_scoped3A : memref<!tpu.dma_semaphore, #tpu.memory_space<semaphore_mem>>) src(%dma_wait3A_250 : memref<8192xf32, #tpu.memory_space<hbm>>) dst(%arg5 : memref<8192xf32, #tpu.memory_space<vmem>>)
      tpu.yield
    }) : () -> ()
    %scan3A = arith.constant 0 : i32
    %scan3A_73 = arith.constant 0 : i32
    %scan3A_74 = arith.constant 4 : i32
    %scan3A_75 = arith.addi %scan3A_73, %scan3A_74 : i32
    %scan3A_76 = arith.constant 1 : i32
    scf.for %scan3A_247 = %scan3A_73 to %scan3A_75 step %scan3A_76  : i32 {
      %broadcast_in_dim3A_248 = arith.constant 0 : i32
      %broadcast_in_dim3A_249 = vector.broadcast %broadcast_in_dim3A_248 : i32 to vector<16xi32>
      %mul3A_250 = arith.constant 16 : i32
      %mul3A_251 = arith.muli %scan3A_247, %mul3A_250 : i32
      %swap3A = arith.index_cast %mul3A_251 : i32 to index
      %swap3A_252 = tpu.vector_load %arg10[%swap3A] {strides = array<i32>} : memref<64xi32, #tpu.memory_space<vmem>>, vector<16xi32>,
      tpu.vector_store %arg10[%swap3A], %broadcast_in_dim3A_249 {strides = array<i32>} : memref<64xi32, #tpu.memory_space<vmem>>, vector<16xi32>,
    }
    %scan3A_77 = arith.constant 4 : i32
    %scan3A_78 = arith.constant 0 : i32
    %scan3A_79 = arith.constant 0 : i32
    %scan3A_80 = arith.constant 64 : i32
    %scan3A_81 = arith.addi %scan3A_79, %scan3A_80 : i32
    %scan3A_82 = arith.constant 1 : i32
    scf.for %scan3A_247 = %scan3A_79 to %scan3A_81 step %scan3A_82  : i32 {
      %mul3A_248 = arith.constant 8 : i32
      %mul3A_249 = arith.muli %scan3A_247, %mul3A_248 : i32
      %add3A_250 = arith.constant 0 : i32
      %add3A_251 = arith.addi %mul3A_249, %add3A_250 : i32
      %mul3A_252 = arith.constant 16 : i32
      %mul3A_253 = arith.muli %add3A_251, %mul3A_252 : i32
      %get3A = arith.index_cast %mul3A_253 : i32 to index
      %get3A_254 = tpu.vector_load %arg5[%get3A] {strides = array<i32>} : memref<8192xf32, #tpu.memory_space<vmem>>, vector<16xf32>,
      %bitcast3A = vector.bitcast %get3A_254 : vector<16xf32> to vector<16xi32>
      %add3A_255 = vector.broadcast %sub3A_62 : i32 to vector<16xi32>
      %add3A_256 = arith.addi %bitcast3A, %add3A_255 : vector<16xi32>
      %shift_right_arithmetic3A = arith.constant 7 : i32
      %shift_right_arithmetic3A_257 = vector.broadcast %shift_right_arithmetic3A : i32 to vector<16xi32>
      %shift_right_arithmetic3A_258 = arith.shrsi %add3A_256, %shift_right_arithmetic3A_257 : vector<16xi32>
      %mul3A_259 = arith.constant 205 : i32
      %mul3A_260 = vector.broadcast %mul3A_259 : i32 to vector<16xi32>
      %mul3A_261 = arith.muli %shift_right_arithmetic3A_258, %mul3A_260 : vector<16xi32>
      %shift_right_arithmetic3A_262 = arith.constant 12 : i32
      %shift_right_arithmetic3A_263 = vector.broadcast %shift_right_arithmetic3A_262 : i32 to vector<16xi32>
      %shift_right_arithmetic3A_264 = arith.shrsi %mul3A_261, %shift_right_arithmetic3A_263 : vector<16xi32>
      %broadcast_in_dim3A_265 = arith.constant true
      %broadcast_in_dim3A_266 = vector.broadcast %broadcast_in_dim3A_265 : i1 to vector<16xi1>
      %unique3A, %unique3A_267 = tpu.scan_count mask(%broadcast_in_dim3A_266 : vector<16xi1>) value(%shift_right_arithmetic3A_264 : vector<16xi32>) : vector<16xi1>, vector<16xi32>
      tpu.vector_store_idx %arg10[%shift_right_arithmetic3A_264], %unique3A_267 masked %unique3A {add = true} : memref<64xi32, #tpu.memory_space<vmem>>[vector<16xi32>], vector<16xi32>, vector<16xi1>
      %mul3A_268 = arith.constant 8 : i32
      %mul3A_269 = arith.muli %scan3A_247, %mul3A_268 : i32
      %add3A_270 = arith.constant 1 : i32
      %add3A_271 = arith.addi %mul3A_269, %add3A_270 : i32
      %mul3A_272 = arith.constant 16 : i32
      %mul3A_273 = arith.muli %add3A_271, %mul3A_272 : i32
      %get3A_274 = arith.index_cast %mul3A_273 : i32 to index
      %get3A_275 = tpu.vector_load %arg5[%get3A_274] {strides = array<i32>} : memref<8192xf32, #tpu.memory_space<vmem>>, vector<16xf32>,
      %bitcast3A_276 = vector.bitcast %get3A_275 : vector<16xf32> to vector<16xi32>
      %add3A_277 = vector.broadcast %sub3A_62 : i32 to vector<16xi32>
      %add3A_278 = arith.addi %bitcast3A_276, %add3A_277 : vector<16xi32>
      %shift_right_arithmetic3A_279 = arith.constant 7 : i32
      %shift_right_arithmetic3A_280 = vector.broadcast %shift_right_arithmetic3A_279 : i32 to vector<16xi32>
      %shift_right_arithmetic3A_281 = arith.shrsi %add3A_278, %shift_right_arithmetic3A_280 : vector<16xi32>
      %mul3A_282 = arith.constant 205 : i32
      %mul3A_283 = vector.broadcast %mul3A_282 : i32 to vector<16xi32>
      %mul3A_284 = arith.muli %shift_right_arithmetic3A_281, %mul3A_283 : vector<16xi32>
      %shift_right_arithmetic3A_285 = arith.constant 12 : i32
      %shift_right_arithmetic3A_286 = vector.broadcast %shift_right_arithmetic3A_285 : i32 to vector<16xi32>
      %shift_right_arithmetic3A_287 = arith.shrsi %mul3A_284, %shift_right_arithmetic3A_286 : vector<16xi32>
      %broadcast_in_dim3A_288 = arith.constant true
      %broadcast_in_dim3A_289 = vector.broadcast %broadcast_in_dim3A_288 : i1 to vector<16xi1>
      %unique3A_290, %unique3A_291 = tpu.scan_count mask(%broadcast_in_dim3A_289 : vector<16xi1>) value(%shift_right_arithmetic3A_287 : vector<16xi32>) : vector<16xi1>, vector<16xi32>
      tpu.vector_store_idx %arg10[%shift_right_arithmetic3A_287], %unique3A_291 masked %unique3A_290 {add = true} : memref<64xi32, #tpu.memory_space<vmem>>[vector<16xi32>], vector<16xi32>, vector<16xi1>
      %mul3A_292 = arith.constant 8 : i32
      %mul3A_293 = arith.muli %scan3A_247, %mul3A_292 : i32
      %add3A_294 = arith.constant 2 : i32
      %add3A_295 = arith.addi %mul3A_293, %add3A_294 : i32
      %mul3A_296 = arith.constant 16 : i32
      %mul3A_297 = arith.muli %add3A_295, %mul3A_296 : i32
      %get3A_298 = arith.index_cast %mul3A_297 : i32 to index
      %get3A_299 = tpu.vector_load %arg5[%get3A_298] {strides = array<i32>} : memref<8192xf32, #tpu.memory_space<vmem>>, vector<16xf32>,
      %bitcast3A_300 = vector.bitcast %get3A_299 : vector<16xf32> to vector<16xi32>
      %add3A_301 = vector.broadcast %sub3A_62 : i32 to vector<16xi32>
      %add3A_302 = arith.addi %bitcast3A_300, %add3A_301 : vector<16xi32>
      %shift_right_arithmetic3A_303 = arith.constant 7 : i32
      %shift_right_arithmetic3A_304 = vector.broadcast %shift_right_arithmetic3A_303 : i32 to vector<16xi32>
      %shift_right_arithmetic3A_305 = arith.shrsi %add3A_302, %shift_right_arithmetic3A_304 : vector<16xi32>
      %mul3A_306 = arith.constant 205 : i32
      %mul3A_307 = vector.broadcast %mul3A_306 : i32 to vector<16xi32>
      %mul3A_308 = arith.muli %shift_right_arithmetic3A_305, %mul3A_307 : vector<16xi32>
      %shift_right_arithmetic3A_309 = arith.constant 12 : i32
      %shift_right_arithmetic3A_310 = vector.broadcast %shift_right_arithmetic3A_309 : i32 to vector<16xi32>
      %shift_right_arithmetic3A_311 = arith.shrsi %mul3A_308, %shift_right_arithmetic3A_310 : vector<16xi32>
      %broadcast_in_dim3A_312 = arith.constant true
      %broadcast_in_dim3A_313 = vector.broadcast %broadcast_in_dim3A_312 : i1 to vector<16xi1>
      %unique3A_314, %unique3A_315 = tpu.scan_count mask(%broadcast_in_dim3A_313 : vector<16xi1>) value(%shift_right_arithmetic3A_311 : vector<16xi32>) : vector<16xi1>, vector<16xi32>
      tpu.vector_store_idx %arg10[%shift_right_arithmetic3A_311], %unique3A_315 masked %unique3A_314 {add = true} : memref<64xi32, #tpu.memory_space<vmem>>[vector<16xi32>], vector<16xi32>, vector<16xi1>
      %mul3A_316 = arith.constant 8 : i32
      %mul3A_317 = arith.muli %scan3A_247, %mul3A_316 : i32
      %add3A_318 = arith.constant 3 : i32
      %add3A_319 = arith.addi %mul3A_317, %add3A_318 : i32
      %mul3A_320 = arith.constant 16 : i32
      %mul3A_321 = arith.muli %add3A_319, %mul3A_320 : i32
      %get3A_322 = arith.index_cast %mul3A_321 : i32 to index
      %get3A_323 = tpu.vector_load %arg5[%get3A_322] {strides = array<i32>} : memref<8192xf32, #tpu.memory_space<vmem>>, vector<16xf32>,
      %bitcast3A_324 = vector.bitcast %get3A_323 : vector<16xf32> to vector<16xi32>
      %add3A_325 = vector.broadcast %sub3A_62 : i32 to vector<16xi32>
      %add3A_326 = arith.addi %bitcast3A_324, %add3A_325 : vector<16xi32>
      %shift_right_arithmetic3A_327 = arith.constant 7 : i32
      %shift_right_arithmetic3A_328 = vector.broadcast %shift_right_arithmetic3A_327 : i32 to vector<16xi32>
      %shift_right_arithmetic3A_329 = arith.shrsi %add3A_326, %shift_right_arithmetic3A_328 : vector<16xi32>
      %mul3A_330 = arith.constant 205 : i32
      %mul3A_331 = vector.broadcast %mul3A_330 : i32 to vector<16xi32>
      %mul3A_332 = arith.muli %shift_right_arithmetic3A_329, %mul3A_331 : vector<16xi32>
      %shift_right_arithmetic3A_333 = arith.constant 12 : i32
      %shift_right_arithmetic3A_334 = vector.broadcast %shift_right_arithmetic3A_333 : i32 to vector<16xi32>
      %shift_right_arithmetic3A_335 = arith.shrsi %mul3A_332, %shift_right_arithmetic3A_334 : vector<16xi32>
      %broadcast_in_dim3A_336 = arith.constant true
      %broadcast_in_dim3A_337 = vector.broadcast %broadcast_in_dim3A_336 : i1 to vector<16xi1>
      %unique3A_338, %unique3A_339 = tpu.scan_count mask(%broadcast_in_dim3A_337 : vector<16xi1>) value(%shift_right_arithmetic3A_335 : vector<16xi32>) : vector<16xi1>, vector<16xi32>
      tpu.vector_store_idx %arg10[%shift_right_arithmetic3A_335], %unique3A_339 masked %unique3A_338 {add = true} : memref<64xi32, #tpu.memory_space<vmem>>[vector<16xi32>], vector<16xi32>, vector<16xi1>
      %mul3A_340 = arith.constant 8 : i32
      %mul3A_341 = arith.muli %scan3A_247, %mul3A_340 : i32
      %add3A_342 = arith.constant 4 : i32
      %add3A_343 = arith.addi %mul3A_341, %add3A_342 : i32
      %mul3A_344 = arith.constant 16 : i32
      %mul3A_345 = arith.muli %add3A_343, %mul3A_344 : i32
      %get3A_346 = arith.index_cast %mul3A_345 : i32 to index
      %get3A_347 = tpu.vector_load %arg5[%get3A_346] {strides = array<i32>} : memref<8192xf32, #tpu.memory_space<vmem>>, vector<16xf32>,
      %bitcast3A_348 = vector.bitcast %get3A_347 : vector<16xf32> to vector<16xi32>
      %add3A_349 = vector.broadcast %sub3A_62 : i32 to vector<16xi32>
      %add3A_350 = arith.addi %bitcast3A_348, %add3A_349 : vector<16xi32>
      %shift_right_arithmetic3A_351 = arith.constant 7 : i32
      %shift_right_arithmetic3A_352 = vector.broadcast %shift_right_arithmetic3A_351 : i32 to vector<16xi32>
      %shift_right_arithmetic3A_353 = arith.shrsi %add3A_350, %shift_right_arithmetic3A_352 : vector<16xi32>
      %mul3A_354 = arith.constant 205 : i32
      %mul3A_355 = vector.broadcast %mul3A_354 : i32 to vector<16xi32>
      %mul3A_356 = arith.muli %shift_right_arithmetic3A_353, %mul3A_355 : vector<16xi32>
      %shift_right_arithmetic3A_357 = arith.constant 12 : i32
      %shift_right_arithmetic3A_358 = vector.broadcast %shift_right_arithmetic3A_357 : i32 to vector<16xi32>
      %shift_right_arithmetic3A_359 = arith.shrsi %mul3A_356, %shift_right_arithmetic3A_358 : vector<16xi32>
      %broadcast_in_dim3A_360 = arith.constant true
      %broadcast_in_dim3A_361 = vector.broadcast %broadcast_in_dim3A_360 : i1 to vector<16xi1>
      %unique3A_362, %unique3A_363 = tpu.scan_count mask(%broadcast_in_dim3A_361 : vector<16xi1>) value(%shift_right_arithmetic3A_359 : vector<16xi32>) : vector<16xi1>, vector<16xi32>
      tpu.vector_store_idx %arg10[%shift_right_arithmetic3A_359], %unique3A_363 masked %unique3A_362 {add = true} : memref<64xi32, #tpu.memory_space<vmem>>[vector<16xi32>], vector<16xi32>, vector<16xi1>
      %mul3A_364 = arith.constant 8 : i32
      %mul3A_365 = arith.muli %scan3A_247, %mul3A_364 : i32
      %add3A_366 = arith.constant 5 : i32
      %add3A_367 = arith.addi %mul3A_365, %add3A_366 : i32
      %mul3A_368 = arith.constant 16 : i32
      %mul3A_369 = arith.muli %add3A_367, %mul3A_368 : i32
      %get3A_370 = arith.index_cast %mul3A_369 : i32 to index
      %get3A_371 = tpu.vector_load %arg5[%get3A_370] {strides = array<i32>} : memref<8192xf32, #tpu.memory_space<vmem>>, vector<16xf32>,
      %bitcast3A_372 = vector.bitcast %get3A_371 : vector<16xf32> to vector<16xi32>
      %add3A_373 = vector.broadcast %sub3A_62 : i32 to vector<16xi32>
      %add3A_374 = arith.addi %bitcast3A_372, %add3A_373 : vector<16xi32>
      %shift_right_arithmetic3A_375 = arith.constant 7 : i32
      %shift_right_arithmetic3A_376 = vector.broadcast %shift_right_arithmetic3A_375 : i32 to vector<16xi32>
      %shift_right_arithmetic3A_377 = arith.shrsi %add3A_374, %shift_right_arithmetic3A_376 : vector<16xi32>
      %mul3A_378 = arith.constant 205 : i32
      %mul3A_379 = vector.broadcast %mul3A_378 : i32 to vector<16xi32>
      %mul3A_380 = arith.muli %shift_right_arithmetic3A_377, %mul3A_379 : vector<16xi32>
      %shift_right_arithmetic3A_381 = arith.constant 12 : i32
      %shift_right_arithmetic3A_382 = vector.broadcast %shift_right_arithmetic3A_381 : i32 to vector<16xi32>
      %shift_right_arithmetic3A_383 = arith.shrsi %mul3A_380, %shift_right_arithmetic3A_382 : vector<16xi32>
      %broadcast_in_dim3A_384 = arith.constant true
      %broadcast_in_dim3A_385 = vector.broadcast %broadcast_in_dim3A_384 : i1 to vector<16xi1>
      %unique3A_386, %unique3A_387 = tpu.scan_count mask(%broadcast_in_dim3A_385 : vector<16xi1>) value(%shift_right_arithmetic3A_383 : vector<16xi32>) : vector<16xi1>, vector<16xi32>
      tpu.vector_store_idx %arg10[%shift_right_arithmetic3A_383], %unique3A_387 masked %unique3A_386 {add = true} : memref<64xi32, #tpu.memory_space<vmem>>[vector<16xi32>], vector<16xi32>, vector<16xi1>
      %mul3A_388 = arith.constant 8 : i32
      %mul3A_389 = arith.muli %scan3A_247, %mul3A_388 : i32
      %add3A_390 = arith.constant 6 : i32
      %add3A_391 = arith.addi %mul3A_389, %add3A_390 : i32
      %mul3A_392 = arith.constant 16 : i32
      %mul3A_393 = arith.muli %add3A_391, %mul3A_392 : i32
      %get3A_394 = arith.index_cast %mul3A_393 : i32 to index
      %get3A_395 = tpu.vector_load %arg5[%get3A_394] {strides = array<i32>} : memref<8192xf32, #tpu.memory_space<vmem>>, vector<16xf32>,
      %bitcast3A_396 = vector.bitcast %get3A_395 : vector<16xf32> to vector<16xi32>
      %add3A_397 = vector.broadcast %sub3A_62 : i32 to vector<16xi32>
      %add3A_398 = arith.addi %bitcast3A_396, %add3A_397 : vector<16xi32>
      %shift_right_arithmetic3A_399 = arith.constant 7 : i32
      %shift_right_arithmetic3A_400 = vector.broadcast %shift_right_arithmetic3A_399 : i32 to vector<16xi32>
      %shift_right_arithmetic3A_401 = arith.shrsi %add3A_398, %shift_right_arithmetic3A_400 : vector<16xi32>
      %mul3A_402 = arith.constant 205 : i32
      %mul3A_403 = vector.broadcast %mul3A_402 : i32 to vector<16xi32>
      %mul3A_404 = arith.muli %shift_right_arithmetic3A_401, %mul3A_403 : vector<16xi32>
      %shift_right_arithmetic3A_405 = arith.constant 12 : i32
      %shift_right_arithmetic3A_406 = vector.broadcast %shift_right_arithmetic3A_405 : i32 to vector<16xi32>
      %shift_right_arithmetic3A_407 = arith.shrsi %mul3A_404, %shift_right_arithmetic3A_406 : vector<16xi32>
      %broadcast_in_dim3A_408 = arith.constant true
      %broadcast_in_dim3A_409 = vector.broadcast %broadcast_in_dim3A_408 : i1 to vector<16xi1>
      %unique3A_410, %unique3A_411 = tpu.scan_count mask(%broadcast_in_dim3A_409 : vector<16xi1>) value(%shift_right_arithmetic3A_407 : vector<16xi32>) : vector<16xi1>, vector<16xi32>
      tpu.vector_store_idx %arg10[%shift_right_arithmetic3A_407], %unique3A_411 masked %unique3A_410 {add = true} : memref<64xi32, #tpu.memory_space<vmem>>[vector<16xi32>], vector<16xi32>, vector<16xi1>
      %mul3A_412 = arith.constant 8 : i32
      %mul3A_413 = arith.muli %scan3A_247, %mul3A_412 : i32
      %add3A_414 = arith.constant 7 : i32
      %add3A_415 = arith.addi %mul3A_413, %add3A_414 : i32
      %mul3A_416 = arith.constant 16 : i32
      %mul3A_417 = arith.muli %add3A_415, %mul3A_416 : i32
      %get3A_418 = arith.index_cast %mul3A_417 : i32 to index
      %get3A_419 = tpu.vector_load %arg5[%get3A_418] {strides = array<i32>} : memref<8192xf32, #tpu.memory_space<vmem>>, vector<16xf32>,
      %bitcast3A_420 = vector.bitcast %get3A_419 : vector<16xf32> to vector<16xi32>
      %add3A_421 = vector.broadcast %sub3A_62 : i32 to vector<16xi32>
      %add3A_422 = arith.addi %bitcast3A_420, %add3A_421 : vector<16xi32>
      %shift_right_arithmetic3A_423 = arith.constant 7 : i32
      %shift_right_arithmetic3A_424 = vector.broadcast %shift_right_arithmetic3A_423 : i32 to vector<16xi32>
      %shift_right_arithmetic3A_425 = arith.shrsi %add3A_422, %shift_right_arithmetic3A_424 : vector<16xi32>
      %mul3A_426 = arith.constant 205 : i32
      %mul3A_427 = vector.broadcast %mul3A_426 : i32 to vector<16xi32>
      %mul3A_428 = arith.muli %shift_right_arithmetic3A_425, %mul3A_427 : vector<16xi32>
      %shift_right_arithmetic3A_429 = arith.constant 12 : i32
      %shift_right_arithmetic3A_430 = vector.broadcast %shift_right_arithmetic3A_429 : i32 to vector<16xi32>
      %shift_right_arithmetic3A_431 = arith.shrsi %mul3A_428, %shift_right_arithmetic3A_430 : vector<16xi32>
      %broadcast_in_dim3A_432 = arith.constant true
      %broadcast_in_dim3A_433 = vector.broadcast %broadcast_in_dim3A_432 : i1 to vector<16xi1>
      %unique3A_434, %unique3A_435 = tpu.scan_count mask(%broadcast_in_dim3A_433 : vector<16xi1>) value(%shift_right_arithmetic3A_431 : vector<16xi32>) : vector<16xi1>, vector<16xi32>
      tpu.vector_store_idx %arg10[%shift_right_arithmetic3A_431], %unique3A_435 masked %unique3A_434 {add = true} : memref<64xi32, #tpu.memory_space<vmem>>[vector<16xi32>], vector<16xi32>, vector<16xi1>
    }
    %scan3A_83 = arith.constant 64 : i32
    %scan3A_84 = arith.constant 0 : i32
    %scan3A_85 = arith.constant 0 : i32
    %scan3A_86 = arith.constant 4 : i32
    %scan3A_87 = arith.addi %scan3A_85, %scan3A_86 : i32
    %scan3A_88 = arith.constant 1 : i32
    %scan3A_89 = scf.for %scan3A_247 = %scan3A_85 to %scan3A_87 step %scan3A_88 iter_args(%scan3A_248 = %scan3A_84) -> (i32)  : i32 {
      %mul3A_249 = arith.constant 16 : i32
      %mul3A_250 = arith.muli %scan3A_247, %mul3A_249 : i32
      %get3A = arith.index_cast %mul3A_250 : i32 to index
      %get3A_251 = tpu.vector_load %arg10[%get3A] {strides = array<i32>} : memref<64xi32, #tpu.memory_space<vmem>>, vector<16xi32>,
      %add3A_252 = arith.constant 15 : i32
      %add3A_253 = vector.broadcast %add3A_252 : i32 to vector<16xi32>
      %add3A_254 = arith.addi %get3A_251, %add3A_253 : vector<16xi32>
      %and3A_255 = arith.constant -16 : i32
      %and3A_256 = vector.broadcast %and3A_255 : i32 to vector<16xi32>
      %and3A_257 = arith.andi %add3A_254, %and3A_256 : vector<16xi32>
      %broadcast_in_dim3A_258 = arith.constant true
      %broadcast_in_dim3A_259 = vector.broadcast %broadcast_in_dim3A_258 : i1 to vector<16xi1>
      %masked_cumsum3A = tpu.scan <sum>, %and3A_257 masked %broadcast_in_dim3A_259 : vector<16xi32>, vector<16xi1> -> vector<16xi32>
      %sub3A_260 = arith.subi %masked_cumsum3A, %and3A_257 : vector<16xi32>
      %add3A_261 = vector.broadcast %scan3A_248 : i32 to vector<16xi32>
      %add3A_262 = arith.addi %sub3A_260, %add3A_261 : vector<16xi32>
      %swap3A = arith.index_cast %mul3A_250 : i32 to index
      %swap3A_263 = tpu.vector_load %arg11[%swap3A] {strides = array<i32>} : memref<64xi32, #tpu.memory_space<vmem>>, vector<16xi32>,
      tpu.vector_store %arg11[%swap3A], %add3A_262 {strides = array<i32>} : memref<64xi32, #tpu.memory_space<vmem>>, vector<16xi32>,
      %sub3A_264 = arith.subi %masked_cumsum3A, %and3A_257 : vector<16xi32>
      %add3A_265 = vector.broadcast %scan3A_248 : i32 to vector<16xi32>
      %add3A_266 = arith.addi %sub3A_264, %add3A_265 : vector<16xi32>
      %swap3A_267 = arith.index_cast %mul3A_250 : i32 to index
      %swap3A_268 = tpu.vector_load %arg12[%swap3A_267] {strides = array<i32>} : memref<64xi32, #tpu.memory_space<vmem>>, vector<16xi32>,
      tpu.vector_store %arg12[%swap3A_267], %add3A_266 {strides = array<i32>} : memref<64xi32, #tpu.memory_space<vmem>>, vector<16xi32>,
      %reduce_max3A_269 = arith.constant true
      %reduce_max3A_270 = vector.broadcast %reduce_max3A_269 : i1 to vector<16xi1>
      %reduce_max3A_271 = arith.constant -2147483648 : i32
      %reduce_max3A_272 = vector.broadcast %reduce_max3A_271 : i32 to vector<16xi32>
      %reduce_max3A_273 = arith.xori %masked_cumsum3A, %reduce_max3A_272 : vector<16xi32>
      %reduce_max3A_274 = tpu.scan <max>, %reduce_max3A_273 masked %reduce_max3A_270 : vector<16xi32>, vector<16xi1> -> vector<16xi32>
      %reduce_max3A_275 = arith.xori %reduce_max3A_274, %reduce_max3A_272 : vector<16xi32>
      %reduce_max3A_276 = vector.extract %reduce_max3A_275[15] : i32 from vector<16xi32>
      %add3A_277 = arith.addi %scan3A_248, %reduce_max3A_276 : i32
      scf.yield %add3A_277 : i32
    }
    %scan3A_90 = arith.constant 4 : i32
    %scan3A_91 = arith.constant 0 : i32
    %scan3A_92 = arith.constant 0 : i32
    %scan3A_93 = arith.constant 64 : i32
    %scan3A_94 = arith.addi %scan3A_92, %scan3A_93 : i32
    %scan3A_95 = arith.constant 1 : i32
    scf.for %scan3A_247 = %scan3A_92 to %scan3A_94 step %scan3A_95  : i32 {
      %mul3A_248 = arith.constant 8 : i32
      %mul3A_249 = arith.muli %scan3A_247, %mul3A_248 : i32
      %add3A_250 = arith.constant 0 : i32
      %add3A_251 = arith.addi %mul3A_249, %add3A_250 : i32
      %mul3A_252 = arith.constant 16 : i32
      %mul3A_253 = arith.muli %add3A_251, %mul3A_252 : i32
      %get3A = arith.index_cast %mul3A_253 : i32 to index
      %get3A_254 = tpu.vector_load %arg5[%get3A] {strides = array<i32>} : memref<8192xf32, #tpu.memory_space<vmem>>, vector<16xf32>,
      %bitcast3A = vector.bitcast %get3A_254 : vector<16xf32> to vector<16xi32>
      %add3A_255 = vector.broadcast %sub3A_62 : i32 to vector<16xi32>
      %add3A_256 = arith.addi %bitcast3A, %add3A_255 : vector<16xi32>
      %shift_right_arithmetic3A = arith.constant 7 : i32
      %shift_right_arithmetic3A_257 = vector.broadcast %shift_right_arithmetic3A : i32 to vector<16xi32>
      %shift_right_arithmetic3A_258 = arith.shrsi %add3A_256, %shift_right_arithmetic3A_257 : vector<16xi32>
      %mul3A_259 = arith.constant 205 : i32
      %mul3A_260 = vector.broadcast %mul3A_259 : i32 to vector<16xi32>
      %mul3A_261 = arith.muli %shift_right_arithmetic3A_258, %mul3A_260 : vector<16xi32>
      %shift_right_arithmetic3A_262 = arith.constant 12 : i32
      %shift_right_arithmetic3A_263 = vector.broadcast %shift_right_arithmetic3A_262 : i32 to vector<16xi32>
      %shift_right_arithmetic3A_264 = arith.shrsi %mul3A_261, %shift_right_arithmetic3A_263 : vector<16xi32>
      %broadcast_in_dim3A_265 = arith.constant true
      %broadcast_in_dim3A_266 = vector.broadcast %broadcast_in_dim3A_265 : i1 to vector<16xi1>
      %unique3A, %unique3A_267 = tpu.scan_count mask(%broadcast_in_dim3A_266 : vector<16xi1>) value(%shift_right_arithmetic3A_264 : vector<16xi32>) : vector<16xi1>, vector<16xi32>
      %gather3A_268 = tpu.vector_load_idx %arg12[%shift_right_arithmetic3A_264] : memref<64xi32, #tpu.memory_space<vmem>>[vector<16xi32>], vector<16xi32>,
      %mul3A_269 = arith.constant 16 : i32
      %mul3A_270 = arith.muli %add3A_251, %mul3A_269 : i32
      %broadcast_in_dim3A_271 = vector.broadcast %mul3A_270 : i32 to vector<16xi32>
      %add3A_272 = arith.addi %broadcast_in_dim3A_271, %iota3A : vector<16xi32>
      %add3A_273 = arith.addi %gather3A_268, %unique3A_267 : vector<16xi32>
      %sub3A_274 = arith.constant 1 : i32
      %sub3A_275 = vector.broadcast %sub3A_274 : i32 to vector<16xi32>
      %sub3A_276 = arith.subi %add3A_273, %sub3A_275 : vector<16xi32>
      %shift_left3A = arith.constant 17 : i32
      %shift_left3A_277 = vector.broadcast %shift_left3A : i32 to vector<16xi32>
      %shift_left3A_278 = arith.shli %add3A_272, %shift_left3A_277 : vector<16xi32>
      %or3A = arith.ori %shift_left3A_278, %add3A_256 : vector<16xi32>
      tpu.vector_store_idx %arg9[%sub3A_276], %or3A : memref<12288xi32, #tpu.memory_space<vmem>>[vector<16xi32>], vector<16xi32>,
      tpu.vector_store_idx %arg12[%shift_right_arithmetic3A_264], %unique3A_267 masked %unique3A {add = true} : memref<64xi32, #tpu.memory_space<vmem>>[vector<16xi32>], vector<16xi32>, vector<16xi1>
      %mul3A_279 = arith.constant 8 : i32
      %mul3A_280 = arith.muli %scan3A_247, %mul3A_279 : i32
      %add3A_281 = arith.constant 1 : i32
      %add3A_282 = arith.addi %mul3A_280, %add3A_281 : i32
      %mul3A_283 = arith.constant 16 : i32
      %mul3A_284 = arith.muli %add3A_282, %mul3A_283 : i32
      %get3A_285 = arith.index_cast %mul3A_284 : i32 to index
      %get3A_286 = tpu.vector_load %arg5[%get3A_285] {strides = array<i32>} : memref<8192xf32, #tpu.memory_space<vmem>>, vector<16xf32>,
      %bitcast3A_287 = vector.bitcast %get3A_286 : vector<16xf32> to vector<16xi32>
      %add3A_288 = vector.broadcast %sub3A_62 : i32 to vector<16xi32>
      %add3A_289 = arith.addi %bitcast3A_287, %add3A_288 : vector<16xi32>
      %shift_right_arithmetic3A_290 = arith.constant 7 : i32
      %shift_right_arithmetic3A_291 = vector.broadcast %shift_right_arithmetic3A_290 : i32 to vector<16xi32>
      %shift_right_arithmetic3A_292 = arith.shrsi %add3A_289, %shift_right_arithmetic3A_291 : vector<16xi32>
      %mul3A_293 = arith.constant 205 : i32
      %mul3A_294 = vector.broadcast %mul3A_293 : i32 to vector<16xi32>
      %mul3A_295 = arith.muli %shift_right_arithmetic3A_292, %mul3A_294 : vector<16xi32>
      %shift_right_arithmetic3A_296 = arith.constant 12 : i32
      %shift_right_arithmetic3A_297 = vector.broadcast %shift_right_arithmetic3A_296 : i32 to vector<16xi32>
      %shift_right_arithmetic3A_298 = arith.shrsi %mul3A_295, %shift_right_arithmetic3A_297 : vector<16xi32>
      %broadcast_in_dim3A_299 = arith.constant true
      %broadcast_in_dim3A_300 = vector.broadcast %broadcast_in_dim3A_299 : i1 to vector<16xi1>
      %unique3A_301, %unique3A_302 = tpu.scan_count mask(%broadcast_in_dim3A_300 : vector<16xi1>) value(%shift_right_arithmetic3A_298 : vector<16xi32>) : vector<16xi1>, vector<16xi32>
      %gather3A_303 = tpu.vector_load_idx %arg12[%shift_right_arithmetic3A_298] : memref<64xi32, #tpu.memory_space<vmem>>[vector<16xi32>], vector<16xi32>,
      %mul3A_304 = arith.constant 16 : i32
      %mul3A_305 = arith.muli %add3A_282, %mul3A_304 : i32
      %broadcast_in_dim3A_306 = vector.broadcast %mul3A_305 : i32 to vector<16xi32>
      %add3A_307 = arith.addi %broadcast_in_dim3A_306, %iota3A : vector<16xi32>
      %add3A_308 = arith.addi %gather3A_303, %unique3A_302 : vector<16xi32>
      %sub3A_309 = arith.constant 1 : i32
      %sub3A_310 = vector.broadcast %sub3A_309 : i32 to vector<16xi32>
      %sub3A_311 = arith.subi %add3A_308, %sub3A_310 : vector<16xi32>
      %shift_left3A_312 = arith.constant 17 : i32
      %shift_left3A_313 = vector.broadcast %shift_left3A_312 : i32 to vector<16xi32>
      %shift_left3A_314 = arith.shli %add3A_307, %shift_left3A_313 : vector<16xi32>
      %or3A_315 = arith.ori %shift_left3A_314, %add3A_289 : vector<16xi32>
      tpu.vector_store_idx %arg9[%sub3A_311], %or3A_315 : memref<12288xi32, #tpu.memory_space<vmem>>[vector<16xi32>], vector<16xi32>,
      tpu.vector_store_idx %arg12[%shift_right_arithmetic3A_298], %unique3A_302 masked %unique3A_301 {add = true} : memref<64xi32, #tpu.memory_space<vmem>>[vector<16xi32>], vector<16xi32>, vector<16xi1>
      %mul3A_316 = arith.constant 8 : i32
      %mul3A_317 = arith.muli %scan3A_247, %mul3A_316 : i32
      %add3A_318 = arith.constant 2 : i32
      %add3A_319 = arith.addi %mul3A_317, %add3A_318 : i32
      %mul3A_320 = arith.constant 16 : i32
      %mul3A_321 = arith.muli %add3A_319, %mul3A_320 : i32
      %get3A_322 = arith.index_cast %mul3A_321 : i32 to index
      %get3A_323 = tpu.vector_load %arg5[%get3A_322] {strides = array<i32>} : memref<8192xf32, #tpu.memory_space<vmem>>, vector<16xf32>,
      %bitcast3A_324 = vector.bitcast %get3A_323 : vector<16xf32> to vector<16xi32>
      %add3A_325 = vector.broadcast %sub3A_62 : i32 to vector<16xi32>
      %add3A_326 = arith.addi %bitcast3A_324, %add3A_325 : vector<16xi32>
      %shift_right_arithmetic3A_327 = arith.constant 7 : i32
      %shift_right_arithmetic3A_328 = vector.broadcast %shift_right_arithmetic3A_327 : i32 to vector<16xi32>
      %shift_right_arithmetic3A_329 = arith.shrsi %add3A_326, %shift_right_arithmetic3A_328 : vector<16xi32>
      %mul3A_330 = arith.constant 205 : i32
      %mul3A_331 = vector.broadcast %mul3A_330 : i32 to vector<16xi32>
      %mul3A_332 = arith.muli %shift_right_arithmetic3A_329, %mul3A_331 : vector<16xi32>
      %shift_right_arithmetic3A_333 = arith.constant 12 : i32
      %shift_right_arithmetic3A_334 = vector.broadcast %shift_right_arithmetic3A_333 : i32 to vector<16xi32>
      %shift_right_arithmetic3A_335 = arith.shrsi %mul3A_332, %shift_right_arithmetic3A_334 : vector<16xi32>
      %broadcast_in_dim3A_336 = arith.constant true
      %broadcast_in_dim3A_337 = vector.broadcast %broadcast_in_dim3A_336 : i1 to vector<16xi1>
      %unique3A_338, %unique3A_339 = tpu.scan_count mask(%broadcast_in_dim3A_337 : vector<16xi1>) value(%shift_right_arithmetic3A_335 : vector<16xi32>) : vector<16xi1>, vector<16xi32>
      %gather3A_340 = tpu.vector_load_idx %arg12[%shift_right_arithmetic3A_335] : memref<64xi32, #tpu.memory_space<vmem>>[vector<16xi32>], vector<16xi32>,
      %mul3A_341 = arith.constant 16 : i32
      %mul3A_342 = arith.muli %add3A_319, %mul3A_341 : i32
      %broadcast_in_dim3A_343 = vector.broadcast %mul3A_342 : i32 to vector<16xi32>
      %add3A_344 = arith.addi %broadcast_in_dim3A_343, %iota3A : vector<16xi32>
      %add3A_345 = arith.addi %gather3A_340, %unique3A_339 : vector<16xi32>
      %sub3A_346 = arith.constant 1 : i32
      %sub3A_347 = vector.broadcast %sub3A_346 : i32 to vector<16xi32>
      %sub3A_348 = arith.subi %add3A_345, %sub3A_347 : vector<16xi32>
      %shift_left3A_349 = arith.constant 17 : i32
      %shift_left3A_350 = vector.broadcast %shift_left3A_349 : i32 to vector<16xi32>
      %shift_left3A_351 = arith.shli %add3A_344, %shift_left3A_350 : vector<16xi32>
      %or3A_352 = arith.ori %shift_left3A_351, %add3A_326 : vector<16xi32>
      tpu.vector_store_idx %arg9[%sub3A_348], %or3A_352 : memref<12288xi32, #tpu.memory_space<vmem>>[vector<16xi32>], vector<16xi32>,
      tpu.vector_store_idx %arg12[%shift_right_arithmetic3A_335], %unique3A_339 masked %unique3A_338 {add = true} : memref<64xi32, #tpu.memory_space<vmem>>[vector<16xi32>], vector<16xi32>, vector<16xi1>
      %mul3A_353 = arith.constant 8 : i32
      %mul3A_354 = arith.muli %scan3A_247, %mul3A_353 : i32
      %add3A_355 = arith.constant 3 : i32
      %add3A_356 = arith.addi %mul3A_354, %add3A_355 : i32
      %mul3A_357 = arith.constant 16 : i32
      %mul3A_358 = arith.muli %add3A_356, %mul3A_357 : i32
      %get3A_359 = arith.index_cast %mul3A_358 : i32 to index
      %get3A_360 = tpu.vector_load %arg5[%get3A_359] {strides = array<i32>} : memref<8192xf32, #tpu.memory_space<vmem>>, vector<16xf32>,
      %bitcast3A_361 = vector.bitcast %get3A_360 : vector<16xf32> to vector<16xi32>
      %add3A_362 = vector.broadcast %sub3A_62 : i32 to vector<16xi32>
      %add3A_363 = arith.addi %bitcast3A_361, %add3A_362 : vector<16xi32>
      %shift_right_arithmetic3A_364 = arith.constant 7 : i32
      %shift_right_arithmetic3A_365 = vector.broadcast %shift_right_arithmetic3A_364 : i32 to vector<16xi32>
      %shift_right_arithmetic3A_366 = arith.shrsi %add3A_363, %shift_right_arithmetic3A_365 : vector<16xi32>
      %mul3A_367 = arith.constant 205 : i32
      %mul3A_368 = vector.broadcast %mul3A_367 : i32 to vector<16xi32>
      %mul3A_369 = arith.muli %shift_right_arithmetic3A_366, %mul3A_368 : vector<16xi32>
      %shift_right_arithmetic3A_370 = arith.constant 12 : i32
      %shift_right_arithmetic3A_371 = vector.broadcast %shift_right_arithmetic3A_370 : i32 to vector<16xi32>
      %shift_right_arithmetic3A_372 = arith.shrsi %mul3A_369, %shift_right_arithmetic3A_371 : vector<16xi32>
      %broadcast_in_dim3A_373 = arith.constant true
      %broadcast_in_dim3A_374 = vector.broadcast %broadcast_in_dim3A_373 : i1 to vector<16xi1>
      %unique3A_375, %unique3A_376 = tpu.scan_count mask(%broadcast_in_dim3A_374 : vector<16xi1>) value(%shift_right_arithmetic3A_372 : vector<16xi32>) : vector<16xi1>, vector<16xi32>
      %gather3A_377 = tpu.vector_load_idx %arg12[%shift_right_arithmetic3A_372] : memref<64xi32, #tpu.memory_space<vmem>>[vector<16xi32>], vector<16xi32>,
      %mul3A_378 = arith.constant 16 : i32
      %mul3A_379 = arith.muli %add3A_356, %mul3A_378 : i32
      %broadcast_in_dim3A_380 = vector.broadcast %mul3A_379 : i32 to vector<16xi32>
      %add3A_381 = arith.addi %broadcast_in_dim3A_380, %iota3A : vector<16xi32>
      %add3A_382 = arith.addi %gather3A_377, %unique3A_376 : vector<16xi32>
      %sub3A_383 = arith.constant 1 : i32
      %sub3A_384 = vector.broadcast %sub3A_383 : i32 to vector<16xi32>
      %sub3A_385 = arith.subi %add3A_382, %sub3A_384 : vector<16xi32>
      %shift_left3A_386 = arith.constant 17 : i32
      %shift_left3A_387 = vector.broadcast %shift_left3A_386 : i32 to vector<16xi32>
      %shift_left3A_388 = arith.shli %add3A_381, %shift_left3A_387 : vector<16xi32>
      %or3A_389 = arith.ori %shift_left3A_388, %add3A_363 : vector<16xi32>
      tpu.vector_store_idx %arg9[%sub3A_385], %or3A_389 : memref<12288xi32, #tpu.memory_space<vmem>>[vector<16xi32>], vector<16xi32>,
      tpu.vector_store_idx %arg12[%shift_right_arithmetic3A_372], %unique3A_376 masked %unique3A_375 {add = true} : memref<64xi32, #tpu.memory_space<vmem>>[vector<16xi32>], vector<16xi32>, vector<16xi1>
      %mul3A_390 = arith.constant 8 : i32
      %mul3A_391 = arith.muli %scan3A_247, %mul3A_390 : i32
      %add3A_392 = arith.constant 4 : i32
      %add3A_393 = arith.addi %mul3A_391, %add3A_392 : i32
      %mul3A_394 = arith.constant 16 : i32
      %mul3A_395 = arith.muli %add3A_393, %mul3A_394 : i32
      %get3A_396 = arith.index_cast %mul3A_395 : i32 to index
      %get3A_397 = tpu.vector_load %arg5[%get3A_396] {strides = array<i32>} : memref<8192xf32, #tpu.memory_space<vmem>>, vector<16xf32>,
      %bitcast3A_398 = vector.bitcast %get3A_397 : vector<16xf32> to vector<16xi32>
      %add3A_399 = vector.broadcast %sub3A_62 : i32 to vector<16xi32>
      %add3A_400 = arith.addi %bitcast3A_398, %add3A_399 : vector<16xi32>
      %shift_right_arithmetic3A_401 = arith.constant 7 : i32
      %shift_right_arithmetic3A_402 = vector.broadcast %shift_right_arithmetic3A_401 : i32 to vector<16xi32>
      %shift_right_arithmetic3A_403 = arith.shrsi %add3A_400, %shift_right_arithmetic3A_402 : vector<16xi32>
      %mul3A_404 = arith.constant 205 : i32
      %mul3A_405 = vector.broadcast %mul3A_404 : i32 to vector<16xi32>
      %mul3A_406 = arith.muli %shift_right_arithmetic3A_403, %mul3A_405 : vector<16xi32>
      %shift_right_arithmetic3A_407 = arith.constant 12 : i32
      %shift_right_arithmetic3A_408 = vector.broadcast %shift_right_arithmetic3A_407 : i32 to vector<16xi32>
      %shift_right_arithmetic3A_409 = arith.shrsi %mul3A_406, %shift_right_arithmetic3A_408 : vector<16xi32>
      %broadcast_in_dim3A_410 = arith.constant true
      %broadcast_in_dim3A_411 = vector.broadcast %broadcast_in_dim3A_410 : i1 to vector<16xi1>
      %unique3A_412, %unique3A_413 = tpu.scan_count mask(%broadcast_in_dim3A_411 : vector<16xi1>) value(%shift_right_arithmetic3A_409 : vector<16xi32>) : vector<16xi1>, vector<16xi32>
      %gather3A_414 = tpu.vector_load_idx %arg12[%shift_right_arithmetic3A_409] : memref<64xi32, #tpu.memory_space<vmem>>[vector<16xi32>], vector<16xi32>,
      %mul3A_415 = arith.constant 16 : i32
      %mul3A_416 = arith.muli %add3A_393, %mul3A_415 : i32
      %broadcast_in_dim3A_417 = vector.broadcast %mul3A_416 : i32 to vector<16xi32>
      %add3A_418 = arith.addi %broadcast_in_dim3A_417, %iota3A : vector<16xi32>
      %add3A_419 = arith.addi %gather3A_414, %unique3A_413 : vector<16xi32>
      %sub3A_420 = arith.constant 1 : i32
      %sub3A_421 = vector.broadcast %sub3A_420 : i32 to vector<16xi32>
      %sub3A_422 = arith.subi %add3A_419, %sub3A_421 : vector<16xi32>
      %shift_left3A_423 = arith.constant 17 : i32
      %shift_left3A_424 = vector.broadcast %shift_left3A_423 : i32 to vector<16xi32>
      %shift_left3A_425 = arith.shli %add3A_418, %shift_left3A_424 : vector<16xi32>
      %or3A_426 = arith.ori %shift_left3A_425, %add3A_400 : vector<16xi32>
      tpu.vector_store_idx %arg9[%sub3A_422], %or3A_426 : memref<12288xi32, #tpu.memory_space<vmem>>[vector<16xi32>], vector<16xi32>,
      tpu.vector_store_idx %arg12[%shift_right_arithmetic3A_409], %unique3A_413 masked %unique3A_412 {add = true} : memref<64xi32, #tpu.memory_space<vmem>>[vector<16xi32>], vector<16xi32>, vector<16xi1>
      %mul3A_427 = arith.constant 8 : i32
      %mul3A_428 = arith.muli %scan3A_247, %mul3A_427 : i32
      %add3A_429 = arith.constant 5 : i32
      %add3A_430 = arith.addi %mul3A_428, %add3A_429 : i32
      %mul3A_431 = arith.constant 16 : i32
      %mul3A_432 = arith.muli %add3A_430, %mul3A_431 : i32
      %get3A_433 = arith.index_cast %mul3A_432 : i32 to index
      %get3A_434 = tpu.vector_load %arg5[%get3A_433] {strides = array<i32>} : memref<8192xf32, #tpu.memory_space<vmem>>, vector<16xf32>,
      %bitcast3A_435 = vector.bitcast %get3A_434 : vector<16xf32> to vector<16xi32>
      %add3A_436 = vector.broadcast %sub3A_62 : i32 to vector<16xi32>
      %add3A_437 = arith.addi %bitcast3A_435, %add3A_436 : vector<16xi32>
      %shift_right_arithmetic3A_438 = arith.constant 7 : i32
      %shift_right_arithmetic3A_439 = vector.broadcast %shift_right_arithmetic3A_438 : i32 to vector<16xi32>
      %shift_right_arithmetic3A_440 = arith.shrsi %add3A_437, %shift_right_arithmetic3A_439 : vector<16xi32>
      %mul3A_441 = arith.constant 205 : i32
      %mul3A_442 = vector.broadcast %mul3A_441 : i32 to vector<16xi32>
      %mul3A_443 = arith.muli %shift_right_arithmetic3A_440, %mul3A_442 : vector<16xi32>
      %shift_right_arithmetic3A_444 = arith.constant 12 : i32
      %shift_right_arithmetic3A_445 = vector.broadcast %shift_right_arithmetic3A_444 : i32 to vector<16xi32>
      %shift_right_arithmetic3A_446 = arith.shrsi %mul3A_443, %shift_right_arithmetic3A_445 : vector<16xi32>
      %broadcast_in_dim3A_447 = arith.constant true
      %broadcast_in_dim3A_448 = vector.broadcast %broadcast_in_dim3A_447 : i1 to vector<16xi1>
      %unique3A_449, %unique3A_450 = tpu.scan_count mask(%broadcast_in_dim3A_448 : vector<16xi1>) value(%shift_right_arithmetic3A_446 : vector<16xi32>) : vector<16xi1>, vector<16xi32>
      %gather3A_451 = tpu.vector_load_idx %arg12[%shift_right_arithmetic3A_446] : memref<64xi32, #tpu.memory_space<vmem>>[vector<16xi32>], vector<16xi32>,
      %mul3A_452 = arith.constant 16 : i32
      %mul3A_453 = arith.muli %add3A_430, %mul3A_452 : i32
      %broadcast_in_dim3A_454 = vector.broadcast %mul3A_453 : i32 to vector<16xi32>
      %add3A_455 = arith.addi %broadcast_in_dim3A_454, %iota3A : vector<16xi32>
      %add3A_456 = arith.addi %gather3A_451, %unique3A_450 : vector<16xi32>
      %sub3A_457 = arith.constant 1 : i32
      %sub3A_458 = vector.broadcast %sub3A_457 : i32 to vector<16xi32>
      %sub3A_459 = arith.subi %add3A_456, %sub3A_458 : vector<16xi32>
      %shift_left3A_460 = arith.constant 17 : i32
      %shift_left3A_461 = vector.broadcast %shift_left3A_460 : i32 to vector<16xi32>
      %shift_left3A_462 = arith.shli %add3A_455, %shift_left3A_461 : vector<16xi32>
      %or3A_463 = arith.ori %shift_left3A_462, %add3A_437 : vector<16xi32>
      tpu.vector_store_idx %arg9[%sub3A_459], %or3A_463 : memref<12288xi32, #tpu.memory_space<vmem>>[vector<16xi32>], vector<16xi32>,
      tpu.vector_store_idx %arg12[%shift_right_arithmetic3A_446], %unique3A_450 masked %unique3A_449 {add = true} : memref<64xi32, #tpu.memory_space<vmem>>[vector<16xi32>], vector<16xi32>, vector<16xi1>
      %mul3A_464 = arith.constant 8 : i32
      %mul3A_465 = arith.muli %scan3A_247, %mul3A_464 : i32
      %add3A_466 = arith.constant 6 : i32
      %add3A_467 = arith.addi %mul3A_465, %add3A_466 : i32
      %mul3A_468 = arith.constant 16 : i32
      %mul3A_469 = arith.muli %add3A_467, %mul3A_468 : i32
      %get3A_470 = arith.index_cast %mul3A_469 : i32 to index
      %get3A_471 = tpu.vector_load %arg5[%get3A_470] {strides = array<i32>} : memref<8192xf32, #tpu.memory_space<vmem>>, vector<16xf32>,
      %bitcast3A_472 = vector.bitcast %get3A_471 : vector<16xf32> to vector<16xi32>
      %add3A_473 = vector.broadcast %sub3A_62 : i32 to vector<16xi32>
      %add3A_474 = arith.addi %bitcast3A_472, %add3A_473 : vector<16xi32>
      %shift_right_arithmetic3A_475 = arith.constant 7 : i32
      %shift_right_arithmetic3A_476 = vector.broadcast %shift_right_arithmetic3A_475 : i32 to vector<16xi32>
      %shift_right_arithmetic3A_477 = arith.shrsi %add3A_474, %shift_right_arithmetic3A_476 : vector<16xi32>
      %mul3A_478 = arith.constant 205 : i32
      %mul3A_479 = vector.broadcast %mul3A_478 : i32 to vector<16xi32>
      %mul3A_480 = arith.muli %shift_right_arithmetic3A_477, %mul3A_479 : vector<16xi32>
      %shift_right_arithmetic3A_481 = arith.constant 12 : i32
      %shift_right_arithmetic3A_482 = vector.broadcast %shift_right_arithmetic3A_481 : i32 to vector<16xi32>
      %shift_right_arithmetic3A_483 = arith.shrsi %mul3A_480, %shift_right_arithmetic3A_482 : vector<16xi32>
      %broadcast_in_dim3A_484 = arith.constant true
      %broadcast_in_dim3A_485 = vector.broadcast %broadcast_in_dim3A_484 : i1 to vector<16xi1>
      %unique3A_486, %unique3A_487 = tpu.scan_count mask(%broadcast_in_dim3A_485 : vector<16xi1>) value(%shift_right_arithmetic3A_483 : vector<16xi32>) : vector<16xi1>, vector<16xi32>
      %gather3A_488 = tpu.vector_load_idx %arg12[%shift_right_arithmetic3A_483] : memref<64xi32, #tpu.memory_space<vmem>>[vector<16xi32>], vector<16xi32>,
      %mul3A_489 = arith.constant 16 : i32
      %mul3A_490 = arith.muli %add3A_467, %mul3A_489 : i32
      %broadcast_in_dim3A_491 = vector.broadcast %mul3A_490 : i32 to vector<16xi32>
      %add3A_492 = arith.addi %broadcast_in_dim3A_491, %iota3A : vector<16xi32>
      %add3A_493 = arith.addi %gather3A_488, %unique3A_487 : vector<16xi32>
      %sub3A_494 = arith.constant 1 : i32
      %sub3A_495 = vector.broadcast %sub3A_494 : i32 to vector<16xi32>
      %sub3A_496 = arith.subi %add3A_493, %sub3A_495 : vector<16xi32>
      %shift_left3A_497 = arith.constant 17 : i32
      %shift_left3A_498 = vector.broadcast %shift_left3A_497 : i32 to vector<16xi32>
      %shift_left3A_499 = arith.shli %add3A_492, %shift_left3A_498 : vector<16xi32>
      %or3A_500 = arith.ori %shift_left3A_499, %add3A_474 : vector<16xi32>
      tpu.vector_store_idx %arg9[%sub3A_496], %or3A_500 : memref<12288xi32, #tpu.memory_space<vmem>>[vector<16xi32>], vector<16xi32>,
      tpu.vector_store_idx %arg12[%shift_right_arithmetic3A_483], %unique3A_487 masked %unique3A_486 {add = true} : memref<64xi32, #tpu.memory_space<vmem>>[vector<16xi32>], vector<16xi32>, vector<16xi1>
      %mul3A_501 = arith.constant 8 : i32
      %mul3A_502 = arith.muli %scan3A_247, %mul3A_501 : i32
      %add3A_503 = arith.constant 7 : i32
      %add3A_504 = arith.addi %mul3A_502, %add3A_503 : i32
      %mul3A_505 = arith.constant 16 : i32
      %mul3A_506 = arith.muli %add3A_504, %mul3A_505 : i32
      %get3A_507 = arith.index_cast %mul3A_506 : i32 to index
      %get3A_508 = tpu.vector_load %arg5[%get3A_507] {strides = array<i32>} : memref<8192xf32, #tpu.memory_space<vmem>>, vector<16xf32>,
      %bitcast3A_509 = vector.bitcast %get3A_508 : vector<16xf32> to vector<16xi32>
      %add3A_510 = vector.broadcast %sub3A_62 : i32 to vector<16xi32>
      %add3A_511 = arith.addi %bitcast3A_509, %add3A_510 : vector<16xi32>
      %shift_right_arithmetic3A_512 = arith.constant 7 : i32
      %shift_right_arithmetic3A_513 = vector.broadcast %shift_right_arithmetic3A_512 : i32 to vector<16xi32>
      %shift_right_arithmetic3A_514 = arith.shrsi %add3A_511, %shift_right_arithmetic3A_513 : vector<16xi32>
      %mul3A_515 = arith.constant 205 : i32
      %mul3A_516 = vector.broadcast %mul3A_515 : i32 to vector<16xi32>
      %mul3A_517 = arith.muli %shift_right_arithmetic3A_514, %mul3A_516 : vector<16xi32>
      %shift_right_arithmetic3A_518 = arith.constant 12 : i32
      %shift_right_arithmetic3A_519 = vector.broadcast %shift_right_arithmetic3A_518 : i32 to vector<16xi32>
      %shift_right_arithmetic3A_520 = arith.shrsi %mul3A_517, %shift_right_arithmetic3A_519 : vector<16xi32>
      %broadcast_in_dim3A_521 = arith.constant true
      %broadcast_in_dim3A_522 = vector.broadcast %broadcast_in_dim3A_521 : i1 to vector<16xi1>
      %unique3A_523, %unique3A_524 = tpu.scan_count mask(%broadcast_in_dim3A_522 : vector<16xi1>) value(%shift_right_arithmetic3A_520 : vector<16xi32>) : vector<16xi1>, vector<16xi32>
      %gather3A_525 = tpu.vector_load_idx %arg12[%shift_right_arithmetic3A_520] : memref<64xi32, #tpu.memory_space<vmem>>[vector<16xi32>], vector<16xi32>,
      %mul3A_526 = arith.constant 16 : i32
      %mul3A_527 = arith.muli %add3A_504, %mul3A_526 : i32
      %broadcast_in_dim3A_528 = vector.broadcast %mul3A_527 : i32 to vector<16xi32>
      %add3A_529 = arith.addi %broadcast_in_dim3A_528, %iota3A : vector<16xi32>
      %add3A_530 = arith.addi %gather3A_525, %unique3A_524 : vector<16xi32>
      %sub3A_531 = arith.constant 1 : i32
      %sub3A_532 = vector.broadcast %sub3A_531 : i32 to vector<16xi32>
      %sub3A_533 = arith.subi %add3A_530, %sub3A_532 : vector<16xi32>
      %shift_left3A_534 = arith.constant 17 : i32
      %shift_left3A_535 = vector.broadcast %shift_left3A_534 : i32 to vector<16xi32>
      %shift_left3A_536 = arith.shli %add3A_529, %shift_left3A_535 : vector<16xi32>
      %or3A_537 = arith.ori %shift_left3A_536, %add3A_511 : vector<16xi32>
      tpu.vector_store_idx %arg9[%sub3A_533], %or3A_537 : memref<12288xi32, #tpu.memory_space<vmem>>[vector<16xi32>], vector<16xi32>,
      tpu.vector_store_idx %arg12[%shift_right_arithmetic3A_520], %unique3A_524 masked %unique3A_523 {add = true} : memref<64xi32, #tpu.memory_space<vmem>>[vector<16xi32>], vector<16xi32>, vector<16xi1>
    }
    %scan3A_96 = arith.constant 64 : i32
    %multiple_of3A_97 = arith.constant 0 : i32
    %multiple_of3A_98 = tpu.assume_multiple %multiple_of3A_97, 8 : i32
    %scan3A_99 = arith.constant 0 : i32
    %scan3A_100 = arith.constant 0 : i32
    %scan3A_101 = arith.constant 20 : i32
    %scan3A_102 = arith.addi %scan3A_100, %scan3A_101 : i32
    %scan3A_103 = arith.constant 1 : i32
    scf.for %scan3A_247 = %scan3A_100 to %scan3A_102 step %scan3A_103  : i32 {
      %mul3A_248 = arith.constant 2 : i32
      %mul3A_249 = arith.muli %scan3A_247, %mul3A_248 : i32
      %add3A_250 = arith.constant 1 : i32
      %add3A_251 = arith.addi %mul3A_249, %add3A_250 : i32
      %mul3A_252 = arith.constant 2560 : i32
      %mul3A_253 = arith.muli %add3A_251, %mul3A_252 : i32
      %add3A_254 = arith.addi %multiple_of3A, %mul3A_253 : i32
      %dma_start3A_255 = tpu.memref_slice %arg3[%multiple_of3A_98, %add3A_254] : memref<16x2600000xf32, #tpu.memory_space<hbm>> -> memref<8x2560xf32, #tpu.memory_space<hbm>>
      %dma_start3A_256 = tpu.memref_slice %arg3[%multiple_of3A_98, %add3A_254] : memref<16x2600000xf32, #tpu.memory_space<hbm>> -> memref<8x2560xf32, #tpu.memory_space<hbm>>
      tpu.enqueue_dma source(%dma_start3A_256 : memref<8x2560xf32, #tpu.memory_space<hbm>>) target(%arg7 : memref<8x2560xf32, #tpu.memory_space<vmem>>) target_semaphore(%arg14 : memref<!tpu.dma_semaphore, #tpu.memory_space<semaphore_mem>>)
      %dma_wait3A_257 = tpu.memref_slice %arg3[%multiple_of3A_98, %multiple_of3A] : memref<16x2600000xf32, #tpu.memory_space<hbm>> -> memref<8x2560xf32, #tpu.memory_space<hbm>>
      %dma_wait3A_258 = tpu.memref_slice %arg3[%multiple_of3A_98, %multiple_of3A] : memref<16x2600000xf32, #tpu.memory_space<hbm>> -> memref<8x2560xf32, #tpu.memory_space<hbm>>
      tpu.wait_dma2 semaphore(%arg13 : memref<!tpu.dma_semaphore, #tpu.memory_space<semaphore_mem>>) src(%dma_wait3A_258 : memref<8x2560xf32, #tpu.memory_space<hbm>>) dst(%arg6 : memref<8x2560xf32, #tpu.memory_space<vmem>>)
      %broadcast_in_dim3A_259 = vector.broadcast %mul3A_249 : i32 to vector<16xi32>
      %gather3A_260 = tpu.vector_load_idx %arg11[%broadcast_in_dim3A_259] : memref<64xi32, #tpu.memory_space<vmem>>[vector<16xi32>], vector<16xi32>,
      %reduce_max3A_261 = arith.constant true
      %reduce_max3A_262 = vector.broadcast %reduce_max3A_261 : i1 to vector<16xi1>
      %reduce_max3A_263 = arith.constant -2147483648 : i32
      %reduce_max3A_264 = vector.broadcast %reduce_max3A_263 : i32 to vector<16xi32>
      %reduce_max3A_265 = arith.xori %gather3A_260, %reduce_max3A_264 : vector<16xi32>
      %reduce_max3A_266 = tpu.scan <max>, %reduce_max3A_265 masked %reduce_max3A_262 : vector<16xi32>, vector<16xi1> -> vector<16xi32>
      %reduce_max3A_267 = arith.xori %reduce_max3A_266, %reduce_max3A_264 : vector<16xi32>
      %reduce_max3A_268 = vector.extract %reduce_max3A_267[15] : i32 from vector<16xi32>
      %broadcast_in_dim3A_269 = vector.broadcast %mul3A_249 : i32 to vector<16xi32>
      %gather3A_270 = tpu.vector_load_idx %arg12[%broadcast_in_dim3A_269] : memref<64xi32, #tpu.memory_space<vmem>>[vector<16xi32>], vector<16xi32>,
      %reduce_max3A_271 = arith.constant true
      %reduce_max3A_272 = vector.broadcast %reduce_max3A_271 : i1 to vector<16xi1>
      %reduce_max3A_273 = arith.constant -2147483648 : i32
      %reduce_max3A_274 = vector.broadcast %reduce_max3A_273 : i32 to vector<16xi32>
      %reduce_max3A_275 = arith.xori %gather3A_270, %reduce_max3A_274 : vector<16xi32>
      %reduce_max3A_276 = tpu.scan <max>, %reduce_max3A_275 masked %reduce_max3A_272 : vector<16xi32>, vector<16xi1> -> vector<16xi32>
      %reduce_max3A_277 = arith.xori %reduce_max3A_276, %reduce_max3A_274 : vector<16xi32>
      %reduce_max3A_278 = vector.extract %reduce_max3A_277[15] : i32 from vector<16xi32>
      %mul3A_279 = arith.constant 2560 : i32
      %mul3A_280 = arith.muli %mul3A_249, %mul3A_279 : i32
      %sub3A_281 = arith.subi %reduce_max3A_278, %reduce_max3A_268 : i32
      %add3A_282 = arith.constant 16 : i32
      %add3A_283 = arith.addi %sub3A_281, %add3A_282 : i32
      %sub3A_284 = arith.constant 1 : i32
      %sub3A_285 = arith.subi %add3A_283, %sub3A_284 : i32
      %jit3A_286 = arith.constant 16 : i32
      %div3A_287 = arith.divsi %sub3A_285, %jit3A_286 : i32
      %sign3A_288 = arith.constant 0 : i32
      %sign3A_289 = arith.cmpi sgt, %sub3A_285, %sign3A_288 : i32
      %sign3A_290 = arith.extui %sign3A_289 : i1 to i32
      %sign3A_291 = arith.constant 0 : i32
      %sign3A_292 = arith.cmpi slt, %sub3A_285, %sign3A_291 : i32
      %sign3A_293 = arith.extui %sign3A_292 : i1 to i32
      %sign3A_294 = arith.subi %sign3A_290, %sign3A_293 : i32
      %sign3A_295 = arith.constant 0 : i32
      %sign3A_296 = arith.cmpi sgt, %jit3A_286, %sign3A_295 : i32
      %sign3A_297 = arith.extui %sign3A_296 : i1 to i32
      %sign3A_298 = arith.constant 0 : i32
      %sign3A_299 = arith.cmpi slt, %jit3A_286, %sign3A_298 : i32
      %sign3A_300 = arith.extui %sign3A_299 : i1 to i32
      %sign3A_301 = arith.subi %sign3A_297, %sign3A_300 : i32
      %ne3A_302 = arith.cmpi ne, %sign3A_294, %sign3A_301 : i32
      %rem3A_303 = arith.remsi %sub3A_285, %jit3A_286 : i32
      %ne3A_304 = arith.constant 0 : i32
      %ne3A_305 = arith.cmpi ne, %rem3A_303, %ne3A_304 : i32
      %and3A_306 = arith.andi %ne3A_302, %ne3A_305 : i1
      %sub3A_307 = arith.constant 1 : i32
      %sub3A_308 = arith.subi %div3A_287, %sub3A_307 : i32
      %select_n3A_309 = arith.select %and3A_306, %sub3A_308, %div3A_287 : i32
      %while3A_310 = arith.constant 0 : i32
      %while3A_311 = arith.constant 0 : i32
      %while3A_312 = arith.subi %select_n3A_309, %while3A_311 : i32
      %while3A_313 = arith.addi %while3A_311, %while3A_312 : i32
      %while3A_314 = arith.constant 1 : i32
      %while3A_315 = arith.divsi %while3A_312, %while3A_314 : i32
      %while3A_316 = arith.muli %while3A_315, %while3A_314 : i32
      %while3A_317 = arith.addi %while3A_311, %while3A_316 : i32
      %while3A_318 = arith.constant 1 : i32
      scf.for %while3A_392 = %while3A_311 to %while3A_317 step %while3A_318  : i32 {
        %mul3A_393 = arith.constant 16 : i32
        %mul3A_394 = arith.muli %while3A_392, %mul3A_393 : i32
        %add3A_395 = arith.addi %reduce_max3A_268, %mul3A_394 : i32
        %get3A = arith.index_cast %add3A_395 : i32 to index
        %get3A_396 = tpu.vector_load %arg9[%get3A] {strides = array<i32>} : memref<12288xi32, #tpu.memory_space<vmem>>, vector<16xi32>,
        %add3A_397 = vector.broadcast %add3A_395 : i32 to vector<16xi32>
        %add3A_398 = arith.addi %add3A_397, %iota3A : vector<16xi32>
        %lt3A_399 = vector.broadcast %reduce_max3A_278 : i32 to vector<16xi32>
        %lt3A_400 = arith.cmpi slt, %add3A_398, %lt3A_399 : vector<16xi32>
        %and3A_401 = arith.constant 131071 : i32
        %and3A_402 = vector.broadcast %and3A_401 : i32 to vector<16xi32>
        %and3A_403 = arith.andi %get3A_396, %and3A_402 : vector<16xi32>
        %sub3A_404 = vector.broadcast %mul3A_280 : i32 to vector<16xi32>
        %sub3A_405 = arith.subi %and3A_403, %sub3A_404 : vector<16xi32>
        %shift_right_logical3A = arith.constant 17 : i32
        %shift_right_logical3A_406 = vector.broadcast %shift_right_logical3A : i32 to vector<16xi32>
        %shift_right_logical3A_407 = arith.shrui %get3A_396, %shift_right_logical3A_406 : vector<16xi32>
        %broadcast_in_dim3A_408 = arith.constant 0 : i32
        %broadcast_in_dim3A_409 = vector.broadcast %broadcast_in_dim3A_408 : i32 to vector<16xi32>
        %gather3A_410 = tpu.vector_load_idx %arg6[%broadcast_in_dim3A_409, %sub3A_405] masked %lt3A_400 : memref<8x2560xf32, #tpu.memory_space<vmem>>[vector<16xi32>, vector<16xi32>], vector<16xf32>, vector<16xi1>
        %broadcast_in_dim3A_411 = arith.constant 0 : i32
        %broadcast_in_dim3A_412 = vector.broadcast %broadcast_in_dim3A_411 : i32 to vector<16xi32>
        tpu.vector_store_idx %arg8[%broadcast_in_dim3A_412, %shift_right_logical3A_407], %gather3A_410 masked %lt3A_400 : memref<8x8192xf32, #tpu.memory_space<vmem>>[vector<16xi32>, vector<16xi32>], vector<16xf32>, vector<16xi1>
        %broadcast_in_dim3A_413 = arith.constant 1 : i32
        %broadcast_in_dim3A_414 = vector.broadcast %broadcast_in_dim3A_413 : i32 to vector<16xi32>
        %gather3A_415 = tpu.vector_load_idx %arg6[%broadcast_in_dim3A_414, %sub3A_405] masked %lt3A_400 : memref<8x2560xf32, #tpu.memory_space<vmem>>[vector<16xi32>, vector<16xi32>], vector<16xf32>, vector<16xi1>
        %broadcast_in_dim3A_416 = arith.constant 1 : i32
        %broadcast_in_dim3A_417 = vector.broadcast %broadcast_in_dim3A_416 : i32 to vector<16xi32>
        tpu.vector_store_idx %arg8[%broadcast_in_dim3A_417, %shift_right_logical3A_407], %gather3A_415 masked %lt3A_400 : memref<8x8192xf32, #tpu.memory_space<vmem>>[vector<16xi32>, vector<16xi32>], vector<16xf32>, vector<16xi1>
        %broadcast_in_dim3A_418 = arith.constant 2 : i32
        %broadcast_in_dim3A_419 = vector.broadcast %broadcast_in_dim3A_418 : i32 to vector<16xi32>
        %gather3A_420 = tpu.vector_load_idx %arg6[%broadcast_in_dim3A_419, %sub3A_405] masked %lt3A_400 : memref<8x2560xf32, #tpu.memory_space<vmem>>[vector<16xi32>, vector<16xi32>], vector<16xf32>, vector<16xi1>
        %broadcast_in_dim3A_421 = arith.constant 2 : i32
        %broadcast_in_dim3A_422 = vector.broadcast %broadcast_in_dim3A_421 : i32 to vector<16xi32>
        tpu.vector_store_idx %arg8[%broadcast_in_dim3A_422, %shift_right_logical3A_407], %gather3A_420 masked %lt3A_400 : memref<8x8192xf32, #tpu.memory_space<vmem>>[vector<16xi32>, vector<16xi32>], vector<16xf32>, vector<16xi1>
        %broadcast_in_dim3A_423 = arith.constant 3 : i32
        %broadcast_in_dim3A_424 = vector.broadcast %broadcast_in_dim3A_423 : i32 to vector<16xi32>
        %gather3A_425 = tpu.vector_load_idx %arg6[%broadcast_in_dim3A_424, %sub3A_405] masked %lt3A_400 : memref<8x2560xf32, #tpu.memory_space<vmem>>[vector<16xi32>, vector<16xi32>], vector<16xf32>, vector<16xi1>
        %broadcast_in_dim3A_426 = arith.constant 3 : i32
        %broadcast_in_dim3A_427 = vector.broadcast %broadcast_in_dim3A_426 : i32 to vector<16xi32>
        tpu.vector_store_idx %arg8[%broadcast_in_dim3A_427, %shift_right_logical3A_407], %gather3A_425 masked %lt3A_400 : memref<8x8192xf32, #tpu.memory_space<vmem>>[vector<16xi32>, vector<16xi32>], vector<16xf32>, vector<16xi1>
        %broadcast_in_dim3A_428 = arith.constant 4 : i32
        %broadcast_in_dim3A_429 = vector.broadcast %broadcast_in_dim3A_428 : i32 to vector<16xi32>
        %gather3A_430 = tpu.vector_load_idx %arg6[%broadcast_in_dim3A_429, %sub3A_405] masked %lt3A_400 : memref<8x2560xf32, #tpu.memory_space<vmem>>[vector<16xi32>, vector<16xi32>], vector<16xf32>, vector<16xi1>
        %broadcast_in_dim3A_431 = arith.constant 4 : i32
        %broadcast_in_dim3A_432 = vector.broadcast %broadcast_in_dim3A_431 : i32 to vector<16xi32>
        tpu.vector_store_idx %arg8[%broadcast_in_dim3A_432, %shift_right_logical3A_407], %gather3A_430 masked %lt3A_400 : memref<8x8192xf32, #tpu.memory_space<vmem>>[vector<16xi32>, vector<16xi32>], vector<16xf32>, vector<16xi1>
        %broadcast_in_dim3A_433 = arith.constant 5 : i32
        %broadcast_in_dim3A_434 = vector.broadcast %broadcast_in_dim3A_433 : i32 to vector<16xi32>
        %gather3A_435 = tpu.vector_load_idx %arg6[%broadcast_in_dim3A_434, %sub3A_405] masked %lt3A_400 : memref<8x2560xf32, #tpu.memory_space<vmem>>[vector<16xi32>, vector<16xi32>], vector<16xf32>, vector<16xi1>
        %broadcast_in_dim3A_436 = arith.constant 5 : i32
        %broadcast_in_dim3A_437 = vector.broadcast %broadcast_in_dim3A_436 : i32 to vector<16xi32>
        tpu.vector_store_idx %arg8[%broadcast_in_dim3A_437, %shift_right_logical3A_407], %gather3A_435 masked %lt3A_400 : memref<8x8192xf32, #tpu.memory_space<vmem>>[vector<16xi32>, vector<16xi32>], vector<16xf32>, vector<16xi1>
        %broadcast_in_dim3A_438 = arith.constant 6 : i32
        %broadcast_in_dim3A_439 = vector.broadcast %broadcast_in_dim3A_438 : i32 to vector<16xi32>
        %gather3A_440 = tpu.vector_load_idx %arg6[%broadcast_in_dim3A_439, %sub3A_405] masked %lt3A_400 : memref<8x2560xf32, #tpu.memory_space<vmem>>[vector<16xi32>, vector<16xi32>], vector<16xf32>, vector<16xi1>
        %broadcast_in_dim3A_441 = arith.constant 6 : i32
        %broadcast_in_dim3A_442 = vector.broadcast %broadcast_in_dim3A_441 : i32 to vector<16xi32>
        tpu.vector_store_idx %arg8[%broadcast_in_dim3A_442, %shift_right_logical3A_407], %gather3A_440 masked %lt3A_400 : memref<8x8192xf32, #tpu.memory_space<vmem>>[vector<16xi32>, vector<16xi32>], vector<16xf32>, vector<16xi1>
        %broadcast_in_dim3A_443 = arith.constant 7 : i32
        %broadcast_in_dim3A_444 = vector.broadcast %broadcast_in_dim3A_443 : i32 to vector<16xi32>
        %gather3A_445 = tpu.vector_load_idx %arg6[%broadcast_in_dim3A_444, %sub3A_405] masked %lt3A_400 : memref<8x2560xf32, #tpu.memory_space<vmem>>[vector<16xi32>, vector<16xi32>], vector<16xf32>, vector<16xi1>
        %broadcast_in_dim3A_446 = arith.constant 7 : i32
        %broadcast_in_dim3A_447 = vector.broadcast %broadcast_in_dim3A_446 : i32 to vector<16xi32>
        tpu.vector_store_idx %arg8[%broadcast_in_dim3A_447, %shift_right_logical3A_407], %gather3A_445 masked %lt3A_400 : memref<8x8192xf32, #tpu.memory_space<vmem>>[vector<16xi32>, vector<16xi32>], vector<16xf32>, vector<16xi1>
      }
      %while3A_319 = arith.constant 1 : i32
      scf.for %while3A_392 = %while3A_317 to %while3A_313 step %while3A_319  : i32 {
        %mul3A_393 = arith.constant 16 : i32
        %mul3A_394 = arith.muli %while3A_392, %mul3A_393 : i32
        %add3A_395 = arith.addi %reduce_max3A_268, %mul3A_394 : i32
        %get3A = arith.index_cast %add3A_395 : i32 to index
        %get3A_396 = tpu.vector_load %arg9[%get3A] {strides = array<i32>} : memref<12288xi32, #tpu.memory_space<vmem>>, vector<16xi32>,
        %add3A_397 = vector.broadcast %add3A_395 : i32 to vector<16xi32>
        %add3A_398 = arith.addi %add3A_397, %iota3A : vector<16xi32>
        %lt3A_399 = vector.broadcast %reduce_max3A_278 : i32 to vector<16xi32>
        %lt3A_400 = arith.cmpi slt, %add3A_398, %lt3A_399 : vector<16xi32>
        %and3A_401 = arith.constant 131071 : i32
        %and3A_402 = vector.broadcast %and3A_401 : i32 to vector<16xi32>
        %and3A_403 = arith.andi %get3A_396, %and3A_402 : vector<16xi32>
        %sub3A_404 = vector.broadcast %mul3A_280 : i32 to vector<16xi32>
        %sub3A_405 = arith.subi %and3A_403, %sub3A_404 : vector<16xi32>
        %shift_right_logical3A = arith.constant 17 : i32
        %shift_right_logical3A_406 = vector.broadcast %shift_right_logical3A : i32 to vector<16xi32>
        %shift_right_logical3A_407 = arith.shrui %get3A_396, %shift_right_logical3A_406 : vector<16xi32>
        %broadcast_in_dim3A_408 = arith.constant 0 : i32
        %broadcast_in_dim3A_409 = vector.broadcast %broadcast_in_dim3A_408 : i32 to vector<16xi32>
        %gather3A_410 = tpu.vector_load_idx %arg6[%broadcast_in_dim3A_409, %sub3A_405] masked %lt3A_400 : memref<8x2560xf32, #tpu.memory_space<vmem>>[vector<16xi32>, vector<16xi32>], vector<16xf32>, vector<16xi1>
        %broadcast_in_dim3A_411 = arith.constant 0 : i32
        %broadcast_in_dim3A_412 = vector.broadcast %broadcast_in_dim3A_411 : i32 to vector<16xi32>
        tpu.vector_store_idx %arg8[%broadcast_in_dim3A_412, %shift_right_logical3A_407], %gather3A_410 masked %lt3A_400 : memref<8x8192xf32, #tpu.memory_space<vmem>>[vector<16xi32>, vector<16xi32>], vector<16xf32>, vector<16xi1>
        %broadcast_in_dim3A_413 = arith.constant 1 : i32
        %broadcast_in_dim3A_414 = vector.broadcast %broadcast_in_dim3A_413 : i32 to vector<16xi32>
        %gather3A_415 = tpu.vector_load_idx %arg6[%broadcast_in_dim3A_414, %sub3A_405] masked %lt3A_400 : memref<8x2560xf32, #tpu.memory_space<vmem>>[vector<16xi32>, vector<16xi32>], vector<16xf32>, vector<16xi1>
        %broadcast_in_dim3A_416 = arith.constant 1 : i32
        %broadcast_in_dim3A_417 = vector.broadcast %broadcast_in_dim3A_416 : i32 to vector<16xi32>
        tpu.vector_store_idx %arg8[%broadcast_in_dim3A_417, %shift_right_logical3A_407], %gather3A_415 masked %lt3A_400 : memref<8x8192xf32, #tpu.memory_space<vmem>>[vector<16xi32>, vector<16xi32>], vector<16xf32>, vector<16xi1>
        %broadcast_in_dim3A_418 = arith.constant 2 : i32
        %broadcast_in_dim3A_419 = vector.broadcast %broadcast_in_dim3A_418 : i32 to vector<16xi32>
        %gather3A_420 = tpu.vector_load_idx %arg6[%broadcast_in_dim3A_419, %sub3A_405] masked %lt3A_400 : memref<8x2560xf32, #tpu.memory_space<vmem>>[vector<16xi32>, vector<16xi32>], vector<16xf32>, vector<16xi1>
        %broadcast_in_dim3A_421 = arith.constant 2 : i32
        %broadcast_in_dim3A_422 = vector.broadcast %broadcast_in_dim3A_421 : i32 to vector<16xi32>
        tpu.vector_store_idx %arg8[%broadcast_in_dim3A_422, %shift_right_logical3A_407], %gather3A_420 masked %lt3A_400 : memref<8x8192xf32, #tpu.memory_space<vmem>>[vector<16xi32>, vector<16xi32>], vector<16xf32>, vector<16xi1>
        %broadcast_in_dim3A_423 = arith.constant 3 : i32
        %broadcast_in_dim3A_424 = vector.broadcast %broadcast_in_dim3A_423 : i32 to vector<16xi32>
        %gather3A_425 = tpu.vector_load_idx %arg6[%broadcast_in_dim3A_424, %sub3A_405] masked %lt3A_400 : memref<8x2560xf32, #tpu.memory_space<vmem>>[vector<16xi32>, vector<16xi32>], vector<16xf32>, vector<16xi1>
        %broadcast_in_dim3A_426 = arith.constant 3 : i32
        %broadcast_in_dim3A_427 = vector.broadcast %broadcast_in_dim3A_426 : i32 to vector<16xi32>
        tpu.vector_store_idx %arg8[%broadcast_in_dim3A_427, %shift_right_logical3A_407], %gather3A_425 masked %lt3A_400 : memref<8x8192xf32, #tpu.memory_space<vmem>>[vector<16xi32>, vector<16xi32>], vector<16xf32>, vector<16xi1>
        %broadcast_in_dim3A_428 = arith.constant 4 : i32
        %broadcast_in_dim3A_429 = vector.broadcast %broadcast_in_dim3A_428 : i32 to vector<16xi32>
        %gather3A_430 = tpu.vector_load_idx %arg6[%broadcast_in_dim3A_429, %sub3A_405] masked %lt3A_400 : memref<8x2560xf32, #tpu.memory_space<vmem>>[vector<16xi32>, vector<16xi32>], vector<16xf32>, vector<16xi1>
        %broadcast_in_dim3A_431 = arith.constant 4 : i32
        %broadcast_in_dim3A_432 = vector.broadcast %broadcast_in_dim3A_431 : i32 to vector<16xi32>
        tpu.vector_store_idx %arg8[%broadcast_in_dim3A_432, %shift_right_logical3A_407], %gather3A_430 masked %lt3A_400 : memref<8x8192xf32, #tpu.memory_space<vmem>>[vector<16xi32>, vector<16xi32>], vector<16xf32>, vector<16xi1>
        %broadcast_in_dim3A_433 = arith.constant 5 : i32
        %broadcast_in_dim3A_434 = vector.broadcast %broadcast_in_dim3A_433 : i32 to vector<16xi32>
        %gather3A_435 = tpu.vector_load_idx %arg6[%broadcast_in_dim3A_434, %sub3A_405] masked %lt3A_400 : memref<8x2560xf32, #tpu.memory_space<vmem>>[vector<16xi32>, vector<16xi32>], vector<16xf32>, vector<16xi1>
        %broadcast_in_dim3A_436 = arith.constant 5 : i32
        %broadcast_in_dim3A_437 = vector.broadcast %broadcast_in_dim3A_436 : i32 to vector<16xi32>
        tpu.vector_store_idx %arg8[%broadcast_in_dim3A_437, %shift_right_logical3A_407], %gather3A_435 masked %lt3A_400 : memref<8x8192xf32, #tpu.memory_space<vmem>>[vector<16xi32>, vector<16xi32>], vector<16xf32>, vector<16xi1>
        %broadcast_in_dim3A_438 = arith.constant 6 : i32
        %broadcast_in_dim3A_439 = vector.broadcast %broadcast_in_dim3A_438 : i32 to vector<16xi32>
        %gather3A_440 = tpu.vector_load_idx %arg6[%broadcast_in_dim3A_439, %sub3A_405] masked %lt3A_400 : memref<8x2560xf32, #tpu.memory_space<vmem>>[vector<16xi32>, vector<16xi32>], vector<16xf32>, vector<16xi1>
        %broadcast_in_dim3A_441 = arith.constant 6 : i32
        %broadcast_in_dim3A_442 = vector.broadcast %broadcast_in_dim3A_441 : i32 to vector<16xi32>
        tpu.vector_store_idx %arg8[%broadcast_in_dim3A_442, %shift_right_logical3A_407], %gather3A_440 masked %lt3A_400 : memref<8x8192xf32, #tpu.memory_space<vmem>>[vector<16xi32>, vector<16xi32>], vector<16xf32>, vector<16xi1>
        %broadcast_in_dim3A_443 = arith.constant 7 : i32
        %broadcast_in_dim3A_444 = vector.broadcast %broadcast_in_dim3A_443 : i32 to vector<16xi32>
        %gather3A_445 = tpu.vector_load_idx %arg6[%broadcast_in_dim3A_444, %sub3A_405] masked %lt3A_400 : memref<8x2560xf32, #tpu.memory_space<vmem>>[vector<16xi32>, vector<16xi32>], vector<16xf32>, vector<16xi1>
        %broadcast_in_dim3A_446 = arith.constant 7 : i32
        %broadcast_in_dim3A_447 = vector.broadcast %broadcast_in_dim3A_446 : i32 to vector<16xi32>
        tpu.vector_store_idx %arg8[%broadcast_in_dim3A_447, %shift_right_logical3A_407], %gather3A_445 masked %lt3A_400 : memref<8x8192xf32, #tpu.memory_space<vmem>>[vector<16xi32>, vector<16xi32>], vector<16xf32>, vector<16xi1>
      }
      %add3A_320 = arith.constant 2 : i32
      %add3A_321 = arith.addi %mul3A_249, %add3A_320 : i32
      %mul3A_322 = arith.constant 2560 : i32
      %mul3A_323 = arith.muli %add3A_321, %mul3A_322 : i32
      %add3A_324 = arith.addi %multiple_of3A, %mul3A_323 : i32
      %dma_start3A_325 = tpu.memref_slice %arg3[%multiple_of3A_98, %add3A_324] : memref<16x2600000xf32, #tpu.memory_space<hbm>> -> memref<8x2560xf32, #tpu.memory_space<hbm>>
      %dma_start3A_326 = tpu.memref_slice %arg3[%multiple_of3A_98, %add3A_324] : memref<16x2600000xf32, #tpu.memory_space<hbm>> -> memref<8x2560xf32, #tpu.memory_space<hbm>>
      tpu.enqueue_dma source(%dma_start3A_326 : memref<8x2560xf32, #tpu.memory_space<hbm>>) target(%arg6 : memref<8x2560xf32, #tpu.memory_space<vmem>>) target_semaphore(%arg13 : memref<!tpu.dma_semaphore, #tpu.memory_space<semaphore_mem>>)
      %dma_wait3A_327 = tpu.memref_slice %arg3[%multiple_of3A_98, %multiple_of3A] : memref<16x2600000xf32, #tpu.memory_space<hbm>> -> memref<8x2560xf32, #tpu.memory_space<hbm>>
      %dma_wait3A_328 = tpu.memref_slice %arg3[%multiple_of3A_98, %multiple_of3A] : memref<16x2600000xf32, #tpu.memory_space<hbm>> -> memref<8x2560xf32, #tpu.memory_space<hbm>>
      tpu.wait_dma2 semaphore(%arg14 : memref<!tpu.dma_semaphore, #tpu.memory_space<semaphore_mem>>) src(%dma_wait3A_328 : memref<8x2560xf32, #tpu.memory_space<hbm>>) dst(%arg7 : memref<8x2560xf32, #tpu.memory_space<vmem>>)
      %add3A_329 = arith.constant 1 : i32
      %add3A_330 = arith.addi %mul3A_249, %add3A_329 : i32
      %broadcast_in_dim3A_331 = vector.broadcast %add3A_330 : i32 to vector<16xi32>
      %gather3A_332 = tpu.vector_load_idx %arg11[%broadcast_in_dim3A_331] : memref<64xi32, #tpu.memory_space<vmem>>[vector<16xi32>], vector<16xi32>,
      %reduce_max3A_333 = arith.constant true
      %reduce_max3A_334 = vector.broadcast %reduce_max3A_333 : i1 to vector<16xi1>
      %reduce_max3A_335 = arith.constant -2147483648 : i32
      %reduce_max3A_336 = vector.broadcast %reduce_max3A_335 : i32 to vector<16xi32>
      %reduce_max3A_337 = arith.xori %gather3A_332, %reduce_max3A_336 : vector<16xi32>
      %reduce_max3A_338 = tpu.scan <max>, %reduce_max3A_337 masked %reduce_max3A_334 : vector<16xi32>, vector<16xi1> -> vector<16xi32>
      %reduce_max3A_339 = arith.xori %reduce_max3A_338, %reduce_max3A_336 : vector<16xi32>
      %reduce_max3A_340 = vector.extract %reduce_max3A_339[15] : i32 from vector<16xi32>
      %broadcast_in_dim3A_341 = vector.broadcast %add3A_330 : i32 to vector<16xi32>
      %gather3A_342 = tpu.vector_load_idx %arg12[%broadcast_in_dim3A_341] : memref<64xi32, #tpu.memory_space<vmem>>[vector<16xi32>], vector<16xi32>,
      %reduce_max3A_343 = arith.constant true
      %reduce_max3A_344 = vector.broadcast %reduce_max3A_343 : i1 to vector<16xi1>
      %reduce_max3A_345 = arith.constant -2147483648 : i32
      %reduce_max3A_346 = vector.broadcast %reduce_max3A_345 : i32 to vector<16xi32>
      %reduce_max3A_347 = arith.xori %gather3A_342, %reduce_max3A_346 : vector<16xi32>
      %reduce_max3A_348 = tpu.scan <max>, %reduce_max3A_347 masked %reduce_max3A_344 : vector<16xi32>, vector<16xi1> -> vector<16xi32>
      %reduce_max3A_349 = arith.xori %reduce_max3A_348, %reduce_max3A_346 : vector<16xi32>
      %reduce_max3A_350 = vector.extract %reduce_max3A_349[15] : i32 from vector<16xi32>
      %mul3A_351 = arith.constant 2560 : i32
      %mul3A_352 = arith.muli %add3A_330, %mul3A_351 : i32
      %sub3A_353 = arith.subi %reduce_max3A_350, %reduce_max3A_340 : i32
      %add3A_354 = arith.constant 16 : i32
      %add3A_355 = arith.addi %sub3A_353, %add3A_354 : i32
      %sub3A_356 = arith.constant 1 : i32
      %sub3A_357 = arith.subi %add3A_355, %sub3A_356 : i32
      %jit3A_358 = arith.constant 16 : i32
      %div3A_359 = arith.divsi %sub3A_357, %jit3A_358 : i32
      %sign3A_360 = arith.constant 0 : i32
      %sign3A_361 = arith.cmpi sgt, %sub3A_357, %sign3A_360 : i32
      %sign3A_362 = arith.extui %sign3A_361 : i1 to i32
      %sign3A_363 = arith.constant 0 : i32
      %sign3A_364 = arith.cmpi slt, %sub3A_357, %sign3A_363 : i32
      %sign3A_365 = arith.extui %sign3A_364 : i1 to i32
      %sign3A_366 = arith.subi %sign3A_362, %sign3A_365 : i32
      %sign3A_367 = arith.constant 0 : i32
      %sign3A_368 = arith.cmpi sgt, %jit3A_358, %sign3A_367 : i32
      %sign3A_369 = arith.extui %sign3A_368 : i1 to i32
      %sign3A_370 = arith.constant 0 : i32
      %sign3A_371 = arith.cmpi slt, %jit3A_358, %sign3A_370 : i32
      %sign3A_372 = arith.extui %sign3A_371 : i1 to i32
      %sign3A_373 = arith.subi %sign3A_369, %sign3A_372 : i32
      %ne3A_374 = arith.cmpi ne, %sign3A_366, %sign3A_373 : i32
      %rem3A_375 = arith.remsi %sub3A_357, %jit3A_358 : i32
      %ne3A_376 = arith.constant 0 : i32
      %ne3A_377 = arith.cmpi ne, %rem3A_375, %ne3A_376 : i32
      %and3A_378 = arith.andi %ne3A_374, %ne3A_377 : i1
      %sub3A_379 = arith.constant 1 : i32
      %sub3A_380 = arith.subi %div3A_359, %sub3A_379 : i32
      %select_n3A_381 = arith.select %and3A_378, %sub3A_380, %div3A_359 : i32
      %while3A_382 = arith.constant 0 : i32
      %while3A_383 = arith.constant 0 : i32
      %while3A_384 = arith.subi %select_n3A_381, %while3A_383 : i32
      %while3A_385 = arith.addi %while3A_383, %while3A_384 : i32
      %while3A_386 = arith.constant 1 : i32
      %while3A_387 = arith.divsi %while3A_384, %while3A_386 : i32
      %while3A_388 = arith.muli %while3A_387, %while3A_386 : i32
      %while3A_389 = arith.addi %while3A_383, %while3A_388 : i32
      %while3A_390 = arith.constant 1 : i32
      scf.for %while3A_392 = %while3A_383 to %while3A_389 step %while3A_390  : i32 {
        %mul3A_393 = arith.constant 16 : i32
        %mul3A_394 = arith.muli %while3A_392, %mul3A_393 : i32
        %add3A_395 = arith.addi %reduce_max3A_340, %mul3A_394 : i32
        %get3A = arith.index_cast %add3A_395 : i32 to index
        %get3A_396 = tpu.vector_load %arg9[%get3A] {strides = array<i32>} : memref<12288xi32, #tpu.memory_space<vmem>>, vector<16xi32>,
        %add3A_397 = vector.broadcast %add3A_395 : i32 to vector<16xi32>
        %add3A_398 = arith.addi %add3A_397, %iota3A : vector<16xi32>
        %lt3A_399 = vector.broadcast %reduce_max3A_350 : i32 to vector<16xi32>
        %lt3A_400 = arith.cmpi slt, %add3A_398, %lt3A_399 : vector<16xi32>
        %and3A_401 = arith.constant 131071 : i32
        %and3A_402 = vector.broadcast %and3A_401 : i32 to vector<16xi32>
        %and3A_403 = arith.andi %get3A_396, %and3A_402 : vector<16xi32>
        %sub3A_404 = vector.broadcast %mul3A_352 : i32 to vector<16xi32>
        %sub3A_405 = arith.subi %and3A_403, %sub3A_404 : vector<16xi32>
        %shift_right_logical3A = arith.constant 17 : i32
        %shift_right_logical3A_406 = vector.broadcast %shift_right_logical3A : i32 to vector<16xi32>
        %shift_right_logical3A_407 = arith.shrui %get3A_396, %shift_right_logical3A_406 : vector<16xi32>
        %broadcast_in_dim3A_408 = arith.constant 0 : i32
        %broadcast_in_dim3A_409 = vector.broadcast %broadcast_in_dim3A_408 : i32 to vector<16xi32>
        %gather3A_410 = tpu.vector_load_idx %arg7[%broadcast_in_dim3A_409, %sub3A_405] masked %lt3A_400 : memref<8x2560xf32, #tpu.memory_space<vmem>>[vector<16xi32>, vector<16xi32>], vector<16xf32>, vector<16xi1>
        %broadcast_in_dim3A_411 = arith.constant 0 : i32
        %broadcast_in_dim3A_412 = vector.broadcast %broadcast_in_dim3A_411 : i32 to vector<16xi32>
        tpu.vector_store_idx %arg8[%broadcast_in_dim3A_412, %shift_right_logical3A_407], %gather3A_410 masked %lt3A_400 : memref<8x8192xf32, #tpu.memory_space<vmem>>[vector<16xi32>, vector<16xi32>], vector<16xf32>, vector<16xi1>
        %broadcast_in_dim3A_413 = arith.constant 1 : i32
        %broadcast_in_dim3A_414 = vector.broadcast %broadcast_in_dim3A_413 : i32 to vector<16xi32>
        %gather3A_415 = tpu.vector_load_idx %arg7[%broadcast_in_dim3A_414, %sub3A_405] masked %lt3A_400 : memref<8x2560xf32, #tpu.memory_space<vmem>>[vector<16xi32>, vector<16xi32>], vector<16xf32>, vector<16xi1>
        %broadcast_in_dim3A_416 = arith.constant 1 : i32
        %broadcast_in_dim3A_417 = vector.broadcast %broadcast_in_dim3A_416 : i32 to vector<16xi32>
        tpu.vector_store_idx %arg8[%broadcast_in_dim3A_417, %shift_right_logical3A_407], %gather3A_415 masked %lt3A_400 : memref<8x8192xf32, #tpu.memory_space<vmem>>[vector<16xi32>, vector<16xi32>], vector<16xf32>, vector<16xi1>
        %broadcast_in_dim3A_418 = arith.constant 2 : i32
        %broadcast_in_dim3A_419 = vector.broadcast %broadcast_in_dim3A_418 : i32 to vector<16xi32>
        %gather3A_420 = tpu.vector_load_idx %arg7[%broadcast_in_dim3A_419, %sub3A_405] masked %lt3A_400 : memref<8x2560xf32, #tpu.memory_space<vmem>>[vector<16xi32>, vector<16xi32>], vector<16xf32>, vector<16xi1>
        %broadcast_in_dim3A_421 = arith.constant 2 : i32
        %broadcast_in_dim3A_422 = vector.broadcast %broadcast_in_dim3A_421 : i32 to vector<16xi32>
        tpu.vector_store_idx %arg8[%broadcast_in_dim3A_422, %shift_right_logical3A_407], %gather3A_420 masked %lt3A_400 : memref<8x8192xf32, #tpu.memory_space<vmem>>[vector<16xi32>, vector<16xi32>], vector<16xf32>, vector<16xi1>
        %broadcast_in_dim3A_423 = arith.constant 3 : i32
        %broadcast_in_dim3A_424 = vector.broadcast %broadcast_in_dim3A_423 : i32 to vector<16xi32>
        %gather3A_425 = tpu.vector_load_idx %arg7[%broadcast_in_dim3A_424, %sub3A_405] masked %lt3A_400 : memref<8x2560xf32, #tpu.memory_space<vmem>>[vector<16xi32>, vector<16xi32>], vector<16xf32>, vector<16xi1>
        %broadcast_in_dim3A_426 = arith.constant 3 : i32
        %broadcast_in_dim3A_427 = vector.broadcast %broadcast_in_dim3A_426 : i32 to vector<16xi32>
        tpu.vector_store_idx %arg8[%broadcast_in_dim3A_427, %shift_right_logical3A_407], %gather3A_425 masked %lt3A_400 : memref<8x8192xf32, #tpu.memory_space<vmem>>[vector<16xi32>, vector<16xi32>], vector<16xf32>, vector<16xi1>
        %broadcast_in_dim3A_428 = arith.constant 4 : i32
        %broadcast_in_dim3A_429 = vector.broadcast %broadcast_in_dim3A_428 : i32 to vector<16xi32>
        %gather3A_430 = tpu.vector_load_idx %arg7[%broadcast_in_dim3A_429, %sub3A_405] masked %lt3A_400 : memref<8x2560xf32, #tpu.memory_space<vmem>>[vector<16xi32>, vector<16xi32>], vector<16xf32>, vector<16xi1>
        %broadcast_in_dim3A_431 = arith.constant 4 : i32
        %broadcast_in_dim3A_432 = vector.broadcast %broadcast_in_dim3A_431 : i32 to vector<16xi32>
        tpu.vector_store_idx %arg8[%broadcast_in_dim3A_432, %shift_right_logical3A_407], %gather3A_430 masked %lt3A_400 : memref<8x8192xf32, #tpu.memory_space<vmem>>[vector<16xi32>, vector<16xi32>], vector<16xf32>, vector<16xi1>
        %broadcast_in_dim3A_433 = arith.constant 5 : i32
        %broadcast_in_dim3A_434 = vector.broadcast %broadcast_in_dim3A_433 : i32 to vector<16xi32>
        %gather3A_435 = tpu.vector_load_idx %arg7[%broadcast_in_dim3A_434, %sub3A_405] masked %lt3A_400 : memref<8x2560xf32, #tpu.memory_space<vmem>>[vector<16xi32>, vector<16xi32>], vector<16xf32>, vector<16xi1>
        %broadcast_in_dim3A_436 = arith.constant 5 : i32
        %broadcast_in_dim3A_437 = vector.broadcast %broadcast_in_dim3A_436 : i32 to vector<16xi32>
        tpu.vector_store_idx %arg8[%broadcast_in_dim3A_437, %shift_right_logical3A_407], %gather3A_435 masked %lt3A_400 : memref<8x8192xf32, #tpu.memory_space<vmem>>[vector<16xi32>, vector<16xi32>], vector<16xf32>, vector<16xi1>
        %broadcast_in_dim3A_438 = arith.constant 6 : i32
        %broadcast_in_dim3A_439 = vector.broadcast %broadcast_in_dim3A_438 : i32 to vector<16xi32>
        %gather3A_440 = tpu.vector_load_idx %arg7[%broadcast_in_dim3A_439, %sub3A_405] masked %lt3A_400 : memref<8x2560xf32, #tpu.memory_space<vmem>>[vector<16xi32>, vector<16xi32>], vector<16xf32>, vector<16xi1>
        %broadcast_in_dim3A_441 = arith.constant 6 : i32
        %broadcast_in_dim3A_442 = vector.broadcast %broadcast_in_dim3A_441 : i32 to vector<16xi32>
        tpu.vector_store_idx %arg8[%broadcast_in_dim3A_442, %shift_right_logical3A_407], %gather3A_440 masked %lt3A_400 : memref<8x8192xf32, #tpu.memory_space<vmem>>[vector<16xi32>, vector<16xi32>], vector<16xf32>, vector<16xi1>
        %broadcast_in_dim3A_443 = arith.constant 7 : i32
        %broadcast_in_dim3A_444 = vector.broadcast %broadcast_in_dim3A_443 : i32 to vector<16xi32>
        %gather3A_445 = tpu.vector_load_idx %arg7[%broadcast_in_dim3A_444, %sub3A_405] masked %lt3A_400 : memref<8x2560xf32, #tpu.memory_space<vmem>>[vector<16xi32>, vector<16xi32>], vector<16xf32>, vector<16xi1>
        %broadcast_in_dim3A_446 = arith.constant 7 : i32
        %broadcast_in_dim3A_447 = vector.broadcast %broadcast_in_dim3A_446 : i32 to vector<16xi32>
        tpu.vector_store_idx %arg8[%broadcast_in_dim3A_447, %shift_right_logical3A_407], %gather3A_445 masked %lt3A_400 : memref<8x8192xf32, #tpu.memory_space<vmem>>[vector<16xi32>, vector<16xi32>], vector<16xf32>, vector<16xi1>
      }
      %while3A_391 = arith.constant 1 : i32
      scf.for %while3A_392 = %while3A_389 to %while3A_385 step %while3A_391  : i32 {
        %mul3A_393 = arith.constant 16 : i32
        %mul3A_394 = arith.muli %while3A_392, %mul3A_393 : i32
        %add3A_395 = arith.addi %reduce_max3A_340, %mul3A_394 : i32
        %get3A = arith.index_cast %add3A_395 : i32 to index
        %get3A_396 = tpu.vector_load %arg9[%get3A] {strides = array<i32>} : memref<12288xi32, #tpu.memory_space<vmem>>, vector<16xi32>,
        %add3A_397 = vector.broadcast %add3A_395 : i32 to vector<16xi32>
        %add3A_398 = arith.addi %add3A_397, %iota3A : vector<16xi32>
        %lt3A_399 = vector.broadcast %reduce_max3A_350 : i32 to vector<16xi32>
        %lt3A_400 = arith.cmpi slt, %add3A_398, %lt3A_399 : vector<16xi32>
        %and3A_401 = arith.constant 131071 : i32
        %and3A_402 = vector.broadcast %and3A_401 : i32 to vector<16xi32>
        %and3A_403 = arith.andi %get3A_396, %and3A_402 : vector<16xi32>
        %sub3A_404 = vector.broadcast %mul3A_352 : i32 to vector<16xi32>
        %sub3A_405 = arith.subi %and3A_403, %sub3A_404 : vector<16xi32>
        %shift_right_logical3A = arith.constant 17 : i32
        %shift_right_logical3A_406 = vector.broadcast %shift_right_logical3A : i32 to vector<16xi32>
        %shift_right_logical3A_407 = arith.shrui %get3A_396, %shift_right_logical3A_406 : vector<16xi32>
        %broadcast_in_dim3A_408 = arith.constant 0 : i32
        %broadcast_in_dim3A_409 = vector.broadcast %broadcast_in_dim3A_408 : i32 to vector<16xi32>
        %gather3A_410 = tpu.vector_load_idx %arg7[%broadcast_in_dim3A_409, %sub3A_405] masked %lt3A_400 : memref<8x2560xf32, #tpu.memory_space<vmem>>[vector<16xi32>, vector<16xi32>], vector<16xf32>, vector<16xi1>
        %broadcast_in_dim3A_411 = arith.constant 0 : i32
        %broadcast_in_dim3A_412 = vector.broadcast %broadcast_in_dim3A_411 : i32 to vector<16xi32>
        tpu.vector_store_idx %arg8[%broadcast_in_dim3A_412, %shift_right_logical3A_407], %gather3A_410 masked %lt3A_400 : memref<8x8192xf32, #tpu.memory_space<vmem>>[vector<16xi32>, vector<16xi32>], vector<16xf32>, vector<16xi1>
        %broadcast_in_dim3A_413 = arith.constant 1 : i32
        %broadcast_in_dim3A_414 = vector.broadcast %broadcast_in_dim3A_413 : i32 to vector<16xi32>
        %gather3A_415 = tpu.vector_load_idx %arg7[%broadcast_in_dim3A_414, %sub3A_405] masked %lt3A_400 : memref<8x2560xf32, #tpu.memory_space<vmem>>[vector<16xi32>, vector<16xi32>], vector<16xf32>, vector<16xi1>
        %broadcast_in_dim3A_416 = arith.constant 1 : i32
        %broadcast_in_dim3A_417 = vector.broadcast %broadcast_in_dim3A_416 : i32 to vector<16xi32>
        tpu.vector_store_idx %arg8[%broadcast_in_dim3A_417, %shift_right_logical3A_407], %gather3A_415 masked %lt3A_400 : memref<8x8192xf32, #tpu.memory_space<vmem>>[vector<16xi32>, vector<16xi32>], vector<16xf32>, vector<16xi1>
        %broadcast_in_dim3A_418 = arith.constant 2 : i32
        %broadcast_in_dim3A_419 = vector.broadcast %broadcast_in_dim3A_418 : i32 to vector<16xi32>
        %gather3A_420 = tpu.vector_load_idx %arg7[%broadcast_in_dim3A_419, %sub3A_405] masked %lt3A_400 : memref<8x2560xf32, #tpu.memory_space<vmem>>[vector<16xi32>, vector<16xi32>], vector<16xf32>, vector<16xi1>
        %broadcast_in_dim3A_421 = arith.constant 2 : i32
        %broadcast_in_dim3A_422 = vector.broadcast %broadcast_in_dim3A_421 : i32 to vector<16xi32>
        tpu.vector_store_idx %arg8[%broadcast_in_dim3A_422, %shift_right_logical3A_407], %gather3A_420 masked %lt3A_400 : memref<8x8192xf32, #tpu.memory_space<vmem>>[vector<16xi32>, vector<16xi32>], vector<16xf32>, vector<16xi1>
        %broadcast_in_dim3A_423 = arith.constant 3 : i32
        %broadcast_in_dim3A_424 = vector.broadcast %broadcast_in_dim3A_423 : i32 to vector<16xi32>
        %gather3A_425 = tpu.vector_load_idx %arg7[%broadcast_in_dim3A_424, %sub3A_405] masked %lt3A_400 : memref<8x2560xf32, #tpu.memory_space<vmem>>[vector<16xi32>, vector<16xi32>], vector<16xf32>, vector<16xi1>
        %broadcast_in_dim3A_426 = arith.constant 3 : i32
        %broadcast_in_dim3A_427 = vector.broadcast %broadcast_in_dim3A_426 : i32 to vector<16xi32>
        tpu.vector_store_idx %arg8[%broadcast_in_dim3A_427, %shift_right_logical3A_407], %gather3A_425 masked %lt3A_400 : memref<8x8192xf32, #tpu.memory_space<vmem>>[vector<16xi32>, vector<16xi32>], vector<16xf32>, vector<16xi1>
        %broadcast_in_dim3A_428 = arith.constant 4 : i32
        %broadcast_in_dim3A_429 = vector.broadcast %broadcast_in_dim3A_428 : i32 to vector<16xi32>
        %gather3A_430 = tpu.vector_load_idx %arg7[%broadcast_in_dim3A_429, %sub3A_405] masked %lt3A_400 : memref<8x2560xf32, #tpu.memory_space<vmem>>[vector<16xi32>, vector<16xi32>], vector<16xf32>, vector<16xi1>
        %broadcast_in_dim3A_431 = arith.constant 4 : i32
        %broadcast_in_dim3A_432 = vector.broadcast %broadcast_in_dim3A_431 : i32 to vector<16xi32>
        tpu.vector_store_idx %arg8[%broadcast_in_dim3A_432, %shift_right_logical3A_407], %gather3A_430 masked %lt3A_400 : memref<8x8192xf32, #tpu.memory_space<vmem>>[vector<16xi32>, vector<16xi32>], vector<16xf32>, vector<16xi1>
        %broadcast_in_dim3A_433 = arith.constant 5 : i32
        %broadcast_in_dim3A_434 = vector.broadcast %broadcast_in_dim3A_433 : i32 to vector<16xi32>
        %gather3A_435 = tpu.vector_load_idx %arg7[%broadcast_in_dim3A_434, %sub3A_405] masked %lt3A_400 : memref<8x2560xf32, #tpu.memory_space<vmem>>[vector<16xi32>, vector<16xi32>], vector<16xf32>, vector<16xi1>
        %broadcast_in_dim3A_436 = arith.constant 5 : i32
        %broadcast_in_dim3A_437 = vector.broadcast %broadcast_in_dim3A_436 : i32 to vector<16xi32>
        tpu.vector_store_idx %arg8[%broadcast_in_dim3A_437, %shift_right_logical3A_407], %gather3A_435 masked %lt3A_400 : memref<8x8192xf32, #tpu.memory_space<vmem>>[vector<16xi32>, vector<16xi32>], vector<16xf32>, vector<16xi1>
        %broadcast_in_dim3A_438 = arith.constant 6 : i32
        %broadcast_in_dim3A_439 = vector.broadcast %broadcast_in_dim3A_438 : i32 to vector<16xi32>
        %gather3A_440 = tpu.vector_load_idx %arg7[%broadcast_in_dim3A_439, %sub3A_405] masked %lt3A_400 : memref<8x2560xf32, #tpu.memory_space<vmem>>[vector<16xi32>, vector<16xi32>], vector<16xf32>, vector<16xi1>
        %broadcast_in_dim3A_441 = arith.constant 6 : i32
        %broadcast_in_dim3A_442 = vector.broadcast %broadcast_in_dim3A_441 : i32 to vector<16xi32>
        tpu.vector_store_idx %arg8[%broadcast_in_dim3A_442, %shift_right_logical3A_407], %gather3A_440 masked %lt3A_400 : memref<8x8192xf32, #tpu.memory_space<vmem>>[vector<16xi32>, vector<16xi32>], vector<16xf32>, vector<16xi1>
        %broadcast_in_dim3A_443 = arith.constant 7 : i32
        %broadcast_in_dim3A_444 = vector.broadcast %broadcast_in_dim3A_443 : i32 to vector<16xi32>
        %gather3A_445 = tpu.vector_load_idx %arg7[%broadcast_in_dim3A_444, %sub3A_405] masked %lt3A_400 : memref<8x2560xf32, #tpu.memory_space<vmem>>[vector<16xi32>, vector<16xi32>], vector<16xf32>, vector<16xi1>
        %broadcast_in_dim3A_446 = arith.constant 7 : i32
        %broadcast_in_dim3A_447 = vector.broadcast %broadcast_in_dim3A_446 : i32 to vector<16xi32>
        tpu.vector_store_idx %arg8[%broadcast_in_dim3A_447, %shift_right_logical3A_407], %gather3A_445 masked %lt3A_400 : memref<8x8192xf32, #tpu.memory_space<vmem>>[vector<16xi32>, vector<16xi32>], vector<16xf32>, vector<16xi1>
      }
    }
    %scan3A_104 = arith.constant 20 : i32
    %dma_wait3A = tpu.memref_slice %arg3[%multiple_of3A_98, %multiple_of3A] : memref<16x2600000xf32, #tpu.memory_space<hbm>> -> memref<8x2560xf32, #tpu.memory_space<hbm>>
    %dma_wait3A_105 = tpu.memref_slice %arg3[%multiple_of3A_98, %multiple_of3A] : memref<16x2600000xf32, #tpu.memory_space<hbm>> -> memref<8x2560xf32, #tpu.memory_space<hbm>>
    tpu.wait_dma2 semaphore(%arg13 : memref<!tpu.dma_semaphore, #tpu.memory_space<semaphore_mem>>) src(%dma_wait3A_105 : memref<8x2560xf32, #tpu.memory_space<hbm>>) dst(%arg6 : memref<8x2560xf32, #tpu.memory_space<vmem>>)
    %broadcast_in_dim3A = arith.constant 40 : i32
    %broadcast_in_dim3A_106 = vector.broadcast %broadcast_in_dim3A : i32 to vector<16xi32>
    %gather3A = tpu.vector_load_idx %arg11[%broadcast_in_dim3A_106] : memref<64xi32, #tpu.memory_space<vmem>>[vector<16xi32>], vector<16xi32>,
    %reduce_max3A = arith.constant true
    %reduce_max3A_107 = vector.broadcast %reduce_max3A : i1 to vector<16xi1>
    %reduce_max3A_108 = arith.constant -2147483648 : i32
    %reduce_max3A_109 = vector.broadcast %reduce_max3A_108 : i32 to vector<16xi32>
    %reduce_max3A_110 = arith.xori %gather3A, %reduce_max3A_109 : vector<16xi32>
    %reduce_max3A_111 = tpu.scan <max>, %reduce_max3A_110 masked %reduce_max3A_107 : vector<16xi32>, vector<16xi1> -> vector<16xi32>
    %reduce_max3A_112 = arith.xori %reduce_max3A_111, %reduce_max3A_109 : vector<16xi32>
    %reduce_max3A_113 = vector.extract %reduce_max3A_112[15] : i32 from vector<16xi32>
    %broadcast_in_dim3A_114 = arith.constant 40 : i32
    %broadcast_in_dim3A_115 = vector.broadcast %broadcast_in_dim3A_114 : i32 to vector<16xi32>
    %gather3A_116 = tpu.vector_load_idx %arg12[%broadcast_in_dim3A_115] : memref<64xi32, #tpu.memory_space<vmem>>[vector<16xi32>], vector<16xi32>,
    %reduce_max3A_117 = arith.constant true
    %reduce_max3A_118 = vector.broadcast %reduce_max3A_117 : i1 to vector<16xi1>
    %reduce_max3A_119 = arith.constant -2147483648 : i32
    %reduce_max3A_120 = vector.broadcast %reduce_max3A_119 : i32 to vector<16xi32>
    %reduce_max3A_121 = arith.xori %gather3A_116, %reduce_max3A_120 : vector<16xi32>
    %reduce_max3A_122 = tpu.scan <max>, %reduce_max3A_121 masked %reduce_max3A_118 : vector<16xi32>, vector<16xi1> -> vector<16xi32>
    %reduce_max3A_123 = arith.xori %reduce_max3A_122, %reduce_max3A_120 : vector<16xi32>
    %reduce_max3A_124 = vector.extract %reduce_max3A_123[15] : i32 from vector<16xi32>
    %sub3A_125 = arith.subi %reduce_max3A_124, %reduce_max3A_113 : i32
    %add3A_126 = arith.constant 16 : i32
    %add3A_127 = arith.addi %sub3A_125, %add3A_126 : i32
    %sub3A_128 = arith.constant 1 : i32
    %sub3A_129 = arith.subi %add3A_127, %sub3A_128 : i32
    %jit3A_130 = arith.constant 16 : i32
    %div3A_131 = arith.divsi %sub3A_129, %jit3A_130 : i32
    %sign3A_132 = arith.constant 0 : i32
    %sign3A_133 = arith.cmpi sgt, %sub3A_129, %sign3A_132 : i32
    %sign3A_134 = arith.extui %sign3A_133 : i1 to i32
    %sign3A_135 = arith.constant 0 : i32
    %sign3A_136 = arith.cmpi slt, %sub3A_129, %sign3A_135 : i32
    %sign3A_137 = arith.extui %sign3A_136 : i1 to i32
    %sign3A_138 = arith.subi %sign3A_134, %sign3A_137 : i32
    %sign3A_139 = arith.constant 0 : i32
    %sign3A_140 = arith.cmpi sgt, %jit3A_130, %sign3A_139 : i32
    %sign3A_141 = arith.extui %sign3A_140 : i1 to i32
    %sign3A_142 = arith.constant 0 : i32
    %sign3A_143 = arith.cmpi slt, %jit3A_130, %sign3A_142 : i32
    %sign3A_144 = arith.extui %sign3A_143 : i1 to i32
    %sign3A_145 = arith.subi %sign3A_141, %sign3A_144 : i32
    %ne3A_146 = arith.cmpi ne, %sign3A_138, %sign3A_145 : i32
    %rem3A_147 = arith.remsi %sub3A_129, %jit3A_130 : i32
    %ne3A_148 = arith.constant 0 : i32
    %ne3A_149 = arith.cmpi ne, %rem3A_147, %ne3A_148 : i32
    %and3A_150 = arith.andi %ne3A_146, %ne3A_149 : i1
    %sub3A_151 = arith.constant 1 : i32
    %sub3A_152 = arith.subi %div3A_131, %sub3A_151 : i32
    %select_n3A_153 = arith.select %and3A_150, %sub3A_152, %div3A_131 : i32
    %while3A = arith.constant 0 : i32
    %while3A_154 = arith.constant 0 : i32
    %while3A_155 = arith.subi %select_n3A_153, %while3A_154 : i32
    %while3A_156 = arith.addi %while3A_154, %while3A_155 : i32
    %while3A_157 = arith.constant 1 : i32
    %while3A_158 = arith.divsi %while3A_155, %while3A_157 : i32
    %while3A_159 = arith.muli %while3A_158, %while3A_157 : i32
    %while3A_160 = arith.addi %while3A_154, %while3A_159 : i32
    %while3A_161 = arith.constant 1 : i32
    scf.for %while3A_247 = %while3A_154 to %while3A_160 step %while3A_161  : i32 {
      %mul3A_248 = arith.constant 16 : i32
      %mul3A_249 = arith.muli %while3A_247, %mul3A_248 : i32
      %add3A_250 = arith.addi %reduce_max3A_113, %mul3A_249 : i32
      %get3A = arith.index_cast %add3A_250 : i32 to index
      %get3A_251 = tpu.vector_load %arg9[%get3A] {strides = array<i32>} : memref<12288xi32, #tpu.memory_space<vmem>>, vector<16xi32>,
      %add3A_252 = vector.broadcast %add3A_250 : i32 to vector<16xi32>
      %add3A_253 = arith.addi %add3A_252, %iota3A : vector<16xi32>
      %lt3A_254 = vector.broadcast %reduce_max3A_124 : i32 to vector<16xi32>
      %lt3A_255 = arith.cmpi slt, %add3A_253, %lt3A_254 : vector<16xi32>
      %and3A_256 = arith.constant 131071 : i32
      %and3A_257 = vector.broadcast %and3A_256 : i32 to vector<16xi32>
      %and3A_258 = arith.andi %get3A_251, %and3A_257 : vector<16xi32>
      %sub3A_259 = arith.constant 102400 : i32
      %sub3A_260 = vector.broadcast %sub3A_259 : i32 to vector<16xi32>
      %sub3A_261 = arith.subi %and3A_258, %sub3A_260 : vector<16xi32>
      %shift_right_logical3A = arith.constant 17 : i32
      %shift_right_logical3A_262 = vector.broadcast %shift_right_logical3A : i32 to vector<16xi32>
      %shift_right_logical3A_263 = arith.shrui %get3A_251, %shift_right_logical3A_262 : vector<16xi32>
      %broadcast_in_dim3A_264 = arith.constant 0 : i32
      %broadcast_in_dim3A_265 = vector.broadcast %broadcast_in_dim3A_264 : i32 to vector<16xi32>
      %gather3A_266 = tpu.vector_load_idx %arg6[%broadcast_in_dim3A_265, %sub3A_261] masked %lt3A_255 : memref<8x2560xf32, #tpu.memory_space<vmem>>[vector<16xi32>, vector<16xi32>], vector<16xf32>, vector<16xi1>
      %broadcast_in_dim3A_267 = arith.constant 0 : i32
      %broadcast_in_dim3A_268 = vector.broadcast %broadcast_in_dim3A_267 : i32 to vector<16xi32>
      tpu.vector_store_idx %arg8[%broadcast_in_dim3A_268, %shift_right_logical3A_263], %gather3A_266 masked %lt3A_255 : memref<8x8192xf32, #tpu.memory_space<vmem>>[vector<16xi32>, vector<16xi32>], vector<16xf32>, vector<16xi1>
      %broadcast_in_dim3A_269 = arith.constant 1 : i32
      %broadcast_in_dim3A_270 = vector.broadcast %broadcast_in_dim3A_269 : i32 to vector<16xi32>
      %gather3A_271 = tpu.vector_load_idx %arg6[%broadcast_in_dim3A_270, %sub3A_261] masked %lt3A_255 : memref<8x2560xf32, #tpu.memory_space<vmem>>[vector<16xi32>, vector<16xi32>], vector<16xf32>, vector<16xi1>
      %broadcast_in_dim3A_272 = arith.constant 1 : i32
      %broadcast_in_dim3A_273 = vector.broadcast %broadcast_in_dim3A_272 : i32 to vector<16xi32>
      tpu.vector_store_idx %arg8[%broadcast_in_dim3A_273, %shift_right_logical3A_263], %gather3A_271 masked %lt3A_255 : memref<8x8192xf32, #tpu.memory_space<vmem>>[vector<16xi32>, vector<16xi32>], vector<16xf32>, vector<16xi1>
      %broadcast_in_dim3A_274 = arith.constant 2 : i32
      %broadcast_in_dim3A_275 = vector.broadcast %broadcast_in_dim3A_274 : i32 to vector<16xi32>
      %gather3A_276 = tpu.vector_load_idx %arg6[%broadcast_in_dim3A_275, %sub3A_261] masked %lt3A_255 : memref<8x2560xf32, #tpu.memory_space<vmem>>[vector<16xi32>, vector<16xi32>], vector<16xf32>, vector<16xi1>
      %broadcast_in_dim3A_277 = arith.constant 2 : i32
      %broadcast_in_dim3A_278 = vector.broadcast %broadcast_in_dim3A_277 : i32 to vector<16xi32>
      tpu.vector_store_idx %arg8[%broadcast_in_dim3A_278, %shift_right_logical3A_263], %gather3A_276 masked %lt3A_255 : memref<8x8192xf32, #tpu.memory_space<vmem>>[vector<16xi32>, vector<16xi32>], vector<16xf32>, vector<16xi1>
      %broadcast_in_dim3A_279 = arith.constant 3 : i32
      %broadcast_in_dim3A_280 = vector.broadcast %broadcast_in_dim3A_279 : i32 to vector<16xi32>
      %gather3A_281 = tpu.vector_load_idx %arg6[%broadcast_in_dim3A_280, %sub3A_261] masked %lt3A_255 : memref<8x2560xf32, #tpu.memory_space<vmem>>[vector<16xi32>, vector<16xi32>], vector<16xf32>, vector<16xi1>
      %broadcast_in_dim3A_282 = arith.constant 3 : i32
      %broadcast_in_dim3A_283 = vector.broadcast %broadcast_in_dim3A_282 : i32 to vector<16xi32>
      tpu.vector_store_idx %arg8[%broadcast_in_dim3A_283, %shift_right_logical3A_263], %gather3A_281 masked %lt3A_255 : memref<8x8192xf32, #tpu.memory_space<vmem>>[vector<16xi32>, vector<16xi32>], vector<16xf32>, vector<16xi1>
      %broadcast_in_dim3A_284 = arith.constant 4 : i32
      %broadcast_in_dim3A_285 = vector.broadcast %broadcast_in_dim3A_284 : i32 to vector<16xi32>
      %gather3A_286 = tpu.vector_load_idx %arg6[%broadcast_in_dim3A_285, %sub3A_261] masked %lt3A_255 : memref<8x2560xf32, #tpu.memory_space<vmem>>[vector<16xi32>, vector<16xi32>], vector<16xf32>, vector<16xi1>
      %broadcast_in_dim3A_287 = arith.constant 4 : i32
      %broadcast_in_dim3A_288 = vector.broadcast %broadcast_in_dim3A_287 : i32 to vector<16xi32>
      tpu.vector_store_idx %arg8[%broadcast_in_dim3A_288, %shift_right_logical3A_263], %gather3A_286 masked %lt3A_255 : memref<8x8192xf32, #tpu.memory_space<vmem>>[vector<16xi32>, vector<16xi32>], vector<16xf32>, vector<16xi1>
      %broadcast_in_dim3A_289 = arith.constant 5 : i32
      %broadcast_in_dim3A_290 = vector.broadcast %broadcast_in_dim3A_289 : i32 to vector<16xi32>
      %gather3A_291 = tpu.vector_load_idx %arg6[%broadcast_in_dim3A_290, %sub3A_261] masked %lt3A_255 : memref<8x2560xf32, #tpu.memory_space<vmem>>[vector<16xi32>, vector<16xi32>], vector<16xf32>, vector<16xi1>
      %broadcast_in_dim3A_292 = arith.constant 5 : i32
      %broadcast_in_dim3A_293 = vector.broadcast %broadcast_in_dim3A_292 : i32 to vector<16xi32>
      tpu.vector_store_idx %arg8[%broadcast_in_dim3A_293, %shift_right_logical3A_263], %gather3A_291 masked %lt3A_255 : memref<8x8192xf32, #tpu.memory_space<vmem>>[vector<16xi32>, vector<16xi32>], vector<16xf32>, vector<16xi1>
      %broadcast_in_dim3A_294 = arith.constant 6 : i32
      %broadcast_in_dim3A_295 = vector.broadcast %broadcast_in_dim3A_294 : i32 to vector<16xi32>
      %gather3A_296 = tpu.vector_load_idx %arg6[%broadcast_in_dim3A_295, %sub3A_261] masked %lt3A_255 : memref<8x2560xf32, #tpu.memory_space<vmem>>[vector<16xi32>, vector<16xi32>], vector<16xf32>, vector<16xi1>
      %broadcast_in_dim3A_297 = arith.constant 6 : i32
      %broadcast_in_dim3A_298 = vector.broadcast %broadcast_in_dim3A_297 : i32 to vector<16xi32>
      tpu.vector_store_idx %arg8[%broadcast_in_dim3A_298, %shift_right_logical3A_263], %gather3A_296 masked %lt3A_255 : memref<8x8192xf32, #tpu.memory_space<vmem>>[vector<16xi32>, vector<16xi32>], vector<16xf32>, vector<16xi1>
      %broadcast_in_dim3A_299 = arith.constant 7 : i32
      %broadcast_in_dim3A_300 = vector.broadcast %broadcast_in_dim3A_299 : i32 to vector<16xi32>
      %gather3A_301 = tpu.vector_load_idx %arg6[%broadcast_in_dim3A_300, %sub3A_261] masked %lt3A_255 : memref<8x2560xf32, #tpu.memory_space<vmem>>[vector<16xi32>, vector<16xi32>], vector<16xf32>, vector<16xi1>
      %broadcast_in_dim3A_302 = arith.constant 7 : i32
      %broadcast_in_dim3A_303 = vector.broadcast %broadcast_in_dim3A_302 : i32 to vector<16xi32>
      tpu.vector_store_idx %arg8[%broadcast_in_dim3A_303, %shift_right_logical3A_263], %gather3A_301 masked %lt3A_255 : memref<8x8192xf32, #tpu.memory_space<vmem>>[vector<16xi32>, vector<16xi32>], vector<16xf32>, vector<16xi1>
    }
    %while3A_162 = arith.constant 1 : i32
    scf.for %while3A_247 = %while3A_160 to %while3A_156 step %while3A_162  : i32 {
      %mul3A_248 = arith.constant 16 : i32
      %mul3A_249 = arith.muli %while3A_247, %mul3A_248 : i32
      %add3A_250 = arith.addi %reduce_max3A_113, %mul3A_249 : i32
      %get3A = arith.index_cast %add3A_250 : i32 to index
      %get3A_251 = tpu.vector_load %arg9[%get3A] {strides = array<i32>} : memref<12288xi32, #tpu.memory_space<vmem>>, vector<16xi32>,
      %add3A_252 = vector.broadcast %add3A_250 : i32 to vector<16xi32>
      %add3A_253 = arith.addi %add3A_252, %iota3A : vector<16xi32>
      %lt3A_254 = vector.broadcast %reduce_max3A_124 : i32 to vector<16xi32>
      %lt3A_255 = arith.cmpi slt, %add3A_253, %lt3A_254 : vector<16xi32>
      %and3A_256 = arith.constant 131071 : i32
      %and3A_257 = vector.broadcast %and3A_256 : i32 to vector<16xi32>
      %and3A_258 = arith.andi %get3A_251, %and3A_257 : vector<16xi32>
      %sub3A_259 = arith.constant 102400 : i32
      %sub3A_260 = vector.broadcast %sub3A_259 : i32 to vector<16xi32>
      %sub3A_261 = arith.subi %and3A_258, %sub3A_260 : vector<16xi32>
      %shift_right_logical3A = arith.constant 17 : i32
      %shift_right_logical3A_262 = vector.broadcast %shift_right_logical3A : i32 to vector<16xi32>
      %shift_right_logical3A_263 = arith.shrui %get3A_251, %shift_right_logical3A_262 : vector<16xi32>
      %broadcast_in_dim3A_264 = arith.constant 0 : i32
      %broadcast_in_dim3A_265 = vector.broadcast %broadcast_in_dim3A_264 : i32 to vector<16xi32>
      %gather3A_266 = tpu.vector_load_idx %arg6[%broadcast_in_dim3A_265, %sub3A_261] masked %lt3A_255 : memref<8x2560xf32, #tpu.memory_space<vmem>>[vector<16xi32>, vector<16xi32>], vector<16xf32>, vector<16xi1>
      %broadcast_in_dim3A_267 = arith.constant 0 : i32
      %broadcast_in_dim3A_268 = vector.broadcast %broadcast_in_dim3A_267 : i32 to vector<16xi32>
      tpu.vector_store_idx %arg8[%broadcast_in_dim3A_268, %shift_right_logical3A_263], %gather3A_266 masked %lt3A_255 : memref<8x8192xf32, #tpu.memory_space<vmem>>[vector<16xi32>, vector<16xi32>], vector<16xf32>, vector<16xi1>
      %broadcast_in_dim3A_269 = arith.constant 1 : i32
      %broadcast_in_dim3A_270 = vector.broadcast %broadcast_in_dim3A_269 : i32 to vector<16xi32>
      %gather3A_271 = tpu.vector_load_idx %arg6[%broadcast_in_dim3A_270, %sub3A_261] masked %lt3A_255 : memref<8x2560xf32, #tpu.memory_space<vmem>>[vector<16xi32>, vector<16xi32>], vector<16xf32>, vector<16xi1>
      %broadcast_in_dim3A_272 = arith.constant 1 : i32
      %broadcast_in_dim3A_273 = vector.broadcast %broadcast_in_dim3A_272 : i32 to vector<16xi32>
      tpu.vector_store_idx %arg8[%broadcast_in_dim3A_273, %shift_right_logical3A_263], %gather3A_271 masked %lt3A_255 : memref<8x8192xf32, #tpu.memory_space<vmem>>[vector<16xi32>, vector<16xi32>], vector<16xf32>, vector<16xi1>
      %broadcast_in_dim3A_274 = arith.constant 2 : i32
      %broadcast_in_dim3A_275 = vector.broadcast %broadcast_in_dim3A_274 : i32 to vector<16xi32>
      %gather3A_276 = tpu.vector_load_idx %arg6[%broadcast_in_dim3A_275, %sub3A_261] masked %lt3A_255 : memref<8x2560xf32, #tpu.memory_space<vmem>>[vector<16xi32>, vector<16xi32>], vector<16xf32>, vector<16xi1>
      %broadcast_in_dim3A_277 = arith.constant 2 : i32
      %broadcast_in_dim3A_278 = vector.broadcast %broadcast_in_dim3A_277 : i32 to vector<16xi32>
      tpu.vector_store_idx %arg8[%broadcast_in_dim3A_278, %shift_right_logical3A_263], %gather3A_276 masked %lt3A_255 : memref<8x8192xf32, #tpu.memory_space<vmem>>[vector<16xi32>, vector<16xi32>], vector<16xf32>, vector<16xi1>
      %broadcast_in_dim3A_279 = arith.constant 3 : i32
      %broadcast_in_dim3A_280 = vector.broadcast %broadcast_in_dim3A_279 : i32 to vector<16xi32>
      %gather3A_281 = tpu.vector_load_idx %arg6[%broadcast_in_dim3A_280, %sub3A_261] masked %lt3A_255 : memref<8x2560xf32, #tpu.memory_space<vmem>>[vector<16xi32>, vector<16xi32>], vector<16xf32>, vector<16xi1>
      %broadcast_in_dim3A_282 = arith.constant 3 : i32
      %broadcast_in_dim3A_283 = vector.broadcast %broadcast_in_dim3A_282 : i32 to vector<16xi32>
      tpu.vector_store_idx %arg8[%broadcast_in_dim3A_283, %shift_right_logical3A_263], %gather3A_281 masked %lt3A_255 : memref<8x8192xf32, #tpu.memory_space<vmem>>[vector<16xi32>, vector<16xi32>], vector<16xf32>, vector<16xi1>
      %broadcast_in_dim3A_284 = arith.constant 4 : i32
      %broadcast_in_dim3A_285 = vector.broadcast %broadcast_in_dim3A_284 : i32 to vector<16xi32>
      %gather3A_286 = tpu.vector_load_idx %arg6[%broadcast_in_dim3A_285, %sub3A_261] masked %lt3A_255 : memref<8x2560xf32, #tpu.memory_space<vmem>>[vector<16xi32>, vector<16xi32>], vector<16xf32>, vector<16xi1>
      %broadcast_in_dim3A_287 = arith.constant 4 : i32
      %broadcast_in_dim3A_288 = vector.broadcast %broadcast_in_dim3A_287 : i32 to vector<16xi32>
      tpu.vector_store_idx %arg8[%broadcast_in_dim3A_288, %shift_right_logical3A_263], %gather3A_286 masked %lt3A_255 : memref<8x8192xf32, #tpu.memory_space<vmem>>[vector<16xi32>, vector<16xi32>], vector<16xf32>, vector<16xi1>
      %broadcast_in_dim3A_289 = arith.constant 5 : i32
      %broadcast_in_dim3A_290 = vector.broadcast %broadcast_in_dim3A_289 : i32 to vector<16xi32>
      %gather3A_291 = tpu.vector_load_idx %arg6[%broadcast_in_dim3A_290, %sub3A_261] masked %lt3A_255 : memref<8x2560xf32, #tpu.memory_space<vmem>>[vector<16xi32>, vector<16xi32>], vector<16xf32>, vector<16xi1>
      %broadcast_in_dim3A_292 = arith.constant 5 : i32
      %broadcast_in_dim3A_293 = vector.broadcast %broadcast_in_dim3A_292 : i32 to vector<16xi32>
      tpu.vector_store_idx %arg8[%broadcast_in_dim3A_293, %shift_right_logical3A_263], %gather3A_291 masked %lt3A_255 : memref<8x8192xf32, #tpu.memory_space<vmem>>[vector<16xi32>, vector<16xi32>], vector<16xf32>, vector<16xi1>
      %broadcast_in_dim3A_294 = arith.constant 6 : i32
      %broadcast_in_dim3A_295 = vector.broadcast %broadcast_in_dim3A_294 : i32 to vector<16xi32>
      %gather3A_296 = tpu.vector_load_idx %arg6[%broadcast_in_dim3A_295, %sub3A_261] masked %lt3A_255 : memref<8x2560xf32, #tpu.memory_space<vmem>>[vector<16xi32>, vector<16xi32>], vector<16xf32>, vector<16xi1>
      %broadcast_in_dim3A_297 = arith.constant 6 : i32
      %broadcast_in_dim3A_298 = vector.broadcast %broadcast_in_dim3A_297 : i32 to vector<16xi32>
      tpu.vector_store_idx %arg8[%broadcast_in_dim3A_298, %shift_right_logical3A_263], %gather3A_296 masked %lt3A_255 : memref<8x8192xf32, #tpu.memory_space<vmem>>[vector<16xi32>, vector<16xi32>], vector<16xf32>, vector<16xi1>
      %broadcast_in_dim3A_299 = arith.constant 7 : i32
      %broadcast_in_dim3A_300 = vector.broadcast %broadcast_in_dim3A_299 : i32 to vector<16xi32>
      %gather3A_301 = tpu.vector_load_idx %arg6[%broadcast_in_dim3A_300, %sub3A_261] masked %lt3A_255 : memref<8x2560xf32, #tpu.memory_space<vmem>>[vector<16xi32>, vector<16xi32>], vector<16xf32>, vector<16xi1>
      %broadcast_in_dim3A_302 = arith.constant 7 : i32
      %broadcast_in_dim3A_303 = vector.broadcast %broadcast_in_dim3A_302 : i32 to vector<16xi32>
      tpu.vector_store_idx %arg8[%broadcast_in_dim3A_303, %shift_right_logical3A_263], %gather3A_301 masked %lt3A_255 : memref<8x8192xf32, #tpu.memory_space<vmem>>[vector<16xi32>, vector<16xi32>], vector<16xf32>, vector<16xi1>
    }
    %mul3A_163 = arith.constant 8192 : i32
    %mul3A_164 = arith.muli %select_n3A_30, %mul3A_163 : i32
    "tpu.region"() ({
      %run_scoped3A = tpu.sem_alloc : memref<!tpu.dma_semaphore, #tpu.memory_space<semaphore_mem>>
      %dma_start3A_247 = tpu.memref_slice %arg4[%select_n3A, %multiple_of3A_98, %mul3A_164] : memref<26x16x16384xf32, #tpu.memory_space<hbm>> -> memref<1x8x8192xf32, #tpu.memory_space<hbm>>
      %dma_start3A_248 = tpu.memref_squeeze %dma_start3A_247 : memref<1x8x8192xf32, #tpu.memory_space<hbm>> -> memref<8x8192xf32, #tpu.memory_space<hbm>>
      %dma_start3A_249 = tpu.memref_slice %arg4[%select_n3A, %multiple_of3A_98, %mul3A_164] : memref<26x16x16384xf32, #tpu.memory_space<hbm>> -> memref<1x8x8192xf32, #tpu.memory_space<hbm>>
      %dma_start3A_250 = tpu.memref_squeeze %dma_start3A_249 : memref<1x8x8192xf32, #tpu.memory_space<hbm>> -> memref<8x8192xf32, #tpu.memory_space<hbm>>
      tpu.enqueue_dma source(%arg8 : memref<8x8192xf32, #tpu.memory_space<vmem>>) target(%dma_start3A_250 : memref<8x8192xf32, #tpu.memory_space<hbm>>) target_semaphore(%run_scoped3A : memref<!tpu.dma_semaphore, #tpu.memory_space<semaphore_mem>>)
      %dma_wait3A_251 = tpu.memref_slice %arg4[%select_n3A, %multiple_of3A_98, %mul3A_164] : memref<26x16x16384xf32, #tpu.memory_space<hbm>> -> memref<1x8x8192xf32, #tpu.memory_space<hbm>>
      %dma_wait3A_252 = tpu.memref_squeeze %dma_wait3A_251 : memref<1x8x8192xf32, #tpu.memory_space<hbm>> -> memref<8x8192xf32, #tpu.memory_space<hbm>>
      %dma_wait3A_253 = tpu.memref_slice %arg4[%select_n3A, %multiple_of3A_98, %mul3A_164] : memref<26x16x16384xf32, #tpu.memory_space<hbm>> -> memref<1x8x8192xf32, #tpu.memory_space<hbm>>
      %dma_wait3A_254 = tpu.memref_squeeze %dma_wait3A_253 : memref<1x8x8192xf32, #tpu.memory_space<hbm>> -> memref<8x8192xf32, #tpu.memory_space<hbm>>
      tpu.wait_dma2 semaphore(%run_scoped3A : memref<!tpu.dma_semaphore, #tpu.memory_space<semaphore_mem>>) src(%arg8 : memref<8x8192xf32, #tpu.memory_space<vmem>>) dst(%dma_wait3A_254 : memref<8x8192xf32, #tpu.memory_space<hbm>>)
      tpu.yield
    }) : () -> ()
    %multiple_of3A_165 = arith.constant 8 : i32
    %multiple_of3A_166 = tpu.assume_multiple %multiple_of3A_165, 8 : i32
    %add3A_167 = arith.constant 0 : i32
    %add3A_168 = arith.addi %multiple_of3A, %add3A_167 : i32
    %dma_start3A_169 = tpu.memref_slice %arg3[%multiple_of3A_166, %add3A_168] : memref<16x2600000xf32, #tpu.memory_space<hbm>> -> memref<8x2560xf32, #tpu.memory_space<hbm>>
    %dma_start3A_170 = tpu.memref_slice %arg3[%multiple_of3A_166, %add3A_168] : memref<16x2600000xf32, #tpu.memory_space<hbm>> -> memref<8x2560xf32, #tpu.memory_space<hbm>>
    tpu.enqueue_dma source(%dma_start3A_170 : memref<8x2560xf32, #tpu.memory_space<hbm>>) target(%arg6 : memref<8x2560xf32, #tpu.memory_space<vmem>>) target_semaphore(%arg13 : memref<!tpu.dma_semaphore, #tpu.memory_space<semaphore_mem>>)
    %scan3A_171 = arith.constant 0 : i32
    %scan3A_172 = arith.constant 0 : i32
    %scan3A_173 = arith.constant 20 : i32
    %scan3A_174 = arith.addi %scan3A_172, %scan3A_173 : i32
    %scan3A_175 = arith.constant 1 : i32
    scf.for %scan3A_247 = %scan3A_172 to %scan3A_174 step %scan3A_175  : i32 {
      %mul3A_248 = arith.constant 2 : i32
      %mul3A_249 = arith.muli %scan3A_247, %mul3A_248 : i32
      %add3A_250 = arith.constant 1 : i32
      %add3A_251 = arith.addi %mul3A_249, %add3A_250 : i32
      %mul3A_252 = arith.constant 2560 : i32
      %mul3A_253 = arith.muli %add3A_251, %mul3A_252 : i32
      %add3A_254 = arith.addi %multiple_of3A, %mul3A_253 : i32
      %dma_start3A_255 = tpu.memref_slice %arg3[%multiple_of3A_166, %add3A_254] : memref<16x2600000xf32, #tpu.memory_space<hbm>> -> memref<8x2560xf32, #tpu.memory_space<hbm>>
      %dma_start3A_256 = tpu.memref_slice %arg3[%multiple_of3A_166, %add3A_254] : memref<16x2600000xf32, #tpu.memory_space<hbm>> -> memref<8x2560xf32, #tpu.memory_space<hbm>>
      tpu.enqueue_dma source(%dma_start3A_256 : memref<8x2560xf32, #tpu.memory_space<hbm>>) target(%arg7 : memref<8x2560xf32, #tpu.memory_space<vmem>>) target_semaphore(%arg14 : memref<!tpu.dma_semaphore, #tpu.memory_space<semaphore_mem>>)
      %dma_wait3A_257 = tpu.memref_slice %arg3[%multiple_of3A_166, %multiple_of3A] : memref<16x2600000xf32, #tpu.memory_space<hbm>> -> memref<8x2560xf32, #tpu.memory_space<hbm>>
      %dma_wait3A_258 = tpu.memref_slice %arg3[%multiple_of3A_166, %multiple_of3A] : memref<16x2600000xf32, #tpu.memory_space<hbm>> -> memref<8x2560xf32, #tpu.memory_space<hbm>>
      tpu.wait_dma2 semaphore(%arg13 : memref<!tpu.dma_semaphore, #tpu.memory_space<semaphore_mem>>) src(%dma_wait3A_258 : memref<8x2560xf32, #tpu.memory_space<hbm>>) dst(%arg6 : memref<8x2560xf32, #tpu.memory_space<vmem>>)
      %broadcast_in_dim3A_259 = vector.broadcast %mul3A_249 : i32 to vector<16xi32>
      %gather3A_260 = tpu.vector_load_idx %arg11[%broadcast_in_dim3A_259] : memref<64xi32, #tpu.memory_space<vmem>>[vector<16xi32>], vector<16xi32>,
      %reduce_max3A_261 = arith.constant true
      %reduce_max3A_262 = vector.broadcast %reduce_max3A_261 : i1 to vector<16xi1>
      %reduce_max3A_263 = arith.constant -2147483648 : i32
      %reduce_max3A_264 = vector.broadcast %reduce_max3A_263 : i32 to vector<16xi32>
      %reduce_max3A_265 = arith.xori %gather3A_260, %reduce_max3A_264 : vector<16xi32>
      %reduce_max3A_266 = tpu.scan <max>, %reduce_max3A_265 masked %reduce_max3A_262 : vector<16xi32>, vector<16xi1> -> vector<16xi32>
      %reduce_max3A_267 = arith.xori %reduce_max3A_266, %reduce_max3A_264 : vector<16xi32>
      %reduce_max3A_268 = vector.extract %reduce_max3A_267[15] : i32 from vector<16xi32>
      %broadcast_in_dim3A_269 = vector.broadcast %mul3A_249 : i32 to vector<16xi32>
      %gather3A_270 = tpu.vector_load_idx %arg12[%broadcast_in_dim3A_269] : memref<64xi32, #tpu.memory_space<vmem>>[vector<16xi32>], vector<16xi32>,
      %reduce_max3A_271 = arith.constant true
      %reduce_max3A_272 = vector.broadcast %reduce_max3A_271 : i1 to vector<16xi1>
      %reduce_max3A_273 = arith.constant -2147483648 : i32
      %reduce_max3A_274 = vector.broadcast %reduce_max3A_273 : i32 to vector<16xi32>
      %reduce_max3A_275 = arith.xori %gather3A_270, %reduce_max3A_274 : vector<16xi32>
      %reduce_max3A_276 = tpu.scan <max>, %reduce_max3A_275 masked %reduce_max3A_272 : vector<16xi32>, vector<16xi1> -> vector<16xi32>
      %reduce_max3A_277 = arith.xori %reduce_max3A_276, %reduce_max3A_274 : vector<16xi32>
      %reduce_max3A_278 = vector.extract %reduce_max3A_277[15] : i32 from vector<16xi32>
      %mul3A_279 = arith.constant 2560 : i32
      %mul3A_280 = arith.muli %mul3A_249, %mul3A_279 : i32
      %sub3A_281 = arith.subi %reduce_max3A_278, %reduce_max3A_268 : i32
      %add3A_282 = arith.constant 16 : i32
      %add3A_283 = arith.addi %sub3A_281, %add3A_282 : i32
      %sub3A_284 = arith.constant 1 : i32
      %sub3A_285 = arith.subi %add3A_283, %sub3A_284 : i32
      %jit3A_286 = arith.constant 16 : i32
      %div3A_287 = arith.divsi %sub3A_285, %jit3A_286 : i32
      %sign3A_288 = arith.constant 0 : i32
      %sign3A_289 = arith.cmpi sgt, %sub3A_285, %sign3A_288 : i32
      %sign3A_290 = arith.extui %sign3A_289 : i1 to i32
      %sign3A_291 = arith.constant 0 : i32
      %sign3A_292 = arith.cmpi slt, %sub3A_285, %sign3A_291 : i32
      %sign3A_293 = arith.extui %sign3A_292 : i1 to i32
      %sign3A_294 = arith.subi %sign3A_290, %sign3A_293 : i32
      %sign3A_295 = arith.constant 0 : i32
      %sign3A_296 = arith.cmpi sgt, %jit3A_286, %sign3A_295 : i32
      %sign3A_297 = arith.extui %sign3A_296 : i1 to i32
      %sign3A_298 = arith.constant 0 : i32
      %sign3A_299 = arith.cmpi slt, %jit3A_286, %sign3A_298 : i32
      %sign3A_300 = arith.extui %sign3A_299 : i1 to i32
      %sign3A_301 = arith.subi %sign3A_297, %sign3A_300 : i32
      %ne3A_302 = arith.cmpi ne, %sign3A_294, %sign3A_301 : i32
      %rem3A_303 = arith.remsi %sub3A_285, %jit3A_286 : i32
      %ne3A_304 = arith.constant 0 : i32
      %ne3A_305 = arith.cmpi ne, %rem3A_303, %ne3A_304 : i32
      %and3A_306 = arith.andi %ne3A_302, %ne3A_305 : i1
      %sub3A_307 = arith.constant 1 : i32
      %sub3A_308 = arith.subi %div3A_287, %sub3A_307 : i32
      %select_n3A_309 = arith.select %and3A_306, %sub3A_308, %div3A_287 : i32
      %while3A_310 = arith.constant 0 : i32
      %while3A_311 = arith.constant 0 : i32
      %while3A_312 = arith.subi %select_n3A_309, %while3A_311 : i32
      %while3A_313 = arith.addi %while3A_311, %while3A_312 : i32
      %while3A_314 = arith.constant 1 : i32
      %while3A_315 = arith.divsi %while3A_312, %while3A_314 : i32
      %while3A_316 = arith.muli %while3A_315, %while3A_314 : i32
      %while3A_317 = arith.addi %while3A_311, %while3A_316 : i32
      %while3A_318 = arith.constant 1 : i32
      scf.for %while3A_392 = %while3A_311 to %while3A_317 step %while3A_318  : i32 {
        %mul3A_393 = arith.constant 16 : i32
        %mul3A_394 = arith.muli %while3A_392, %mul3A_393 : i32
        %add3A_395 = arith.addi %reduce_max3A_268, %mul3A_394 : i32
        %get3A = arith.index_cast %add3A_395 : i32 to index
        %get3A_396 = tpu.vector_load %arg9[%get3A] {strides = array<i32>} : memref<12288xi32, #tpu.memory_space<vmem>>, vector<16xi32>,
        %add3A_397 = vector.broadcast %add3A_395 : i32 to vector<16xi32>
        %add3A_398 = arith.addi %add3A_397, %iota3A : vector<16xi32>
        %lt3A_399 = vector.broadcast %reduce_max3A_278 : i32 to vector<16xi32>
        %lt3A_400 = arith.cmpi slt, %add3A_398, %lt3A_399 : vector<16xi32>
        %and3A_401 = arith.constant 131071 : i32
        %and3A_402 = vector.broadcast %and3A_401 : i32 to vector<16xi32>
        %and3A_403 = arith.andi %get3A_396, %and3A_402 : vector<16xi32>
        %sub3A_404 = vector.broadcast %mul3A_280 : i32 to vector<16xi32>
        %sub3A_405 = arith.subi %and3A_403, %sub3A_404 : vector<16xi32>
        %shift_right_logical3A = arith.constant 17 : i32
        %shift_right_logical3A_406 = vector.broadcast %shift_right_logical3A : i32 to vector<16xi32>
        %shift_right_logical3A_407 = arith.shrui %get3A_396, %shift_right_logical3A_406 : vector<16xi32>
        %broadcast_in_dim3A_408 = arith.constant 0 : i32
        %broadcast_in_dim3A_409 = vector.broadcast %broadcast_in_dim3A_408 : i32 to vector<16xi32>
        %gather3A_410 = tpu.vector_load_idx %arg6[%broadcast_in_dim3A_409, %sub3A_405] masked %lt3A_400 : memref<8x2560xf32, #tpu.memory_space<vmem>>[vector<16xi32>, vector<16xi32>], vector<16xf32>, vector<16xi1>
        %broadcast_in_dim3A_411 = arith.constant 0 : i32
        %broadcast_in_dim3A_412 = vector.broadcast %broadcast_in_dim3A_411 : i32 to vector<16xi32>
        tpu.vector_store_idx %arg8[%broadcast_in_dim3A_412, %shift_right_logical3A_407], %gather3A_410 masked %lt3A_400 : memref<8x8192xf32, #tpu.memory_space<vmem>>[vector<16xi32>, vector<16xi32>], vector<16xf32>, vector<16xi1>
        %broadcast_in_dim3A_413 = arith.constant 1 : i32
        %broadcast_in_dim3A_414 = vector.broadcast %broadcast_in_dim3A_413 : i32 to vector<16xi32>
        %gather3A_415 = tpu.vector_load_idx %arg6[%broadcast_in_dim3A_414, %sub3A_405] masked %lt3A_400 : memref<8x2560xf32, #tpu.memory_space<vmem>>[vector<16xi32>, vector<16xi32>], vector<16xf32>, vector<16xi1>
        %broadcast_in_dim3A_416 = arith.constant 1 : i32
        %broadcast_in_dim3A_417 = vector.broadcast %broadcast_in_dim3A_416 : i32 to vector<16xi32>
        tpu.vector_store_idx %arg8[%broadcast_in_dim3A_417, %shift_right_logical3A_407], %gather3A_415 masked %lt3A_400 : memref<8x8192xf32, #tpu.memory_space<vmem>>[vector<16xi32>, vector<16xi32>], vector<16xf32>, vector<16xi1>
        %broadcast_in_dim3A_418 = arith.constant 2 : i32
        %broadcast_in_dim3A_419 = vector.broadcast %broadcast_in_dim3A_418 : i32 to vector<16xi32>
        %gather3A_420 = tpu.vector_load_idx %arg6[%broadcast_in_dim3A_419, %sub3A_405] masked %lt3A_400 : memref<8x2560xf32, #tpu.memory_space<vmem>>[vector<16xi32>, vector<16xi32>], vector<16xf32>, vector<16xi1>
        %broadcast_in_dim3A_421 = arith.constant 2 : i32
        %broadcast_in_dim3A_422 = vector.broadcast %broadcast_in_dim3A_421 : i32 to vector<16xi32>
        tpu.vector_store_idx %arg8[%broadcast_in_dim3A_422, %shift_right_logical3A_407], %gather3A_420 masked %lt3A_400 : memref<8x8192xf32, #tpu.memory_space<vmem>>[vector<16xi32>, vector<16xi32>], vector<16xf32>, vector<16xi1>
        %broadcast_in_dim3A_423 = arith.constant 3 : i32
        %broadcast_in_dim3A_424 = vector.broadcast %broadcast_in_dim3A_423 : i32 to vector<16xi32>
        %gather3A_425 = tpu.vector_load_idx %arg6[%broadcast_in_dim3A_424, %sub3A_405] masked %lt3A_400 : memref<8x2560xf32, #tpu.memory_space<vmem>>[vector<16xi32>, vector<16xi32>], vector<16xf32>, vector<16xi1>
        %broadcast_in_dim3A_426 = arith.constant 3 : i32
        %broadcast_in_dim3A_427 = vector.broadcast %broadcast_in_dim3A_426 : i32 to vector<16xi32>
        tpu.vector_store_idx %arg8[%broadcast_in_dim3A_427, %shift_right_logical3A_407], %gather3A_425 masked %lt3A_400 : memref<8x8192xf32, #tpu.memory_space<vmem>>[vector<16xi32>, vector<16xi32>], vector<16xf32>, vector<16xi1>
        %broadcast_in_dim3A_428 = arith.constant 4 : i32
        %broadcast_in_dim3A_429 = vector.broadcast %broadcast_in_dim3A_428 : i32 to vector<16xi32>
        %gather3A_430 = tpu.vector_load_idx %arg6[%broadcast_in_dim3A_429, %sub3A_405] masked %lt3A_400 : memref<8x2560xf32, #tpu.memory_space<vmem>>[vector<16xi32>, vector<16xi32>], vector<16xf32>, vector<16xi1>
        %broadcast_in_dim3A_431 = arith.constant 4 : i32
        %broadcast_in_dim3A_432 = vector.broadcast %broadcast_in_dim3A_431 : i32 to vector<16xi32>
        tpu.vector_store_idx %arg8[%broadcast_in_dim3A_432, %shift_right_logical3A_407], %gather3A_430 masked %lt3A_400 : memref<8x8192xf32, #tpu.memory_space<vmem>>[vector<16xi32>, vector<16xi32>], vector<16xf32>, vector<16xi1>
        %broadcast_in_dim3A_433 = arith.constant 5 : i32
        %broadcast_in_dim3A_434 = vector.broadcast %broadcast_in_dim3A_433 : i32 to vector<16xi32>
        %gather3A_435 = tpu.vector_load_idx %arg6[%broadcast_in_dim3A_434, %sub3A_405] masked %lt3A_400 : memref<8x2560xf32, #tpu.memory_space<vmem>>[vector<16xi32>, vector<16xi32>], vector<16xf32>, vector<16xi1>
        %broadcast_in_dim3A_436 = arith.constant 5 : i32
        %broadcast_in_dim3A_437 = vector.broadcast %broadcast_in_dim3A_436 : i32 to vector<16xi32>
        tpu.vector_store_idx %arg8[%broadcast_in_dim3A_437, %shift_right_logical3A_407], %gather3A_435 masked %lt3A_400 : memref<8x8192xf32, #tpu.memory_space<vmem>>[vector<16xi32>, vector<16xi32>], vector<16xf32>, vector<16xi1>
        %broadcast_in_dim3A_438 = arith.constant 6 : i32
        %broadcast_in_dim3A_439 = vector.broadcast %broadcast_in_dim3A_438 : i32 to vector<16xi32>
        %gather3A_440 = tpu.vector_load_idx %arg6[%broadcast_in_dim3A_439, %sub3A_405] masked %lt3A_400 : memref<8x2560xf32, #tpu.memory_space<vmem>>[vector<16xi32>, vector<16xi32>], vector<16xf32>, vector<16xi1>
        %broadcast_in_dim3A_441 = arith.constant 6 : i32
        %broadcast_in_dim3A_442 = vector.broadcast %broadcast_in_dim3A_441 : i32 to vector<16xi32>
        tpu.vector_store_idx %arg8[%broadcast_in_dim3A_442, %shift_right_logical3A_407], %gather3A_440 masked %lt3A_400 : memref<8x8192xf32, #tpu.memory_space<vmem>>[vector<16xi32>, vector<16xi32>], vector<16xf32>, vector<16xi1>
        %broadcast_in_dim3A_443 = arith.constant 7 : i32
        %broadcast_in_dim3A_444 = vector.broadcast %broadcast_in_dim3A_443 : i32 to vector<16xi32>
        %gather3A_445 = tpu.vector_load_idx %arg6[%broadcast_in_dim3A_444, %sub3A_405] masked %lt3A_400 : memref<8x2560xf32, #tpu.memory_space<vmem>>[vector<16xi32>, vector<16xi32>], vector<16xf32>, vector<16xi1>
        %broadcast_in_dim3A_446 = arith.constant 7 : i32
        %broadcast_in_dim3A_447 = vector.broadcast %broadcast_in_dim3A_446 : i32 to vector<16xi32>
        tpu.vector_store_idx %arg8[%broadcast_in_dim3A_447, %shift_right_logical3A_407], %gather3A_445 masked %lt3A_400 : memref<8x8192xf32, #tpu.memory_space<vmem>>[vector<16xi32>, vector<16xi32>], vector<16xf32>, vector<16xi1>
      }
      %while3A_319 = arith.constant 1 : i32
      scf.for %while3A_392 = %while3A_317 to %while3A_313 step %while3A_319  : i32 {
        %mul3A_393 = arith.constant 16 : i32
        %mul3A_394 = arith.muli %while3A_392, %mul3A_393 : i32
        %add3A_395 = arith.addi %reduce_max3A_268, %mul3A_394 : i32
        %get3A = arith.index_cast %add3A_395 : i32 to index
        %get3A_396 = tpu.vector_load %arg9[%get3A] {strides = array<i32>} : memref<12288xi32, #tpu.memory_space<vmem>>, vector<16xi32>,
        %add3A_397 = vector.broadcast %add3A_395 : i32 to vector<16xi32>
        %add3A_398 = arith.addi %add3A_397, %iota3A : vector<16xi32>
        %lt3A_399 = vector.broadcast %reduce_max3A_278 : i32 to vector<16xi32>
        %lt3A_400 = arith.cmpi slt, %add3A_398, %lt3A_399 : vector<16xi32>
        %and3A_401 = arith.constant 131071 : i32
        %and3A_402 = vector.broadcast %and3A_401 : i32 to vector<16xi32>
        %and3A_403 = arith.andi %get3A_396, %and3A_402 : vector<16xi32>
        %sub3A_404 = vector.broadcast %mul3A_280 : i32 to vector<16xi32>
        %sub3A_405 = arith.subi %and3A_403, %sub3A_404 : vector<16xi32>
        %shift_right_logical3A = arith.constant 17 : i32
        %shift_right_logical3A_406 = vector.broadcast %shift_right_logical3A : i32 to vector<16xi32>
        %shift_right_logical3A_407 = arith.shrui %get3A_396, %shift_right_logical3A_406 : vector<16xi32>
        %broadcast_in_dim3A_408 = arith.constant 0 : i32
        %broadcast_in_dim3A_409 = vector.broadcast %broadcast_in_dim3A_408 : i32 to vector<16xi32>
        %gather3A_410 = tpu.vector_load_idx %arg6[%broadcast_in_dim3A_409, %sub3A_405] masked %lt3A_400 : memref<8x2560xf32, #tpu.memory_space<vmem>>[vector<16xi32>, vector<16xi32>], vector<16xf32>, vector<16xi1>
        %broadcast_in_dim3A_411 = arith.constant 0 : i32
        %broadcast_in_dim3A_412 = vector.broadcast %broadcast_in_dim3A_411 : i32 to vector<16xi32>
        tpu.vector_store_idx %arg8[%broadcast_in_dim3A_412, %shift_right_logical3A_407], %gather3A_410 masked %lt3A_400 : memref<8x8192xf32, #tpu.memory_space<vmem>>[vector<16xi32>, vector<16xi32>], vector<16xf32>, vector<16xi1>
        %broadcast_in_dim3A_413 = arith.constant 1 : i32
        %broadcast_in_dim3A_414 = vector.broadcast %broadcast_in_dim3A_413 : i32 to vector<16xi32>
        %gather3A_415 = tpu.vector_load_idx %arg6[%broadcast_in_dim3A_414, %sub3A_405] masked %lt3A_400 : memref<8x2560xf32, #tpu.memory_space<vmem>>[vector<16xi32>, vector<16xi32>], vector<16xf32>, vector<16xi1>
        %broadcast_in_dim3A_416 = arith.constant 1 : i32
        %broadcast_in_dim3A_417 = vector.broadcast %broadcast_in_dim3A_416 : i32 to vector<16xi32>
        tpu.vector_store_idx %arg8[%broadcast_in_dim3A_417, %shift_right_logical3A_407], %gather3A_415 masked %lt3A_400 : memref<8x8192xf32, #tpu.memory_space<vmem>>[vector<16xi32>, vector<16xi32>], vector<16xf32>, vector<16xi1>
        %broadcast_in_dim3A_418 = arith.constant 2 : i32
        %broadcast_in_dim3A_419 = vector.broadcast %broadcast_in_dim3A_418 : i32 to vector<16xi32>
        %gather3A_420 = tpu.vector_load_idx %arg6[%broadcast_in_dim3A_419, %sub3A_405] masked %lt3A_400 : memref<8x2560xf32, #tpu.memory_space<vmem>>[vector<16xi32>, vector<16xi32>], vector<16xf32>, vector<16xi1>
        %broadcast_in_dim3A_421 = arith.constant 2 : i32
        %broadcast_in_dim3A_422 = vector.broadcast %broadcast_in_dim3A_421 : i32 to vector<16xi32>
        tpu.vector_store_idx %arg8[%broadcast_in_dim3A_422, %shift_right_logical3A_407], %gather3A_420 masked %lt3A_400 : memref<8x8192xf32, #tpu.memory_space<vmem>>[vector<16xi32>, vector<16xi32>], vector<16xf32>, vector<16xi1>
        %broadcast_in_dim3A_423 = arith.constant 3 : i32
        %broadcast_in_dim3A_424 = vector.broadcast %broadcast_in_dim3A_423 : i32 to vector<16xi32>
        %gather3A_425 = tpu.vector_load_idx %arg6[%broadcast_in_dim3A_424, %sub3A_405] masked %lt3A_400 : memref<8x2560xf32, #tpu.memory_space<vmem>>[vector<16xi32>, vector<16xi32>], vector<16xf32>, vector<16xi1>
        %broadcast_in_dim3A_426 = arith.constant 3 : i32
        %broadcast_in_dim3A_427 = vector.broadcast %broadcast_in_dim3A_426 : i32 to vector<16xi32>
        tpu.vector_store_idx %arg8[%broadcast_in_dim3A_427, %shift_right_logical3A_407], %gather3A_425 masked %lt3A_400 : memref<8x8192xf32, #tpu.memory_space<vmem>>[vector<16xi32>, vector<16xi32>], vector<16xf32>, vector<16xi1>
        %broadcast_in_dim3A_428 = arith.constant 4 : i32
        %broadcast_in_dim3A_429 = vector.broadcast %broadcast_in_dim3A_428 : i32 to vector<16xi32>
        %gather3A_430 = tpu.vector_load_idx %arg6[%broadcast_in_dim3A_429, %sub3A_405] masked %lt3A_400 : memref<8x2560xf32, #tpu.memory_space<vmem>>[vector<16xi32>, vector<16xi32>], vector<16xf32>, vector<16xi1>
        %broadcast_in_dim3A_431 = arith.constant 4 : i32
        %broadcast_in_dim3A_432 = vector.broadcast %broadcast_in_dim3A_431 : i32 to vector<16xi32>
        tpu.vector_store_idx %arg8[%broadcast_in_dim3A_432, %shift_right_logical3A_407], %gather3A_430 masked %lt3A_400 : memref<8x8192xf32, #tpu.memory_space<vmem>>[vector<16xi32>, vector<16xi32>], vector<16xf32>, vector<16xi1>
        %broadcast_in_dim3A_433 = arith.constant 5 : i32
        %broadcast_in_dim3A_434 = vector.broadcast %broadcast_in_dim3A_433 : i32 to vector<16xi32>
        %gather3A_435 = tpu.vector_load_idx %arg6[%broadcast_in_dim3A_434, %sub3A_405] masked %lt3A_400 : memref<8x2560xf32, #tpu.memory_space<vmem>>[vector<16xi32>, vector<16xi32>], vector<16xf32>, vector<16xi1>
        %broadcast_in_dim3A_436 = arith.constant 5 : i32
        %broadcast_in_dim3A_437 = vector.broadcast %broadcast_in_dim3A_436 : i32 to vector<16xi32>
        tpu.vector_store_idx %arg8[%broadcast_in_dim3A_437, %shift_right_logical3A_407], %gather3A_435 masked %lt3A_400 : memref<8x8192xf32, #tpu.memory_space<vmem>>[vector<16xi32>, vector<16xi32>], vector<16xf32>, vector<16xi1>
        %broadcast_in_dim3A_438 = arith.constant 6 : i32
        %broadcast_in_dim3A_439 = vector.broadcast %broadcast_in_dim3A_438 : i32 to vector<16xi32>
        %gather3A_440 = tpu.vector_load_idx %arg6[%broadcast_in_dim3A_439, %sub3A_405] masked %lt3A_400 : memref<8x2560xf32, #tpu.memory_space<vmem>>[vector<16xi32>, vector<16xi32>], vector<16xf32>, vector<16xi1>
        %broadcast_in_dim3A_441 = arith.constant 6 : i32
        %broadcast_in_dim3A_442 = vector.broadcast %broadcast_in_dim3A_441 : i32 to vector<16xi32>
        tpu.vector_store_idx %arg8[%broadcast_in_dim3A_442, %shift_right_logical3A_407], %gather3A_440 masked %lt3A_400 : memref<8x8192xf32, #tpu.memory_space<vmem>>[vector<16xi32>, vector<16xi32>], vector<16xf32>, vector<16xi1>
        %broadcast_in_dim3A_443 = arith.constant 7 : i32
        %broadcast_in_dim3A_444 = vector.broadcast %broadcast_in_dim3A_443 : i32 to vector<16xi32>
        %gather3A_445 = tpu.vector_load_idx %arg6[%broadcast_in_dim3A_444, %sub3A_405] masked %lt3A_400 : memref<8x2560xf32, #tpu.memory_space<vmem>>[vector<16xi32>, vector<16xi32>], vector<16xf32>, vector<16xi1>
        %broadcast_in_dim3A_446 = arith.constant 7 : i32
        %broadcast_in_dim3A_447 = vector.broadcast %broadcast_in_dim3A_446 : i32 to vector<16xi32>
        tpu.vector_store_idx %arg8[%broadcast_in_dim3A_447, %shift_right_logical3A_407], %gather3A_445 masked %lt3A_400 : memref<8x8192xf32, #tpu.memory_space<vmem>>[vector<16xi32>, vector<16xi32>], vector<16xf32>, vector<16xi1>
      }
      %add3A_320 = arith.constant 2 : i32
      %add3A_321 = arith.addi %mul3A_249, %add3A_320 : i32
      %mul3A_322 = arith.constant 2560 : i32
      %mul3A_323 = arith.muli %add3A_321, %mul3A_322 : i32
      %add3A_324 = arith.addi %multiple_of3A, %mul3A_323 : i32
      %dma_start3A_325 = tpu.memref_slice %arg3[%multiple_of3A_166, %add3A_324] : memref<16x2600000xf32, #tpu.memory_space<hbm>> -> memref<8x2560xf32, #tpu.memory_space<hbm>>
      %dma_start3A_326 = tpu.memref_slice %arg3[%multiple_of3A_166, %add3A_324] : memref<16x2600000xf32, #tpu.memory_space<hbm>> -> memref<8x2560xf32, #tpu.memory_space<hbm>>
      tpu.enqueue_dma source(%dma_start3A_326 : memref<8x2560xf32, #tpu.memory_space<hbm>>) target(%arg6 : memref<8x2560xf32, #tpu.memory_space<vmem>>) target_semaphore(%arg13 : memref<!tpu.dma_semaphore, #tpu.memory_space<semaphore_mem>>)
      %dma_wait3A_327 = tpu.memref_slice %arg3[%multiple_of3A_166, %multiple_of3A] : memref<16x2600000xf32, #tpu.memory_space<hbm>> -> memref<8x2560xf32, #tpu.memory_space<hbm>>
      %dma_wait3A_328 = tpu.memref_slice %arg3[%multiple_of3A_166, %multiple_of3A] : memref<16x2600000xf32, #tpu.memory_space<hbm>> -> memref<8x2560xf32, #tpu.memory_space<hbm>>
      tpu.wait_dma2 semaphore(%arg14 : memref<!tpu.dma_semaphore, #tpu.memory_space<semaphore_mem>>) src(%dma_wait3A_328 : memref<8x2560xf32, #tpu.memory_space<hbm>>) dst(%arg7 : memref<8x2560xf32, #tpu.memory_space<vmem>>)
      %add3A_329 = arith.constant 1 : i32
      %add3A_330 = arith.addi %mul3A_249, %add3A_329 : i32
      %broadcast_in_dim3A_331 = vector.broadcast %add3A_330 : i32 to vector<16xi32>
      %gather3A_332 = tpu.vector_load_idx %arg11[%broadcast_in_dim3A_331] : memref<64xi32, #tpu.memory_space<vmem>>[vector<16xi32>], vector<16xi32>,
      %reduce_max3A_333 = arith.constant true
      %reduce_max3A_334 = vector.broadcast %reduce_max3A_333 : i1 to vector<16xi1>
      %reduce_max3A_335 = arith.constant -2147483648 : i32
      %reduce_max3A_336 = vector.broadcast %reduce_max3A_335 : i32 to vector<16xi32>
      %reduce_max3A_337 = arith.xori %gather3A_332, %reduce_max3A_336 : vector<16xi32>
      %reduce_max3A_338 = tpu.scan <max>, %reduce_max3A_337 masked %reduce_max3A_334 : vector<16xi32>, vector<16xi1> -> vector<16xi32>
      %reduce_max3A_339 = arith.xori %reduce_max3A_338, %reduce_max3A_336 : vector<16xi32>
      %reduce_max3A_340 = vector.extract %reduce_max3A_339[15] : i32 from vector<16xi32>
      %broadcast_in_dim3A_341 = vector.broadcast %add3A_330 : i32 to vector<16xi32>
      %gather3A_342 = tpu.vector_load_idx %arg12[%broadcast_in_dim3A_341] : memref<64xi32, #tpu.memory_space<vmem>>[vector<16xi32>], vector<16xi32>,
      %reduce_max3A_343 = arith.constant true
      %reduce_max3A_344 = vector.broadcast %reduce_max3A_343 : i1 to vector<16xi1>
      %reduce_max3A_345 = arith.constant -2147483648 : i32
      %reduce_max3A_346 = vector.broadcast %reduce_max3A_345 : i32 to vector<16xi32>
      %reduce_max3A_347 = arith.xori %gather3A_342, %reduce_max3A_346 : vector<16xi32>
      %reduce_max3A_348 = tpu.scan <max>, %reduce_max3A_347 masked %reduce_max3A_344 : vector<16xi32>, vector<16xi1> -> vector<16xi32>
      %reduce_max3A_349 = arith.xori %reduce_max3A_348, %reduce_max3A_346 : vector<16xi32>
      %reduce_max3A_350 = vector.extract %reduce_max3A_349[15] : i32 from vector<16xi32>
      %mul3A_351 = arith.constant 2560 : i32
      %mul3A_352 = arith.muli %add3A_330, %mul3A_351 : i32
      %sub3A_353 = arith.subi %reduce_max3A_350, %reduce_max3A_340 : i32
      %add3A_354 = arith.constant 16 : i32
      %add3A_355 = arith.addi %sub3A_353, %add3A_354 : i32
      %sub3A_356 = arith.constant 1 : i32
      %sub3A_357 = arith.subi %add3A_355, %sub3A_356 : i32
      %jit3A_358 = arith.constant 16 : i32
      %div3A_359 = arith.divsi %sub3A_357, %jit3A_358 : i32
      %sign3A_360 = arith.constant 0 : i32
      %sign3A_361 = arith.cmpi sgt, %sub3A_357, %sign3A_360 : i32
      %sign3A_362 = arith.extui %sign3A_361 : i1 to i32
      %sign3A_363 = arith.constant 0 : i32
      %sign3A_364 = arith.cmpi slt, %sub3A_357, %sign3A_363 : i32
      %sign3A_365 = arith.extui %sign3A_364 : i1 to i32
      %sign3A_366 = arith.subi %sign3A_362, %sign3A_365 : i32
      %sign3A_367 = arith.constant 0 : i32
      %sign3A_368 = arith.cmpi sgt, %jit3A_358, %sign3A_367 : i32
      %sign3A_369 = arith.extui %sign3A_368 : i1 to i32
      %sign3A_370 = arith.constant 0 : i32
      %sign3A_371 = arith.cmpi slt, %jit3A_358, %sign3A_370 : i32
      %sign3A_372 = arith.extui %sign3A_371 : i1 to i32
      %sign3A_373 = arith.subi %sign3A_369, %sign3A_372 : i32
      %ne3A_374 = arith.cmpi ne, %sign3A_366, %sign3A_373 : i32
      %rem3A_375 = arith.remsi %sub3A_357, %jit3A_358 : i32
      %ne3A_376 = arith.constant 0 : i32
      %ne3A_377 = arith.cmpi ne, %rem3A_375, %ne3A_376 : i32
      %and3A_378 = arith.andi %ne3A_374, %ne3A_377 : i1
      %sub3A_379 = arith.constant 1 : i32
      %sub3A_380 = arith.subi %div3A_359, %sub3A_379 : i32
      %select_n3A_381 = arith.select %and3A_378, %sub3A_380, %div3A_359 : i32
      %while3A_382 = arith.constant 0 : i32
      %while3A_383 = arith.constant 0 : i32
      %while3A_384 = arith.subi %select_n3A_381, %while3A_383 : i32
      %while3A_385 = arith.addi %while3A_383, %while3A_384 : i32
      %while3A_386 = arith.constant 1 : i32
      %while3A_387 = arith.divsi %while3A_384, %while3A_386 : i32
      %while3A_388 = arith.muli %while3A_387, %while3A_386 : i32
      %while3A_389 = arith.addi %while3A_383, %while3A_388 : i32
      %while3A_390 = arith.constant 1 : i32
      scf.for %while3A_392 = %while3A_383 to %while3A_389 step %while3A_390  : i32 {
        %mul3A_393 = arith.constant 16 : i32
        %mul3A_394 = arith.muli %while3A_392, %mul3A_393 : i32
        %add3A_395 = arith.addi %reduce_max3A_340, %mul3A_394 : i32
        %get3A = arith.index_cast %add3A_395 : i32 to index
        %get3A_396 = tpu.vector_load %arg9[%get3A] {strides = array<i32>} : memref<12288xi32, #tpu.memory_space<vmem>>, vector<16xi32>,
        %add3A_397 = vector.broadcast %add3A_395 : i32 to vector<16xi32>
        %add3A_398 = arith.addi %add3A_397, %iota3A : vector<16xi32>
        %lt3A_399 = vector.broadcast %reduce_max3A_350 : i32 to vector<16xi32>
        %lt3A_400 = arith.cmpi slt, %add3A_398, %lt3A_399 : vector<16xi32>
        %and3A_401 = arith.constant 131071 : i32
        %and3A_402 = vector.broadcast %and3A_401 : i32 to vector<16xi32>
        %and3A_403 = arith.andi %get3A_396, %and3A_402 : vector<16xi32>
        %sub3A_404 = vector.broadcast %mul3A_352 : i32 to vector<16xi32>
        %sub3A_405 = arith.subi %and3A_403, %sub3A_404 : vector<16xi32>
        %shift_right_logical3A = arith.constant 17 : i32
        %shift_right_logical3A_406 = vector.broadcast %shift_right_logical3A : i32 to vector<16xi32>
        %shift_right_logical3A_407 = arith.shrui %get3A_396, %shift_right_logical3A_406 : vector<16xi32>
        %broadcast_in_dim3A_408 = arith.constant 0 : i32
        %broadcast_in_dim3A_409 = vector.broadcast %broadcast_in_dim3A_408 : i32 to vector<16xi32>
        %gather3A_410 = tpu.vector_load_idx %arg7[%broadcast_in_dim3A_409, %sub3A_405] masked %lt3A_400 : memref<8x2560xf32, #tpu.memory_space<vmem>>[vector<16xi32>, vector<16xi32>], vector<16xf32>, vector<16xi1>
        %broadcast_in_dim3A_411 = arith.constant 0 : i32
        %broadcast_in_dim3A_412 = vector.broadcast %broadcast_in_dim3A_411 : i32 to vector<16xi32>
        tpu.vector_store_idx %arg8[%broadcast_in_dim3A_412, %shift_right_logical3A_407], %gather3A_410 masked %lt3A_400 : memref<8x8192xf32, #tpu.memory_space<vmem>>[vector<16xi32>, vector<16xi32>], vector<16xf32>, vector<16xi1>
        %broadcast_in_dim3A_413 = arith.constant 1 : i32
        %broadcast_in_dim3A_414 = vector.broadcast %broadcast_in_dim3A_413 : i32 to vector<16xi32>
        %gather3A_415 = tpu.vector_load_idx %arg7[%broadcast_in_dim3A_414, %sub3A_405] masked %lt3A_400 : memref<8x2560xf32, #tpu.memory_space<vmem>>[vector<16xi32>, vector<16xi32>], vector<16xf32>, vector<16xi1>
        %broadcast_in_dim3A_416 = arith.constant 1 : i32
        %broadcast_in_dim3A_417 = vector.broadcast %broadcast_in_dim3A_416 : i32 to vector<16xi32>
        tpu.vector_store_idx %arg8[%broadcast_in_dim3A_417, %shift_right_logical3A_407], %gather3A_415 masked %lt3A_400 : memref<8x8192xf32, #tpu.memory_space<vmem>>[vector<16xi32>, vector<16xi32>], vector<16xf32>, vector<16xi1>
        %broadcast_in_dim3A_418 = arith.constant 2 : i32
        %broadcast_in_dim3A_419 = vector.broadcast %broadcast_in_dim3A_418 : i32 to vector<16xi32>
        %gather3A_420 = tpu.vector_load_idx %arg7[%broadcast_in_dim3A_419, %sub3A_405] masked %lt3A_400 : memref<8x2560xf32, #tpu.memory_space<vmem>>[vector<16xi32>, vector<16xi32>], vector<16xf32>, vector<16xi1>
        %broadcast_in_dim3A_421 = arith.constant 2 : i32
        %broadcast_in_dim3A_422 = vector.broadcast %broadcast_in_dim3A_421 : i32 to vector<16xi32>
        tpu.vector_store_idx %arg8[%broadcast_in_dim3A_422, %shift_right_logical3A_407], %gather3A_420 masked %lt3A_400 : memref<8x8192xf32, #tpu.memory_space<vmem>>[vector<16xi32>, vector<16xi32>], vector<16xf32>, vector<16xi1>
        %broadcast_in_dim3A_423 = arith.constant 3 : i32
        %broadcast_in_dim3A_424 = vector.broadcast %broadcast_in_dim3A_423 : i32 to vector<16xi32>
        %gather3A_425 = tpu.vector_load_idx %arg7[%broadcast_in_dim3A_424, %sub3A_405] masked %lt3A_400 : memref<8x2560xf32, #tpu.memory_space<vmem>>[vector<16xi32>, vector<16xi32>], vector<16xf32>, vector<16xi1>
        %broadcast_in_dim3A_426 = arith.constant 3 : i32
        %broadcast_in_dim3A_427 = vector.broadcast %broadcast_in_dim3A_426 : i32 to vector<16xi32>
        tpu.vector_store_idx %arg8[%broadcast_in_dim3A_427, %shift_right_logical3A_407], %gather3A_425 masked %lt3A_400 : memref<8x8192xf32, #tpu.memory_space<vmem>>[vector<16xi32>, vector<16xi32>], vector<16xf32>, vector<16xi1>
        %broadcast_in_dim3A_428 = arith.constant 4 : i32
        %broadcast_in_dim3A_429 = vector.broadcast %broadcast_in_dim3A_428 : i32 to vector<16xi32>
        %gather3A_430 = tpu.vector_load_idx %arg7[%broadcast_in_dim3A_429, %sub3A_405] masked %lt3A_400 : memref<8x2560xf32, #tpu.memory_space<vmem>>[vector<16xi32>, vector<16xi32>], vector<16xf32>, vector<16xi1>
        %broadcast_in_dim3A_431 = arith.constant 4 : i32
        %broadcast_in_dim3A_432 = vector.broadcast %broadcast_in_dim3A_431 : i32 to vector<16xi32>
        tpu.vector_store_idx %arg8[%broadcast_in_dim3A_432, %shift_right_logical3A_407], %gather3A_430 masked %lt3A_400 : memref<8x8192xf32, #tpu.memory_space<vmem>>[vector<16xi32>, vector<16xi32>], vector<16xf32>, vector<16xi1>
        %broadcast_in_dim3A_433 = arith.constant 5 : i32
        %broadcast_in_dim3A_434 = vector.broadcast %broadcast_in_dim3A_433 : i32 to vector<16xi32>
        %gather3A_435 = tpu.vector_load_idx %arg7[%broadcast_in_dim3A_434, %sub3A_405] masked %lt3A_400 : memref<8x2560xf32, #tpu.memory_space<vmem>>[vector<16xi32>, vector<16xi32>], vector<16xf32>, vector<16xi1>
        %broadcast_in_dim3A_436 = arith.constant 5 : i32
        %broadcast_in_dim3A_437 = vector.broadcast %broadcast_in_dim3A_436 : i32 to vector<16xi32>
        tpu.vector_store_idx %arg8[%broadcast_in_dim3A_437, %shift_right_logical3A_407], %gather3A_435 masked %lt3A_400 : memref<8x8192xf32, #tpu.memory_space<vmem>>[vector<16xi32>, vector<16xi32>], vector<16xf32>, vector<16xi1>
        %broadcast_in_dim3A_438 = arith.constant 6 : i32
        %broadcast_in_dim3A_439 = vector.broadcast %broadcast_in_dim3A_438 : i32 to vector<16xi32>
        %gather3A_440 = tpu.vector_load_idx %arg7[%broadcast_in_dim3A_439, %sub3A_405] masked %lt3A_400 : memref<8x2560xf32, #tpu.memory_space<vmem>>[vector<16xi32>, vector<16xi32>], vector<16xf32>, vector<16xi1>
        %broadcast_in_dim3A_441 = arith.constant 6 : i32
        %broadcast_in_dim3A_442 = vector.broadcast %broadcast_in_dim3A_441 : i32 to vector<16xi32>
        tpu.vector_store_idx %arg8[%broadcast_in_dim3A_442, %shift_right_logical3A_407], %gather3A_440 masked %lt3A_400 : memref<8x8192xf32, #tpu.memory_space<vmem>>[vector<16xi32>, vector<16xi32>], vector<16xf32>, vector<16xi1>
        %broadcast_in_dim3A_443 = arith.constant 7 : i32
        %broadcast_in_dim3A_444 = vector.broadcast %broadcast_in_dim3A_443 : i32 to vector<16xi32>
        %gather3A_445 = tpu.vector_load_idx %arg7[%broadcast_in_dim3A_444, %sub3A_405] masked %lt3A_400 : memref<8x2560xf32, #tpu.memory_space<vmem>>[vector<16xi32>, vector<16xi32>], vector<16xf32>, vector<16xi1>
        %broadcast_in_dim3A_446 = arith.constant 7 : i32
        %broadcast_in_dim3A_447 = vector.broadcast %broadcast_in_dim3A_446 : i32 to vector<16xi32>
        tpu.vector_store_idx %arg8[%broadcast_in_dim3A_447, %shift_right_logical3A_407], %gather3A_445 masked %lt3A_400 : memref<8x8192xf32, #tpu.memory_space<vmem>>[vector<16xi32>, vector<16xi32>], vector<16xf32>, vector<16xi1>
      }
      %while3A_391 = arith.constant 1 : i32
      scf.for %while3A_392 = %while3A_389 to %while3A_385 step %while3A_391  : i32 {
        %mul3A_393 = arith.constant 16 : i32
        %mul3A_394 = arith.muli %while3A_392, %mul3A_393 : i32
        %add3A_395 = arith.addi %reduce_max3A_340, %mul3A_394 : i32
        %get3A = arith.index_cast %add3A_395 : i32 to index
        %get3A_396 = tpu.vector_load %arg9[%get3A] {strides = array<i32>} : memref<12288xi32, #tpu.memory_space<vmem>>, vector<16xi32>,
        %add3A_397 = vector.broadcast %add3A_395 : i32 to vector<16xi32>
        %add3A_398 = arith.addi %add3A_397, %iota3A : vector<16xi32>
        %lt3A_399 = vector.broadcast %reduce_max3A_350 : i32 to vector<16xi32>
        %lt3A_400 = arith.cmpi slt, %add3A_398, %lt3A_399 : vector<16xi32>
        %and3A_401 = arith.constant 131071 : i32
        %and3A_402 = vector.broadcast %and3A_401 : i32 to vector<16xi32>
        %and3A_403 = arith.andi %get3A_396, %and3A_402 : vector<16xi32>
        %sub3A_404 = vector.broadcast %mul3A_352 : i32 to vector<16xi32>
        %sub3A_405 = arith.subi %and3A_403, %sub3A_404 : vector<16xi32>
        %shift_right_logical3A = arith.constant 17 : i32
        %shift_right_logical3A_406 = vector.broadcast %shift_right_logical3A : i32 to vector<16xi32>
        %shift_right_logical3A_407 = arith.shrui %get3A_396, %shift_right_logical3A_406 : vector<16xi32>
        %broadcast_in_dim3A_408 = arith.constant 0 : i32
        %broadcast_in_dim3A_409 = vector.broadcast %broadcast_in_dim3A_408 : i32 to vector<16xi32>
        %gather3A_410 = tpu.vector_load_idx %arg7[%broadcast_in_dim3A_409, %sub3A_405] masked %lt3A_400 : memref<8x2560xf32, #tpu.memory_space<vmem>>[vector<16xi32>, vector<16xi32>], vector<16xf32>, vector<16xi1>
        %broadcast_in_dim3A_411 = arith.constant 0 : i32
        %broadcast_in_dim3A_412 = vector.broadcast %broadcast_in_dim3A_411 : i32 to vector<16xi32>
        tpu.vector_store_idx %arg8[%broadcast_in_dim3A_412, %shift_right_logical3A_407], %gather3A_410 masked %lt3A_400 : memref<8x8192xf32, #tpu.memory_space<vmem>>[vector<16xi32>, vector<16xi32>], vector<16xf32>, vector<16xi1>
        %broadcast_in_dim3A_413 = arith.constant 1 : i32
        %broadcast_in_dim3A_414 = vector.broadcast %broadcast_in_dim3A_413 : i32 to vector<16xi32>
        %gather3A_415 = tpu.vector_load_idx %arg7[%broadcast_in_dim3A_414, %sub3A_405] masked %lt3A_400 : memref<8x2560xf32, #tpu.memory_space<vmem>>[vector<16xi32>, vector<16xi32>], vector<16xf32>, vector<16xi1>
        %broadcast_in_dim3A_416 = arith.constant 1 : i32
        %broadcast_in_dim3A_417 = vector.broadcast %broadcast_in_dim3A_416 : i32 to vector<16xi32>
        tpu.vector_store_idx %arg8[%broadcast_in_dim3A_417, %shift_right_logical3A_407], %gather3A_415 masked %lt3A_400 : memref<8x8192xf32, #tpu.memory_space<vmem>>[vector<16xi32>, vector<16xi32>], vector<16xf32>, vector<16xi1>
        %broadcast_in_dim3A_418 = arith.constant 2 : i32
        %broadcast_in_dim3A_419 = vector.broadcast %broadcast_in_dim3A_418 : i32 to vector<16xi32>
        %gather3A_420 = tpu.vector_load_idx %arg7[%broadcast_in_dim3A_419, %sub3A_405] masked %lt3A_400 : memref<8x2560xf32, #tpu.memory_space<vmem>>[vector<16xi32>, vector<16xi32>], vector<16xf32>, vector<16xi1>
        %broadcast_in_dim3A_421 = arith.constant 2 : i32
        %broadcast_in_dim3A_422 = vector.broadcast %broadcast_in_dim3A_421 : i32 to vector<16xi32>
        tpu.vector_store_idx %arg8[%broadcast_in_dim3A_422, %shift_right_logical3A_407], %gather3A_420 masked %lt3A_400 : memref<8x8192xf32, #tpu.memory_space<vmem>>[vector<16xi32>, vector<16xi32>], vector<16xf32>, vector<16xi1>
        %broadcast_in_dim3A_423 = arith.constant 3 : i32
        %broadcast_in_dim3A_424 = vector.broadcast %broadcast_in_dim3A_423 : i32 to vector<16xi32>
        %gather3A_425 = tpu.vector_load_idx %arg7[%broadcast_in_dim3A_424, %sub3A_405] masked %lt3A_400 : memref<8x2560xf32, #tpu.memory_space<vmem>>[vector<16xi32>, vector<16xi32>], vector<16xf32>, vector<16xi1>
        %broadcast_in_dim3A_426 = arith.constant 3 : i32
        %broadcast_in_dim3A_427 = vector.broadcast %broadcast_in_dim3A_426 : i32 to vector<16xi32>
        tpu.vector_store_idx %arg8[%broadcast_in_dim3A_427, %shift_right_logical3A_407], %gather3A_425 masked %lt3A_400 : memref<8x8192xf32, #tpu.memory_space<vmem>>[vector<16xi32>, vector<16xi32>], vector<16xf32>, vector<16xi1>
        %broadcast_in_dim3A_428 = arith.constant 4 : i32
        %broadcast_in_dim3A_429 = vector.broadcast %broadcast_in_dim3A_428 : i32 to vector<16xi32>
        %gather3A_430 = tpu.vector_load_idx %arg7[%broadcast_in_dim3A_429, %sub3A_405] masked %lt3A_400 : memref<8x2560xf32, #tpu.memory_space<vmem>>[vector<16xi32>, vector<16xi32>], vector<16xf32>, vector<16xi1>
        %broadcast_in_dim3A_431 = arith.constant 4 : i32
        %broadcast_in_dim3A_432 = vector.broadcast %broadcast_in_dim3A_431 : i32 to vector<16xi32>
        tpu.vector_store_idx %arg8[%broadcast_in_dim3A_432, %shift_right_logical3A_407], %gather3A_430 masked %lt3A_400 : memref<8x8192xf32, #tpu.memory_space<vmem>>[vector<16xi32>, vector<16xi32>], vector<16xf32>, vector<16xi1>
        %broadcast_in_dim3A_433 = arith.constant 5 : i32
        %broadcast_in_dim3A_434 = vector.broadcast %broadcast_in_dim3A_433 : i32 to vector<16xi32>
        %gather3A_435 = tpu.vector_load_idx %arg7[%broadcast_in_dim3A_434, %sub3A_405] masked %lt3A_400 : memref<8x2560xf32, #tpu.memory_space<vmem>>[vector<16xi32>, vector<16xi32>], vector<16xf32>, vector<16xi1>
        %broadcast_in_dim3A_436 = arith.constant 5 : i32
        %broadcast_in_dim3A_437 = vector.broadcast %broadcast_in_dim3A_436 : i32 to vector<16xi32>
        tpu.vector_store_idx %arg8[%broadcast_in_dim3A_437, %shift_right_logical3A_407], %gather3A_435 masked %lt3A_400 : memref<8x8192xf32, #tpu.memory_space<vmem>>[vector<16xi32>, vector<16xi32>], vector<16xf32>, vector<16xi1>
        %broadcast_in_dim3A_438 = arith.constant 6 : i32
        %broadcast_in_dim3A_439 = vector.broadcast %broadcast_in_dim3A_438 : i32 to vector<16xi32>
        %gather3A_440 = tpu.vector_load_idx %arg7[%broadcast_in_dim3A_439, %sub3A_405] masked %lt3A_400 : memref<8x2560xf32, #tpu.memory_space<vmem>>[vector<16xi32>, vector<16xi32>], vector<16xf32>, vector<16xi1>
        %broadcast_in_dim3A_441 = arith.constant 6 : i32
        %broadcast_in_dim3A_442 = vector.broadcast %broadcast_in_dim3A_441 : i32 to vector<16xi32>
        tpu.vector_store_idx %arg8[%broadcast_in_dim3A_442, %shift_right_logical3A_407], %gather3A_440 masked %lt3A_400 : memref<8x8192xf32, #tpu.memory_space<vmem>>[vector<16xi32>, vector<16xi32>], vector<16xf32>, vector<16xi1>
        %broadcast_in_dim3A_443 = arith.constant 7 : i32
        %broadcast_in_dim3A_444 = vector.broadcast %broadcast_in_dim3A_443 : i32 to vector<16xi32>
        %gather3A_445 = tpu.vector_load_idx %arg7[%broadcast_in_dim3A_444, %sub3A_405] masked %lt3A_400 : memref<8x2560xf32, #tpu.memory_space<vmem>>[vector<16xi32>, vector<16xi32>], vector<16xf32>, vector<16xi1>
        %broadcast_in_dim3A_446 = arith.constant 7 : i32
        %broadcast_in_dim3A_447 = vector.broadcast %broadcast_in_dim3A_446 : i32 to vector<16xi32>
        tpu.vector_store_idx %arg8[%broadcast_in_dim3A_447, %shift_right_logical3A_407], %gather3A_445 masked %lt3A_400 : memref<8x8192xf32, #tpu.memory_space<vmem>>[vector<16xi32>, vector<16xi32>], vector<16xf32>, vector<16xi1>
      }
    }
    %scan3A_176 = arith.constant 20 : i32
    %dma_wait3A_177 = tpu.memref_slice %arg3[%multiple_of3A_166, %multiple_of3A] : memref<16x2600000xf32, #tpu.memory_space<hbm>> -> memref<8x2560xf32, #tpu.memory_space<hbm>>
    %dma_wait3A_178 = tpu.memref_slice %arg3[%multiple_of3A_166, %multiple_of3A] : memref<16x2600000xf32, #tpu.memory_space<hbm>> -> memref<8x2560xf32, #tpu.memory_space<hbm>>
    tpu.wait_dma2 semaphore(%arg13 : memref<!tpu.dma_semaphore, #tpu.memory_space<semaphore_mem>>) src(%dma_wait3A_178 : memref<8x2560xf32, #tpu.memory_space<hbm>>) dst(%arg6 : memref<8x2560xf32, #tpu.memory_space<vmem>>)
    %broadcast_in_dim3A_179 = arith.constant 40 : i32
    %broadcast_in_dim3A_180 = vector.broadcast %broadcast_in_dim3A_179 : i32 to vector<16xi32>
    %gather3A_181 = tpu.vector_load_idx %arg11[%broadcast_in_dim3A_180] : memref<64xi32, #tpu.memory_space<vmem>>[vector<16xi32>], vector<16xi32>,
    %reduce_max3A_182 = arith.constant true
    %reduce_max3A_183 = vector.broadcast %reduce_max3A_182 : i1 to vector<16xi1>
    %reduce_max3A_184 = arith.constant -2147483648 : i32
    %reduce_max3A_185 = vector.broadcast %reduce_max3A_184 : i32 to vector<16xi32>
    %reduce_max3A_186 = arith.xori %gather3A_181, %reduce_max3A_185 : vector<16xi32>
    %reduce_max3A_187 = tpu.scan <max>, %reduce_max3A_186 masked %reduce_max3A_183 : vector<16xi32>, vector<16xi1> -> vector<16xi32>
    %reduce_max3A_188 = arith.xori %reduce_max3A_187, %reduce_max3A_185 : vector<16xi32>
    %reduce_max3A_189 = vector.extract %reduce_max3A_188[15] : i32 from vector<16xi32>
    %broadcast_in_dim3A_190 = arith.constant 40 : i32
    %broadcast_in_dim3A_191 = vector.broadcast %broadcast_in_dim3A_190 : i32 to vector<16xi32>
    %gather3A_192 = tpu.vector_load_idx %arg12[%broadcast_in_dim3A_191] : memref<64xi32, #tpu.memory_space<vmem>>[vector<16xi32>], vector<16xi32>,
    %reduce_max3A_193 = arith.constant true
    %reduce_max3A_194 = vector.broadcast %reduce_max3A_193 : i1 to vector<16xi1>
    %reduce_max3A_195 = arith.constant -2147483648 : i32
    %reduce_max3A_196 = vector.broadcast %reduce_max3A_195 : i32 to vector<16xi32>
    %reduce_max3A_197 = arith.xori %gather3A_192, %reduce_max3A_196 : vector<16xi32>
    %reduce_max3A_198 = tpu.scan <max>, %reduce_max3A_197 masked %reduce_max3A_194 : vector<16xi32>, vector<16xi1> -> vector<16xi32>
    %reduce_max3A_199 = arith.xori %reduce_max3A_198, %reduce_max3A_196 : vector<16xi32>
    %reduce_max3A_200 = vector.extract %reduce_max3A_199[15] : i32 from vector<16xi32>
    %sub3A_201 = arith.subi %reduce_max3A_200, %reduce_max3A_189 : i32
    %add3A_202 = arith.constant 16 : i32
    %add3A_203 = arith.addi %sub3A_201, %add3A_202 : i32
    %sub3A_204 = arith.constant 1 : i32
    %sub3A_205 = arith.subi %add3A_203, %sub3A_204 : i32
    %jit3A_206 = arith.constant 16 : i32
    %div3A_207 = arith.divsi %sub3A_205, %jit3A_206 : i32
    %sign3A_208 = arith.constant 0 : i32
    %sign3A_209 = arith.cmpi sgt, %sub3A_205, %sign3A_208 : i32
    %sign3A_210 = arith.extui %sign3A_209 : i1 to i32
    %sign3A_211 = arith.constant 0 : i32
    %sign3A_212 = arith.cmpi slt, %sub3A_205, %sign3A_211 : i32
    %sign3A_213 = arith.extui %sign3A_212 : i1 to i32
    %sign3A_214 = arith.subi %sign3A_210, %sign3A_213 : i32
    %sign3A_215 = arith.constant 0 : i32
    %sign3A_216 = arith.cmpi sgt, %jit3A_206, %sign3A_215 : i32
    %sign3A_217 = arith.extui %sign3A_216 : i1 to i32
    %sign3A_218 = arith.constant 0 : i32
    %sign3A_219 = arith.cmpi slt, %jit3A_206, %sign3A_218 : i32
    %sign3A_220 = arith.extui %sign3A_219 : i1 to i32
    %sign3A_221 = arith.subi %sign3A_217, %sign3A_220 : i32
    %ne3A_222 = arith.cmpi ne, %sign3A_214, %sign3A_221 : i32
    %rem3A_223 = arith.remsi %sub3A_205, %jit3A_206 : i32
    %ne3A_224 = arith.constant 0 : i32
    %ne3A_225 = arith.cmpi ne, %rem3A_223, %ne3A_224 : i32
    %and3A_226 = arith.andi %ne3A_222, %ne3A_225 : i1
    %sub3A_227 = arith.constant 1 : i32
    %sub3A_228 = arith.subi %div3A_207, %sub3A_227 : i32
    %select_n3A_229 = arith.select %and3A_226, %sub3A_228, %div3A_207 : i32
    %while3A_230 = arith.constant 0 : i32
    %while3A_231 = arith.constant 0 : i32
    %while3A_232 = arith.subi %select_n3A_229, %while3A_231 : i32
    %while3A_233 = arith.addi %while3A_231, %while3A_232 : i32
    %while3A_234 = arith.constant 1 : i32
    %while3A_235 = arith.divsi %while3A_232, %while3A_234 : i32
    %while3A_236 = arith.muli %while3A_235, %while3A_234 : i32
    %while3A_237 = arith.addi %while3A_231, %while3A_236 : i32
    %while3A_238 = arith.constant 1 : i32
    scf.for %while3A_247 = %while3A_231 to %while3A_237 step %while3A_238  : i32 {
      %mul3A_248 = arith.constant 16 : i32
      %mul3A_249 = arith.muli %while3A_247, %mul3A_248 : i32
      %add3A_250 = arith.addi %reduce_max3A_189, %mul3A_249 : i32
      %get3A = arith.index_cast %add3A_250 : i32 to index
      %get3A_251 = tpu.vector_load %arg9[%get3A] {strides = array<i32>} : memref<12288xi32, #tpu.memory_space<vmem>>, vector<16xi32>,
      %add3A_252 = vector.broadcast %add3A_250 : i32 to vector<16xi32>
      %add3A_253 = arith.addi %add3A_252, %iota3A : vector<16xi32>
      %lt3A_254 = vector.broadcast %reduce_max3A_200 : i32 to vector<16xi32>
      %lt3A_255 = arith.cmpi slt, %add3A_253, %lt3A_254 : vector<16xi32>
      %and3A_256 = arith.constant 131071 : i32
      %and3A_257 = vector.broadcast %and3A_256 : i32 to vector<16xi32>
      %and3A_258 = arith.andi %get3A_251, %and3A_257 : vector<16xi32>
      %sub3A_259 = arith.constant 102400 : i32
      %sub3A_260 = vector.broadcast %sub3A_259 : i32 to vector<16xi32>
      %sub3A_261 = arith.subi %and3A_258, %sub3A_260 : vector<16xi32>
      %shift_right_logical3A = arith.constant 17 : i32
      %shift_right_logical3A_262 = vector.broadcast %shift_right_logical3A : i32 to vector<16xi32>
      %shift_right_logical3A_263 = arith.shrui %get3A_251, %shift_right_logical3A_262 : vector<16xi32>
      %broadcast_in_dim3A_264 = arith.constant 0 : i32
      %broadcast_in_dim3A_265 = vector.broadcast %broadcast_in_dim3A_264 : i32 to vector<16xi32>
      %gather3A_266 = tpu.vector_load_idx %arg6[%broadcast_in_dim3A_265, %sub3A_261] masked %lt3A_255 : memref<8x2560xf32, #tpu.memory_space<vmem>>[vector<16xi32>, vector<16xi32>], vector<16xf32>, vector<16xi1>
      %broadcast_in_dim3A_267 = arith.constant 0 : i32
      %broadcast_in_dim3A_268 = vector.broadcast %broadcast_in_dim3A_267 : i32 to vector<16xi32>
      tpu.vector_store_idx %arg8[%broadcast_in_dim3A_268, %shift_right_logical3A_263], %gather3A_266 masked %lt3A_255 : memref<8x8192xf32, #tpu.memory_space<vmem>>[vector<16xi32>, vector<16xi32>], vector<16xf32>, vector<16xi1>
      %broadcast_in_dim3A_269 = arith.constant 1 : i32
      %broadcast_in_dim3A_270 = vector.broadcast %broadcast_in_dim3A_269 : i32 to vector<16xi32>
      %gather3A_271 = tpu.vector_load_idx %arg6[%broadcast_in_dim3A_270, %sub3A_261] masked %lt3A_255 : memref<8x2560xf32, #tpu.memory_space<vmem>>[vector<16xi32>, vector<16xi32>], vector<16xf32>, vector<16xi1>
      %broadcast_in_dim3A_272 = arith.constant 1 : i32
      %broadcast_in_dim3A_273 = vector.broadcast %broadcast_in_dim3A_272 : i32 to vector<16xi32>
      tpu.vector_store_idx %arg8[%broadcast_in_dim3A_273, %shift_right_logical3A_263], %gather3A_271 masked %lt3A_255 : memref<8x8192xf32, #tpu.memory_space<vmem>>[vector<16xi32>, vector<16xi32>], vector<16xf32>, vector<16xi1>
      %broadcast_in_dim3A_274 = arith.constant 2 : i32
      %broadcast_in_dim3A_275 = vector.broadcast %broadcast_in_dim3A_274 : i32 to vector<16xi32>
      %gather3A_276 = tpu.vector_load_idx %arg6[%broadcast_in_dim3A_275, %sub3A_261] masked %lt3A_255 : memref<8x2560xf32, #tpu.memory_space<vmem>>[vector<16xi32>, vector<16xi32>], vector<16xf32>, vector<16xi1>
      %broadcast_in_dim3A_277 = arith.constant 2 : i32
      %broadcast_in_dim3A_278 = vector.broadcast %broadcast_in_dim3A_277 : i32 to vector<16xi32>
      tpu.vector_store_idx %arg8[%broadcast_in_dim3A_278, %shift_right_logical3A_263], %gather3A_276 masked %lt3A_255 : memref<8x8192xf32, #tpu.memory_space<vmem>>[vector<16xi32>, vector<16xi32>], vector<16xf32>, vector<16xi1>
      %broadcast_in_dim3A_279 = arith.constant 3 : i32
      %broadcast_in_dim3A_280 = vector.broadcast %broadcast_in_dim3A_279 : i32 to vector<16xi32>
      %gather3A_281 = tpu.vector_load_idx %arg6[%broadcast_in_dim3A_280, %sub3A_261] masked %lt3A_255 : memref<8x2560xf32, #tpu.memory_space<vmem>>[vector<16xi32>, vector<16xi32>], vector<16xf32>, vector<16xi1>
      %broadcast_in_dim3A_282 = arith.constant 3 : i32
      %broadcast_in_dim3A_283 = vector.broadcast %broadcast_in_dim3A_282 : i32 to vector<16xi32>
      tpu.vector_store_idx %arg8[%broadcast_in_dim3A_283, %shift_right_logical3A_263], %gather3A_281 masked %lt3A_255 : memref<8x8192xf32, #tpu.memory_space<vmem>>[vector<16xi32>, vector<16xi32>], vector<16xf32>, vector<16xi1>
      %broadcast_in_dim3A_284 = arith.constant 4 : i32
      %broadcast_in_dim3A_285 = vector.broadcast %broadcast_in_dim3A_284 : i32 to vector<16xi32>
      %gather3A_286 = tpu.vector_load_idx %arg6[%broadcast_in_dim3A_285, %sub3A_261] masked %lt3A_255 : memref<8x2560xf32, #tpu.memory_space<vmem>>[vector<16xi32>, vector<16xi32>], vector<16xf32>, vector<16xi1>
      %broadcast_in_dim3A_287 = arith.constant 4 : i32
      %broadcast_in_dim3A_288 = vector.broadcast %broadcast_in_dim3A_287 : i32 to vector<16xi32>
      tpu.vector_store_idx %arg8[%broadcast_in_dim3A_288, %shift_right_logical3A_263], %gather3A_286 masked %lt3A_255 : memref<8x8192xf32, #tpu.memory_space<vmem>>[vector<16xi32>, vector<16xi32>], vector<16xf32>, vector<16xi1>
      %broadcast_in_dim3A_289 = arith.constant 5 : i32
      %broadcast_in_dim3A_290 = vector.broadcast %broadcast_in_dim3A_289 : i32 to vector<16xi32>
      %gather3A_291 = tpu.vector_load_idx %arg6[%broadcast_in_dim3A_290, %sub3A_261] masked %lt3A_255 : memref<8x2560xf32, #tpu.memory_space<vmem>>[vector<16xi32>, vector<16xi32>], vector<16xf32>, vector<16xi1>
      %broadcast_in_dim3A_292 = arith.constant 5 : i32
      %broadcast_in_dim3A_293 = vector.broadcast %broadcast_in_dim3A_292 : i32 to vector<16xi32>
      tpu.vector_store_idx %arg8[%broadcast_in_dim3A_293, %shift_right_logical3A_263], %gather3A_291 masked %lt3A_255 : memref<8x8192xf32, #tpu.memory_space<vmem>>[vector<16xi32>, vector<16xi32>], vector<16xf32>, vector<16xi1>
      %broadcast_in_dim3A_294 = arith.constant 6 : i32
      %broadcast_in_dim3A_295 = vector.broadcast %broadcast_in_dim3A_294 : i32 to vector<16xi32>
      %gather3A_296 = tpu.vector_load_idx %arg6[%broadcast_in_dim3A_295, %sub3A_261] masked %lt3A_255 : memref<8x2560xf32, #tpu.memory_space<vmem>>[vector<16xi32>, vector<16xi32>], vector<16xf32>, vector<16xi1>
      %broadcast_in_dim3A_297 = arith.constant 6 : i32
      %broadcast_in_dim3A_298 = vector.broadcast %broadcast_in_dim3A_297 : i32 to vector<16xi32>
      tpu.vector_store_idx %arg8[%broadcast_in_dim3A_298, %shift_right_logical3A_263], %gather3A_296 masked %lt3A_255 : memref<8x8192xf32, #tpu.memory_space<vmem>>[vector<16xi32>, vector<16xi32>], vector<16xf32>, vector<16xi1>
      %broadcast_in_dim3A_299 = arith.constant 7 : i32
      %broadcast_in_dim3A_300 = vector.broadcast %broadcast_in_dim3A_299 : i32 to vector<16xi32>
      %gather3A_301 = tpu.vector_load_idx %arg6[%broadcast_in_dim3A_300, %sub3A_261] masked %lt3A_255 : memref<8x2560xf32, #tpu.memory_space<vmem>>[vector<16xi32>, vector<16xi32>], vector<16xf32>, vector<16xi1>
      %broadcast_in_dim3A_302 = arith.constant 7 : i32
      %broadcast_in_dim3A_303 = vector.broadcast %broadcast_in_dim3A_302 : i32 to vector<16xi32>
      tpu.vector_store_idx %arg8[%broadcast_in_dim3A_303, %shift_right_logical3A_263], %gather3A_301 masked %lt3A_255 : memref<8x8192xf32, #tpu.memory_space<vmem>>[vector<16xi32>, vector<16xi32>], vector<16xf32>, vector<16xi1>
    }
    %while3A_239 = arith.constant 1 : i32
    scf.for %while3A_247 = %while3A_237 to %while3A_233 step %while3A_239  : i32 {
      %mul3A_248 = arith.constant 16 : i32
      %mul3A_249 = arith.muli %while3A_247, %mul3A_248 : i32
      %add3A_250 = arith.addi %reduce_max3A_189, %mul3A_249 : i32
      %get3A = arith.index_cast %add3A_250 : i32 to index
      %get3A_251 = tpu.vector_load %arg9[%get3A] {strides = array<i32>} : memref<12288xi32, #tpu.memory_space<vmem>>, vector<16xi32>,
      %add3A_252 = vector.broadcast %add3A_250 : i32 to vector<16xi32>
      %add3A_253 = arith.addi %add3A_252, %iota3A : vector<16xi32>
      %lt3A_254 = vector.broadcast %reduce_max3A_200 : i32 to vector<16xi32>
      %lt3A_255 = arith.cmpi slt, %add3A_253, %lt3A_254 : vector<16xi32>
      %and3A_256 = arith.constant 131071 : i32
      %and3A_257 = vector.broadcast %and3A_256 : i32 to vector<16xi32>
      %and3A_258 = arith.andi %get3A_251, %and3A_257 : vector<16xi32>
      %sub3A_259 = arith.constant 102400 : i32
      %sub3A_260 = vector.broadcast %sub3A_259 : i32 to vector<16xi32>
      %sub3A_261 = arith.subi %and3A_258, %sub3A_260 : vector<16xi32>
      %shift_right_logical3A = arith.constant 17 : i32
      %shift_right_logical3A_262 = vector.broadcast %shift_right_logical3A : i32 to vector<16xi32>
      %shift_right_logical3A_263 = arith.shrui %get3A_251, %shift_right_logical3A_262 : vector<16xi32>
      %broadcast_in_dim3A_264 = arith.constant 0 : i32
      %broadcast_in_dim3A_265 = vector.broadcast %broadcast_in_dim3A_264 : i32 to vector<16xi32>
      %gather3A_266 = tpu.vector_load_idx %arg6[%broadcast_in_dim3A_265, %sub3A_261] masked %lt3A_255 : memref<8x2560xf32, #tpu.memory_space<vmem>>[vector<16xi32>, vector<16xi32>], vector<16xf32>, vector<16xi1>
      %broadcast_in_dim3A_267 = arith.constant 0 : i32
      %broadcast_in_dim3A_268 = vector.broadcast %broadcast_in_dim3A_267 : i32 to vector<16xi32>
      tpu.vector_store_idx %arg8[%broadcast_in_dim3A_268, %shift_right_logical3A_263], %gather3A_266 masked %lt3A_255 : memref<8x8192xf32, #tpu.memory_space<vmem>>[vector<16xi32>, vector<16xi32>], vector<16xf32>, vector<16xi1>
      %broadcast_in_dim3A_269 = arith.constant 1 : i32
      %broadcast_in_dim3A_270 = vector.broadcast %broadcast_in_dim3A_269 : i32 to vector<16xi32>
      %gather3A_271 = tpu.vector_load_idx %arg6[%broadcast_in_dim3A_270, %sub3A_261] masked %lt3A_255 : memref<8x2560xf32, #tpu.memory_space<vmem>>[vector<16xi32>, vector<16xi32>], vector<16xf32>, vector<16xi1>
      %broadcast_in_dim3A_272 = arith.constant 1 : i32
      %broadcast_in_dim3A_273 = vector.broadcast %broadcast_in_dim3A_272 : i32 to vector<16xi32>
      tpu.vector_store_idx %arg8[%broadcast_in_dim3A_273, %shift_right_logical3A_263], %gather3A_271 masked %lt3A_255 : memref<8x8192xf32, #tpu.memory_space<vmem>>[vector<16xi32>, vector<16xi32>], vector<16xf32>, vector<16xi1>
      %broadcast_in_dim3A_274 = arith.constant 2 : i32
      %broadcast_in_dim3A_275 = vector.broadcast %broadcast_in_dim3A_274 : i32 to vector<16xi32>
      %gather3A_276 = tpu.vector_load_idx %arg6[%broadcast_in_dim3A_275, %sub3A_261] masked %lt3A_255 : memref<8x2560xf32, #tpu.memory_space<vmem>>[vector<16xi32>, vector<16xi32>], vector<16xf32>, vector<16xi1>
      %broadcast_in_dim3A_277 = arith.constant 2 : i32
      %broadcast_in_dim3A_278 = vector.broadcast %broadcast_in_dim3A_277 : i32 to vector<16xi32>
      tpu.vector_store_idx %arg8[%broadcast_in_dim3A_278, %shift_right_logical3A_263], %gather3A_276 masked %lt3A_255 : memref<8x8192xf32, #tpu.memory_space<vmem>>[vector<16xi32>, vector<16xi32>], vector<16xf32>, vector<16xi1>
      %broadcast_in_dim3A_279 = arith.constant 3 : i32
      %broadcast_in_dim3A_280 = vector.broadcast %broadcast_in_dim3A_279 : i32 to vector<16xi32>
      %gather3A_281 = tpu.vector_load_idx %arg6[%broadcast_in_dim3A_280, %sub3A_261] masked %lt3A_255 : memref<8x2560xf32, #tpu.memory_space<vmem>>[vector<16xi32>, vector<16xi32>], vector<16xf32>, vector<16xi1>
      %broadcast_in_dim3A_282 = arith.constant 3 : i32
      %broadcast_in_dim3A_283 = vector.broadcast %broadcast_in_dim3A_282 : i32 to vector<16xi32>
      tpu.vector_store_idx %arg8[%broadcast_in_dim3A_283, %shift_right_logical3A_263], %gather3A_281 masked %lt3A_255 : memref<8x8192xf32, #tpu.memory_space<vmem>>[vector<16xi32>, vector<16xi32>], vector<16xf32>, vector<16xi1>
      %broadcast_in_dim3A_284 = arith.constant 4 : i32
      %broadcast_in_dim3A_285 = vector.broadcast %broadcast_in_dim3A_284 : i32 to vector<16xi32>
      %gather3A_286 = tpu.vector_load_idx %arg6[%broadcast_in_dim3A_285, %sub3A_261] masked %lt3A_255 : memref<8x2560xf32, #tpu.memory_space<vmem>>[vector<16xi32>, vector<16xi32>], vector<16xf32>, vector<16xi1>
      %broadcast_in_dim3A_287 = arith.constant 4 : i32
      %broadcast_in_dim3A_288 = vector.broadcast %broadcast_in_dim3A_287 : i32 to vector<16xi32>
      tpu.vector_store_idx %arg8[%broadcast_in_dim3A_288, %shift_right_logical3A_263], %gather3A_286 masked %lt3A_255 : memref<8x8192xf32, #tpu.memory_space<vmem>>[vector<16xi32>, vector<16xi32>], vector<16xf32>, vector<16xi1>
      %broadcast_in_dim3A_289 = arith.constant 5 : i32
      %broadcast_in_dim3A_290 = vector.broadcast %broadcast_in_dim3A_289 : i32 to vector<16xi32>
      %gather3A_291 = tpu.vector_load_idx %arg6[%broadcast_in_dim3A_290, %sub3A_261] masked %lt3A_255 : memref<8x2560xf32, #tpu.memory_space<vmem>>[vector<16xi32>, vector<16xi32>], vector<16xf32>, vector<16xi1>
      %broadcast_in_dim3A_292 = arith.constant 5 : i32
      %broadcast_in_dim3A_293 = vector.broadcast %broadcast_in_dim3A_292 : i32 to vector<16xi32>
      tpu.vector_store_idx %arg8[%broadcast_in_dim3A_293, %shift_right_logical3A_263], %gather3A_291 masked %lt3A_255 : memref<8x8192xf32, #tpu.memory_space<vmem>>[vector<16xi32>, vector<16xi32>], vector<16xf32>, vector<16xi1>
      %broadcast_in_dim3A_294 = arith.constant 6 : i32
      %broadcast_in_dim3A_295 = vector.broadcast %broadcast_in_dim3A_294 : i32 to vector<16xi32>
      %gather3A_296 = tpu.vector_load_idx %arg6[%broadcast_in_dim3A_295, %sub3A_261] masked %lt3A_255 : memref<8x2560xf32, #tpu.memory_space<vmem>>[vector<16xi32>, vector<16xi32>], vector<16xf32>, vector<16xi1>
      %broadcast_in_dim3A_297 = arith.constant 6 : i32
      %broadcast_in_dim3A_298 = vector.broadcast %broadcast_in_dim3A_297 : i32 to vector<16xi32>
      tpu.vector_store_idx %arg8[%broadcast_in_dim3A_298, %shift_right_logical3A_263], %gather3A_296 masked %lt3A_255 : memref<8x8192xf32, #tpu.memory_space<vmem>>[vector<16xi32>, vector<16xi32>], vector<16xf32>, vector<16xi1>
      %broadcast_in_dim3A_299 = arith.constant 7 : i32
      %broadcast_in_dim3A_300 = vector.broadcast %broadcast_in_dim3A_299 : i32 to vector<16xi32>
      %gather3A_301 = tpu.vector_load_idx %arg6[%broadcast_in_dim3A_300, %sub3A_261] masked %lt3A_255 : memref<8x2560xf32, #tpu.memory_space<vmem>>[vector<16xi32>, vector<16xi32>], vector<16xf32>, vector<16xi1>
      %broadcast_in_dim3A_302 = arith.constant 7 : i32
      %broadcast_in_dim3A_303 = vector.broadcast %broadcast_in_dim3A_302 : i32 to vector<16xi32>
      tpu.vector_store_idx %arg8[%broadcast_in_dim3A_303, %shift_right_logical3A_263], %gather3A_301 masked %lt3A_255 : memref<8x8192xf32, #tpu.memory_space<vmem>>[vector<16xi32>, vector<16xi32>], vector<16xf32>, vector<16xi1>
    }
    %mul3A_240 = arith.constant 8192 : i32
    %mul3A_241 = arith.muli %select_n3A_30, %mul3A_240 : i32
    "tpu.region"() ({
      %run_scoped3A = tpu.sem_alloc : memref<!tpu.dma_semaphore, #tpu.memory_space<semaphore_mem>>
      %dma_start3A_247 = tpu.memref_slice %arg4[%select_n3A, %multiple_of3A_166, %mul3A_241] : memref<26x16x16384xf32, #tpu.memory_space<hbm>> -> memref<1x8x8192xf32, #tpu.memory_space<hbm>>
      %dma_start3A_248 = tpu.memref_squeeze %dma_start3A_247 : memref<1x8x8192xf32, #tpu.memory_space<hbm>> -> memref<8x8192xf32, #tpu.memory_space<hbm>>
      %dma_start3A_249 = tpu.memref_slice %arg4[%select_n3A, %multiple_of3A_166, %mul3A_241] : memref<26x16x16384xf32, #tpu.memory_space<hbm>> -> memref<1x8x8192xf32, #tpu.memory_space<hbm>>
      %dma_start3A_250 = tpu.memref_squeeze %dma_start3A_249 : memref<1x8x8192xf32, #tpu.memory_space<hbm>> -> memref<8x8192xf32, #tpu.memory_space<hbm>>
      tpu.enqueue_dma source(%arg8 : memref<8x8192xf32, #tpu.memory_space<vmem>>) target(%dma_start3A_250 : memref<8x8192xf32, #tpu.memory_space<hbm>>) target_semaphore(%run_scoped3A : memref<!tpu.dma_semaphore, #tpu.memory_space<semaphore_mem>>)
      %dma_wait3A_251 = tpu.memref_slice %arg4[%select_n3A, %multiple_of3A_166, %mul3A_241] : memref<26x16x16384xf32, #tpu.memory_space<hbm>> -> memref<1x8x8192xf32, #tpu.memory_space<hbm>>
      %dma_wait3A_252 = tpu.memref_squeeze %dma_wait3A_251 : memref<1x8x8192xf32, #tpu.memory_space<hbm>> -> memref<8x8192xf32, #tpu.memory_space<hbm>>
      %dma_wait3A_253 = tpu.memref_slice %arg4[%select_n3A, %multiple_of3A_166, %mul3A_241] : memref<26x16x16384xf32, #tpu.memory_space<hbm>> -> memref<1x8x8192xf32, #tpu.memory_space<hbm>>
      %dma_wait3A_254 = tpu.memref_squeeze %dma_wait3A_253 : memref<1x8x8192xf32, #tpu.memory_space<hbm>> -> memref<8x8192xf32, #tpu.memory_space<hbm>>
      tpu.wait_dma2 semaphore(%run_scoped3A : memref<!tpu.dma_semaphore, #tpu.memory_space<semaphore_mem>>) src(%arg8 : memref<8x8192xf32, #tpu.memory_space<vmem>>) dst(%dma_wait3A_254 : memref<8x8192xf32, #tpu.memory_space<hbm>>)
      tpu.yield
    }) : () -> ()
    %add3A_242 = arith.constant 32 : i32
    %add3A_243 = arith.addi %add3A, %add3A_242 : i32
    %lt3A_244 = arith.constant 52 : i32
    %lt3A_245 = arith.cmpi slt, %add3A_243, %lt3A_244 : i32
    %convert_element_type3A = arith.extui %lt3A_245 : i1 to i32
    %cond3A = arith.constant 0 : i32
    %cond3A_246 = arith.cmpi ne, %convert_element_type3A, %cond3A : i32
    scf.if %cond3A_246 {
      %add3A_247 = arith.constant 32 : i32
      %add3A_248 = arith.addi %add3A, %add3A_247 : i32
      %jit3A_249 = arith.constant 2 : i32
      %div3A_250 = arith.divsi %add3A_248, %jit3A_249 : i32
      %sign3A_251 = arith.constant 0 : i32
      %sign3A_252 = arith.cmpi sgt, %add3A_248, %sign3A_251 : i32
      %sign3A_253 = arith.extui %sign3A_252 : i1 to i32
      %sign3A_254 = arith.constant 0 : i32
      %sign3A_255 = arith.cmpi slt, %add3A_248, %sign3A_254 : i32
      %sign3A_256 = arith.extui %sign3A_255 : i1 to i32
      %sign3A_257 = arith.subi %sign3A_253, %sign3A_256 : i32
      %sign3A_258 = arith.constant 0 : i32
      %sign3A_259 = arith.cmpi sgt, %jit3A_249, %sign3A_258 : i32
      %sign3A_260 = arith.extui %sign3A_259 : i1 to i32
      %sign3A_261 = arith.constant 0 : i32
      %sign3A_262 = arith.cmpi slt, %jit3A_249, %sign3A_261 : i32
      %sign3A_263 = arith.extui %sign3A_262 : i1 to i32
      %sign3A_264 = arith.subi %sign3A_260, %sign3A_263 : i32
      %ne3A_265 = arith.cmpi ne, %sign3A_257, %sign3A_264 : i32
      %rem3A_266 = arith.remsi %add3A_248, %jit3A_249 : i32
      %ne3A_267 = arith.constant 0 : i32
      %ne3A_268 = arith.cmpi ne, %rem3A_266, %ne3A_267 : i32
      %and3A_269 = arith.andi %ne3A_265, %ne3A_268 : i1
      %sub3A_270 = arith.constant 1 : i32
      %sub3A_271 = arith.subi %div3A_250, %sub3A_270 : i32
      %select_n3A_272 = arith.select %and3A_269, %sub3A_271, %div3A_250 : i32
      %jit3A_273 = arith.constant 2 : i32
      %eq3A_274 = arith.constant 0 : i32
      %eq3A_275 = arith.cmpi eq, %jit3A_273, %eq3A_274 : i32
      %jit3A_276 = arith.constant 1 : i32
      %select_n3A_277 = arith.select %eq3A_275, %jit3A_276, %jit3A_273 : i32
      %rem3A_278 = arith.remsi %add3A_248, %select_n3A_277 : i32
      %ne3A_279 = arith.constant 0 : i32
      %ne3A_280 = arith.cmpi ne, %rem3A_278, %ne3A_279 : i32
      %lt3A_281 = arith.constant 0 : i32
      %lt3A_282 = arith.cmpi slt, %rem3A_278, %lt3A_281 : i32
      %lt3A_283 = arith.constant 0 : i32
      %lt3A_284 = arith.cmpi slt, %select_n3A_277, %lt3A_283 : i32
      %ne3A_285 = arith.xori %lt3A_282, %lt3A_284 : i1
      %and3A_286 = arith.andi %ne3A_285, %ne3A_280 : i1
      %add3A_287 = arith.addi %rem3A_278, %select_n3A_277 : i32
      %select_n3A_288 = arith.select %and3A_286, %add3A_287, %rem3A_278 : i32
      %mul3A_289 = arith.constant 100000 : i32
      %mul3A_290 = arith.muli %select_n3A_272, %mul3A_289 : i32
      %jit3A_291 = arith.constant 128 : i32
      %div3A_292 = arith.divsi %mul3A_290, %jit3A_291 : i32
      %sign3A_293 = arith.constant 0 : i32
      %sign3A_294 = arith.cmpi sgt, %mul3A_290, %sign3A_293 : i32
      %sign3A_295 = arith.extui %sign3A_294 : i1 to i32
      %sign3A_296 = arith.constant 0 : i32
      %sign3A_297 = arith.cmpi slt, %mul3A_290, %sign3A_296 : i32
      %sign3A_298 = arith.extui %sign3A_297 : i1 to i32
      %sign3A_299 = arith.subi %sign3A_295, %sign3A_298 : i32
      %sign3A_300 = arith.constant 0 : i32
      %sign3A_301 = arith.cmpi sgt, %jit3A_291, %sign3A_300 : i32
      %sign3A_302 = arith.extui %sign3A_301 : i1 to i32
      %sign3A_303 = arith.constant 0 : i32
      %sign3A_304 = arith.cmpi slt, %jit3A_291, %sign3A_303 : i32
      %sign3A_305 = arith.extui %sign3A_304 : i1 to i32
      %sign3A_306 = arith.subi %sign3A_302, %sign3A_305 : i32
      %ne3A_307 = arith.cmpi ne, %sign3A_299, %sign3A_306 : i32
      %rem3A_308 = arith.remsi %mul3A_290, %jit3A_291 : i32
      %ne3A_309 = arith.constant 0 : i32
      %ne3A_310 = arith.cmpi ne, %rem3A_308, %ne3A_309 : i32
      %and3A_311 = arith.andi %ne3A_307, %ne3A_310 : i1
      %sub3A_312 = arith.constant 1 : i32
      %sub3A_313 = arith.subi %div3A_292, %sub3A_312 : i32
      %select_n3A_314 = arith.select %and3A_311, %sub3A_313, %div3A_292 : i32
      %mul3A_315 = arith.constant 128 : i32
      %mul3A_316 = arith.muli %select_n3A_314, %mul3A_315 : i32
      %min3A_317 = arith.constant 2495104 : i32
      %min3A_318 = arith.minsi %mul3A_316, %min3A_317 : i32
      %multiple_of3A_319 = tpu.assume_multiple %min3A_318, 128 : i32
      %mul3A_320 = arith.constant 100000 : i32
      %mul3A_321 = arith.muli %select_n3A_272, %mul3A_320 : i32
      %sub3A_322 = arith.subi %mul3A_321, %multiple_of3A_319 : i32
      %multiple_of3A_323 = arith.constant 0 : i32
      %multiple_of3A_324 = tpu.assume_multiple %multiple_of3A_323, 8 : i32
      %add3A_325 = arith.constant 0 : i32
      %add3A_326 = arith.addi %multiple_of3A_319, %add3A_325 : i32
      %dma_start3A_327 = tpu.memref_slice %arg3[%multiple_of3A_324, %add3A_326] : memref<16x2600000xf32, #tpu.memory_space<hbm>> -> memref<8x2560xf32, #tpu.memory_space<hbm>>
      %dma_start3A_328 = tpu.memref_slice %arg3[%multiple_of3A_324, %add3A_326] : memref<16x2600000xf32, #tpu.memory_space<hbm>> -> memref<8x2560xf32, #tpu.memory_space<hbm>>
      tpu.enqueue_dma source(%dma_start3A_328 : memref<8x2560xf32, #tpu.memory_space<hbm>>) target(%arg6 : memref<8x2560xf32, #tpu.memory_space<vmem>>) target_semaphore(%arg13 : memref<!tpu.dma_semaphore, #tpu.memory_space<semaphore_mem>>)
      %mul3A_329 = arith.constant 16384 : i32
      %mul3A_330 = arith.muli %select_n3A_272, %mul3A_329 : i32
      %mul3A_331 = arith.constant 8192 : i32
      %mul3A_332 = arith.muli %select_n3A_288, %mul3A_331 : i32
      %add3A_333 = arith.addi %mul3A_330, %mul3A_332 : i32
      "tpu.region"() ({
        %run_scoped3A = tpu.sem_alloc : memref<!tpu.dma_semaphore, #tpu.memory_space<semaphore_mem>>
        %dma_start3A_509 = tpu.memref_slice %arg2[%add3A_333] : memref<425984xf32, #tpu.memory_space<hbm>> -> memref<8192xf32, #tpu.memory_space<hbm>>
        %dma_start3A_510 = tpu.memref_slice %arg2[%add3A_333] : memref<425984xf32, #tpu.memory_space<hbm>> -> memref<8192xf32, #tpu.memory_space<hbm>>
        tpu.enqueue_dma source(%dma_start3A_510 : memref<8192xf32, #tpu.memory_space<hbm>>) target(%arg5 : memref<8192xf32, #tpu.memory_space<vmem>>) target_semaphore(%run_scoped3A : memref<!tpu.dma_semaphore, #tpu.memory_space<semaphore_mem>>)
        %dma_wait3A_511 = tpu.memref_slice %arg2[%add3A_333] : memref<425984xf32, #tpu.memory_space<hbm>> -> memref<8192xf32, #tpu.memory_space<hbm>>
        %dma_wait3A_512 = tpu.memref_slice %arg2[%add3A_333] : memref<425984xf32, #tpu.memory_space<hbm>> -> memref<8192xf32, #tpu.memory_space<hbm>>
        tpu.wait_dma2 semaphore(%run_scoped3A : memref<!tpu.dma_semaphore, #tpu.memory_space<semaphore_mem>>) src(%dma_wait3A_512 : memref<8192xf32, #tpu.memory_space<hbm>>) dst(%arg5 : memref<8192xf32, #tpu.memory_space<vmem>>)
        tpu.yield
      }) : () -> ()
      %scan3A_334 = arith.constant 0 : i32
      %scan3A_335 = arith.constant 0 : i32
      %scan3A_336 = arith.constant 4 : i32
      %scan3A_337 = arith.addi %scan3A_335, %scan3A_336 : i32
      %scan3A_338 = arith.constant 1 : i32
      scf.for %scan3A_509 = %scan3A_335 to %scan3A_337 step %scan3A_338  : i32 {
        %broadcast_in_dim3A_510 = arith.constant 0 : i32
        %broadcast_in_dim3A_511 = vector.broadcast %broadcast_in_dim3A_510 : i32 to vector<16xi32>
        %mul3A_512 = arith.constant 16 : i32
        %mul3A_513 = arith.muli %scan3A_509, %mul3A_512 : i32
        %swap3A = arith.index_cast %mul3A_513 : i32 to index
        %swap3A_514 = tpu.vector_load %arg10[%swap3A] {strides = array<i32>} : memref<64xi32, #tpu.memory_space<vmem>>, vector<16xi32>,
        tpu.vector_store %arg10[%swap3A], %broadcast_in_dim3A_511 {strides = array<i32>} : memref<64xi32, #tpu.memory_space<vmem>>, vector<16xi32>,
      }
      %scan3A_339 = arith.constant 4 : i32
      %scan3A_340 = arith.constant 0 : i32
      %scan3A_341 = arith.constant 0 : i32
      %scan3A_342 = arith.constant 64 : i32
      %scan3A_343 = arith.addi %scan3A_341, %scan3A_342 : i32
      %scan3A_344 = arith.constant 1 : i32
      scf.for %scan3A_509 = %scan3A_341 to %scan3A_343 step %scan3A_344  : i32 {
        %mul3A_510 = arith.constant 8 : i32
        %mul3A_511 = arith.muli %scan3A_509, %mul3A_510 : i32
        %add3A_512 = arith.constant 0 : i32
        %add3A_513 = arith.addi %mul3A_511, %add3A_512 : i32
        %mul3A_514 = arith.constant 16 : i32
        %mul3A_515 = arith.muli %add3A_513, %mul3A_514 : i32
        %get3A = arith.index_cast %mul3A_515 : i32 to index
        %get3A_516 = tpu.vector_load %arg5[%get3A] {strides = array<i32>} : memref<8192xf32, #tpu.memory_space<vmem>>, vector<16xf32>,
        %bitcast3A = vector.bitcast %get3A_516 : vector<16xf32> to vector<16xi32>
        %add3A_517 = vector.broadcast %sub3A_322 : i32 to vector<16xi32>
        %add3A_518 = arith.addi %bitcast3A, %add3A_517 : vector<16xi32>
        %shift_right_arithmetic3A = arith.constant 7 : i32
        %shift_right_arithmetic3A_519 = vector.broadcast %shift_right_arithmetic3A : i32 to vector<16xi32>
        %shift_right_arithmetic3A_520 = arith.shrsi %add3A_518, %shift_right_arithmetic3A_519 : vector<16xi32>
        %mul3A_521 = arith.constant 205 : i32
        %mul3A_522 = vector.broadcast %mul3A_521 : i32 to vector<16xi32>
        %mul3A_523 = arith.muli %shift_right_arithmetic3A_520, %mul3A_522 : vector<16xi32>
        %shift_right_arithmetic3A_524 = arith.constant 12 : i32
        %shift_right_arithmetic3A_525 = vector.broadcast %shift_right_arithmetic3A_524 : i32 to vector<16xi32>
        %shift_right_arithmetic3A_526 = arith.shrsi %mul3A_523, %shift_right_arithmetic3A_525 : vector<16xi32>
        %broadcast_in_dim3A_527 = arith.constant true
        %broadcast_in_dim3A_528 = vector.broadcast %broadcast_in_dim3A_527 : i1 to vector<16xi1>
        %unique3A, %unique3A_529 = tpu.scan_count mask(%broadcast_in_dim3A_528 : vector<16xi1>) value(%shift_right_arithmetic3A_526 : vector<16xi32>) : vector<16xi1>, vector<16xi32>
        tpu.vector_store_idx %arg10[%shift_right_arithmetic3A_526], %unique3A_529 masked %unique3A {add = true} : memref<64xi32, #tpu.memory_space<vmem>>[vector<16xi32>], vector<16xi32>, vector<16xi1>
        %mul3A_530 = arith.constant 8 : i32
        %mul3A_531 = arith.muli %scan3A_509, %mul3A_530 : i32
        %add3A_532 = arith.constant 1 : i32
        %add3A_533 = arith.addi %mul3A_531, %add3A_532 : i32
        %mul3A_534 = arith.constant 16 : i32
        %mul3A_535 = arith.muli %add3A_533, %mul3A_534 : i32
        %get3A_536 = arith.index_cast %mul3A_535 : i32 to index
        %get3A_537 = tpu.vector_load %arg5[%get3A_536] {strides = array<i32>} : memref<8192xf32, #tpu.memory_space<vmem>>, vector<16xf32>,
        %bitcast3A_538 = vector.bitcast %get3A_537 : vector<16xf32> to vector<16xi32>
        %add3A_539 = vector.broadcast %sub3A_322 : i32 to vector<16xi32>
        %add3A_540 = arith.addi %bitcast3A_538, %add3A_539 : vector<16xi32>
        %shift_right_arithmetic3A_541 = arith.constant 7 : i32
        %shift_right_arithmetic3A_542 = vector.broadcast %shift_right_arithmetic3A_541 : i32 to vector<16xi32>
        %shift_right_arithmetic3A_543 = arith.shrsi %add3A_540, %shift_right_arithmetic3A_542 : vector<16xi32>
        %mul3A_544 = arith.constant 205 : i32
        %mul3A_545 = vector.broadcast %mul3A_544 : i32 to vector<16xi32>
        %mul3A_546 = arith.muli %shift_right_arithmetic3A_543, %mul3A_545 : vector<16xi32>
        %shift_right_arithmetic3A_547 = arith.constant 12 : i32
        %shift_right_arithmetic3A_548 = vector.broadcast %shift_right_arithmetic3A_547 : i32 to vector<16xi32>
        %shift_right_arithmetic3A_549 = arith.shrsi %mul3A_546, %shift_right_arithmetic3A_548 : vector<16xi32>
        %broadcast_in_dim3A_550 = arith.constant true
        %broadcast_in_dim3A_551 = vector.broadcast %broadcast_in_dim3A_550 : i1 to vector<16xi1>
        %unique3A_552, %unique3A_553 = tpu.scan_count mask(%broadcast_in_dim3A_551 : vector<16xi1>) value(%shift_right_arithmetic3A_549 : vector<16xi32>) : vector<16xi1>, vector<16xi32>
        tpu.vector_store_idx %arg10[%shift_right_arithmetic3A_549], %unique3A_553 masked %unique3A_552 {add = true} : memref<64xi32, #tpu.memory_space<vmem>>[vector<16xi32>], vector<16xi32>, vector<16xi1>
        %mul3A_554 = arith.constant 8 : i32
        %mul3A_555 = arith.muli %scan3A_509, %mul3A_554 : i32
        %add3A_556 = arith.constant 2 : i32
        %add3A_557 = arith.addi %mul3A_555, %add3A_556 : i32
        %mul3A_558 = arith.constant 16 : i32
        %mul3A_559 = arith.muli %add3A_557, %mul3A_558 : i32
        %get3A_560 = arith.index_cast %mul3A_559 : i32 to index
        %get3A_561 = tpu.vector_load %arg5[%get3A_560] {strides = array<i32>} : memref<8192xf32, #tpu.memory_space<vmem>>, vector<16xf32>,
        %bitcast3A_562 = vector.bitcast %get3A_561 : vector<16xf32> to vector<16xi32>
        %add3A_563 = vector.broadcast %sub3A_322 : i32 to vector<16xi32>
        %add3A_564 = arith.addi %bitcast3A_562, %add3A_563 : vector<16xi32>
        %shift_right_arithmetic3A_565 = arith.constant 7 : i32
        %shift_right_arithmetic3A_566 = vector.broadcast %shift_right_arithmetic3A_565 : i32 to vector<16xi32>
        %shift_right_arithmetic3A_567 = arith.shrsi %add3A_564, %shift_right_arithmetic3A_566 : vector<16xi32>
        %mul3A_568 = arith.constant 205 : i32
        %mul3A_569 = vector.broadcast %mul3A_568 : i32 to vector<16xi32>
        %mul3A_570 = arith.muli %shift_right_arithmetic3A_567, %mul3A_569 : vector<16xi32>
        %shift_right_arithmetic3A_571 = arith.constant 12 : i32
        %shift_right_arithmetic3A_572 = vector.broadcast %shift_right_arithmetic3A_571 : i32 to vector<16xi32>
        %shift_right_arithmetic3A_573 = arith.shrsi %mul3A_570, %shift_right_arithmetic3A_572 : vector<16xi32>
        %broadcast_in_dim3A_574 = arith.constant true
        %broadcast_in_dim3A_575 = vector.broadcast %broadcast_in_dim3A_574 : i1 to vector<16xi1>
        %unique3A_576, %unique3A_577 = tpu.scan_count mask(%broadcast_in_dim3A_575 : vector<16xi1>) value(%shift_right_arithmetic3A_573 : vector<16xi32>) : vector<16xi1>, vector<16xi32>
        tpu.vector_store_idx %arg10[%shift_right_arithmetic3A_573], %unique3A_577 masked %unique3A_576 {add = true} : memref<64xi32, #tpu.memory_space<vmem>>[vector<16xi32>], vector<16xi32>, vector<16xi1>
        %mul3A_578 = arith.constant 8 : i32
        %mul3A_579 = arith.muli %scan3A_509, %mul3A_578 : i32
        %add3A_580 = arith.constant 3 : i32
        %add3A_581 = arith.addi %mul3A_579, %add3A_580 : i32
        %mul3A_582 = arith.constant 16 : i32
        %mul3A_583 = arith.muli %add3A_581, %mul3A_582 : i32
        %get3A_584 = arith.index_cast %mul3A_583 : i32 to index
        %get3A_585 = tpu.vector_load %arg5[%get3A_584] {strides = array<i32>} : memref<8192xf32, #tpu.memory_space<vmem>>, vector<16xf32>,
        %bitcast3A_586 = vector.bitcast %get3A_585 : vector<16xf32> to vector<16xi32>
        %add3A_587 = vector.broadcast %sub3A_322 : i32 to vector<16xi32>
        %add3A_588 = arith.addi %bitcast3A_586, %add3A_587 : vector<16xi32>
        %shift_right_arithmetic3A_589 = arith.constant 7 : i32
        %shift_right_arithmetic3A_590 = vector.broadcast %shift_right_arithmetic3A_589 : i32 to vector<16xi32>
        %shift_right_arithmetic3A_591 = arith.shrsi %add3A_588, %shift_right_arithmetic3A_590 : vector<16xi32>
        %mul3A_592 = arith.constant 205 : i32
        %mul3A_593 = vector.broadcast %mul3A_592 : i32 to vector<16xi32>
        %mul3A_594 = arith.muli %shift_right_arithmetic3A_591, %mul3A_593 : vector<16xi32>
        %shift_right_arithmetic3A_595 = arith.constant 12 : i32
        %shift_right_arithmetic3A_596 = vector.broadcast %shift_right_arithmetic3A_595 : i32 to vector<16xi32>
        %shift_right_arithmetic3A_597 = arith.shrsi %mul3A_594, %shift_right_arithmetic3A_596 : vector<16xi32>
        %broadcast_in_dim3A_598 = arith.constant true
        %broadcast_in_dim3A_599 = vector.broadcast %broadcast_in_dim3A_598 : i1 to vector<16xi1>
        %unique3A_600, %unique3A_601 = tpu.scan_count mask(%broadcast_in_dim3A_599 : vector<16xi1>) value(%shift_right_arithmetic3A_597 : vector<16xi32>) : vector<16xi1>, vector<16xi32>
        tpu.vector_store_idx %arg10[%shift_right_arithmetic3A_597], %unique3A_601 masked %unique3A_600 {add = true} : memref<64xi32, #tpu.memory_space<vmem>>[vector<16xi32>], vector<16xi32>, vector<16xi1>
        %mul3A_602 = arith.constant 8 : i32
        %mul3A_603 = arith.muli %scan3A_509, %mul3A_602 : i32
        %add3A_604 = arith.constant 4 : i32
        %add3A_605 = arith.addi %mul3A_603, %add3A_604 : i32
        %mul3A_606 = arith.constant 16 : i32
        %mul3A_607 = arith.muli %add3A_605, %mul3A_606 : i32
        %get3A_608 = arith.index_cast %mul3A_607 : i32 to index
        %get3A_609 = tpu.vector_load %arg5[%get3A_608] {strides = array<i32>} : memref<8192xf32, #tpu.memory_space<vmem>>, vector<16xf32>,
        %bitcast3A_610 = vector.bitcast %get3A_609 : vector<16xf32> to vector<16xi32>
        %add3A_611 = vector.broadcast %sub3A_322 : i32 to vector<16xi32>
        %add3A_612 = arith.addi %bitcast3A_610, %add3A_611 : vector<16xi32>
        %shift_right_arithmetic3A_613 = arith.constant 7 : i32
        %shift_right_arithmetic3A_614 = vector.broadcast %shift_right_arithmetic3A_613 : i32 to vector<16xi32>
        %shift_right_arithmetic3A_615 = arith.shrsi %add3A_612, %shift_right_arithmetic3A_614 : vector<16xi32>
        %mul3A_616 = arith.constant 205 : i32
        %mul3A_617 = vector.broadcast %mul3A_616 : i32 to vector<16xi32>
        %mul3A_618 = arith.muli %shift_right_arithmetic3A_615, %mul3A_617 : vector<16xi32>
        %shift_right_arithmetic3A_619 = arith.constant 12 : i32
        %shift_right_arithmetic3A_620 = vector.broadcast %shift_right_arithmetic3A_619 : i32 to vector<16xi32>
        %shift_right_arithmetic3A_621 = arith.shrsi %mul3A_618, %shift_right_arithmetic3A_620 : vector<16xi32>
        %broadcast_in_dim3A_622 = arith.constant true
        %broadcast_in_dim3A_623 = vector.broadcast %broadcast_in_dim3A_622 : i1 to vector<16xi1>
        %unique3A_624, %unique3A_625 = tpu.scan_count mask(%broadcast_in_dim3A_623 : vector<16xi1>) value(%shift_right_arithmetic3A_621 : vector<16xi32>) : vector<16xi1>, vector<16xi32>
        tpu.vector_store_idx %arg10[%shift_right_arithmetic3A_621], %unique3A_625 masked %unique3A_624 {add = true} : memref<64xi32, #tpu.memory_space<vmem>>[vector<16xi32>], vector<16xi32>, vector<16xi1>
        %mul3A_626 = arith.constant 8 : i32
        %mul3A_627 = arith.muli %scan3A_509, %mul3A_626 : i32
        %add3A_628 = arith.constant 5 : i32
        %add3A_629 = arith.addi %mul3A_627, %add3A_628 : i32
        %mul3A_630 = arith.constant 16 : i32
        %mul3A_631 = arith.muli %add3A_629, %mul3A_630 : i32
        %get3A_632 = arith.index_cast %mul3A_631 : i32 to index
        %get3A_633 = tpu.vector_load %arg5[%get3A_632] {strides = array<i32>} : memref<8192xf32, #tpu.memory_space<vmem>>, vector<16xf32>,
        %bitcast3A_634 = vector.bitcast %get3A_633 : vector<16xf32> to vector<16xi32>
        %add3A_635 = vector.broadcast %sub3A_322 : i32 to vector<16xi32>
        %add3A_636 = arith.addi %bitcast3A_634, %add3A_635 : vector<16xi32>
        %shift_right_arithmetic3A_637 = arith.constant 7 : i32
        %shift_right_arithmetic3A_638 = vector.broadcast %shift_right_arithmetic3A_637 : i32 to vector<16xi32>
        %shift_right_arithmetic3A_639 = arith.shrsi %add3A_636, %shift_right_arithmetic3A_638 : vector<16xi32>
        %mul3A_640 = arith.constant 205 : i32
        %mul3A_641 = vector.broadcast %mul3A_640 : i32 to vector<16xi32>
        %mul3A_642 = arith.muli %shift_right_arithmetic3A_639, %mul3A_641 : vector<16xi32>
        %shift_right_arithmetic3A_643 = arith.constant 12 : i32
        %shift_right_arithmetic3A_644 = vector.broadcast %shift_right_arithmetic3A_643 : i32 to vector<16xi32>
        %shift_right_arithmetic3A_645 = arith.shrsi %mul3A_642, %shift_right_arithmetic3A_644 : vector<16xi32>
        %broadcast_in_dim3A_646 = arith.constant true
        %broadcast_in_dim3A_647 = vector.broadcast %broadcast_in_dim3A_646 : i1 to vector<16xi1>
        %unique3A_648, %unique3A_649 = tpu.scan_count mask(%broadcast_in_dim3A_647 : vector<16xi1>) value(%shift_right_arithmetic3A_645 : vector<16xi32>) : vector<16xi1>, vector<16xi32>
        tpu.vector_store_idx %arg10[%shift_right_arithmetic3A_645], %unique3A_649 masked %unique3A_648 {add = true} : memref<64xi32, #tpu.memory_space<vmem>>[vector<16xi32>], vector<16xi32>, vector<16xi1>
        %mul3A_650 = arith.constant 8 : i32
        %mul3A_651 = arith.muli %scan3A_509, %mul3A_650 : i32
        %add3A_652 = arith.constant 6 : i32
        %add3A_653 = arith.addi %mul3A_651, %add3A_652 : i32
        %mul3A_654 = arith.constant 16 : i32
        %mul3A_655 = arith.muli %add3A_653, %mul3A_654 : i32
        %get3A_656 = arith.index_cast %mul3A_655 : i32 to index
        %get3A_657 = tpu.vector_load %arg5[%get3A_656] {strides = array<i32>} : memref<8192xf32, #tpu.memory_space<vmem>>, vector<16xf32>,
        %bitcast3A_658 = vector.bitcast %get3A_657 : vector<16xf32> to vector<16xi32>
        %add3A_659 = vector.broadcast %sub3A_322 : i32 to vector<16xi32>
        %add3A_660 = arith.addi %bitcast3A_658, %add3A_659 : vector<16xi32>
        %shift_right_arithmetic3A_661 = arith.constant 7 : i32
        %shift_right_arithmetic3A_662 = vector.broadcast %shift_right_arithmetic3A_661 : i32 to vector<16xi32>
        %shift_right_arithmetic3A_663 = arith.shrsi %add3A_660, %shift_right_arithmetic3A_662 : vector<16xi32>
        %mul3A_664 = arith.constant 205 : i32
        %mul3A_665 = vector.broadcast %mul3A_664 : i32 to vector<16xi32>
        %mul3A_666 = arith.muli %shift_right_arithmetic3A_663, %mul3A_665 : vector<16xi32>
        %shift_right_arithmetic3A_667 = arith.constant 12 : i32
        %shift_right_arithmetic3A_668 = vector.broadcast %shift_right_arithmetic3A_667 : i32 to vector<16xi32>
        %shift_right_arithmetic3A_669 = arith.shrsi %mul3A_666, %shift_right_arithmetic3A_668 : vector<16xi32>
        %broadcast_in_dim3A_670 = arith.constant true
        %broadcast_in_dim3A_671 = vector.broadcast %broadcast_in_dim3A_670 : i1 to vector<16xi1>
        %unique3A_672, %unique3A_673 = tpu.scan_count mask(%broadcast_in_dim3A_671 : vector<16xi1>) value(%shift_right_arithmetic3A_669 : vector<16xi32>) : vector<16xi1>, vector<16xi32>
        tpu.vector_store_idx %arg10[%shift_right_arithmetic3A_669], %unique3A_673 masked %unique3A_672 {add = true} : memref<64xi32, #tpu.memory_space<vmem>>[vector<16xi32>], vector<16xi32>, vector<16xi1>
        %mul3A_674 = arith.constant 8 : i32
        %mul3A_675 = arith.muli %scan3A_509, %mul3A_674 : i32
        %add3A_676 = arith.constant 7 : i32
        %add3A_677 = arith.addi %mul3A_675, %add3A_676 : i32
        %mul3A_678 = arith.constant 16 : i32
        %mul3A_679 = arith.muli %add3A_677, %mul3A_678 : i32
        %get3A_680 = arith.index_cast %mul3A_679 : i32 to index
        %get3A_681 = tpu.vector_load %arg5[%get3A_680] {strides = array<i32>} : memref<8192xf32, #tpu.memory_space<vmem>>, vector<16xf32>,
        %bitcast3A_682 = vector.bitcast %get3A_681 : vector<16xf32> to vector<16xi32>
        %add3A_683 = vector.broadcast %sub3A_322 : i32 to vector<16xi32>
        %add3A_684 = arith.addi %bitcast3A_682, %add3A_683 : vector<16xi32>
        %shift_right_arithmetic3A_685 = arith.constant 7 : i32
        %shift_right_arithmetic3A_686 = vector.broadcast %shift_right_arithmetic3A_685 : i32 to vector<16xi32>
        %shift_right_arithmetic3A_687 = arith.shrsi %add3A_684, %shift_right_arithmetic3A_686 : vector<16xi32>
        %mul3A_688 = arith.constant 205 : i32
        %mul3A_689 = vector.broadcast %mul3A_688 : i32 to vector<16xi32>
        %mul3A_690 = arith.muli %shift_right_arithmetic3A_687, %mul3A_689 : vector<16xi32>
        %shift_right_arithmetic3A_691 = arith.constant 12 : i32
        %shift_right_arithmetic3A_692 = vector.broadcast %shift_right_arithmetic3A_691 : i32 to vector<16xi32>
        %shift_right_arithmetic3A_693 = arith.shrsi %mul3A_690, %shift_right_arithmetic3A_692 : vector<16xi32>
        %broadcast_in_dim3A_694 = arith.constant true
        %broadcast_in_dim3A_695 = vector.broadcast %broadcast_in_dim3A_694 : i1 to vector<16xi1>
        %unique3A_696, %unique3A_697 = tpu.scan_count mask(%broadcast_in_dim3A_695 : vector<16xi1>) value(%shift_right_arithmetic3A_693 : vector<16xi32>) : vector<16xi1>, vector<16xi32>
        tpu.vector_store_idx %arg10[%shift_right_arithmetic3A_693], %unique3A_697 masked %unique3A_696 {add = true} : memref<64xi32, #tpu.memory_space<vmem>>[vector<16xi32>], vector<16xi32>, vector<16xi1>
      }
      %scan3A_345 = arith.constant 64 : i32
      %scan3A_346 = arith.constant 0 : i32
      %scan3A_347 = arith.constant 0 : i32
      %scan3A_348 = arith.constant 4 : i32
      %scan3A_349 = arith.addi %scan3A_347, %scan3A_348 : i32
      %scan3A_350 = arith.constant 1 : i32
      %scan3A_351 = scf.for %scan3A_509 = %scan3A_347 to %scan3A_349 step %scan3A_350 iter_args(%scan3A_510 = %scan3A_346) -> (i32)  : i32 {
        %mul3A_511 = arith.constant 16 : i32
        %mul3A_512 = arith.muli %scan3A_509, %mul3A_511 : i32
        %get3A = arith.index_cast %mul3A_512 : i32 to index
        %get3A_513 = tpu.vector_load %arg10[%get3A] {strides = array<i32>} : memref<64xi32, #tpu.memory_space<vmem>>, vector<16xi32>,
        %add3A_514 = arith.constant 15 : i32
        %add3A_515 = vector.broadcast %add3A_514 : i32 to vector<16xi32>
        %add3A_516 = arith.addi %get3A_513, %add3A_515 : vector<16xi32>
        %and3A_517 = arith.constant -16 : i32
        %and3A_518 = vector.broadcast %and3A_517 : i32 to vector<16xi32>
        %and3A_519 = arith.andi %add3A_516, %and3A_518 : vector<16xi32>
        %broadcast_in_dim3A_520 = arith.constant true
        %broadcast_in_dim3A_521 = vector.broadcast %broadcast_in_dim3A_520 : i1 to vector<16xi1>
        %masked_cumsum3A = tpu.scan <sum>, %and3A_519 masked %broadcast_in_dim3A_521 : vector<16xi32>, vector<16xi1> -> vector<16xi32>
        %sub3A_522 = arith.subi %masked_cumsum3A, %and3A_519 : vector<16xi32>
        %add3A_523 = vector.broadcast %scan3A_510 : i32 to vector<16xi32>
        %add3A_524 = arith.addi %sub3A_522, %add3A_523 : vector<16xi32>
        %swap3A = arith.index_cast %mul3A_512 : i32 to index
        %swap3A_525 = tpu.vector_load %arg11[%swap3A] {strides = array<i32>} : memref<64xi32, #tpu.memory_space<vmem>>, vector<16xi32>,
        tpu.vector_store %arg11[%swap3A], %add3A_524 {strides = array<i32>} : memref<64xi32, #tpu.memory_space<vmem>>, vector<16xi32>,
        %sub3A_526 = arith.subi %masked_cumsum3A, %and3A_519 : vector<16xi32>
        %add3A_527 = vector.broadcast %scan3A_510 : i32 to vector<16xi32>
        %add3A_528 = arith.addi %sub3A_526, %add3A_527 : vector<16xi32>
        %swap3A_529 = arith.index_cast %mul3A_512 : i32 to index
        %swap3A_530 = tpu.vector_load %arg12[%swap3A_529] {strides = array<i32>} : memref<64xi32, #tpu.memory_space<vmem>>, vector<16xi32>,
        tpu.vector_store %arg12[%swap3A_529], %add3A_528 {strides = array<i32>} : memref<64xi32, #tpu.memory_space<vmem>>, vector<16xi32>,
        %reduce_max3A_531 = arith.constant true
        %reduce_max3A_532 = vector.broadcast %reduce_max3A_531 : i1 to vector<16xi1>
        %reduce_max3A_533 = arith.constant -2147483648 : i32
        %reduce_max3A_534 = vector.broadcast %reduce_max3A_533 : i32 to vector<16xi32>
        %reduce_max3A_535 = arith.xori %masked_cumsum3A, %reduce_max3A_534 : vector<16xi32>
        %reduce_max3A_536 = tpu.scan <max>, %reduce_max3A_535 masked %reduce_max3A_532 : vector<16xi32>, vector<16xi1> -> vector<16xi32>
        %reduce_max3A_537 = arith.xori %reduce_max3A_536, %reduce_max3A_534 : vector<16xi32>
        %reduce_max3A_538 = vector.extract %reduce_max3A_537[15] : i32 from vector<16xi32>
        %add3A_539 = arith.addi %scan3A_510, %reduce_max3A_538 : i32
        scf.yield %add3A_539 : i32
      }
      %scan3A_352 = arith.constant 4 : i32
      %scan3A_353 = arith.constant 0 : i32
      %scan3A_354 = arith.constant 0 : i32
      %scan3A_355 = arith.constant 64 : i32
      %scan3A_356 = arith.addi %scan3A_354, %scan3A_355 : i32
      %scan3A_357 = arith.constant 1 : i32
      scf.for %scan3A_509 = %scan3A_354 to %scan3A_356 step %scan3A_357  : i32 {
        %mul3A_510 = arith.constant 8 : i32
        %mul3A_511 = arith.muli %scan3A_509, %mul3A_510 : i32
        %add3A_512 = arith.constant 0 : i32
        %add3A_513 = arith.addi %mul3A_511, %add3A_512 : i32
        %mul3A_514 = arith.constant 16 : i32
        %mul3A_515 = arith.muli %add3A_513, %mul3A_514 : i32
        %get3A = arith.index_cast %mul3A_515 : i32 to index
        %get3A_516 = tpu.vector_load %arg5[%get3A] {strides = array<i32>} : memref<8192xf32, #tpu.memory_space<vmem>>, vector<16xf32>,
        %bitcast3A = vector.bitcast %get3A_516 : vector<16xf32> to vector<16xi32>
        %add3A_517 = vector.broadcast %sub3A_322 : i32 to vector<16xi32>
        %add3A_518 = arith.addi %bitcast3A, %add3A_517 : vector<16xi32>
        %shift_right_arithmetic3A = arith.constant 7 : i32
        %shift_right_arithmetic3A_519 = vector.broadcast %shift_right_arithmetic3A : i32 to vector<16xi32>
        %shift_right_arithmetic3A_520 = arith.shrsi %add3A_518, %shift_right_arithmetic3A_519 : vector<16xi32>
        %mul3A_521 = arith.constant 205 : i32
        %mul3A_522 = vector.broadcast %mul3A_521 : i32 to vector<16xi32>
        %mul3A_523 = arith.muli %shift_right_arithmetic3A_520, %mul3A_522 : vector<16xi32>
        %shift_right_arithmetic3A_524 = arith.constant 12 : i32
        %shift_right_arithmetic3A_525 = vector.broadcast %shift_right_arithmetic3A_524 : i32 to vector<16xi32>
        %shift_right_arithmetic3A_526 = arith.shrsi %mul3A_523, %shift_right_arithmetic3A_525 : vector<16xi32>
        %broadcast_in_dim3A_527 = arith.constant true
        %broadcast_in_dim3A_528 = vector.broadcast %broadcast_in_dim3A_527 : i1 to vector<16xi1>
        %unique3A, %unique3A_529 = tpu.scan_count mask(%broadcast_in_dim3A_528 : vector<16xi1>) value(%shift_right_arithmetic3A_526 : vector<16xi32>) : vector<16xi1>, vector<16xi32>
        %gather3A_530 = tpu.vector_load_idx %arg12[%shift_right_arithmetic3A_526] : memref<64xi32, #tpu.memory_space<vmem>>[vector<16xi32>], vector<16xi32>,
        %mul3A_531 = arith.constant 16 : i32
        %mul3A_532 = arith.muli %add3A_513, %mul3A_531 : i32
        %broadcast_in_dim3A_533 = vector.broadcast %mul3A_532 : i32 to vector<16xi32>
        %add3A_534 = arith.addi %broadcast_in_dim3A_533, %iota3A : vector<16xi32>
        %add3A_535 = arith.addi %gather3A_530, %unique3A_529 : vector<16xi32>
        %sub3A_536 = arith.constant 1 : i32
        %sub3A_537 = vector.broadcast %sub3A_536 : i32 to vector<16xi32>
        %sub3A_538 = arith.subi %add3A_535, %sub3A_537 : vector<16xi32>
        %shift_left3A = arith.constant 17 : i32
        %shift_left3A_539 = vector.broadcast %shift_left3A : i32 to vector<16xi32>
        %shift_left3A_540 = arith.shli %add3A_534, %shift_left3A_539 : vector<16xi32>
        %or3A = arith.ori %shift_left3A_540, %add3A_518 : vector<16xi32>
        tpu.vector_store_idx %arg9[%sub3A_538], %or3A : memref<12288xi32, #tpu.memory_space<vmem>>[vector<16xi32>], vector<16xi32>,
        tpu.vector_store_idx %arg12[%shift_right_arithmetic3A_526], %unique3A_529 masked %unique3A {add = true} : memref<64xi32, #tpu.memory_space<vmem>>[vector<16xi32>], vector<16xi32>, vector<16xi1>
        %mul3A_541 = arith.constant 8 : i32
        %mul3A_542 = arith.muli %scan3A_509, %mul3A_541 : i32
        %add3A_543 = arith.constant 1 : i32
        %add3A_544 = arith.addi %mul3A_542, %add3A_543 : i32
        %mul3A_545 = arith.constant 16 : i32
        %mul3A_546 = arith.muli %add3A_544, %mul3A_545 : i32
        %get3A_547 = arith.index_cast %mul3A_546 : i32 to index
        %get3A_548 = tpu.vector_load %arg5[%get3A_547] {strides = array<i32>} : memref<8192xf32, #tpu.memory_space<vmem>>, vector<16xf32>,
        %bitcast3A_549 = vector.bitcast %get3A_548 : vector<16xf32> to vector<16xi32>
        %add3A_550 = vector.broadcast %sub3A_322 : i32 to vector<16xi32>
        %add3A_551 = arith.addi %bitcast3A_549, %add3A_550 : vector<16xi32>
        %shift_right_arithmetic3A_552 = arith.constant 7 : i32
        %shift_right_arithmetic3A_553 = vector.broadcast %shift_right_arithmetic3A_552 : i32 to vector<16xi32>
        %shift_right_arithmetic3A_554 = arith.shrsi %add3A_551, %shift_right_arithmetic3A_553 : vector<16xi32>
        %mul3A_555 = arith.constant 205 : i32
        %mul3A_556 = vector.broadcast %mul3A_555 : i32 to vector<16xi32>
        %mul3A_557 = arith.muli %shift_right_arithmetic3A_554, %mul3A_556 : vector<16xi32>
        %shift_right_arithmetic3A_558 = arith.constant 12 : i32
        %shift_right_arithmetic3A_559 = vector.broadcast %shift_right_arithmetic3A_558 : i32 to vector<16xi32>
        %shift_right_arithmetic3A_560 = arith.shrsi %mul3A_557, %shift_right_arithmetic3A_559 : vector<16xi32>
        %broadcast_in_dim3A_561 = arith.constant true
        %broadcast_in_dim3A_562 = vector.broadcast %broadcast_in_dim3A_561 : i1 to vector<16xi1>
        %unique3A_563, %unique3A_564 = tpu.scan_count mask(%broadcast_in_dim3A_562 : vector<16xi1>) value(%shift_right_arithmetic3A_560 : vector<16xi32>) : vector<16xi1>, vector<16xi32>
        %gather3A_565 = tpu.vector_load_idx %arg12[%shift_right_arithmetic3A_560] : memref<64xi32, #tpu.memory_space<vmem>>[vector<16xi32>], vector<16xi32>,
        %mul3A_566 = arith.constant 16 : i32
        %mul3A_567 = arith.muli %add3A_544, %mul3A_566 : i32
        %broadcast_in_dim3A_568 = vector.broadcast %mul3A_567 : i32 to vector<16xi32>
        %add3A_569 = arith.addi %broadcast_in_dim3A_568, %iota3A : vector<16xi32>
        %add3A_570 = arith.addi %gather3A_565, %unique3A_564 : vector<16xi32>
        %sub3A_571 = arith.constant 1 : i32
        %sub3A_572 = vector.broadcast %sub3A_571 : i32 to vector<16xi32>
        %sub3A_573 = arith.subi %add3A_570, %sub3A_572 : vector<16xi32>
        %shift_left3A_574 = arith.constant 17 : i32
        %shift_left3A_575 = vector.broadcast %shift_left3A_574 : i32 to vector<16xi32>
        %shift_left3A_576 = arith.shli %add3A_569, %shift_left3A_575 : vector<16xi32>
        %or3A_577 = arith.ori %shift_left3A_576, %add3A_551 : vector<16xi32>
        tpu.vector_store_idx %arg9[%sub3A_573], %or3A_577 : memref<12288xi32, #tpu.memory_space<vmem>>[vector<16xi32>], vector<16xi32>,
        tpu.vector_store_idx %arg12[%shift_right_arithmetic3A_560], %unique3A_564 masked %unique3A_563 {add = true} : memref<64xi32, #tpu.memory_space<vmem>>[vector<16xi32>], vector<16xi32>, vector<16xi1>
        %mul3A_578 = arith.constant 8 : i32
        %mul3A_579 = arith.muli %scan3A_509, %mul3A_578 : i32
        %add3A_580 = arith.constant 2 : i32
        %add3A_581 = arith.addi %mul3A_579, %add3A_580 : i32
        %mul3A_582 = arith.constant 16 : i32
        %mul3A_583 = arith.muli %add3A_581, %mul3A_582 : i32
        %get3A_584 = arith.index_cast %mul3A_583 : i32 to index
        %get3A_585 = tpu.vector_load %arg5[%get3A_584] {strides = array<i32>} : memref<8192xf32, #tpu.memory_space<vmem>>, vector<16xf32>,
        %bitcast3A_586 = vector.bitcast %get3A_585 : vector<16xf32> to vector<16xi32>
        %add3A_587 = vector.broadcast %sub3A_322 : i32 to vector<16xi32>
        %add3A_588 = arith.addi %bitcast3A_586, %add3A_587 : vector<16xi32>
        %shift_right_arithmetic3A_589 = arith.constant 7 : i32
        %shift_right_arithmetic3A_590 = vector.broadcast %shift_right_arithmetic3A_589 : i32 to vector<16xi32>
        %shift_right_arithmetic3A_591 = arith.shrsi %add3A_588, %shift_right_arithmetic3A_590 : vector<16xi32>
        %mul3A_592 = arith.constant 205 : i32
        %mul3A_593 = vector.broadcast %mul3A_592 : i32 to vector<16xi32>
        %mul3A_594 = arith.muli %shift_right_arithmetic3A_591, %mul3A_593 : vector<16xi32>
        %shift_right_arithmetic3A_595 = arith.constant 12 : i32
        %shift_right_arithmetic3A_596 = vector.broadcast %shift_right_arithmetic3A_595 : i32 to vector<16xi32>
        %shift_right_arithmetic3A_597 = arith.shrsi %mul3A_594, %shift_right_arithmetic3A_596 : vector<16xi32>
        %broadcast_in_dim3A_598 = arith.constant true
        %broadcast_in_dim3A_599 = vector.broadcast %broadcast_in_dim3A_598 : i1 to vector<16xi1>
        %unique3A_600, %unique3A_601 = tpu.scan_count mask(%broadcast_in_dim3A_599 : vector<16xi1>) value(%shift_right_arithmetic3A_597 : vector<16xi32>) : vector<16xi1>, vector<16xi32>
        %gather3A_602 = tpu.vector_load_idx %arg12[%shift_right_arithmetic3A_597] : memref<64xi32, #tpu.memory_space<vmem>>[vector<16xi32>], vector<16xi32>,
        %mul3A_603 = arith.constant 16 : i32
        %mul3A_604 = arith.muli %add3A_581, %mul3A_603 : i32
        %broadcast_in_dim3A_605 = vector.broadcast %mul3A_604 : i32 to vector<16xi32>
        %add3A_606 = arith.addi %broadcast_in_dim3A_605, %iota3A : vector<16xi32>
        %add3A_607 = arith.addi %gather3A_602, %unique3A_601 : vector<16xi32>
        %sub3A_608 = arith.constant 1 : i32
        %sub3A_609 = vector.broadcast %sub3A_608 : i32 to vector<16xi32>
        %sub3A_610 = arith.subi %add3A_607, %sub3A_609 : vector<16xi32>
        %shift_left3A_611 = arith.constant 17 : i32
        %shift_left3A_612 = vector.broadcast %shift_left3A_611 : i32 to vector<16xi32>
        %shift_left3A_613 = arith.shli %add3A_606, %shift_left3A_612 : vector<16xi32>
        %or3A_614 = arith.ori %shift_left3A_613, %add3A_588 : vector<16xi32>
        tpu.vector_store_idx %arg9[%sub3A_610], %or3A_614 : memref<12288xi32, #tpu.memory_space<vmem>>[vector<16xi32>], vector<16xi32>,
        tpu.vector_store_idx %arg12[%shift_right_arithmetic3A_597], %unique3A_601 masked %unique3A_600 {add = true} : memref<64xi32, #tpu.memory_space<vmem>>[vector<16xi32>], vector<16xi32>, vector<16xi1>
        %mul3A_615 = arith.constant 8 : i32
        %mul3A_616 = arith.muli %scan3A_509, %mul3A_615 : i32
        %add3A_617 = arith.constant 3 : i32
        %add3A_618 = arith.addi %mul3A_616, %add3A_617 : i32
        %mul3A_619 = arith.constant 16 : i32
        %mul3A_620 = arith.muli %add3A_618, %mul3A_619 : i32
        %get3A_621 = arith.index_cast %mul3A_620 : i32 to index
        %get3A_622 = tpu.vector_load %arg5[%get3A_621] {strides = array<i32>} : memref<8192xf32, #tpu.memory_space<vmem>>, vector<16xf32>,
        %bitcast3A_623 = vector.bitcast %get3A_622 : vector<16xf32> to vector<16xi32>
        %add3A_624 = vector.broadcast %sub3A_322 : i32 to vector<16xi32>
        %add3A_625 = arith.addi %bitcast3A_623, %add3A_624 : vector<16xi32>
        %shift_right_arithmetic3A_626 = arith.constant 7 : i32
        %shift_right_arithmetic3A_627 = vector.broadcast %shift_right_arithmetic3A_626 : i32 to vector<16xi32>
        %shift_right_arithmetic3A_628 = arith.shrsi %add3A_625, %shift_right_arithmetic3A_627 : vector<16xi32>
        %mul3A_629 = arith.constant 205 : i32
        %mul3A_630 = vector.broadcast %mul3A_629 : i32 to vector<16xi32>
        %mul3A_631 = arith.muli %shift_right_arithmetic3A_628, %mul3A_630 : vector<16xi32>
        %shift_right_arithmetic3A_632 = arith.constant 12 : i32
        %shift_right_arithmetic3A_633 = vector.broadcast %shift_right_arithmetic3A_632 : i32 to vector<16xi32>
        %shift_right_arithmetic3A_634 = arith.shrsi %mul3A_631, %shift_right_arithmetic3A_633 : vector<16xi32>
        %broadcast_in_dim3A_635 = arith.constant true
        %broadcast_in_dim3A_636 = vector.broadcast %broadcast_in_dim3A_635 : i1 to vector<16xi1>
        %unique3A_637, %unique3A_638 = tpu.scan_count mask(%broadcast_in_dim3A_636 : vector<16xi1>) value(%shift_right_arithmetic3A_634 : vector<16xi32>) : vector<16xi1>, vector<16xi32>
        %gather3A_639 = tpu.vector_load_idx %arg12[%shift_right_arithmetic3A_634] : memref<64xi32, #tpu.memory_space<vmem>>[vector<16xi32>], vector<16xi32>,
        %mul3A_640 = arith.constant 16 : i32
        %mul3A_641 = arith.muli %add3A_618, %mul3A_640 : i32
        %broadcast_in_dim3A_642 = vector.broadcast %mul3A_641 : i32 to vector<16xi32>
        %add3A_643 = arith.addi %broadcast_in_dim3A_642, %iota3A : vector<16xi32>
        %add3A_644 = arith.addi %gather3A_639, %unique3A_638 : vector<16xi32>
        %sub3A_645 = arith.constant 1 : i32
        %sub3A_646 = vector.broadcast %sub3A_645 : i32 to vector<16xi32>
        %sub3A_647 = arith.subi %add3A_644, %sub3A_646 : vector<16xi32>
        %shift_left3A_648 = arith.constant 17 : i32
        %shift_left3A_649 = vector.broadcast %shift_left3A_648 : i32 to vector<16xi32>
        %shift_left3A_650 = arith.shli %add3A_643, %shift_left3A_649 : vector<16xi32>
        %or3A_651 = arith.ori %shift_left3A_650, %add3A_625 : vector<16xi32>
        tpu.vector_store_idx %arg9[%sub3A_647], %or3A_651 : memref<12288xi32, #tpu.memory_space<vmem>>[vector<16xi32>], vector<16xi32>,
        tpu.vector_store_idx %arg12[%shift_right_arithmetic3A_634], %unique3A_638 masked %unique3A_637 {add = true} : memref<64xi32, #tpu.memory_space<vmem>>[vector<16xi32>], vector<16xi32>, vector<16xi1>
        %mul3A_652 = arith.constant 8 : i32
        %mul3A_653 = arith.muli %scan3A_509, %mul3A_652 : i32
        %add3A_654 = arith.constant 4 : i32
        %add3A_655 = arith.addi %mul3A_653, %add3A_654 : i32
        %mul3A_656 = arith.constant 16 : i32
        %mul3A_657 = arith.muli %add3A_655, %mul3A_656 : i32
        %get3A_658 = arith.index_cast %mul3A_657 : i32 to index
        %get3A_659 = tpu.vector_load %arg5[%get3A_658] {strides = array<i32>} : memref<8192xf32, #tpu.memory_space<vmem>>, vector<16xf32>,
        %bitcast3A_660 = vector.bitcast %get3A_659 : vector<16xf32> to vector<16xi32>
        %add3A_661 = vector.broadcast %sub3A_322 : i32 to vector<16xi32>
        %add3A_662 = arith.addi %bitcast3A_660, %add3A_661 : vector<16xi32>
        %shift_right_arithmetic3A_663 = arith.constant 7 : i32
        %shift_right_arithmetic3A_664 = vector.broadcast %shift_right_arithmetic3A_663 : i32 to vector<16xi32>
        %shift_right_arithmetic3A_665 = arith.shrsi %add3A_662, %shift_right_arithmetic3A_664 : vector<16xi32>
        %mul3A_666 = arith.constant 205 : i32
        %mul3A_667 = vector.broadcast %mul3A_666 : i32 to vector<16xi32>
        %mul3A_668 = arith.muli %shift_right_arithmetic3A_665, %mul3A_667 : vector<16xi32>
        %shift_right_arithmetic3A_669 = arith.constant 12 : i32
        %shift_right_arithmetic3A_670 = vector.broadcast %shift_right_arithmetic3A_669 : i32 to vector<16xi32>
        %shift_right_arithmetic3A_671 = arith.shrsi %mul3A_668, %shift_right_arithmetic3A_670 : vector<16xi32>
        %broadcast_in_dim3A_672 = arith.constant true
        %broadcast_in_dim3A_673 = vector.broadcast %broadcast_in_dim3A_672 : i1 to vector<16xi1>
        %unique3A_674, %unique3A_675 = tpu.scan_count mask(%broadcast_in_dim3A_673 : vector<16xi1>) value(%shift_right_arithmetic3A_671 : vector<16xi32>) : vector<16xi1>, vector<16xi32>
        %gather3A_676 = tpu.vector_load_idx %arg12[%shift_right_arithmetic3A_671] : memref<64xi32, #tpu.memory_space<vmem>>[vector<16xi32>], vector<16xi32>,
        %mul3A_677 = arith.constant 16 : i32
        %mul3A_678 = arith.muli %add3A_655, %mul3A_677 : i32
        %broadcast_in_dim3A_679 = vector.broadcast %mul3A_678 : i32 to vector<16xi32>
        %add3A_680 = arith.addi %broadcast_in_dim3A_679, %iota3A : vector<16xi32>
        %add3A_681 = arith.addi %gather3A_676, %unique3A_675 : vector<16xi32>
        %sub3A_682 = arith.constant 1 : i32
        %sub3A_683 = vector.broadcast %sub3A_682 : i32 to vector<16xi32>
        %sub3A_684 = arith.subi %add3A_681, %sub3A_683 : vector<16xi32>
        %shift_left3A_685 = arith.constant 17 : i32
        %shift_left3A_686 = vector.broadcast %shift_left3A_685 : i32 to vector<16xi32>
        %shift_left3A_687 = arith.shli %add3A_680, %shift_left3A_686 : vector<16xi32>
        %or3A_688 = arith.ori %shift_left3A_687, %add3A_662 : vector<16xi32>
        tpu.vector_store_idx %arg9[%sub3A_684], %or3A_688 : memref<12288xi32, #tpu.memory_space<vmem>>[vector<16xi32>], vector<16xi32>,
        tpu.vector_store_idx %arg12[%shift_right_arithmetic3A_671], %unique3A_675 masked %unique3A_674 {add = true} : memref<64xi32, #tpu.memory_space<vmem>>[vector<16xi32>], vector<16xi32>, vector<16xi1>
        %mul3A_689 = arith.constant 8 : i32
        %mul3A_690 = arith.muli %scan3A_509, %mul3A_689 : i32
        %add3A_691 = arith.constant 5 : i32
        %add3A_692 = arith.addi %mul3A_690, %add3A_691 : i32
        %mul3A_693 = arith.constant 16 : i32
        %mul3A_694 = arith.muli %add3A_692, %mul3A_693 : i32
        %get3A_695 = arith.index_cast %mul3A_694 : i32 to index
        %get3A_696 = tpu.vector_load %arg5[%get3A_695] {strides = array<i32>} : memref<8192xf32, #tpu.memory_space<vmem>>, vector<16xf32>,
        %bitcast3A_697 = vector.bitcast %get3A_696 : vector<16xf32> to vector<16xi32>
        %add3A_698 = vector.broadcast %sub3A_322 : i32 to vector<16xi32>
        %add3A_699 = arith.addi %bitcast3A_697, %add3A_698 : vector<16xi32>
        %shift_right_arithmetic3A_700 = arith.constant 7 : i32
        %shift_right_arithmetic3A_701 = vector.broadcast %shift_right_arithmetic3A_700 : i32 to vector<16xi32>
        %shift_right_arithmetic3A_702 = arith.shrsi %add3A_699, %shift_right_arithmetic3A_701 : vector<16xi32>
        %mul3A_703 = arith.constant 205 : i32
        %mul3A_704 = vector.broadcast %mul3A_703 : i32 to vector<16xi32>
        %mul3A_705 = arith.muli %shift_right_arithmetic3A_702, %mul3A_704 : vector<16xi32>
        %shift_right_arithmetic3A_706 = arith.constant 12 : i32
        %shift_right_arithmetic3A_707 = vector.broadcast %shift_right_arithmetic3A_706 : i32 to vector<16xi32>
        %shift_right_arithmetic3A_708 = arith.shrsi %mul3A_705, %shift_right_arithmetic3A_707 : vector<16xi32>
        %broadcast_in_dim3A_709 = arith.constant true
        %broadcast_in_dim3A_710 = vector.broadcast %broadcast_in_dim3A_709 : i1 to vector<16xi1>
        %unique3A_711, %unique3A_712 = tpu.scan_count mask(%broadcast_in_dim3A_710 : vector<16xi1>) value(%shift_right_arithmetic3A_708 : vector<16xi32>) : vector<16xi1>, vector<16xi32>
        %gather3A_713 = tpu.vector_load_idx %arg12[%shift_right_arithmetic3A_708] : memref<64xi32, #tpu.memory_space<vmem>>[vector<16xi32>], vector<16xi32>,
        %mul3A_714 = arith.constant 16 : i32
        %mul3A_715 = arith.muli %add3A_692, %mul3A_714 : i32
        %broadcast_in_dim3A_716 = vector.broadcast %mul3A_715 : i32 to vector<16xi32>
        %add3A_717 = arith.addi %broadcast_in_dim3A_716, %iota3A : vector<16xi32>
        %add3A_718 = arith.addi %gather3A_713, %unique3A_712 : vector<16xi32>
        %sub3A_719 = arith.constant 1 : i32
        %sub3A_720 = vector.broadcast %sub3A_719 : i32 to vector<16xi32>
        %sub3A_721 = arith.subi %add3A_718, %sub3A_720 : vector<16xi32>
        %shift_left3A_722 = arith.constant 17 : i32
        %shift_left3A_723 = vector.broadcast %shift_left3A_722 : i32 to vector<16xi32>
        %shift_left3A_724 = arith.shli %add3A_717, %shift_left3A_723 : vector<16xi32>
        %or3A_725 = arith.ori %shift_left3A_724, %add3A_699 : vector<16xi32>
        tpu.vector_store_idx %arg9[%sub3A_721], %or3A_725 : memref<12288xi32, #tpu.memory_space<vmem>>[vector<16xi32>], vector<16xi32>,
        tpu.vector_store_idx %arg12[%shift_right_arithmetic3A_708], %unique3A_712 masked %unique3A_711 {add = true} : memref<64xi32, #tpu.memory_space<vmem>>[vector<16xi32>], vector<16xi32>, vector<16xi1>
        %mul3A_726 = arith.constant 8 : i32
        %mul3A_727 = arith.muli %scan3A_509, %mul3A_726 : i32
        %add3A_728 = arith.constant 6 : i32
        %add3A_729 = arith.addi %mul3A_727, %add3A_728 : i32
        %mul3A_730 = arith.constant 16 : i32
        %mul3A_731 = arith.muli %add3A_729, %mul3A_730 : i32
        %get3A_732 = arith.index_cast %mul3A_731 : i32 to index
        %get3A_733 = tpu.vector_load %arg5[%get3A_732] {strides = array<i32>} : memref<8192xf32, #tpu.memory_space<vmem>>, vector<16xf32>,
        %bitcast3A_734 = vector.bitcast %get3A_733 : vector<16xf32> to vector<16xi32>
        %add3A_735 = vector.broadcast %sub3A_322 : i32 to vector<16xi32>
        %add3A_736 = arith.addi %bitcast3A_734, %add3A_735 : vector<16xi32>
        %shift_right_arithmetic3A_737 = arith.constant 7 : i32
        %shift_right_arithmetic3A_738 = vector.broadcast %shift_right_arithmetic3A_737 : i32 to vector<16xi32>
        %shift_right_arithmetic3A_739 = arith.shrsi %add3A_736, %shift_right_arithmetic3A_738 : vector<16xi32>
        %mul3A_740 = arith.constant 205 : i32
        %mul3A_741 = vector.broadcast %mul3A_740 : i32 to vector<16xi32>
        %mul3A_742 = arith.muli %shift_right_arithmetic3A_739, %mul3A_741 : vector<16xi32>
        %shift_right_arithmetic3A_743 = arith.constant 12 : i32
        %shift_right_arithmetic3A_744 = vector.broadcast %shift_right_arithmetic3A_743 : i32 to vector<16xi32>
        %shift_right_arithmetic3A_745 = arith.shrsi %mul3A_742, %shift_right_arithmetic3A_744 : vector<16xi32>
        %broadcast_in_dim3A_746 = arith.constant true
        %broadcast_in_dim3A_747 = vector.broadcast %broadcast_in_dim3A_746 : i1 to vector<16xi1>
        %unique3A_748, %unique3A_749 = tpu.scan_count mask(%broadcast_in_dim3A_747 : vector<16xi1>) value(%shift_right_arithmetic3A_745 : vector<16xi32>) : vector<16xi1>, vector<16xi32>
        %gather3A_750 = tpu.vector_load_idx %arg12[%shift_right_arithmetic3A_745] : memref<64xi32, #tpu.memory_space<vmem>>[vector<16xi32>], vector<16xi32>,
        %mul3A_751 = arith.constant 16 : i32
        %mul3A_752 = arith.muli %add3A_729, %mul3A_751 : i32
        %broadcast_in_dim3A_753 = vector.broadcast %mul3A_752 : i32 to vector<16xi32>
        %add3A_754 = arith.addi %broadcast_in_dim3A_753, %iota3A : vector<16xi32>
        %add3A_755 = arith.addi %gather3A_750, %unique3A_749 : vector<16xi32>
        %sub3A_756 = arith.constant 1 : i32
        %sub3A_757 = vector.broadcast %sub3A_756 : i32 to vector<16xi32>
        %sub3A_758 = arith.subi %add3A_755, %sub3A_757 : vector<16xi32>
        %shift_left3A_759 = arith.constant 17 : i32
        %shift_left3A_760 = vector.broadcast %shift_left3A_759 : i32 to vector<16xi32>
        %shift_left3A_761 = arith.shli %add3A_754, %shift_left3A_760 : vector<16xi32>
        %or3A_762 = arith.ori %shift_left3A_761, %add3A_736 : vector<16xi32>
        tpu.vector_store_idx %arg9[%sub3A_758], %or3A_762 : memref<12288xi32, #tpu.memory_space<vmem>>[vector<16xi32>], vector<16xi32>,
        tpu.vector_store_idx %arg12[%shift_right_arithmetic3A_745], %unique3A_749 masked %unique3A_748 {add = true} : memref<64xi32, #tpu.memory_space<vmem>>[vector<16xi32>], vector<16xi32>, vector<16xi1>
        %mul3A_763 = arith.constant 8 : i32
        %mul3A_764 = arith.muli %scan3A_509, %mul3A_763 : i32
        %add3A_765 = arith.constant 7 : i32
        %add3A_766 = arith.addi %mul3A_764, %add3A_765 : i32
        %mul3A_767 = arith.constant 16 : i32
        %mul3A_768 = arith.muli %add3A_766, %mul3A_767 : i32
        %get3A_769 = arith.index_cast %mul3A_768 : i32 to index
        %get3A_770 = tpu.vector_load %arg5[%get3A_769] {strides = array<i32>} : memref<8192xf32, #tpu.memory_space<vmem>>, vector<16xf32>,
        %bitcast3A_771 = vector.bitcast %get3A_770 : vector<16xf32> to vector<16xi32>
        %add3A_772 = vector.broadcast %sub3A_322 : i32 to vector<16xi32>
        %add3A_773 = arith.addi %bitcast3A_771, %add3A_772 : vector<16xi32>
        %shift_right_arithmetic3A_774 = arith.constant 7 : i32
        %shift_right_arithmetic3A_775 = vector.broadcast %shift_right_arithmetic3A_774 : i32 to vector<16xi32>
        %shift_right_arithmetic3A_776 = arith.shrsi %add3A_773, %shift_right_arithmetic3A_775 : vector<16xi32>
        %mul3A_777 = arith.constant 205 : i32
        %mul3A_778 = vector.broadcast %mul3A_777 : i32 to vector<16xi32>
        %mul3A_779 = arith.muli %shift_right_arithmetic3A_776, %mul3A_778 : vector<16xi32>
        %shift_right_arithmetic3A_780 = arith.constant 12 : i32
        %shift_right_arithmetic3A_781 = vector.broadcast %shift_right_arithmetic3A_780 : i32 to vector<16xi32>
        %shift_right_arithmetic3A_782 = arith.shrsi %mul3A_779, %shift_right_arithmetic3A_781 : vector<16xi32>
        %broadcast_in_dim3A_783 = arith.constant true
        %broadcast_in_dim3A_784 = vector.broadcast %broadcast_in_dim3A_783 : i1 to vector<16xi1>
        %unique3A_785, %unique3A_786 = tpu.scan_count mask(%broadcast_in_dim3A_784 : vector<16xi1>) value(%shift_right_arithmetic3A_782 : vector<16xi32>) : vector<16xi1>, vector<16xi32>
        %gather3A_787 = tpu.vector_load_idx %arg12[%shift_right_arithmetic3A_782] : memref<64xi32, #tpu.memory_space<vmem>>[vector<16xi32>], vector<16xi32>,
        %mul3A_788 = arith.constant 16 : i32
        %mul3A_789 = arith.muli %add3A_766, %mul3A_788 : i32
        %broadcast_in_dim3A_790 = vector.broadcast %mul3A_789 : i32 to vector<16xi32>
        %add3A_791 = arith.addi %broadcast_in_dim3A_790, %iota3A : vector<16xi32>
        %add3A_792 = arith.addi %gather3A_787, %unique3A_786 : vector<16xi32>
        %sub3A_793 = arith.constant 1 : i32
        %sub3A_794 = vector.broadcast %sub3A_793 : i32 to vector<16xi32>
        %sub3A_795 = arith.subi %add3A_792, %sub3A_794 : vector<16xi32>
        %shift_left3A_796 = arith.constant 17 : i32
        %shift_left3A_797 = vector.broadcast %shift_left3A_796 : i32 to vector<16xi32>
        %shift_left3A_798 = arith.shli %add3A_791, %shift_left3A_797 : vector<16xi32>
        %or3A_799 = arith.ori %shift_left3A_798, %add3A_773 : vector<16xi32>
        tpu.vector_store_idx %arg9[%sub3A_795], %or3A_799 : memref<12288xi32, #tpu.memory_space<vmem>>[vector<16xi32>], vector<16xi32>,
        tpu.vector_store_idx %arg12[%shift_right_arithmetic3A_782], %unique3A_786 masked %unique3A_785 {add = true} : memref<64xi32, #tpu.memory_space<vmem>>[vector<16xi32>], vector<16xi32>, vector<16xi1>
      }
      %scan3A_358 = arith.constant 64 : i32
      %multiple_of3A_359 = arith.constant 0 : i32
      %multiple_of3A_360 = tpu.assume_multiple %multiple_of3A_359, 8 : i32
      %scan3A_361 = arith.constant 0 : i32
      %scan3A_362 = arith.constant 0 : i32
      %scan3A_363 = arith.constant 20 : i32
      %scan3A_364 = arith.addi %scan3A_362, %scan3A_363 : i32
      %scan3A_365 = arith.constant 1 : i32
      scf.for %scan3A_509 = %scan3A_362 to %scan3A_364 step %scan3A_365  : i32 {
        %mul3A_510 = arith.constant 2 : i32
        %mul3A_511 = arith.muli %scan3A_509, %mul3A_510 : i32
        %add3A_512 = arith.constant 1 : i32
        %add3A_513 = arith.addi %mul3A_511, %add3A_512 : i32
        %mul3A_514 = arith.constant 2560 : i32
        %mul3A_515 = arith.muli %add3A_513, %mul3A_514 : i32
        %add3A_516 = arith.addi %multiple_of3A_319, %mul3A_515 : i32
        %dma_start3A_517 = tpu.memref_slice %arg3[%multiple_of3A_360, %add3A_516] : memref<16x2600000xf32, #tpu.memory_space<hbm>> -> memref<8x2560xf32, #tpu.memory_space<hbm>>
        %dma_start3A_518 = tpu.memref_slice %arg3[%multiple_of3A_360, %add3A_516] : memref<16x2600000xf32, #tpu.memory_space<hbm>> -> memref<8x2560xf32, #tpu.memory_space<hbm>>
        tpu.enqueue_dma source(%dma_start3A_518 : memref<8x2560xf32, #tpu.memory_space<hbm>>) target(%arg7 : memref<8x2560xf32, #tpu.memory_space<vmem>>) target_semaphore(%arg14 : memref<!tpu.dma_semaphore, #tpu.memory_space<semaphore_mem>>)
        %dma_wait3A_519 = tpu.memref_slice %arg3[%multiple_of3A_360, %multiple_of3A_319] : memref<16x2600000xf32, #tpu.memory_space<hbm>> -> memref<8x2560xf32, #tpu.memory_space<hbm>>
        %dma_wait3A_520 = tpu.memref_slice %arg3[%multiple_of3A_360, %multiple_of3A_319] : memref<16x2600000xf32, #tpu.memory_space<hbm>> -> memref<8x2560xf32, #tpu.memory_space<hbm>>
        tpu.wait_dma2 semaphore(%arg13 : memref<!tpu.dma_semaphore, #tpu.memory_space<semaphore_mem>>) src(%dma_wait3A_520 : memref<8x2560xf32, #tpu.memory_space<hbm>>) dst(%arg6 : memref<8x2560xf32, #tpu.memory_space<vmem>>)
        %broadcast_in_dim3A_521 = vector.broadcast %mul3A_511 : i32 to vector<16xi32>
        %gather3A_522 = tpu.vector_load_idx %arg11[%broadcast_in_dim3A_521] : memref<64xi32, #tpu.memory_space<vmem>>[vector<16xi32>], vector<16xi32>,
        %reduce_max3A_523 = arith.constant true
        %reduce_max3A_524 = vector.broadcast %reduce_max3A_523 : i1 to vector<16xi1>
        %reduce_max3A_525 = arith.constant -2147483648 : i32
        %reduce_max3A_526 = vector.broadcast %reduce_max3A_525 : i32 to vector<16xi32>
        %reduce_max3A_527 = arith.xori %gather3A_522, %reduce_max3A_526 : vector<16xi32>
        %reduce_max3A_528 = tpu.scan <max>, %reduce_max3A_527 masked %reduce_max3A_524 : vector<16xi32>, vector<16xi1> -> vector<16xi32>
        %reduce_max3A_529 = arith.xori %reduce_max3A_528, %reduce_max3A_526 : vector<16xi32>
        %reduce_max3A_530 = vector.extract %reduce_max3A_529[15] : i32 from vector<16xi32>
        %broadcast_in_dim3A_531 = vector.broadcast %mul3A_511 : i32 to vector<16xi32>
        %gather3A_532 = tpu.vector_load_idx %arg12[%broadcast_in_dim3A_531] : memref<64xi32, #tpu.memory_space<vmem>>[vector<16xi32>], vector<16xi32>,
        %reduce_max3A_533 = arith.constant true
        %reduce_max3A_534 = vector.broadcast %reduce_max3A_533 : i1 to vector<16xi1>
        %reduce_max3A_535 = arith.constant -2147483648 : i32
        %reduce_max3A_536 = vector.broadcast %reduce_max3A_535 : i32 to vector<16xi32>
        %reduce_max3A_537 = arith.xori %gather3A_532, %reduce_max3A_536 : vector<16xi32>
        %reduce_max3A_538 = tpu.scan <max>, %reduce_max3A_537 masked %reduce_max3A_534 : vector<16xi32>, vector<16xi1> -> vector<16xi32>
        %reduce_max3A_539 = arith.xori %reduce_max3A_538, %reduce_max3A_536 : vector<16xi32>
        %reduce_max3A_540 = vector.extract %reduce_max3A_539[15] : i32 from vector<16xi32>
        %mul3A_541 = arith.constant 2560 : i32
        %mul3A_542 = arith.muli %mul3A_511, %mul3A_541 : i32
        %sub3A_543 = arith.subi %reduce_max3A_540, %reduce_max3A_530 : i32
        %add3A_544 = arith.constant 16 : i32
        %add3A_545 = arith.addi %sub3A_543, %add3A_544 : i32
        %sub3A_546 = arith.constant 1 : i32
        %sub3A_547 = arith.subi %add3A_545, %sub3A_546 : i32
        %jit3A_548 = arith.constant 16 : i32
        %div3A_549 = arith.divsi %sub3A_547, %jit3A_548 : i32
        %sign3A_550 = arith.constant 0 : i32
        %sign3A_551 = arith.cmpi sgt, %sub3A_547, %sign3A_550 : i32
        %sign3A_552 = arith.extui %sign3A_551 : i1 to i32
        %sign3A_553 = arith.constant 0 : i32
        %sign3A_554 = arith.cmpi slt, %sub3A_547, %sign3A_553 : i32
        %sign3A_555 = arith.extui %sign3A_554 : i1 to i32
        %sign3A_556 = arith.subi %sign3A_552, %sign3A_555 : i32
        %sign3A_557 = arith.constant 0 : i32
        %sign3A_558 = arith.cmpi sgt, %jit3A_548, %sign3A_557 : i32
        %sign3A_559 = arith.extui %sign3A_558 : i1 to i32
        %sign3A_560 = arith.constant 0 : i32
        %sign3A_561 = arith.cmpi slt, %jit3A_548, %sign3A_560 : i32
        %sign3A_562 = arith.extui %sign3A_561 : i1 to i32
        %sign3A_563 = arith.subi %sign3A_559, %sign3A_562 : i32
        %ne3A_564 = arith.cmpi ne, %sign3A_556, %sign3A_563 : i32
        %rem3A_565 = arith.remsi %sub3A_547, %jit3A_548 : i32
        %ne3A_566 = arith.constant 0 : i32
        %ne3A_567 = arith.cmpi ne, %rem3A_565, %ne3A_566 : i32
        %and3A_568 = arith.andi %ne3A_564, %ne3A_567 : i1
        %sub3A_569 = arith.constant 1 : i32
        %sub3A_570 = arith.subi %div3A_549, %sub3A_569 : i32
        %select_n3A_571 = arith.select %and3A_568, %sub3A_570, %div3A_549 : i32
        %while3A_572 = arith.constant 0 : i32
        %while3A_573 = arith.constant 0 : i32
        %while3A_574 = arith.subi %select_n3A_571, %while3A_573 : i32
        %while3A_575 = arith.addi %while3A_573, %while3A_574 : i32
        %while3A_576 = arith.constant 1 : i32
        %while3A_577 = arith.divsi %while3A_574, %while3A_576 : i32
        %while3A_578 = arith.muli %while3A_577, %while3A_576 : i32
        %while3A_579 = arith.addi %while3A_573, %while3A_578 : i32
        %while3A_580 = arith.constant 1 : i32
        scf.for %while3A_654 = %while3A_573 to %while3A_579 step %while3A_580  : i32 {
          %mul3A_655 = arith.constant 16 : i32
          %mul3A_656 = arith.muli %while3A_654, %mul3A_655 : i32
          %add3A_657 = arith.addi %reduce_max3A_530, %mul3A_656 : i32
          %get3A = arith.index_cast %add3A_657 : i32 to index
          %get3A_658 = tpu.vector_load %arg9[%get3A] {strides = array<i32>} : memref<12288xi32, #tpu.memory_space<vmem>>, vector<16xi32>,
          %add3A_659 = vector.broadcast %add3A_657 : i32 to vector<16xi32>
          %add3A_660 = arith.addi %add3A_659, %iota3A : vector<16xi32>
          %lt3A_661 = vector.broadcast %reduce_max3A_540 : i32 to vector<16xi32>
          %lt3A_662 = arith.cmpi slt, %add3A_660, %lt3A_661 : vector<16xi32>
          %and3A_663 = arith.constant 131071 : i32
          %and3A_664 = vector.broadcast %and3A_663 : i32 to vector<16xi32>
          %and3A_665 = arith.andi %get3A_658, %and3A_664 : vector<16xi32>
          %sub3A_666 = vector.broadcast %mul3A_542 : i32 to vector<16xi32>
          %sub3A_667 = arith.subi %and3A_665, %sub3A_666 : vector<16xi32>
          %shift_right_logical3A = arith.constant 17 : i32
          %shift_right_logical3A_668 = vector.broadcast %shift_right_logical3A : i32 to vector<16xi32>
          %shift_right_logical3A_669 = arith.shrui %get3A_658, %shift_right_logical3A_668 : vector<16xi32>
          %broadcast_in_dim3A_670 = arith.constant 0 : i32
          %broadcast_in_dim3A_671 = vector.broadcast %broadcast_in_dim3A_670 : i32 to vector<16xi32>
          %gather3A_672 = tpu.vector_load_idx %arg6[%broadcast_in_dim3A_671, %sub3A_667] masked %lt3A_662 : memref<8x2560xf32, #tpu.memory_space<vmem>>[vector<16xi32>, vector<16xi32>], vector<16xf32>, vector<16xi1>
          %broadcast_in_dim3A_673 = arith.constant 0 : i32
          %broadcast_in_dim3A_674 = vector.broadcast %broadcast_in_dim3A_673 : i32 to vector<16xi32>
          tpu.vector_store_idx %arg8[%broadcast_in_dim3A_674, %shift_right_logical3A_669], %gather3A_672 masked %lt3A_662 : memref<8x8192xf32, #tpu.memory_space<vmem>>[vector<16xi32>, vector<16xi32>], vector<16xf32>, vector<16xi1>
          %broadcast_in_dim3A_675 = arith.constant 1 : i32
          %broadcast_in_dim3A_676 = vector.broadcast %broadcast_in_dim3A_675 : i32 to vector<16xi32>
          %gather3A_677 = tpu.vector_load_idx %arg6[%broadcast_in_dim3A_676, %sub3A_667] masked %lt3A_662 : memref<8x2560xf32, #tpu.memory_space<vmem>>[vector<16xi32>, vector<16xi32>], vector<16xf32>, vector<16xi1>
          %broadcast_in_dim3A_678 = arith.constant 1 : i32
          %broadcast_in_dim3A_679 = vector.broadcast %broadcast_in_dim3A_678 : i32 to vector<16xi32>
          tpu.vector_store_idx %arg8[%broadcast_in_dim3A_679, %shift_right_logical3A_669], %gather3A_677 masked %lt3A_662 : memref<8x8192xf32, #tpu.memory_space<vmem>>[vector<16xi32>, vector<16xi32>], vector<16xf32>, vector<16xi1>
          %broadcast_in_dim3A_680 = arith.constant 2 : i32
          %broadcast_in_dim3A_681 = vector.broadcast %broadcast_in_dim3A_680 : i32 to vector<16xi32>
          %gather3A_682 = tpu.vector_load_idx %arg6[%broadcast_in_dim3A_681, %sub3A_667] masked %lt3A_662 : memref<8x2560xf32, #tpu.memory_space<vmem>>[vector<16xi32>, vector<16xi32>], vector<16xf32>, vector<16xi1>
          %broadcast_in_dim3A_683 = arith.constant 2 : i32
          %broadcast_in_dim3A_684 = vector.broadcast %broadcast_in_dim3A_683 : i32 to vector<16xi32>
          tpu.vector_store_idx %arg8[%broadcast_in_dim3A_684, %shift_right_logical3A_669], %gather3A_682 masked %lt3A_662 : memref<8x8192xf32, #tpu.memory_space<vmem>>[vector<16xi32>, vector<16xi32>], vector<16xf32>, vector<16xi1>
          %broadcast_in_dim3A_685 = arith.constant 3 : i32
          %broadcast_in_dim3A_686 = vector.broadcast %broadcast_in_dim3A_685 : i32 to vector<16xi32>
          %gather3A_687 = tpu.vector_load_idx %arg6[%broadcast_in_dim3A_686, %sub3A_667] masked %lt3A_662 : memref<8x2560xf32, #tpu.memory_space<vmem>>[vector<16xi32>, vector<16xi32>], vector<16xf32>, vector<16xi1>
          %broadcast_in_dim3A_688 = arith.constant 3 : i32
          %broadcast_in_dim3A_689 = vector.broadcast %broadcast_in_dim3A_688 : i32 to vector<16xi32>
          tpu.vector_store_idx %arg8[%broadcast_in_dim3A_689, %shift_right_logical3A_669], %gather3A_687 masked %lt3A_662 : memref<8x8192xf32, #tpu.memory_space<vmem>>[vector<16xi32>, vector<16xi32>], vector<16xf32>, vector<16xi1>
          %broadcast_in_dim3A_690 = arith.constant 4 : i32
          %broadcast_in_dim3A_691 = vector.broadcast %broadcast_in_dim3A_690 : i32 to vector<16xi32>
          %gather3A_692 = tpu.vector_load_idx %arg6[%broadcast_in_dim3A_691, %sub3A_667] masked %lt3A_662 : memref<8x2560xf32, #tpu.memory_space<vmem>>[vector<16xi32>, vector<16xi32>], vector<16xf32>, vector<16xi1>
          %broadcast_in_dim3A_693 = arith.constant 4 : i32
          %broadcast_in_dim3A_694 = vector.broadcast %broadcast_in_dim3A_693 : i32 to vector<16xi32>
          tpu.vector_store_idx %arg8[%broadcast_in_dim3A_694, %shift_right_logical3A_669], %gather3A_692 masked %lt3A_662 : memref<8x8192xf32, #tpu.memory_space<vmem>>[vector<16xi32>, vector<16xi32>], vector<16xf32>, vector<16xi1>
          %broadcast_in_dim3A_695 = arith.constant 5 : i32
          %broadcast_in_dim3A_696 = vector.broadcast %broadcast_in_dim3A_695 : i32 to vector<16xi32>
          %gather3A_697 = tpu.vector_load_idx %arg6[%broadcast_in_dim3A_696, %sub3A_667] masked %lt3A_662 : memref<8x2560xf32, #tpu.memory_space<vmem>>[vector<16xi32>, vector<16xi32>], vector<16xf32>, vector<16xi1>
          %broadcast_in_dim3A_698 = arith.constant 5 : i32
          %broadcast_in_dim3A_699 = vector.broadcast %broadcast_in_dim3A_698 : i32 to vector<16xi32>
          tpu.vector_store_idx %arg8[%broadcast_in_dim3A_699, %shift_right_logical3A_669], %gather3A_697 masked %lt3A_662 : memref<8x8192xf32, #tpu.memory_space<vmem>>[vector<16xi32>, vector<16xi32>], vector<16xf32>, vector<16xi1>
          %broadcast_in_dim3A_700 = arith.constant 6 : i32
          %broadcast_in_dim3A_701 = vector.broadcast %broadcast_in_dim3A_700 : i32 to vector<16xi32>
          %gather3A_702 = tpu.vector_load_idx %arg6[%broadcast_in_dim3A_701, %sub3A_667] masked %lt3A_662 : memref<8x2560xf32, #tpu.memory_space<vmem>>[vector<16xi32>, vector<16xi32>], vector<16xf32>, vector<16xi1>
          %broadcast_in_dim3A_703 = arith.constant 6 : i32
          %broadcast_in_dim3A_704 = vector.broadcast %broadcast_in_dim3A_703 : i32 to vector<16xi32>
          tpu.vector_store_idx %arg8[%broadcast_in_dim3A_704, %shift_right_logical3A_669], %gather3A_702 masked %lt3A_662 : memref<8x8192xf32, #tpu.memory_space<vmem>>[vector<16xi32>, vector<16xi32>], vector<16xf32>, vector<16xi1>
          %broadcast_in_dim3A_705 = arith.constant 7 : i32
          %broadcast_in_dim3A_706 = vector.broadcast %broadcast_in_dim3A_705 : i32 to vector<16xi32>
          %gather3A_707 = tpu.vector_load_idx %arg6[%broadcast_in_dim3A_706, %sub3A_667] masked %lt3A_662 : memref<8x2560xf32, #tpu.memory_space<vmem>>[vector<16xi32>, vector<16xi32>], vector<16xf32>, vector<16xi1>
          %broadcast_in_dim3A_708 = arith.constant 7 : i32
          %broadcast_in_dim3A_709 = vector.broadcast %broadcast_in_dim3A_708 : i32 to vector<16xi32>
          tpu.vector_store_idx %arg8[%broadcast_in_dim3A_709, %shift_right_logical3A_669], %gather3A_707 masked %lt3A_662 : memref<8x8192xf32, #tpu.memory_space<vmem>>[vector<16xi32>, vector<16xi32>], vector<16xf32>, vector<16xi1>
        }
        %while3A_581 = arith.constant 1 : i32
        scf.for %while3A_654 = %while3A_579 to %while3A_575 step %while3A_581  : i32 {
          %mul3A_655 = arith.constant 16 : i32
          %mul3A_656 = arith.muli %while3A_654, %mul3A_655 : i32
          %add3A_657 = arith.addi %reduce_max3A_530, %mul3A_656 : i32
          %get3A = arith.index_cast %add3A_657 : i32 to index
          %get3A_658 = tpu.vector_load %arg9[%get3A] {strides = array<i32>} : memref<12288xi32, #tpu.memory_space<vmem>>, vector<16xi32>,
          %add3A_659 = vector.broadcast %add3A_657 : i32 to vector<16xi32>
          %add3A_660 = arith.addi %add3A_659, %iota3A : vector<16xi32>
          %lt3A_661 = vector.broadcast %reduce_max3A_540 : i32 to vector<16xi32>
          %lt3A_662 = arith.cmpi slt, %add3A_660, %lt3A_661 : vector<16xi32>
          %and3A_663 = arith.constant 131071 : i32
          %and3A_664 = vector.broadcast %and3A_663 : i32 to vector<16xi32>
          %and3A_665 = arith.andi %get3A_658, %and3A_664 : vector<16xi32>
          %sub3A_666 = vector.broadcast %mul3A_542 : i32 to vector<16xi32>
          %sub3A_667 = arith.subi %and3A_665, %sub3A_666 : vector<16xi32>
          %shift_right_logical3A = arith.constant 17 : i32
          %shift_right_logical3A_668 = vector.broadcast %shift_right_logical3A : i32 to vector<16xi32>
          %shift_right_logical3A_669 = arith.shrui %get3A_658, %shift_right_logical3A_668 : vector<16xi32>
          %broadcast_in_dim3A_670 = arith.constant 0 : i32
          %broadcast_in_dim3A_671 = vector.broadcast %broadcast_in_dim3A_670 : i32 to vector<16xi32>
          %gather3A_672 = tpu.vector_load_idx %arg6[%broadcast_in_dim3A_671, %sub3A_667] masked %lt3A_662 : memref<8x2560xf32, #tpu.memory_space<vmem>>[vector<16xi32>, vector<16xi32>], vector<16xf32>, vector<16xi1>
          %broadcast_in_dim3A_673 = arith.constant 0 : i32
          %broadcast_in_dim3A_674 = vector.broadcast %broadcast_in_dim3A_673 : i32 to vector<16xi32>
          tpu.vector_store_idx %arg8[%broadcast_in_dim3A_674, %shift_right_logical3A_669], %gather3A_672 masked %lt3A_662 : memref<8x8192xf32, #tpu.memory_space<vmem>>[vector<16xi32>, vector<16xi32>], vector<16xf32>, vector<16xi1>
          %broadcast_in_dim3A_675 = arith.constant 1 : i32
          %broadcast_in_dim3A_676 = vector.broadcast %broadcast_in_dim3A_675 : i32 to vector<16xi32>
          %gather3A_677 = tpu.vector_load_idx %arg6[%broadcast_in_dim3A_676, %sub3A_667] masked %lt3A_662 : memref<8x2560xf32, #tpu.memory_space<vmem>>[vector<16xi32>, vector<16xi32>], vector<16xf32>, vector<16xi1>
          %broadcast_in_dim3A_678 = arith.constant 1 : i32
          %broadcast_in_dim3A_679 = vector.broadcast %broadcast_in_dim3A_678 : i32 to vector<16xi32>
          tpu.vector_store_idx %arg8[%broadcast_in_dim3A_679, %shift_right_logical3A_669], %gather3A_677 masked %lt3A_662 : memref<8x8192xf32, #tpu.memory_space<vmem>>[vector<16xi32>, vector<16xi32>], vector<16xf32>, vector<16xi1>
          %broadcast_in_dim3A_680 = arith.constant 2 : i32
          %broadcast_in_dim3A_681 = vector.broadcast %broadcast_in_dim3A_680 : i32 to vector<16xi32>
          %gather3A_682 = tpu.vector_load_idx %arg6[%broadcast_in_dim3A_681, %sub3A_667] masked %lt3A_662 : memref<8x2560xf32, #tpu.memory_space<vmem>>[vector<16xi32>, vector<16xi32>], vector<16xf32>, vector<16xi1>
          %broadcast_in_dim3A_683 = arith.constant 2 : i32
          %broadcast_in_dim3A_684 = vector.broadcast %broadcast_in_dim3A_683 : i32 to vector<16xi32>
          tpu.vector_store_idx %arg8[%broadcast_in_dim3A_684, %shift_right_logical3A_669], %gather3A_682 masked %lt3A_662 : memref<8x8192xf32, #tpu.memory_space<vmem>>[vector<16xi32>, vector<16xi32>], vector<16xf32>, vector<16xi1>
          %broadcast_in_dim3A_685 = arith.constant 3 : i32
          %broadcast_in_dim3A_686 = vector.broadcast %broadcast_in_dim3A_685 : i32 to vector<16xi32>
          %gather3A_687 = tpu.vector_load_idx %arg6[%broadcast_in_dim3A_686, %sub3A_667] masked %lt3A_662 : memref<8x2560xf32, #tpu.memory_space<vmem>>[vector<16xi32>, vector<16xi32>], vector<16xf32>, vector<16xi1>
          %broadcast_in_dim3A_688 = arith.constant 3 : i32
          %broadcast_in_dim3A_689 = vector.broadcast %broadcast_in_dim3A_688 : i32 to vector<16xi32>
          tpu.vector_store_idx %arg8[%broadcast_in_dim3A_689, %shift_right_logical3A_669], %gather3A_687 masked %lt3A_662 : memref<8x8192xf32, #tpu.memory_space<vmem>>[vector<16xi32>, vector<16xi32>], vector<16xf32>, vector<16xi1>
          %broadcast_in_dim3A_690 = arith.constant 4 : i32
          %broadcast_in_dim3A_691 = vector.broadcast %broadcast_in_dim3A_690 : i32 to vector<16xi32>
          %gather3A_692 = tpu.vector_load_idx %arg6[%broadcast_in_dim3A_691, %sub3A_667] masked %lt3A_662 : memref<8x2560xf32, #tpu.memory_space<vmem>>[vector<16xi32>, vector<16xi32>], vector<16xf32>, vector<16xi1>
          %broadcast_in_dim3A_693 = arith.constant 4 : i32
          %broadcast_in_dim3A_694 = vector.broadcast %broadcast_in_dim3A_693 : i32 to vector<16xi32>
          tpu.vector_store_idx %arg8[%broadcast_in_dim3A_694, %shift_right_logical3A_669], %gather3A_692 masked %lt3A_662 : memref<8x8192xf32, #tpu.memory_space<vmem>>[vector<16xi32>, vector<16xi32>], vector<16xf32>, vector<16xi1>
          %broadcast_in_dim3A_695 = arith.constant 5 : i32
          %broadcast_in_dim3A_696 = vector.broadcast %broadcast_in_dim3A_695 : i32 to vector<16xi32>
          %gather3A_697 = tpu.vector_load_idx %arg6[%broadcast_in_dim3A_696, %sub3A_667] masked %lt3A_662 : memref<8x2560xf32, #tpu.memory_space<vmem>>[vector<16xi32>, vector<16xi32>], vector<16xf32>, vector<16xi1>
          %broadcast_in_dim3A_698 = arith.constant 5 : i32
          %broadcast_in_dim3A_699 = vector.broadcast %broadcast_in_dim3A_698 : i32 to vector<16xi32>
          tpu.vector_store_idx %arg8[%broadcast_in_dim3A_699, %shift_right_logical3A_669], %gather3A_697 masked %lt3A_662 : memref<8x8192xf32, #tpu.memory_space<vmem>>[vector<16xi32>, vector<16xi32>], vector<16xf32>, vector<16xi1>
          %broadcast_in_dim3A_700 = arith.constant 6 : i32
          %broadcast_in_dim3A_701 = vector.broadcast %broadcast_in_dim3A_700 : i32 to vector<16xi32>
          %gather3A_702 = tpu.vector_load_idx %arg6[%broadcast_in_dim3A_701, %sub3A_667] masked %lt3A_662 : memref<8x2560xf32, #tpu.memory_space<vmem>>[vector<16xi32>, vector<16xi32>], vector<16xf32>, vector<16xi1>
          %broadcast_in_dim3A_703 = arith.constant 6 : i32
          %broadcast_in_dim3A_704 = vector.broadcast %broadcast_in_dim3A_703 : i32 to vector<16xi32>
          tpu.vector_store_idx %arg8[%broadcast_in_dim3A_704, %shift_right_logical3A_669], %gather3A_702 masked %lt3A_662 : memref<8x8192xf32, #tpu.memory_space<vmem>>[vector<16xi32>, vector<16xi32>], vector<16xf32>, vector<16xi1>
          %broadcast_in_dim3A_705 = arith.constant 7 : i32
          %broadcast_in_dim3A_706 = vector.broadcast %broadcast_in_dim3A_705 : i32 to vector<16xi32>
          %gather3A_707 = tpu.vector_load_idx %arg6[%broadcast_in_dim3A_706, %sub3A_667] masked %lt3A_662 : memref<8x2560xf32, #tpu.memory_space<vmem>>[vector<16xi32>, vector<16xi32>], vector<16xf32>, vector<16xi1>
          %broadcast_in_dim3A_708 = arith.constant 7 : i32
          %broadcast_in_dim3A_709 = vector.broadcast %broadcast_in_dim3A_708 : i32 to vector<16xi32>
          tpu.vector_store_idx %arg8[%broadcast_in_dim3A_709, %shift_right_logical3A_669], %gather3A_707 masked %lt3A_662 : memref<8x8192xf32, #tpu.memory_space<vmem>>[vector<16xi32>, vector<16xi32>], vector<16xf32>, vector<16xi1>
        }
        %add3A_582 = arith.constant 2 : i32
        %add3A_583 = arith.addi %mul3A_511, %add3A_582 : i32
        %mul3A_584 = arith.constant 2560 : i32
        %mul3A_585 = arith.muli %add3A_583, %mul3A_584 : i32
        %add3A_586 = arith.addi %multiple_of3A_319, %mul3A_585 : i32
        %dma_start3A_587 = tpu.memref_slice %arg3[%multiple_of3A_360, %add3A_586] : memref<16x2600000xf32, #tpu.memory_space<hbm>> -> memref<8x2560xf32, #tpu.memory_space<hbm>>
        %dma_start3A_588 = tpu.memref_slice %arg3[%multiple_of3A_360, %add3A_586] : memref<16x2600000xf32, #tpu.memory_space<hbm>> -> memref<8x2560xf32, #tpu.memory_space<hbm>>
        tpu.enqueue_dma source(%dma_start3A_588 : memref<8x2560xf32, #tpu.memory_space<hbm>>) target(%arg6 : memref<8x2560xf32, #tpu.memory_space<vmem>>) target_semaphore(%arg13 : memref<!tpu.dma_semaphore, #tpu.memory_space<semaphore_mem>>)
        %dma_wait3A_589 = tpu.memref_slice %arg3[%multiple_of3A_360, %multiple_of3A_319] : memref<16x2600000xf32, #tpu.memory_space<hbm>> -> memref<8x2560xf32, #tpu.memory_space<hbm>>
        %dma_wait3A_590 = tpu.memref_slice %arg3[%multiple_of3A_360, %multiple_of3A_319] : memref<16x2600000xf32, #tpu.memory_space<hbm>> -> memref<8x2560xf32, #tpu.memory_space<hbm>>
        tpu.wait_dma2 semaphore(%arg14 : memref<!tpu.dma_semaphore, #tpu.memory_space<semaphore_mem>>) src(%dma_wait3A_590 : memref<8x2560xf32, #tpu.memory_space<hbm>>) dst(%arg7 : memref<8x2560xf32, #tpu.memory_space<vmem>>)
        %add3A_591 = arith.constant 1 : i32
        %add3A_592 = arith.addi %mul3A_511, %add3A_591 : i32
        %broadcast_in_dim3A_593 = vector.broadcast %add3A_592 : i32 to vector<16xi32>
        %gather3A_594 = tpu.vector_load_idx %arg11[%broadcast_in_dim3A_593] : memref<64xi32, #tpu.memory_space<vmem>>[vector<16xi32>], vector<16xi32>,
        %reduce_max3A_595 = arith.constant true
        %reduce_max3A_596 = vector.broadcast %reduce_max3A_595 : i1 to vector<16xi1>
        %reduce_max3A_597 = arith.constant -2147483648 : i32
        %reduce_max3A_598 = vector.broadcast %reduce_max3A_597 : i32 to vector<16xi32>
        %reduce_max3A_599 = arith.xori %gather3A_594, %reduce_max3A_598 : vector<16xi32>
        %reduce_max3A_600 = tpu.scan <max>, %reduce_max3A_599 masked %reduce_max3A_596 : vector<16xi32>, vector<16xi1> -> vector<16xi32>
        %reduce_max3A_601 = arith.xori %reduce_max3A_600, %reduce_max3A_598 : vector<16xi32>
        %reduce_max3A_602 = vector.extract %reduce_max3A_601[15] : i32 from vector<16xi32>
        %broadcast_in_dim3A_603 = vector.broadcast %add3A_592 : i32 to vector<16xi32>
        %gather3A_604 = tpu.vector_load_idx %arg12[%broadcast_in_dim3A_603] : memref<64xi32, #tpu.memory_space<vmem>>[vector<16xi32>], vector<16xi32>,
        %reduce_max3A_605 = arith.constant true
        %reduce_max3A_606 = vector.broadcast %reduce_max3A_605 : i1 to vector<16xi1>
        %reduce_max3A_607 = arith.constant -2147483648 : i32
        %reduce_max3A_608 = vector.broadcast %reduce_max3A_607 : i32 to vector<16xi32>
        %reduce_max3A_609 = arith.xori %gather3A_604, %reduce_max3A_608 : vector<16xi32>
        %reduce_max3A_610 = tpu.scan <max>, %reduce_max3A_609 masked %reduce_max3A_606 : vector<16xi32>, vector<16xi1> -> vector<16xi32>
        %reduce_max3A_611 = arith.xori %reduce_max3A_610, %reduce_max3A_608 : vector<16xi32>
        %reduce_max3A_612 = vector.extract %reduce_max3A_611[15] : i32 from vector<16xi32>
        %mul3A_613 = arith.constant 2560 : i32
        %mul3A_614 = arith.muli %add3A_592, %mul3A_613 : i32
        %sub3A_615 = arith.subi %reduce_max3A_612, %reduce_max3A_602 : i32
        %add3A_616 = arith.constant 16 : i32
        %add3A_617 = arith.addi %sub3A_615, %add3A_616 : i32
        %sub3A_618 = arith.constant 1 : i32
        %sub3A_619 = arith.subi %add3A_617, %sub3A_618 : i32
        %jit3A_620 = arith.constant 16 : i32
        %div3A_621 = arith.divsi %sub3A_619, %jit3A_620 : i32
        %sign3A_622 = arith.constant 0 : i32
        %sign3A_623 = arith.cmpi sgt, %sub3A_619, %sign3A_622 : i32
        %sign3A_624 = arith.extui %sign3A_623 : i1 to i32
        %sign3A_625 = arith.constant 0 : i32
        %sign3A_626 = arith.cmpi slt, %sub3A_619, %sign3A_625 : i32
        %sign3A_627 = arith.extui %sign3A_626 : i1 to i32
        %sign3A_628 = arith.subi %sign3A_624, %sign3A_627 : i32
        %sign3A_629 = arith.constant 0 : i32
        %sign3A_630 = arith.cmpi sgt, %jit3A_620, %sign3A_629 : i32
        %sign3A_631 = arith.extui %sign3A_630 : i1 to i32
        %sign3A_632 = arith.constant 0 : i32
        %sign3A_633 = arith.cmpi slt, %jit3A_620, %sign3A_632 : i32
        %sign3A_634 = arith.extui %sign3A_633 : i1 to i32
        %sign3A_635 = arith.subi %sign3A_631, %sign3A_634 : i32
        %ne3A_636 = arith.cmpi ne, %sign3A_628, %sign3A_635 : i32
        %rem3A_637 = arith.remsi %sub3A_619, %jit3A_620 : i32
        %ne3A_638 = arith.constant 0 : i32
        %ne3A_639 = arith.cmpi ne, %rem3A_637, %ne3A_638 : i32
        %and3A_640 = arith.andi %ne3A_636, %ne3A_639 : i1
        %sub3A_641 = arith.constant 1 : i32
        %sub3A_642 = arith.subi %div3A_621, %sub3A_641 : i32
        %select_n3A_643 = arith.select %and3A_640, %sub3A_642, %div3A_621 : i32
        %while3A_644 = arith.constant 0 : i32
        %while3A_645 = arith.constant 0 : i32
        %while3A_646 = arith.subi %select_n3A_643, %while3A_645 : i32
        %while3A_647 = arith.addi %while3A_645, %while3A_646 : i32
        %while3A_648 = arith.constant 1 : i32
        %while3A_649 = arith.divsi %while3A_646, %while3A_648 : i32
        %while3A_650 = arith.muli %while3A_649, %while3A_648 : i32
        %while3A_651 = arith.addi %while3A_645, %while3A_650 : i32
        %while3A_652 = arith.constant 1 : i32
        scf.for %while3A_654 = %while3A_645 to %while3A_651 step %while3A_652  : i32 {
          %mul3A_655 = arith.constant 16 : i32
          %mul3A_656 = arith.muli %while3A_654, %mul3A_655 : i32
          %add3A_657 = arith.addi %reduce_max3A_602, %mul3A_656 : i32
          %get3A = arith.index_cast %add3A_657 : i32 to index
          %get3A_658 = tpu.vector_load %arg9[%get3A] {strides = array<i32>} : memref<12288xi32, #tpu.memory_space<vmem>>, vector<16xi32>,
          %add3A_659 = vector.broadcast %add3A_657 : i32 to vector<16xi32>
          %add3A_660 = arith.addi %add3A_659, %iota3A : vector<16xi32>
          %lt3A_661 = vector.broadcast %reduce_max3A_612 : i32 to vector<16xi32>
          %lt3A_662 = arith.cmpi slt, %add3A_660, %lt3A_661 : vector<16xi32>
          %and3A_663 = arith.constant 131071 : i32
          %and3A_664 = vector.broadcast %and3A_663 : i32 to vector<16xi32>
          %and3A_665 = arith.andi %get3A_658, %and3A_664 : vector<16xi32>
          %sub3A_666 = vector.broadcast %mul3A_614 : i32 to vector<16xi32>
          %sub3A_667 = arith.subi %and3A_665, %sub3A_666 : vector<16xi32>
          %shift_right_logical3A = arith.constant 17 : i32
          %shift_right_logical3A_668 = vector.broadcast %shift_right_logical3A : i32 to vector<16xi32>
          %shift_right_logical3A_669 = arith.shrui %get3A_658, %shift_right_logical3A_668 : vector<16xi32>
          %broadcast_in_dim3A_670 = arith.constant 0 : i32
          %broadcast_in_dim3A_671 = vector.broadcast %broadcast_in_dim3A_670 : i32 to vector<16xi32>
          %gather3A_672 = tpu.vector_load_idx %arg7[%broadcast_in_dim3A_671, %sub3A_667] masked %lt3A_662 : memref<8x2560xf32, #tpu.memory_space<vmem>>[vector<16xi32>, vector<16xi32>], vector<16xf32>, vector<16xi1>
          %broadcast_in_dim3A_673 = arith.constant 0 : i32
          %broadcast_in_dim3A_674 = vector.broadcast %broadcast_in_dim3A_673 : i32 to vector<16xi32>
          tpu.vector_store_idx %arg8[%broadcast_in_dim3A_674, %shift_right_logical3A_669], %gather3A_672 masked %lt3A_662 : memref<8x8192xf32, #tpu.memory_space<vmem>>[vector<16xi32>, vector<16xi32>], vector<16xf32>, vector<16xi1>
          %broadcast_in_dim3A_675 = arith.constant 1 : i32
          %broadcast_in_dim3A_676 = vector.broadcast %broadcast_in_dim3A_675 : i32 to vector<16xi32>
          %gather3A_677 = tpu.vector_load_idx %arg7[%broadcast_in_dim3A_676, %sub3A_667] masked %lt3A_662 : memref<8x2560xf32, #tpu.memory_space<vmem>>[vector<16xi32>, vector<16xi32>], vector<16xf32>, vector<16xi1>
          %broadcast_in_dim3A_678 = arith.constant 1 : i32
          %broadcast_in_dim3A_679 = vector.broadcast %broadcast_in_dim3A_678 : i32 to vector<16xi32>
          tpu.vector_store_idx %arg8[%broadcast_in_dim3A_679, %shift_right_logical3A_669], %gather3A_677 masked %lt3A_662 : memref<8x8192xf32, #tpu.memory_space<vmem>>[vector<16xi32>, vector<16xi32>], vector<16xf32>, vector<16xi1>
          %broadcast_in_dim3A_680 = arith.constant 2 : i32
          %broadcast_in_dim3A_681 = vector.broadcast %broadcast_in_dim3A_680 : i32 to vector<16xi32>
          %gather3A_682 = tpu.vector_load_idx %arg7[%broadcast_in_dim3A_681, %sub3A_667] masked %lt3A_662 : memref<8x2560xf32, #tpu.memory_space<vmem>>[vector<16xi32>, vector<16xi32>], vector<16xf32>, vector<16xi1>
          %broadcast_in_dim3A_683 = arith.constant 2 : i32
          %broadcast_in_dim3A_684 = vector.broadcast %broadcast_in_dim3A_683 : i32 to vector<16xi32>
          tpu.vector_store_idx %arg8[%broadcast_in_dim3A_684, %shift_right_logical3A_669], %gather3A_682 masked %lt3A_662 : memref<8x8192xf32, #tpu.memory_space<vmem>>[vector<16xi32>, vector<16xi32>], vector<16xf32>, vector<16xi1>
          %broadcast_in_dim3A_685 = arith.constant 3 : i32
          %broadcast_in_dim3A_686 = vector.broadcast %broadcast_in_dim3A_685 : i32 to vector<16xi32>
          %gather3A_687 = tpu.vector_load_idx %arg7[%broadcast_in_dim3A_686, %sub3A_667] masked %lt3A_662 : memref<8x2560xf32, #tpu.memory_space<vmem>>[vector<16xi32>, vector<16xi32>], vector<16xf32>, vector<16xi1>
          %broadcast_in_dim3A_688 = arith.constant 3 : i32
          %broadcast_in_dim3A_689 = vector.broadcast %broadcast_in_dim3A_688 : i32 to vector<16xi32>
          tpu.vector_store_idx %arg8[%broadcast_in_dim3A_689, %shift_right_logical3A_669], %gather3A_687 masked %lt3A_662 : memref<8x8192xf32, #tpu.memory_space<vmem>>[vector<16xi32>, vector<16xi32>], vector<16xf32>, vector<16xi1>
          %broadcast_in_dim3A_690 = arith.constant 4 : i32
          %broadcast_in_dim3A_691 = vector.broadcast %broadcast_in_dim3A_690 : i32 to vector<16xi32>
          %gather3A_692 = tpu.vector_load_idx %arg7[%broadcast_in_dim3A_691, %sub3A_667] masked %lt3A_662 : memref<8x2560xf32, #tpu.memory_space<vmem>>[vector<16xi32>, vector<16xi32>], vector<16xf32>, vector<16xi1>
          %broadcast_in_dim3A_693 = arith.constant 4 : i32
          %broadcast_in_dim3A_694 = vector.broadcast %broadcast_in_dim3A_693 : i32 to vector<16xi32>
          tpu.vector_store_idx %arg8[%broadcast_in_dim3A_694, %shift_right_logical3A_669], %gather3A_692 masked %lt3A_662 : memref<8x8192xf32, #tpu.memory_space<vmem>>[vector<16xi32>, vector<16xi32>], vector<16xf32>, vector<16xi1>
          %broadcast_in_dim3A_695 = arith.constant 5 : i32
          %broadcast_in_dim3A_696 = vector.broadcast %broadcast_in_dim3A_695 : i32 to vector<16xi32>
          %gather3A_697 = tpu.vector_load_idx %arg7[%broadcast_in_dim3A_696, %sub3A_667] masked %lt3A_662 : memref<8x2560xf32, #tpu.memory_space<vmem>>[vector<16xi32>, vector<16xi32>], vector<16xf32>, vector<16xi1>
          %broadcast_in_dim3A_698 = arith.constant 5 : i32
          %broadcast_in_dim3A_699 = vector.broadcast %broadcast_in_dim3A_698 : i32 to vector<16xi32>
          tpu.vector_store_idx %arg8[%broadcast_in_dim3A_699, %shift_right_logical3A_669], %gather3A_697 masked %lt3A_662 : memref<8x8192xf32, #tpu.memory_space<vmem>>[vector<16xi32>, vector<16xi32>], vector<16xf32>, vector<16xi1>
          %broadcast_in_dim3A_700 = arith.constant 6 : i32
          %broadcast_in_dim3A_701 = vector.broadcast %broadcast_in_dim3A_700 : i32 to vector<16xi32>
          %gather3A_702 = tpu.vector_load_idx %arg7[%broadcast_in_dim3A_701, %sub3A_667] masked %lt3A_662 : memref<8x2560xf32, #tpu.memory_space<vmem>>[vector<16xi32>, vector<16xi32>], vector<16xf32>, vector<16xi1>
          %broadcast_in_dim3A_703 = arith.constant 6 : i32
          %broadcast_in_dim3A_704 = vector.broadcast %broadcast_in_dim3A_703 : i32 to vector<16xi32>
          tpu.vector_store_idx %arg8[%broadcast_in_dim3A_704, %shift_right_logical3A_669], %gather3A_702 masked %lt3A_662 : memref<8x8192xf32, #tpu.memory_space<vmem>>[vector<16xi32>, vector<16xi32>], vector<16xf32>, vector<16xi1>
          %broadcast_in_dim3A_705 = arith.constant 7 : i32
          %broadcast_in_dim3A_706 = vector.broadcast %broadcast_in_dim3A_705 : i32 to vector<16xi32>
          %gather3A_707 = tpu.vector_load_idx %arg7[%broadcast_in_dim3A_706, %sub3A_667] masked %lt3A_662 : memref<8x2560xf32, #tpu.memory_space<vmem>>[vector<16xi32>, vector<16xi32>], vector<16xf32>, vector<16xi1>
          %broadcast_in_dim3A_708 = arith.constant 7 : i32
          %broadcast_in_dim3A_709 = vector.broadcast %broadcast_in_dim3A_708 : i32 to vector<16xi32>
          tpu.vector_store_idx %arg8[%broadcast_in_dim3A_709, %shift_right_logical3A_669], %gather3A_707 masked %lt3A_662 : memref<8x8192xf32, #tpu.memory_space<vmem>>[vector<16xi32>, vector<16xi32>], vector<16xf32>, vector<16xi1>
        }
        %while3A_653 = arith.constant 1 : i32
        scf.for %while3A_654 = %while3A_651 to %while3A_647 step %while3A_653  : i32 {
          %mul3A_655 = arith.constant 16 : i32
          %mul3A_656 = arith.muli %while3A_654, %mul3A_655 : i32
          %add3A_657 = arith.addi %reduce_max3A_602, %mul3A_656 : i32
          %get3A = arith.index_cast %add3A_657 : i32 to index
          %get3A_658 = tpu.vector_load %arg9[%get3A] {strides = array<i32>} : memref<12288xi32, #tpu.memory_space<vmem>>, vector<16xi32>,
          %add3A_659 = vector.broadcast %add3A_657 : i32 to vector<16xi32>
          %add3A_660 = arith.addi %add3A_659, %iota3A : vector<16xi32>
          %lt3A_661 = vector.broadcast %reduce_max3A_612 : i32 to vector<16xi32>
          %lt3A_662 = arith.cmpi slt, %add3A_660, %lt3A_661 : vector<16xi32>
          %and3A_663 = arith.constant 131071 : i32
          %and3A_664 = vector.broadcast %and3A_663 : i32 to vector<16xi32>
          %and3A_665 = arith.andi %get3A_658, %and3A_664 : vector<16xi32>
          %sub3A_666 = vector.broadcast %mul3A_614 : i32 to vector<16xi32>
          %sub3A_667 = arith.subi %and3A_665, %sub3A_666 : vector<16xi32>
          %shift_right_logical3A = arith.constant 17 : i32
          %shift_right_logical3A_668 = vector.broadcast %shift_right_logical3A : i32 to vector<16xi32>
          %shift_right_logical3A_669 = arith.shrui %get3A_658, %shift_right_logical3A_668 : vector<16xi32>
          %broadcast_in_dim3A_670 = arith.constant 0 : i32
          %broadcast_in_dim3A_671 = vector.broadcast %broadcast_in_dim3A_670 : i32 to vector<16xi32>
          %gather3A_672 = tpu.vector_load_idx %arg7[%broadcast_in_dim3A_671, %sub3A_667] masked %lt3A_662 : memref<8x2560xf32, #tpu.memory_space<vmem>>[vector<16xi32>, vector<16xi32>], vector<16xf32>, vector<16xi1>
          %broadcast_in_dim3A_673 = arith.constant 0 : i32
          %broadcast_in_dim3A_674 = vector.broadcast %broadcast_in_dim3A_673 : i32 to vector<16xi32>
          tpu.vector_store_idx %arg8[%broadcast_in_dim3A_674, %shift_right_logical3A_669], %gather3A_672 masked %lt3A_662 : memref<8x8192xf32, #tpu.memory_space<vmem>>[vector<16xi32>, vector<16xi32>], vector<16xf32>, vector<16xi1>
          %broadcast_in_dim3A_675 = arith.constant 1 : i32
          %broadcast_in_dim3A_676 = vector.broadcast %broadcast_in_dim3A_675 : i32 to vector<16xi32>
          %gather3A_677 = tpu.vector_load_idx %arg7[%broadcast_in_dim3A_676, %sub3A_667] masked %lt3A_662 : memref<8x2560xf32, #tpu.memory_space<vmem>>[vector<16xi32>, vector<16xi32>], vector<16xf32>, vector<16xi1>
          %broadcast_in_dim3A_678 = arith.constant 1 : i32
          %broadcast_in_dim3A_679 = vector.broadcast %broadcast_in_dim3A_678 : i32 to vector<16xi32>
          tpu.vector_store_idx %arg8[%broadcast_in_dim3A_679, %shift_right_logical3A_669], %gather3A_677 masked %lt3A_662 : memref<8x8192xf32, #tpu.memory_space<vmem>>[vector<16xi32>, vector<16xi32>], vector<16xf32>, vector<16xi1>
          %broadcast_in_dim3A_680 = arith.constant 2 : i32
          %broadcast_in_dim3A_681 = vector.broadcast %broadcast_in_dim3A_680 : i32 to vector<16xi32>
          %gather3A_682 = tpu.vector_load_idx %arg7[%broadcast_in_dim3A_681, %sub3A_667] masked %lt3A_662 : memref<8x2560xf32, #tpu.memory_space<vmem>>[vector<16xi32>, vector<16xi32>], vector<16xf32>, vector<16xi1>
          %broadcast_in_dim3A_683 = arith.constant 2 : i32
          %broadcast_in_dim3A_684 = vector.broadcast %broadcast_in_dim3A_683 : i32 to vector<16xi32>
          tpu.vector_store_idx %arg8[%broadcast_in_dim3A_684, %shift_right_logical3A_669], %gather3A_682 masked %lt3A_662 : memref<8x8192xf32, #tpu.memory_space<vmem>>[vector<16xi32>, vector<16xi32>], vector<16xf32>, vector<16xi1>
          %broadcast_in_dim3A_685 = arith.constant 3 : i32
          %broadcast_in_dim3A_686 = vector.broadcast %broadcast_in_dim3A_685 : i32 to vector<16xi32>
          %gather3A_687 = tpu.vector_load_idx %arg7[%broadcast_in_dim3A_686, %sub3A_667] masked %lt3A_662 : memref<8x2560xf32, #tpu.memory_space<vmem>>[vector<16xi32>, vector<16xi32>], vector<16xf32>, vector<16xi1>
          %broadcast_in_dim3A_688 = arith.constant 3 : i32
          %broadcast_in_dim3A_689 = vector.broadcast %broadcast_in_dim3A_688 : i32 to vector<16xi32>
          tpu.vector_store_idx %arg8[%broadcast_in_dim3A_689, %shift_right_logical3A_669], %gather3A_687 masked %lt3A_662 : memref<8x8192xf32, #tpu.memory_space<vmem>>[vector<16xi32>, vector<16xi32>], vector<16xf32>, vector<16xi1>
          %broadcast_in_dim3A_690 = arith.constant 4 : i32
          %broadcast_in_dim3A_691 = vector.broadcast %broadcast_in_dim3A_690 : i32 to vector<16xi32>
          %gather3A_692 = tpu.vector_load_idx %arg7[%broadcast_in_dim3A_691, %sub3A_667] masked %lt3A_662 : memref<8x2560xf32, #tpu.memory_space<vmem>>[vector<16xi32>, vector<16xi32>], vector<16xf32>, vector<16xi1>
          %broadcast_in_dim3A_693 = arith.constant 4 : i32
          %broadcast_in_dim3A_694 = vector.broadcast %broadcast_in_dim3A_693 : i32 to vector<16xi32>
          tpu.vector_store_idx %arg8[%broadcast_in_dim3A_694, %shift_right_logical3A_669], %gather3A_692 masked %lt3A_662 : memref<8x8192xf32, #tpu.memory_space<vmem>>[vector<16xi32>, vector<16xi32>], vector<16xf32>, vector<16xi1>
          %broadcast_in_dim3A_695 = arith.constant 5 : i32
          %broadcast_in_dim3A_696 = vector.broadcast %broadcast_in_dim3A_695 : i32 to vector<16xi32>
          %gather3A_697 = tpu.vector_load_idx %arg7[%broadcast_in_dim3A_696, %sub3A_667] masked %lt3A_662 : memref<8x2560xf32, #tpu.memory_space<vmem>>[vector<16xi32>, vector<16xi32>], vector<16xf32>, vector<16xi1>
          %broadcast_in_dim3A_698 = arith.constant 5 : i32
          %broadcast_in_dim3A_699 = vector.broadcast %broadcast_in_dim3A_698 : i32 to vector<16xi32>
          tpu.vector_store_idx %arg8[%broadcast_in_dim3A_699, %shift_right_logical3A_669], %gather3A_697 masked %lt3A_662 : memref<8x8192xf32, #tpu.memory_space<vmem>>[vector<16xi32>, vector<16xi32>], vector<16xf32>, vector<16xi1>
          %broadcast_in_dim3A_700 = arith.constant 6 : i32
          %broadcast_in_dim3A_701 = vector.broadcast %broadcast_in_dim3A_700 : i32 to vector<16xi32>
          %gather3A_702 = tpu.vector_load_idx %arg7[%broadcast_in_dim3A_701, %sub3A_667] masked %lt3A_662 : memref<8x2560xf32, #tpu.memory_space<vmem>>[vector<16xi32>, vector<16xi32>], vector<16xf32>, vector<16xi1>
          %broadcast_in_dim3A_703 = arith.constant 6 : i32
          %broadcast_in_dim3A_704 = vector.broadcast %broadcast_in_dim3A_703 : i32 to vector<16xi32>
          tpu.vector_store_idx %arg8[%broadcast_in_dim3A_704, %shift_right_logical3A_669], %gather3A_702 masked %lt3A_662 : memref<8x8192xf32, #tpu.memory_space<vmem>>[vector<16xi32>, vector<16xi32>], vector<16xf32>, vector<16xi1>
          %broadcast_in_dim3A_705 = arith.constant 7 : i32
          %broadcast_in_dim3A_706 = vector.broadcast %broadcast_in_dim3A_705 : i32 to vector<16xi32>
          %gather3A_707 = tpu.vector_load_idx %arg7[%broadcast_in_dim3A_706, %sub3A_667] masked %lt3A_662 : memref<8x2560xf32, #tpu.memory_space<vmem>>[vector<16xi32>, vector<16xi32>], vector<16xf32>, vector<16xi1>
          %broadcast_in_dim3A_708 = arith.constant 7 : i32
          %broadcast_in_dim3A_709 = vector.broadcast %broadcast_in_dim3A_708 : i32 to vector<16xi32>
          tpu.vector_store_idx %arg8[%broadcast_in_dim3A_709, %shift_right_logical3A_669], %gather3A_707 masked %lt3A_662 : memref<8x8192xf32, #tpu.memory_space<vmem>>[vector<16xi32>, vector<16xi32>], vector<16xf32>, vector<16xi1>
        }
      }
      %scan3A_366 = arith.constant 20 : i32
      %dma_wait3A_367 = tpu.memref_slice %arg3[%multiple_of3A_360, %multiple_of3A_319] : memref<16x2600000xf32, #tpu.memory_space<hbm>> -> memref<8x2560xf32, #tpu.memory_space<hbm>>
      %dma_wait3A_368 = tpu.memref_slice %arg3[%multiple_of3A_360, %multiple_of3A_319] : memref<16x2600000xf32, #tpu.memory_space<hbm>> -> memref<8x2560xf32, #tpu.memory_space<hbm>>
      tpu.wait_dma2 semaphore(%arg13 : memref<!tpu.dma_semaphore, #tpu.memory_space<semaphore_mem>>) src(%dma_wait3A_368 : memref<8x2560xf32, #tpu.memory_space<hbm>>) dst(%arg6 : memref<8x2560xf32, #tpu.memory_space<vmem>>)
      %broadcast_in_dim3A_369 = arith.constant 40 : i32
      %broadcast_in_dim3A_370 = vector.broadcast %broadcast_in_dim3A_369 : i32 to vector<16xi32>
      %gather3A_371 = tpu.vector_load_idx %arg11[%broadcast_in_dim3A_370] : memref<64xi32, #tpu.memory_space<vmem>>[vector<16xi32>], vector<16xi32>,
      %reduce_max3A_372 = arith.constant true
      %reduce_max3A_373 = vector.broadcast %reduce_max3A_372 : i1 to vector<16xi1>
      %reduce_max3A_374 = arith.constant -2147483648 : i32
      %reduce_max3A_375 = vector.broadcast %reduce_max3A_374 : i32 to vector<16xi32>
      %reduce_max3A_376 = arith.xori %gather3A_371, %reduce_max3A_375 : vector<16xi32>
      %reduce_max3A_377 = tpu.scan <max>, %reduce_max3A_376 masked %reduce_max3A_373 : vector<16xi32>, vector<16xi1> -> vector<16xi32>
      %reduce_max3A_378 = arith.xori %reduce_max3A_377, %reduce_max3A_375 : vector<16xi32>
      %reduce_max3A_379 = vector.extract %reduce_max3A_378[15] : i32 from vector<16xi32>
      %broadcast_in_dim3A_380 = arith.constant 40 : i32
      %broadcast_in_dim3A_381 = vector.broadcast %broadcast_in_dim3A_380 : i32 to vector<16xi32>
      %gather3A_382 = tpu.vector_load_idx %arg12[%broadcast_in_dim3A_381] : memref<64xi32, #tpu.memory_space<vmem>>[vector<16xi32>], vector<16xi32>,
      %reduce_max3A_383 = arith.constant true
      %reduce_max3A_384 = vector.broadcast %reduce_max3A_383 : i1 to vector<16xi1>
      %reduce_max3A_385 = arith.constant -2147483648 : i32
      %reduce_max3A_386 = vector.broadcast %reduce_max3A_385 : i32 to vector<16xi32>
      %reduce_max3A_387 = arith.xori %gather3A_382, %reduce_max3A_386 : vector<16xi32>
      %reduce_max3A_388 = tpu.scan <max>, %reduce_max3A_387 masked %reduce_max3A_384 : vector<16xi32>, vector<16xi1> -> vector<16xi32>
      %reduce_max3A_389 = arith.xori %reduce_max3A_388, %reduce_max3A_386 : vector<16xi32>
      %reduce_max3A_390 = vector.extract %reduce_max3A_389[15] : i32 from vector<16xi32>
      %sub3A_391 = arith.subi %reduce_max3A_390, %reduce_max3A_379 : i32
      %add3A_392 = arith.constant 16 : i32
      %add3A_393 = arith.addi %sub3A_391, %add3A_392 : i32
      %sub3A_394 = arith.constant 1 : i32
      %sub3A_395 = arith.subi %add3A_393, %sub3A_394 : i32
      %jit3A_396 = arith.constant 16 : i32
      %div3A_397 = arith.divsi %sub3A_395, %jit3A_396 : i32
      %sign3A_398 = arith.constant 0 : i32
      %sign3A_399 = arith.cmpi sgt, %sub3A_395, %sign3A_398 : i32
      %sign3A_400 = arith.extui %sign3A_399 : i1 to i32
      %sign3A_401 = arith.constant 0 : i32
      %sign3A_402 = arith.cmpi slt, %sub3A_395, %sign3A_401 : i32
      %sign3A_403 = arith.extui %sign3A_402 : i1 to i32
      %sign3A_404 = arith.subi %sign3A_400, %sign3A_403 : i32
      %sign3A_405 = arith.constant 0 : i32
      %sign3A_406 = arith.cmpi sgt, %jit3A_396, %sign3A_405 : i32
      %sign3A_407 = arith.extui %sign3A_406 : i1 to i32
      %sign3A_408 = arith.constant 0 : i32
      %sign3A_409 = arith.cmpi slt, %jit3A_396, %sign3A_408 : i32
      %sign3A_410 = arith.extui %sign3A_409 : i1 to i32
      %sign3A_411 = arith.subi %sign3A_407, %sign3A_410 : i32
      %ne3A_412 = arith.cmpi ne, %sign3A_404, %sign3A_411 : i32
      %rem3A_413 = arith.remsi %sub3A_395, %jit3A_396 : i32
      %ne3A_414 = arith.constant 0 : i32
      %ne3A_415 = arith.cmpi ne, %rem3A_413, %ne3A_414 : i32
      %and3A_416 = arith.andi %ne3A_412, %ne3A_415 : i1
      %sub3A_417 = arith.constant 1 : i32
      %sub3A_418 = arith.subi %div3A_397, %sub3A_417 : i32
      %select_n3A_419 = arith.select %and3A_416, %sub3A_418, %div3A_397 : i32
      %while3A_420 = arith.constant 0 : i32
      %while3A_421 = arith.constant 0 : i32
      %while3A_422 = arith.subi %select_n3A_419, %while3A_421 : i32
      %while3A_423 = arith.addi %while3A_421, %while3A_422 : i32
      %while3A_424 = arith.constant 1 : i32
      %while3A_425 = arith.divsi %while3A_422, %while3A_424 : i32
      %while3A_426 = arith.muli %while3A_425, %while3A_424 : i32
      %while3A_427 = arith.addi %while3A_421, %while3A_426 : i32
      %while3A_428 = arith.constant 1 : i32
      scf.for %while3A_509 = %while3A_421 to %while3A_427 step %while3A_428  : i32 {
        %mul3A_510 = arith.constant 16 : i32
        %mul3A_511 = arith.muli %while3A_509, %mul3A_510 : i32
        %add3A_512 = arith.addi %reduce_max3A_379, %mul3A_511 : i32
        %get3A = arith.index_cast %add3A_512 : i32 to index
        %get3A_513 = tpu.vector_load %arg9[%get3A] {strides = array<i32>} : memref<12288xi32, #tpu.memory_space<vmem>>, vector<16xi32>,
        %add3A_514 = vector.broadcast %add3A_512 : i32 to vector<16xi32>
        %add3A_515 = arith.addi %add3A_514, %iota3A : vector<16xi32>
        %lt3A_516 = vector.broadcast %reduce_max3A_390 : i32 to vector<16xi32>
        %lt3A_517 = arith.cmpi slt, %add3A_515, %lt3A_516 : vector<16xi32>
        %and3A_518 = arith.constant 131071 : i32
        %and3A_519 = vector.broadcast %and3A_518 : i32 to vector<16xi32>
        %and3A_520 = arith.andi %get3A_513, %and3A_519 : vector<16xi32>
        %sub3A_521 = arith.constant 102400 : i32
        %sub3A_522 = vector.broadcast %sub3A_521 : i32 to vector<16xi32>
        %sub3A_523 = arith.subi %and3A_520, %sub3A_522 : vector<16xi32>
        %shift_right_logical3A = arith.constant 17 : i32
        %shift_right_logical3A_524 = vector.broadcast %shift_right_logical3A : i32 to vector<16xi32>
        %shift_right_logical3A_525 = arith.shrui %get3A_513, %shift_right_logical3A_524 : vector<16xi32>
        %broadcast_in_dim3A_526 = arith.constant 0 : i32
        %broadcast_in_dim3A_527 = vector.broadcast %broadcast_in_dim3A_526 : i32 to vector<16xi32>
        %gather3A_528 = tpu.vector_load_idx %arg6[%broadcast_in_dim3A_527, %sub3A_523] masked %lt3A_517 : memref<8x2560xf32, #tpu.memory_space<vmem>>[vector<16xi32>, vector<16xi32>], vector<16xf32>, vector<16xi1>
        %broadcast_in_dim3A_529 = arith.constant 0 : i32
        %broadcast_in_dim3A_530 = vector.broadcast %broadcast_in_dim3A_529 : i32 to vector<16xi32>
        tpu.vector_store_idx %arg8[%broadcast_in_dim3A_530, %shift_right_logical3A_525], %gather3A_528 masked %lt3A_517 : memref<8x8192xf32, #tpu.memory_space<vmem>>[vector<16xi32>, vector<16xi32>], vector<16xf32>, vector<16xi1>
        %broadcast_in_dim3A_531 = arith.constant 1 : i32
        %broadcast_in_dim3A_532 = vector.broadcast %broadcast_in_dim3A_531 : i32 to vector<16xi32>
        %gather3A_533 = tpu.vector_load_idx %arg6[%broadcast_in_dim3A_532, %sub3A_523] masked %lt3A_517 : memref<8x2560xf32, #tpu.memory_space<vmem>>[vector<16xi32>, vector<16xi32>], vector<16xf32>, vector<16xi1>
        %broadcast_in_dim3A_534 = arith.constant 1 : i32
        %broadcast_in_dim3A_535 = vector.broadcast %broadcast_in_dim3A_534 : i32 to vector<16xi32>
        tpu.vector_store_idx %arg8[%broadcast_in_dim3A_535, %shift_right_logical3A_525], %gather3A_533 masked %lt3A_517 : memref<8x8192xf32, #tpu.memory_space<vmem>>[vector<16xi32>, vector<16xi32>], vector<16xf32>, vector<16xi1>
        %broadcast_in_dim3A_536 = arith.constant 2 : i32
        %broadcast_in_dim3A_537 = vector.broadcast %broadcast_in_dim3A_536 : i32 to vector<16xi32>
        %gather3A_538 = tpu.vector_load_idx %arg6[%broadcast_in_dim3A_537, %sub3A_523] masked %lt3A_517 : memref<8x2560xf32, #tpu.memory_space<vmem>>[vector<16xi32>, vector<16xi32>], vector<16xf32>, vector<16xi1>
        %broadcast_in_dim3A_539 = arith.constant 2 : i32
        %broadcast_in_dim3A_540 = vector.broadcast %broadcast_in_dim3A_539 : i32 to vector<16xi32>
        tpu.vector_store_idx %arg8[%broadcast_in_dim3A_540, %shift_right_logical3A_525], %gather3A_538 masked %lt3A_517 : memref<8x8192xf32, #tpu.memory_space<vmem>>[vector<16xi32>, vector<16xi32>], vector<16xf32>, vector<16xi1>
        %broadcast_in_dim3A_541 = arith.constant 3 : i32
        %broadcast_in_dim3A_542 = vector.broadcast %broadcast_in_dim3A_541 : i32 to vector<16xi32>
        %gather3A_543 = tpu.vector_load_idx %arg6[%broadcast_in_dim3A_542, %sub3A_523] masked %lt3A_517 : memref<8x2560xf32, #tpu.memory_space<vmem>>[vector<16xi32>, vector<16xi32>], vector<16xf32>, vector<16xi1>
        %broadcast_in_dim3A_544 = arith.constant 3 : i32
        %broadcast_in_dim3A_545 = vector.broadcast %broadcast_in_dim3A_544 : i32 to vector<16xi32>
        tpu.vector_store_idx %arg8[%broadcast_in_dim3A_545, %shift_right_logical3A_525], %gather3A_543 masked %lt3A_517 : memref<8x8192xf32, #tpu.memory_space<vmem>>[vector<16xi32>, vector<16xi32>], vector<16xf32>, vector<16xi1>
        %broadcast_in_dim3A_546 = arith.constant 4 : i32
        %broadcast_in_dim3A_547 = vector.broadcast %broadcast_in_dim3A_546 : i32 to vector<16xi32>
        %gather3A_548 = tpu.vector_load_idx %arg6[%broadcast_in_dim3A_547, %sub3A_523] masked %lt3A_517 : memref<8x2560xf32, #tpu.memory_space<vmem>>[vector<16xi32>, vector<16xi32>], vector<16xf32>, vector<16xi1>
        %broadcast_in_dim3A_549 = arith.constant 4 : i32
        %broadcast_in_dim3A_550 = vector.broadcast %broadcast_in_dim3A_549 : i32 to vector<16xi32>
        tpu.vector_store_idx %arg8[%broadcast_in_dim3A_550, %shift_right_logical3A_525], %gather3A_548 masked %lt3A_517 : memref<8x8192xf32, #tpu.memory_space<vmem>>[vector<16xi32>, vector<16xi32>], vector<16xf32>, vector<16xi1>
        %broadcast_in_dim3A_551 = arith.constant 5 : i32
        %broadcast_in_dim3A_552 = vector.broadcast %broadcast_in_dim3A_551 : i32 to vector<16xi32>
        %gather3A_553 = tpu.vector_load_idx %arg6[%broadcast_in_dim3A_552, %sub3A_523] masked %lt3A_517 : memref<8x2560xf32, #tpu.memory_space<vmem>>[vector<16xi32>, vector<16xi32>], vector<16xf32>, vector<16xi1>
        %broadcast_in_dim3A_554 = arith.constant 5 : i32
        %broadcast_in_dim3A_555 = vector.broadcast %broadcast_in_dim3A_554 : i32 to vector<16xi32>
        tpu.vector_store_idx %arg8[%broadcast_in_dim3A_555, %shift_right_logical3A_525], %gather3A_553 masked %lt3A_517 : memref<8x8192xf32, #tpu.memory_space<vmem>>[vector<16xi32>, vector<16xi32>], vector<16xf32>, vector<16xi1>
        %broadcast_in_dim3A_556 = arith.constant 6 : i32
        %broadcast_in_dim3A_557 = vector.broadcast %broadcast_in_dim3A_556 : i32 to vector<16xi32>
        %gather3A_558 = tpu.vector_load_idx %arg6[%broadcast_in_dim3A_557, %sub3A_523] masked %lt3A_517 : memref<8x2560xf32, #tpu.memory_space<vmem>>[vector<16xi32>, vector<16xi32>], vector<16xf32>, vector<16xi1>
        %broadcast_in_dim3A_559 = arith.constant 6 : i32
        %broadcast_in_dim3A_560 = vector.broadcast %broadcast_in_dim3A_559 : i32 to vector<16xi32>
        tpu.vector_store_idx %arg8[%broadcast_in_dim3A_560, %shift_right_logical3A_525], %gather3A_558 masked %lt3A_517 : memref<8x8192xf32, #tpu.memory_space<vmem>>[vector<16xi32>, vector<16xi32>], vector<16xf32>, vector<16xi1>
        %broadcast_in_dim3A_561 = arith.constant 7 : i32
        %broadcast_in_dim3A_562 = vector.broadcast %broadcast_in_dim3A_561 : i32 to vector<16xi32>
        %gather3A_563 = tpu.vector_load_idx %arg6[%broadcast_in_dim3A_562, %sub3A_523] masked %lt3A_517 : memref<8x2560xf32, #tpu.memory_space<vmem>>[vector<16xi32>, vector<16xi32>], vector<16xf32>, vector<16xi1>
        %broadcast_in_dim3A_564 = arith.constant 7 : i32
        %broadcast_in_dim3A_565 = vector.broadcast %broadcast_in_dim3A_564 : i32 to vector<16xi32>
        tpu.vector_store_idx %arg8[%broadcast_in_dim3A_565, %shift_right_logical3A_525], %gather3A_563 masked %lt3A_517 : memref<8x8192xf32, #tpu.memory_space<vmem>>[vector<16xi32>, vector<16xi32>], vector<16xf32>, vector<16xi1>
      }
      %while3A_429 = arith.constant 1 : i32
      scf.for %while3A_509 = %while3A_427 to %while3A_423 step %while3A_429  : i32 {
        %mul3A_510 = arith.constant 16 : i32
        %mul3A_511 = arith.muli %while3A_509, %mul3A_510 : i32
        %add3A_512 = arith.addi %reduce_max3A_379, %mul3A_511 : i32
        %get3A = arith.index_cast %add3A_512 : i32 to index
        %get3A_513 = tpu.vector_load %arg9[%get3A] {strides = array<i32>} : memref<12288xi32, #tpu.memory_space<vmem>>, vector<16xi32>,
        %add3A_514 = vector.broadcast %add3A_512 : i32 to vector<16xi32>
        %add3A_515 = arith.addi %add3A_514, %iota3A : vector<16xi32>
        %lt3A_516 = vector.broadcast %reduce_max3A_390 : i32 to vector<16xi32>
        %lt3A_517 = arith.cmpi slt, %add3A_515, %lt3A_516 : vector<16xi32>
        %and3A_518 = arith.constant 131071 : i32
        %and3A_519 = vector.broadcast %and3A_518 : i32 to vector<16xi32>
        %and3A_520 = arith.andi %get3A_513, %and3A_519 : vector<16xi32>
        %sub3A_521 = arith.constant 102400 : i32
        %sub3A_522 = vector.broadcast %sub3A_521 : i32 to vector<16xi32>
        %sub3A_523 = arith.subi %and3A_520, %sub3A_522 : vector<16xi32>
        %shift_right_logical3A = arith.constant 17 : i32
        %shift_right_logical3A_524 = vector.broadcast %shift_right_logical3A : i32 to vector<16xi32>
        %shift_right_logical3A_525 = arith.shrui %get3A_513, %shift_right_logical3A_524 : vector<16xi32>
        %broadcast_in_dim3A_526 = arith.constant 0 : i32
        %broadcast_in_dim3A_527 = vector.broadcast %broadcast_in_dim3A_526 : i32 to vector<16xi32>
        %gather3A_528 = tpu.vector_load_idx %arg6[%broadcast_in_dim3A_527, %sub3A_523] masked %lt3A_517 : memref<8x2560xf32, #tpu.memory_space<vmem>>[vector<16xi32>, vector<16xi32>], vector<16xf32>, vector<16xi1>
        %broadcast_in_dim3A_529 = arith.constant 0 : i32
        %broadcast_in_dim3A_530 = vector.broadcast %broadcast_in_dim3A_529 : i32 to vector<16xi32>
        tpu.vector_store_idx %arg8[%broadcast_in_dim3A_530, %shift_right_logical3A_525], %gather3A_528 masked %lt3A_517 : memref<8x8192xf32, #tpu.memory_space<vmem>>[vector<16xi32>, vector<16xi32>], vector<16xf32>, vector<16xi1>
        %broadcast_in_dim3A_531 = arith.constant 1 : i32
        %broadcast_in_dim3A_532 = vector.broadcast %broadcast_in_dim3A_531 : i32 to vector<16xi32>
        %gather3A_533 = tpu.vector_load_idx %arg6[%broadcast_in_dim3A_532, %sub3A_523] masked %lt3A_517 : memref<8x2560xf32, #tpu.memory_space<vmem>>[vector<16xi32>, vector<16xi32>], vector<16xf32>, vector<16xi1>
        %broadcast_in_dim3A_534 = arith.constant 1 : i32
        %broadcast_in_dim3A_535 = vector.broadcast %broadcast_in_dim3A_534 : i32 to vector<16xi32>
        tpu.vector_store_idx %arg8[%broadcast_in_dim3A_535, %shift_right_logical3A_525], %gather3A_533 masked %lt3A_517 : memref<8x8192xf32, #tpu.memory_space<vmem>>[vector<16xi32>, vector<16xi32>], vector<16xf32>, vector<16xi1>
        %broadcast_in_dim3A_536 = arith.constant 2 : i32
        %broadcast_in_dim3A_537 = vector.broadcast %broadcast_in_dim3A_536 : i32 to vector<16xi32>
        %gather3A_538 = tpu.vector_load_idx %arg6[%broadcast_in_dim3A_537, %sub3A_523] masked %lt3A_517 : memref<8x2560xf32, #tpu.memory_space<vmem>>[vector<16xi32>, vector<16xi32>], vector<16xf32>, vector<16xi1>
        %broadcast_in_dim3A_539 = arith.constant 2 : i32
        %broadcast_in_dim3A_540 = vector.broadcast %broadcast_in_dim3A_539 : i32 to vector<16xi32>
        tpu.vector_store_idx %arg8[%broadcast_in_dim3A_540, %shift_right_logical3A_525], %gather3A_538 masked %lt3A_517 : memref<8x8192xf32, #tpu.memory_space<vmem>>[vector<16xi32>, vector<16xi32>], vector<16xf32>, vector<16xi1>
        %broadcast_in_dim3A_541 = arith.constant 3 : i32
        %broadcast_in_dim3A_542 = vector.broadcast %broadcast_in_dim3A_541 : i32 to vector<16xi32>
        %gather3A_543 = tpu.vector_load_idx %arg6[%broadcast_in_dim3A_542, %sub3A_523] masked %lt3A_517 : memref<8x2560xf32, #tpu.memory_space<vmem>>[vector<16xi32>, vector<16xi32>], vector<16xf32>, vector<16xi1>
        %broadcast_in_dim3A_544 = arith.constant 3 : i32
        %broadcast_in_dim3A_545 = vector.broadcast %broadcast_in_dim3A_544 : i32 to vector<16xi32>
        tpu.vector_store_idx %arg8[%broadcast_in_dim3A_545, %shift_right_logical3A_525], %gather3A_543 masked %lt3A_517 : memref<8x8192xf32, #tpu.memory_space<vmem>>[vector<16xi32>, vector<16xi32>], vector<16xf32>, vector<16xi1>
        %broadcast_in_dim3A_546 = arith.constant 4 : i32
        %broadcast_in_dim3A_547 = vector.broadcast %broadcast_in_dim3A_546 : i32 to vector<16xi32>
        %gather3A_548 = tpu.vector_load_idx %arg6[%broadcast_in_dim3A_547, %sub3A_523] masked %lt3A_517 : memref<8x2560xf32, #tpu.memory_space<vmem>>[vector<16xi32>, vector<16xi32>], vector<16xf32>, vector<16xi1>
        %broadcast_in_dim3A_549 = arith.constant 4 : i32
        %broadcast_in_dim3A_550 = vector.broadcast %broadcast_in_dim3A_549 : i32 to vector<16xi32>
        tpu.vector_store_idx %arg8[%broadcast_in_dim3A_550, %shift_right_logical3A_525], %gather3A_548 masked %lt3A_517 : memref<8x8192xf32, #tpu.memory_space<vmem>>[vector<16xi32>, vector<16xi32>], vector<16xf32>, vector<16xi1>
        %broadcast_in_dim3A_551 = arith.constant 5 : i32
        %broadcast_in_dim3A_552 = vector.broadcast %broadcast_in_dim3A_551 : i32 to vector<16xi32>
        %gather3A_553 = tpu.vector_load_idx %arg6[%broadcast_in_dim3A_552, %sub3A_523] masked %lt3A_517 : memref<8x2560xf32, #tpu.memory_space<vmem>>[vector<16xi32>, vector<16xi32>], vector<16xf32>, vector<16xi1>
        %broadcast_in_dim3A_554 = arith.constant 5 : i32
        %broadcast_in_dim3A_555 = vector.broadcast %broadcast_in_dim3A_554 : i32 to vector<16xi32>
        tpu.vector_store_idx %arg8[%broadcast_in_dim3A_555, %shift_right_logical3A_525], %gather3A_553 masked %lt3A_517 : memref<8x8192xf32, #tpu.memory_space<vmem>>[vector<16xi32>, vector<16xi32>], vector<16xf32>, vector<16xi1>
        %broadcast_in_dim3A_556 = arith.constant 6 : i32
        %broadcast_in_dim3A_557 = vector.broadcast %broadcast_in_dim3A_556 : i32 to vector<16xi32>
        %gather3A_558 = tpu.vector_load_idx %arg6[%broadcast_in_dim3A_557, %sub3A_523] masked %lt3A_517 : memref<8x2560xf32, #tpu.memory_space<vmem>>[vector<16xi32>, vector<16xi32>], vector<16xf32>, vector<16xi1>
        %broadcast_in_dim3A_559 = arith.constant 6 : i32
        %broadcast_in_dim3A_560 = vector.broadcast %broadcast_in_dim3A_559 : i32 to vector<16xi32>
        tpu.vector_store_idx %arg8[%broadcast_in_dim3A_560, %shift_right_logical3A_525], %gather3A_558 masked %lt3A_517 : memref<8x8192xf32, #tpu.memory_space<vmem>>[vector<16xi32>, vector<16xi32>], vector<16xf32>, vector<16xi1>
        %broadcast_in_dim3A_561 = arith.constant 7 : i32
        %broadcast_in_dim3A_562 = vector.broadcast %broadcast_in_dim3A_561 : i32 to vector<16xi32>
        %gather3A_563 = tpu.vector_load_idx %arg6[%broadcast_in_dim3A_562, %sub3A_523] masked %lt3A_517 : memref<8x2560xf32, #tpu.memory_space<vmem>>[vector<16xi32>, vector<16xi32>], vector<16xf32>, vector<16xi1>
        %broadcast_in_dim3A_564 = arith.constant 7 : i32
        %broadcast_in_dim3A_565 = vector.broadcast %broadcast_in_dim3A_564 : i32 to vector<16xi32>
        tpu.vector_store_idx %arg8[%broadcast_in_dim3A_565, %shift_right_logical3A_525], %gather3A_563 masked %lt3A_517 : memref<8x8192xf32, #tpu.memory_space<vmem>>[vector<16xi32>, vector<16xi32>], vector<16xf32>, vector<16xi1>
      }
      %mul3A_430 = arith.constant 8192 : i32
      %mul3A_431 = arith.muli %select_n3A_288, %mul3A_430 : i32
      "tpu.region"() ({
        %run_scoped3A = tpu.sem_alloc : memref<!tpu.dma_semaphore, #tpu.memory_space<semaphore_mem>>
        %dma_start3A_509 = tpu.memref_slice %arg4[%select_n3A_272, %multiple_of3A_360, %mul3A_431] : memref<26x16x16384xf32, #tpu.memory_space<hbm>> -> memref<1x8x8192xf32, #tpu.memory_space<hbm>>
        %dma_start3A_510 = tpu.memref_squeeze %dma_start3A_509 : memref<1x8x8192xf32, #tpu.memory_space<hbm>> -> memref<8x8192xf32, #tpu.memory_space<hbm>>
        %dma_start3A_511 = tpu.memref_slice %arg4[%select_n3A_272, %multiple_of3A_360, %mul3A_431] : memref<26x16x16384xf32, #tpu.memory_space<hbm>> -> memref<1x8x8192xf32, #tpu.memory_space<hbm>>
        %dma_start3A_512 = tpu.memref_squeeze %dma_start3A_511 : memref<1x8x8192xf32, #tpu.memory_space<hbm>> -> memref<8x8192xf32, #tpu.memory_space<hbm>>
        tpu.enqueue_dma source(%arg8 : memref<8x8192xf32, #tpu.memory_space<vmem>>) target(%dma_start3A_512 : memref<8x8192xf32, #tpu.memory_space<hbm>>) target_semaphore(%run_scoped3A : memref<!tpu.dma_semaphore, #tpu.memory_space<semaphore_mem>>)
        %dma_wait3A_513 = tpu.memref_slice %arg4[%select_n3A_272, %multiple_of3A_360, %mul3A_431] : memref<26x16x16384xf32, #tpu.memory_space<hbm>> -> memref<1x8x8192xf32, #tpu.memory_space<hbm>>
        %dma_wait3A_514 = tpu.memref_squeeze %dma_wait3A_513 : memref<1x8x8192xf32, #tpu.memory_space<hbm>> -> memref<8x8192xf32, #tpu.memory_space<hbm>>
        %dma_wait3A_515 = tpu.memref_slice %arg4[%select_n3A_272, %multiple_of3A_360, %mul3A_431] : memref<26x16x16384xf32, #tpu.memory_space<hbm>> -> memref<1x8x8192xf32, #tpu.memory_space<hbm>>
        %dma_wait3A_516 = tpu.memref_squeeze %dma_wait3A_515 : memref<1x8x8192xf32, #tpu.memory_space<hbm>> -> memref<8x8192xf32, #tpu.memory_space<hbm>>
        tpu.wait_dma2 semaphore(%run_scoped3A : memref<!tpu.dma_semaphore, #tpu.memory_space<semaphore_mem>>) src(%arg8 : memref<8x8192xf32, #tpu.memory_space<vmem>>) dst(%dma_wait3A_516 : memref<8x8192xf32, #tpu.memory_space<hbm>>)
        tpu.yield
      }) : () -> ()
      %multiple_of3A_432 = arith.constant 8 : i32
      %multiple_of3A_433 = tpu.assume_multiple %multiple_of3A_432, 8 : i32
      %add3A_434 = arith.constant 0 : i32
      %add3A_435 = arith.addi %multiple_of3A_319, %add3A_434 : i32
      %dma_start3A_436 = tpu.memref_slice %arg3[%multiple_of3A_433, %add3A_435] : memref<16x2600000xf32, #tpu.memory_space<hbm>> -> memref<8x2560xf32, #tpu.memory_space<hbm>>
      %dma_start3A_437 = tpu.memref_slice %arg3[%multiple_of3A_433, %add3A_435] : memref<16x2600000xf32, #tpu.memory_space<hbm>> -> memref<8x2560xf32, #tpu.memory_space<hbm>>
      tpu.enqueue_dma source(%dma_start3A_437 : memref<8x2560xf32, #tpu.memory_space<hbm>>) target(%arg6 : memref<8x2560xf32, #tpu.memory_space<vmem>>) target_semaphore(%arg13 : memref<!tpu.dma_semaphore, #tpu.memory_space<semaphore_mem>>)
      %scan3A_438 = arith.constant 0 : i32
      %scan3A_439 = arith.constant 0 : i32
      %scan3A_440 = arith.constant 20 : i32
      %scan3A_441 = arith.addi %scan3A_439, %scan3A_440 : i32
      %scan3A_442 = arith.constant 1 : i32
      scf.for %scan3A_509 = %scan3A_439 to %scan3A_441 step %scan3A_442  : i32 {
        %mul3A_510 = arith.constant 2 : i32
        %mul3A_511 = arith.muli %scan3A_509, %mul3A_510 : i32
        %add3A_512 = arith.constant 1 : i32
        %add3A_513 = arith.addi %mul3A_511, %add3A_512 : i32
        %mul3A_514 = arith.constant 2560 : i32
        %mul3A_515 = arith.muli %add3A_513, %mul3A_514 : i32
        %add3A_516 = arith.addi %multiple_of3A_319, %mul3A_515 : i32
        %dma_start3A_517 = tpu.memref_slice %arg3[%multiple_of3A_433, %add3A_516] : memref<16x2600000xf32, #tpu.memory_space<hbm>> -> memref<8x2560xf32, #tpu.memory_space<hbm>>
        %dma_start3A_518 = tpu.memref_slice %arg3[%multiple_of3A_433, %add3A_516] : memref<16x2600000xf32, #tpu.memory_space<hbm>> -> memref<8x2560xf32, #tpu.memory_space<hbm>>
        tpu.enqueue_dma source(%dma_start3A_518 : memref<8x2560xf32, #tpu.memory_space<hbm>>) target(%arg7 : memref<8x2560xf32, #tpu.memory_space<vmem>>) target_semaphore(%arg14 : memref<!tpu.dma_semaphore, #tpu.memory_space<semaphore_mem>>)
        %dma_wait3A_519 = tpu.memref_slice %arg3[%multiple_of3A_433, %multiple_of3A_319] : memref<16x2600000xf32, #tpu.memory_space<hbm>> -> memref<8x2560xf32, #tpu.memory_space<hbm>>
        %dma_wait3A_520 = tpu.memref_slice %arg3[%multiple_of3A_433, %multiple_of3A_319] : memref<16x2600000xf32, #tpu.memory_space<hbm>> -> memref<8x2560xf32, #tpu.memory_space<hbm>>
        tpu.wait_dma2 semaphore(%arg13 : memref<!tpu.dma_semaphore, #tpu.memory_space<semaphore_mem>>) src(%dma_wait3A_520 : memref<8x2560xf32, #tpu.memory_space<hbm>>) dst(%arg6 : memref<8x2560xf32, #tpu.memory_space<vmem>>)
        %broadcast_in_dim3A_521 = vector.broadcast %mul3A_511 : i32 to vector<16xi32>
        %gather3A_522 = tpu.vector_load_idx %arg11[%broadcast_in_dim3A_521] : memref<64xi32, #tpu.memory_space<vmem>>[vector<16xi32>], vector<16xi32>,
        %reduce_max3A_523 = arith.constant true
        %reduce_max3A_524 = vector.broadcast %reduce_max3A_523 : i1 to vector<16xi1>
        %reduce_max3A_525 = arith.constant -2147483648 : i32
        %reduce_max3A_526 = vector.broadcast %reduce_max3A_525 : i32 to vector<16xi32>
        %reduce_max3A_527 = arith.xori %gather3A_522, %reduce_max3A_526 : vector<16xi32>
        %reduce_max3A_528 = tpu.scan <max>, %reduce_max3A_527 masked %reduce_max3A_524 : vector<16xi32>, vector<16xi1> -> vector<16xi32>
        %reduce_max3A_529 = arith.xori %reduce_max3A_528, %reduce_max3A_526 : vector<16xi32>
        %reduce_max3A_530 = vector.extract %reduce_max3A_529[15] : i32 from vector<16xi32>
        %broadcast_in_dim3A_531 = vector.broadcast %mul3A_511 : i32 to vector<16xi32>
        %gather3A_532 = tpu.vector_load_idx %arg12[%broadcast_in_dim3A_531] : memref<64xi32, #tpu.memory_space<vmem>>[vector<16xi32>], vector<16xi32>,
        %reduce_max3A_533 = arith.constant true
        %reduce_max3A_534 = vector.broadcast %reduce_max3A_533 : i1 to vector<16xi1>
        %reduce_max3A_535 = arith.constant -2147483648 : i32
        %reduce_max3A_536 = vector.broadcast %reduce_max3A_535 : i32 to vector<16xi32>
        %reduce_max3A_537 = arith.xori %gather3A_532, %reduce_max3A_536 : vector<16xi32>
        %reduce_max3A_538 = tpu.scan <max>, %reduce_max3A_537 masked %reduce_max3A_534 : vector<16xi32>, vector<16xi1> -> vector<16xi32>
        %reduce_max3A_539 = arith.xori %reduce_max3A_538, %reduce_max3A_536 : vector<16xi32>
        %reduce_max3A_540 = vector.extract %reduce_max3A_539[15] : i32 from vector<16xi32>
        %mul3A_541 = arith.constant 2560 : i32
        %mul3A_542 = arith.muli %mul3A_511, %mul3A_541 : i32
        %sub3A_543 = arith.subi %reduce_max3A_540, %reduce_max3A_530 : i32
        %add3A_544 = arith.constant 16 : i32
        %add3A_545 = arith.addi %sub3A_543, %add3A_544 : i32
        %sub3A_546 = arith.constant 1 : i32
        %sub3A_547 = arith.subi %add3A_545, %sub3A_546 : i32
        %jit3A_548 = arith.constant 16 : i32
        %div3A_549 = arith.divsi %sub3A_547, %jit3A_548 : i32
        %sign3A_550 = arith.constant 0 : i32
        %sign3A_551 = arith.cmpi sgt, %sub3A_547, %sign3A_550 : i32
        %sign3A_552 = arith.extui %sign3A_551 : i1 to i32
        %sign3A_553 = arith.constant 0 : i32
        %sign3A_554 = arith.cmpi slt, %sub3A_547, %sign3A_553 : i32
        %sign3A_555 = arith.extui %sign3A_554 : i1 to i32
        %sign3A_556 = arith.subi %sign3A_552, %sign3A_555 : i32
        %sign3A_557 = arith.constant 0 : i32
        %sign3A_558 = arith.cmpi sgt, %jit3A_548, %sign3A_557 : i32
        %sign3A_559 = arith.extui %sign3A_558 : i1 to i32
        %sign3A_560 = arith.constant 0 : i32
        %sign3A_561 = arith.cmpi slt, %jit3A_548, %sign3A_560 : i32
        %sign3A_562 = arith.extui %sign3A_561 : i1 to i32
        %sign3A_563 = arith.subi %sign3A_559, %sign3A_562 : i32
        %ne3A_564 = arith.cmpi ne, %sign3A_556, %sign3A_563 : i32
        %rem3A_565 = arith.remsi %sub3A_547, %jit3A_548 : i32
        %ne3A_566 = arith.constant 0 : i32
        %ne3A_567 = arith.cmpi ne, %rem3A_565, %ne3A_566 : i32
        %and3A_568 = arith.andi %ne3A_564, %ne3A_567 : i1
        %sub3A_569 = arith.constant 1 : i32
        %sub3A_570 = arith.subi %div3A_549, %sub3A_569 : i32
        %select_n3A_571 = arith.select %and3A_568, %sub3A_570, %div3A_549 : i32
        %while3A_572 = arith.constant 0 : i32
        %while3A_573 = arith.constant 0 : i32
        %while3A_574 = arith.subi %select_n3A_571, %while3A_573 : i32
        %while3A_575 = arith.addi %while3A_573, %while3A_574 : i32
        %while3A_576 = arith.constant 1 : i32
        %while3A_577 = arith.divsi %while3A_574, %while3A_576 : i32
        %while3A_578 = arith.muli %while3A_577, %while3A_576 : i32
        %while3A_579 = arith.addi %while3A_573, %while3A_578 : i32
        %while3A_580 = arith.constant 1 : i32
        scf.for %while3A_654 = %while3A_573 to %while3A_579 step %while3A_580  : i32 {
          %mul3A_655 = arith.constant 16 : i32
          %mul3A_656 = arith.muli %while3A_654, %mul3A_655 : i32
          %add3A_657 = arith.addi %reduce_max3A_530, %mul3A_656 : i32
          %get3A = arith.index_cast %add3A_657 : i32 to index
          %get3A_658 = tpu.vector_load %arg9[%get3A] {strides = array<i32>} : memref<12288xi32, #tpu.memory_space<vmem>>, vector<16xi32>,
          %add3A_659 = vector.broadcast %add3A_657 : i32 to vector<16xi32>
          %add3A_660 = arith.addi %add3A_659, %iota3A : vector<16xi32>
          %lt3A_661 = vector.broadcast %reduce_max3A_540 : i32 to vector<16xi32>
          %lt3A_662 = arith.cmpi slt, %add3A_660, %lt3A_661 : vector<16xi32>
          %and3A_663 = arith.constant 131071 : i32
          %and3A_664 = vector.broadcast %and3A_663 : i32 to vector<16xi32>
          %and3A_665 = arith.andi %get3A_658, %and3A_664 : vector<16xi32>
          %sub3A_666 = vector.broadcast %mul3A_542 : i32 to vector<16xi32>
          %sub3A_667 = arith.subi %and3A_665, %sub3A_666 : vector<16xi32>
          %shift_right_logical3A = arith.constant 17 : i32
          %shift_right_logical3A_668 = vector.broadcast %shift_right_logical3A : i32 to vector<16xi32>
          %shift_right_logical3A_669 = arith.shrui %get3A_658, %shift_right_logical3A_668 : vector<16xi32>
          %broadcast_in_dim3A_670 = arith.constant 0 : i32
          %broadcast_in_dim3A_671 = vector.broadcast %broadcast_in_dim3A_670 : i32 to vector<16xi32>
          %gather3A_672 = tpu.vector_load_idx %arg6[%broadcast_in_dim3A_671, %sub3A_667] masked %lt3A_662 : memref<8x2560xf32, #tpu.memory_space<vmem>>[vector<16xi32>, vector<16xi32>], vector<16xf32>, vector<16xi1>
          %broadcast_in_dim3A_673 = arith.constant 0 : i32
          %broadcast_in_dim3A_674 = vector.broadcast %broadcast_in_dim3A_673 : i32 to vector<16xi32>
          tpu.vector_store_idx %arg8[%broadcast_in_dim3A_674, %shift_right_logical3A_669], %gather3A_672 masked %lt3A_662 : memref<8x8192xf32, #tpu.memory_space<vmem>>[vector<16xi32>, vector<16xi32>], vector<16xf32>, vector<16xi1>
          %broadcast_in_dim3A_675 = arith.constant 1 : i32
          %broadcast_in_dim3A_676 = vector.broadcast %broadcast_in_dim3A_675 : i32 to vector<16xi32>
          %gather3A_677 = tpu.vector_load_idx %arg6[%broadcast_in_dim3A_676, %sub3A_667] masked %lt3A_662 : memref<8x2560xf32, #tpu.memory_space<vmem>>[vector<16xi32>, vector<16xi32>], vector<16xf32>, vector<16xi1>
          %broadcast_in_dim3A_678 = arith.constant 1 : i32
          %broadcast_in_dim3A_679 = vector.broadcast %broadcast_in_dim3A_678 : i32 to vector<16xi32>
          tpu.vector_store_idx %arg8[%broadcast_in_dim3A_679, %shift_right_logical3A_669], %gather3A_677 masked %lt3A_662 : memref<8x8192xf32, #tpu.memory_space<vmem>>[vector<16xi32>, vector<16xi32>], vector<16xf32>, vector<16xi1>
          %broadcast_in_dim3A_680 = arith.constant 2 : i32
          %broadcast_in_dim3A_681 = vector.broadcast %broadcast_in_dim3A_680 : i32 to vector<16xi32>
          %gather3A_682 = tpu.vector_load_idx %arg6[%broadcast_in_dim3A_681, %sub3A_667] masked %lt3A_662 : memref<8x2560xf32, #tpu.memory_space<vmem>>[vector<16xi32>, vector<16xi32>], vector<16xf32>, vector<16xi1>
          %broadcast_in_dim3A_683 = arith.constant 2 : i32
          %broadcast_in_dim3A_684 = vector.broadcast %broadcast_in_dim3A_683 : i32 to vector<16xi32>
          tpu.vector_store_idx %arg8[%broadcast_in_dim3A_684, %shift_right_logical3A_669], %gather3A_682 masked %lt3A_662 : memref<8x8192xf32, #tpu.memory_space<vmem>>[vector<16xi32>, vector<16xi32>], vector<16xf32>, vector<16xi1>
          %broadcast_in_dim3A_685 = arith.constant 3 : i32
          %broadcast_in_dim3A_686 = vector.broadcast %broadcast_in_dim3A_685 : i32 to vector<16xi32>
          %gather3A_687 = tpu.vector_load_idx %arg6[%broadcast_in_dim3A_686, %sub3A_667] masked %lt3A_662 : memref<8x2560xf32, #tpu.memory_space<vmem>>[vector<16xi32>, vector<16xi32>], vector<16xf32>, vector<16xi1>
          %broadcast_in_dim3A_688 = arith.constant 3 : i32
          %broadcast_in_dim3A_689 = vector.broadcast %broadcast_in_dim3A_688 : i32 to vector<16xi32>
          tpu.vector_store_idx %arg8[%broadcast_in_dim3A_689, %shift_right_logical3A_669], %gather3A_687 masked %lt3A_662 : memref<8x8192xf32, #tpu.memory_space<vmem>>[vector<16xi32>, vector<16xi32>], vector<16xf32>, vector<16xi1>
          %broadcast_in_dim3A_690 = arith.constant 4 : i32
          %broadcast_in_dim3A_691 = vector.broadcast %broadcast_in_dim3A_690 : i32 to vector<16xi32>
          %gather3A_692 = tpu.vector_load_idx %arg6[%broadcast_in_dim3A_691, %sub3A_667] masked %lt3A_662 : memref<8x2560xf32, #tpu.memory_space<vmem>>[vector<16xi32>, vector<16xi32>], vector<16xf32>, vector<16xi1>
          %broadcast_in_dim3A_693 = arith.constant 4 : i32
          %broadcast_in_dim3A_694 = vector.broadcast %broadcast_in_dim3A_693 : i32 to vector<16xi32>
          tpu.vector_store_idx %arg8[%broadcast_in_dim3A_694, %shift_right_logical3A_669], %gather3A_692 masked %lt3A_662 : memref<8x8192xf32, #tpu.memory_space<vmem>>[vector<16xi32>, vector<16xi32>], vector<16xf32>, vector<16xi1>
          %broadcast_in_dim3A_695 = arith.constant 5 : i32
          %broadcast_in_dim3A_696 = vector.broadcast %broadcast_in_dim3A_695 : i32 to vector<16xi32>
          %gather3A_697 = tpu.vector_load_idx %arg6[%broadcast_in_dim3A_696, %sub3A_667] masked %lt3A_662 : memref<8x2560xf32, #tpu.memory_space<vmem>>[vector<16xi32>, vector<16xi32>], vector<16xf32>, vector<16xi1>
          %broadcast_in_dim3A_698 = arith.constant 5 : i32
          %broadcast_in_dim3A_699 = vector.broadcast %broadcast_in_dim3A_698 : i32 to vector<16xi32>
          tpu.vector_store_idx %arg8[%broadcast_in_dim3A_699, %shift_right_logical3A_669], %gather3A_697 masked %lt3A_662 : memref<8x8192xf32, #tpu.memory_space<vmem>>[vector<16xi32>, vector<16xi32>], vector<16xf32>, vector<16xi1>
          %broadcast_in_dim3A_700 = arith.constant 6 : i32
          %broadcast_in_dim3A_701 = vector.broadcast %broadcast_in_dim3A_700 : i32 to vector<16xi32>
          %gather3A_702 = tpu.vector_load_idx %arg6[%broadcast_in_dim3A_701, %sub3A_667] masked %lt3A_662 : memref<8x2560xf32, #tpu.memory_space<vmem>>[vector<16xi32>, vector<16xi32>], vector<16xf32>, vector<16xi1>
          %broadcast_in_dim3A_703 = arith.constant 6 : i32
          %broadcast_in_dim3A_704 = vector.broadcast %broadcast_in_dim3A_703 : i32 to vector<16xi32>
          tpu.vector_store_idx %arg8[%broadcast_in_dim3A_704, %shift_right_logical3A_669], %gather3A_702 masked %lt3A_662 : memref<8x8192xf32, #tpu.memory_space<vmem>>[vector<16xi32>, vector<16xi32>], vector<16xf32>, vector<16xi1>
          %broadcast_in_dim3A_705 = arith.constant 7 : i32
          %broadcast_in_dim3A_706 = vector.broadcast %broadcast_in_dim3A_705 : i32 to vector<16xi32>
          %gather3A_707 = tpu.vector_load_idx %arg6[%broadcast_in_dim3A_706, %sub3A_667] masked %lt3A_662 : memref<8x2560xf32, #tpu.memory_space<vmem>>[vector<16xi32>, vector<16xi32>], vector<16xf32>, vector<16xi1>
          %broadcast_in_dim3A_708 = arith.constant 7 : i32
          %broadcast_in_dim3A_709 = vector.broadcast %broadcast_in_dim3A_708 : i32 to vector<16xi32>
          tpu.vector_store_idx %arg8[%broadcast_in_dim3A_709, %shift_right_logical3A_669], %gather3A_707 masked %lt3A_662 : memref<8x8192xf32, #tpu.memory_space<vmem>>[vector<16xi32>, vector<16xi32>], vector<16xf32>, vector<16xi1>
        }
        %while3A_581 = arith.constant 1 : i32
        scf.for %while3A_654 = %while3A_579 to %while3A_575 step %while3A_581  : i32 {
          %mul3A_655 = arith.constant 16 : i32
          %mul3A_656 = arith.muli %while3A_654, %mul3A_655 : i32
          %add3A_657 = arith.addi %reduce_max3A_530, %mul3A_656 : i32
          %get3A = arith.index_cast %add3A_657 : i32 to index
          %get3A_658 = tpu.vector_load %arg9[%get3A] {strides = array<i32>} : memref<12288xi32, #tpu.memory_space<vmem>>, vector<16xi32>,
          %add3A_659 = vector.broadcast %add3A_657 : i32 to vector<16xi32>
          %add3A_660 = arith.addi %add3A_659, %iota3A : vector<16xi32>
          %lt3A_661 = vector.broadcast %reduce_max3A_540 : i32 to vector<16xi32>
          %lt3A_662 = arith.cmpi slt, %add3A_660, %lt3A_661 : vector<16xi32>
          %and3A_663 = arith.constant 131071 : i32
          %and3A_664 = vector.broadcast %and3A_663 : i32 to vector<16xi32>
          %and3A_665 = arith.andi %get3A_658, %and3A_664 : vector<16xi32>
          %sub3A_666 = vector.broadcast %mul3A_542 : i32 to vector<16xi32>
          %sub3A_667 = arith.subi %and3A_665, %sub3A_666 : vector<16xi32>
          %shift_right_logical3A = arith.constant 17 : i32
          %shift_right_logical3A_668 = vector.broadcast %shift_right_logical3A : i32 to vector<16xi32>
          %shift_right_logical3A_669 = arith.shrui %get3A_658, %shift_right_logical3A_668 : vector<16xi32>
          %broadcast_in_dim3A_670 = arith.constant 0 : i32
          %broadcast_in_dim3A_671 = vector.broadcast %broadcast_in_dim3A_670 : i32 to vector<16xi32>
          %gather3A_672 = tpu.vector_load_idx %arg6[%broadcast_in_dim3A_671, %sub3A_667] masked %lt3A_662 : memref<8x2560xf32, #tpu.memory_space<vmem>>[vector<16xi32>, vector<16xi32>], vector<16xf32>, vector<16xi1>
          %broadcast_in_dim3A_673 = arith.constant 0 : i32
          %broadcast_in_dim3A_674 = vector.broadcast %broadcast_in_dim3A_673 : i32 to vector<16xi32>
          tpu.vector_store_idx %arg8[%broadcast_in_dim3A_674, %shift_right_logical3A_669], %gather3A_672 masked %lt3A_662 : memref<8x8192xf32, #tpu.memory_space<vmem>>[vector<16xi32>, vector<16xi32>], vector<16xf32>, vector<16xi1>
          %broadcast_in_dim3A_675 = arith.constant 1 : i32
          %broadcast_in_dim3A_676 = vector.broadcast %broadcast_in_dim3A_675 : i32 to vector<16xi32>
          %gather3A_677 = tpu.vector_load_idx %arg6[%broadcast_in_dim3A_676, %sub3A_667] masked %lt3A_662 : memref<8x2560xf32, #tpu.memory_space<vmem>>[vector<16xi32>, vector<16xi32>], vector<16xf32>, vector<16xi1>
          %broadcast_in_dim3A_678 = arith.constant 1 : i32
          %broadcast_in_dim3A_679 = vector.broadcast %broadcast_in_dim3A_678 : i32 to vector<16xi32>
          tpu.vector_store_idx %arg8[%broadcast_in_dim3A_679, %shift_right_logical3A_669], %gather3A_677 masked %lt3A_662 : memref<8x8192xf32, #tpu.memory_space<vmem>>[vector<16xi32>, vector<16xi32>], vector<16xf32>, vector<16xi1>
          %broadcast_in_dim3A_680 = arith.constant 2 : i32
          %broadcast_in_dim3A_681 = vector.broadcast %broadcast_in_dim3A_680 : i32 to vector<16xi32>
          %gather3A_682 = tpu.vector_load_idx %arg6[%broadcast_in_dim3A_681, %sub3A_667] masked %lt3A_662 : memref<8x2560xf32, #tpu.memory_space<vmem>>[vector<16xi32>, vector<16xi32>], vector<16xf32>, vector<16xi1>
          %broadcast_in_dim3A_683 = arith.constant 2 : i32
          %broadcast_in_dim3A_684 = vector.broadcast %broadcast_in_dim3A_683 : i32 to vector<16xi32>
          tpu.vector_store_idx %arg8[%broadcast_in_dim3A_684, %shift_right_logical3A_669], %gather3A_682 masked %lt3A_662 : memref<8x8192xf32, #tpu.memory_space<vmem>>[vector<16xi32>, vector<16xi32>], vector<16xf32>, vector<16xi1>
          %broadcast_in_dim3A_685 = arith.constant 3 : i32
          %broadcast_in_dim3A_686 = vector.broadcast %broadcast_in_dim3A_685 : i32 to vector<16xi32>
          %gather3A_687 = tpu.vector_load_idx %arg6[%broadcast_in_dim3A_686, %sub3A_667] masked %lt3A_662 : memref<8x2560xf32, #tpu.memory_space<vmem>>[vector<16xi32>, vector<16xi32>], vector<16xf32>, vector<16xi1>
          %broadcast_in_dim3A_688 = arith.constant 3 : i32
          %broadcast_in_dim3A_689 = vector.broadcast %broadcast_in_dim3A_688 : i32 to vector<16xi32>
          tpu.vector_store_idx %arg8[%broadcast_in_dim3A_689, %shift_right_logical3A_669], %gather3A_687 masked %lt3A_662 : memref<8x8192xf32, #tpu.memory_space<vmem>>[vector<16xi32>, vector<16xi32>], vector<16xf32>, vector<16xi1>
          %broadcast_in_dim3A_690 = arith.constant 4 : i32
          %broadcast_in_dim3A_691 = vector.broadcast %broadcast_in_dim3A_690 : i32 to vector<16xi32>
          %gather3A_692 = tpu.vector_load_idx %arg6[%broadcast_in_dim3A_691, %sub3A_667] masked %lt3A_662 : memref<8x2560xf32, #tpu.memory_space<vmem>>[vector<16xi32>, vector<16xi32>], vector<16xf32>, vector<16xi1>
          %broadcast_in_dim3A_693 = arith.constant 4 : i32
          %broadcast_in_dim3A_694 = vector.broadcast %broadcast_in_dim3A_693 : i32 to vector<16xi32>
          tpu.vector_store_idx %arg8[%broadcast_in_dim3A_694, %shift_right_logical3A_669], %gather3A_692 masked %lt3A_662 : memref<8x8192xf32, #tpu.memory_space<vmem>>[vector<16xi32>, vector<16xi32>], vector<16xf32>, vector<16xi1>
          %broadcast_in_dim3A_695 = arith.constant 5 : i32
          %broadcast_in_dim3A_696 = vector.broadcast %broadcast_in_dim3A_695 : i32 to vector<16xi32>
          %gather3A_697 = tpu.vector_load_idx %arg6[%broadcast_in_dim3A_696, %sub3A_667] masked %lt3A_662 : memref<8x2560xf32, #tpu.memory_space<vmem>>[vector<16xi32>, vector<16xi32>], vector<16xf32>, vector<16xi1>
          %broadcast_in_dim3A_698 = arith.constant 5 : i32
          %broadcast_in_dim3A_699 = vector.broadcast %broadcast_in_dim3A_698 : i32 to vector<16xi32>
          tpu.vector_store_idx %arg8[%broadcast_in_dim3A_699, %shift_right_logical3A_669], %gather3A_697 masked %lt3A_662 : memref<8x8192xf32, #tpu.memory_space<vmem>>[vector<16xi32>, vector<16xi32>], vector<16xf32>, vector<16xi1>
          %broadcast_in_dim3A_700 = arith.constant 6 : i32
          %broadcast_in_dim3A_701 = vector.broadcast %broadcast_in_dim3A_700 : i32 to vector<16xi32>
          %gather3A_702 = tpu.vector_load_idx %arg6[%broadcast_in_dim3A_701, %sub3A_667] masked %lt3A_662 : memref<8x2560xf32, #tpu.memory_space<vmem>>[vector<16xi32>, vector<16xi32>], vector<16xf32>, vector<16xi1>
          %broadcast_in_dim3A_703 = arith.constant 6 : i32
          %broadcast_in_dim3A_704 = vector.broadcast %broadcast_in_dim3A_703 : i32 to vector<16xi32>
          tpu.vector_store_idx %arg8[%broadcast_in_dim3A_704, %shift_right_logical3A_669], %gather3A_702 masked %lt3A_662 : memref<8x8192xf32, #tpu.memory_space<vmem>>[vector<16xi32>, vector<16xi32>], vector<16xf32>, vector<16xi1>
          %broadcast_in_dim3A_705 = arith.constant 7 : i32
          %broadcast_in_dim3A_706 = vector.broadcast %broadcast_in_dim3A_705 : i32 to vector<16xi32>
          %gather3A_707 = tpu.vector_load_idx %arg6[%broadcast_in_dim3A_706, %sub3A_667] masked %lt3A_662 : memref<8x2560xf32, #tpu.memory_space<vmem>>[vector<16xi32>, vector<16xi32>], vector<16xf32>, vector<16xi1>
          %broadcast_in_dim3A_708 = arith.constant 7 : i32
          %broadcast_in_dim3A_709 = vector.broadcast %broadcast_in_dim3A_708 : i32 to vector<16xi32>
          tpu.vector_store_idx %arg8[%broadcast_in_dim3A_709, %shift_right_logical3A_669], %gather3A_707 masked %lt3A_662 : memref<8x8192xf32, #tpu.memory_space<vmem>>[vector<16xi32>, vector<16xi32>], vector<16xf32>, vector<16xi1>
        }
        %add3A_582 = arith.constant 2 : i32
        %add3A_583 = arith.addi %mul3A_511, %add3A_582 : i32
        %mul3A_584 = arith.constant 2560 : i32
        %mul3A_585 = arith.muli %add3A_583, %mul3A_584 : i32
        %add3A_586 = arith.addi %multiple_of3A_319, %mul3A_585 : i32
        %dma_start3A_587 = tpu.memref_slice %arg3[%multiple_of3A_433, %add3A_586] : memref<16x2600000xf32, #tpu.memory_space<hbm>> -> memref<8x2560xf32, #tpu.memory_space<hbm>>
        %dma_start3A_588 = tpu.memref_slice %arg3[%multiple_of3A_433, %add3A_586] : memref<16x2600000xf32, #tpu.memory_space<hbm>> -> memref<8x2560xf32, #tpu.memory_space<hbm>>
        tpu.enqueue_dma source(%dma_start3A_588 : memref<8x2560xf32, #tpu.memory_space<hbm>>) target(%arg6 : memref<8x2560xf32, #tpu.memory_space<vmem>>) target_semaphore(%arg13 : memref<!tpu.dma_semaphore, #tpu.memory_space<semaphore_mem>>)
        %dma_wait3A_589 = tpu.memref_slice %arg3[%multiple_of3A_433, %multiple_of3A_319] : memref<16x2600000xf32, #tpu.memory_space<hbm>> -> memref<8x2560xf32, #tpu.memory_space<hbm>>
        %dma_wait3A_590 = tpu.memref_slice %arg3[%multiple_of3A_433, %multiple_of3A_319] : memref<16x2600000xf32, #tpu.memory_space<hbm>> -> memref<8x2560xf32, #tpu.memory_space<hbm>>
        tpu.wait_dma2 semaphore(%arg14 : memref<!tpu.dma_semaphore, #tpu.memory_space<semaphore_mem>>) src(%dma_wait3A_590 : memref<8x2560xf32, #tpu.memory_space<hbm>>) dst(%arg7 : memref<8x2560xf32, #tpu.memory_space<vmem>>)
        %add3A_591 = arith.constant 1 : i32
        %add3A_592 = arith.addi %mul3A_511, %add3A_591 : i32
        %broadcast_in_dim3A_593 = vector.broadcast %add3A_592 : i32 to vector<16xi32>
        %gather3A_594 = tpu.vector_load_idx %arg11[%broadcast_in_dim3A_593] : memref<64xi32, #tpu.memory_space<vmem>>[vector<16xi32>], vector<16xi32>,
        %reduce_max3A_595 = arith.constant true
        %reduce_max3A_596 = vector.broadcast %reduce_max3A_595 : i1 to vector<16xi1>
        %reduce_max3A_597 = arith.constant -2147483648 : i32
        %reduce_max3A_598 = vector.broadcast %reduce_max3A_597 : i32 to vector<16xi32>
        %reduce_max3A_599 = arith.xori %gather3A_594, %reduce_max3A_598 : vector<16xi32>
        %reduce_max3A_600 = tpu.scan <max>, %reduce_max3A_599 masked %reduce_max3A_596 : vector<16xi32>, vector<16xi1> -> vector<16xi32>
        %reduce_max3A_601 = arith.xori %reduce_max3A_600, %reduce_max3A_598 : vector<16xi32>
        %reduce_max3A_602 = vector.extract %reduce_max3A_601[15] : i32 from vector<16xi32>
        %broadcast_in_dim3A_603 = vector.broadcast %add3A_592 : i32 to vector<16xi32>
        %gather3A_604 = tpu.vector_load_idx %arg12[%broadcast_in_dim3A_603] : memref<64xi32, #tpu.memory_space<vmem>>[vector<16xi32>], vector<16xi32>,
        %reduce_max3A_605 = arith.constant true
        %reduce_max3A_606 = vector.broadcast %reduce_max3A_605 : i1 to vector<16xi1>
        %reduce_max3A_607 = arith.constant -2147483648 : i32
        %reduce_max3A_608 = vector.broadcast %reduce_max3A_607 : i32 to vector<16xi32>
        %reduce_max3A_609 = arith.xori %gather3A_604, %reduce_max3A_608 : vector<16xi32>
        %reduce_max3A_610 = tpu.scan <max>, %reduce_max3A_609 masked %reduce_max3A_606 : vector<16xi32>, vector<16xi1> -> vector<16xi32>
        %reduce_max3A_611 = arith.xori %reduce_max3A_610, %reduce_max3A_608 : vector<16xi32>
        %reduce_max3A_612 = vector.extract %reduce_max3A_611[15] : i32 from vector<16xi32>
        %mul3A_613 = arith.constant 2560 : i32
        %mul3A_614 = arith.muli %add3A_592, %mul3A_613 : i32
        %sub3A_615 = arith.subi %reduce_max3A_612, %reduce_max3A_602 : i32
        %add3A_616 = arith.constant 16 : i32
        %add3A_617 = arith.addi %sub3A_615, %add3A_616 : i32
        %sub3A_618 = arith.constant 1 : i32
        %sub3A_619 = arith.subi %add3A_617, %sub3A_618 : i32
        %jit3A_620 = arith.constant 16 : i32
        %div3A_621 = arith.divsi %sub3A_619, %jit3A_620 : i32
        %sign3A_622 = arith.constant 0 : i32
        %sign3A_623 = arith.cmpi sgt, %sub3A_619, %sign3A_622 : i32
        %sign3A_624 = arith.extui %sign3A_623 : i1 to i32
        %sign3A_625 = arith.constant 0 : i32
        %sign3A_626 = arith.cmpi slt, %sub3A_619, %sign3A_625 : i32
        %sign3A_627 = arith.extui %sign3A_626 : i1 to i32
        %sign3A_628 = arith.subi %sign3A_624, %sign3A_627 : i32
        %sign3A_629 = arith.constant 0 : i32
        %sign3A_630 = arith.cmpi sgt, %jit3A_620, %sign3A_629 : i32
        %sign3A_631 = arith.extui %sign3A_630 : i1 to i32
        %sign3A_632 = arith.constant 0 : i32
        %sign3A_633 = arith.cmpi slt, %jit3A_620, %sign3A_632 : i32
        %sign3A_634 = arith.extui %sign3A_633 : i1 to i32
        %sign3A_635 = arith.subi %sign3A_631, %sign3A_634 : i32
        %ne3A_636 = arith.cmpi ne, %sign3A_628, %sign3A_635 : i32
        %rem3A_637 = arith.remsi %sub3A_619, %jit3A_620 : i32
        %ne3A_638 = arith.constant 0 : i32
        %ne3A_639 = arith.cmpi ne, %rem3A_637, %ne3A_638 : i32
        %and3A_640 = arith.andi %ne3A_636, %ne3A_639 : i1
        %sub3A_641 = arith.constant 1 : i32
        %sub3A_642 = arith.subi %div3A_621, %sub3A_641 : i32
        %select_n3A_643 = arith.select %and3A_640, %sub3A_642, %div3A_621 : i32
        %while3A_644 = arith.constant 0 : i32
        %while3A_645 = arith.constant 0 : i32
        %while3A_646 = arith.subi %select_n3A_643, %while3A_645 : i32
        %while3A_647 = arith.addi %while3A_645, %while3A_646 : i32
        %while3A_648 = arith.constant 1 : i32
        %while3A_649 = arith.divsi %while3A_646, %while3A_648 : i32
        %while3A_650 = arith.muli %while3A_649, %while3A_648 : i32
        %while3A_651 = arith.addi %while3A_645, %while3A_650 : i32
        %while3A_652 = arith.constant 1 : i32
        scf.for %while3A_654 = %while3A_645 to %while3A_651 step %while3A_652  : i32 {
          %mul3A_655 = arith.constant 16 : i32
          %mul3A_656 = arith.muli %while3A_654, %mul3A_655 : i32
          %add3A_657 = arith.addi %reduce_max3A_602, %mul3A_656 : i32
          %get3A = arith.index_cast %add3A_657 : i32 to index
          %get3A_658 = tpu.vector_load %arg9[%get3A] {strides = array<i32>} : memref<12288xi32, #tpu.memory_space<vmem>>, vector<16xi32>,
          %add3A_659 = vector.broadcast %add3A_657 : i32 to vector<16xi32>
          %add3A_660 = arith.addi %add3A_659, %iota3A : vector<16xi32>
          %lt3A_661 = vector.broadcast %reduce_max3A_612 : i32 to vector<16xi32>
          %lt3A_662 = arith.cmpi slt, %add3A_660, %lt3A_661 : vector<16xi32>
          %and3A_663 = arith.constant 131071 : i32
          %and3A_664 = vector.broadcast %and3A_663 : i32 to vector<16xi32>
          %and3A_665 = arith.andi %get3A_658, %and3A_664 : vector<16xi32>
          %sub3A_666 = vector.broadcast %mul3A_614 : i32 to vector<16xi32>
          %sub3A_667 = arith.subi %and3A_665, %sub3A_666 : vector<16xi32>
          %shift_right_logical3A = arith.constant 17 : i32
          %shift_right_logical3A_668 = vector.broadcast %shift_right_logical3A : i32 to vector<16xi32>
          %shift_right_logical3A_669 = arith.shrui %get3A_658, %shift_right_logical3A_668 : vector<16xi32>
          %broadcast_in_dim3A_670 = arith.constant 0 : i32
          %broadcast_in_dim3A_671 = vector.broadcast %broadcast_in_dim3A_670 : i32 to vector<16xi32>
          %gather3A_672 = tpu.vector_load_idx %arg7[%broadcast_in_dim3A_671, %sub3A_667] masked %lt3A_662 : memref<8x2560xf32, #tpu.memory_space<vmem>>[vector<16xi32>, vector<16xi32>], vector<16xf32>, vector<16xi1>
          %broadcast_in_dim3A_673 = arith.constant 0 : i32
          %broadcast_in_dim3A_674 = vector.broadcast %broadcast_in_dim3A_673 : i32 to vector<16xi32>
          tpu.vector_store_idx %arg8[%broadcast_in_dim3A_674, %shift_right_logical3A_669], %gather3A_672 masked %lt3A_662 : memref<8x8192xf32, #tpu.memory_space<vmem>>[vector<16xi32>, vector<16xi32>], vector<16xf32>, vector<16xi1>
          %broadcast_in_dim3A_675 = arith.constant 1 : i32
          %broadcast_in_dim3A_676 = vector.broadcast %broadcast_in_dim3A_675 : i32 to vector<16xi32>
          %gather3A_677 = tpu.vector_load_idx %arg7[%broadcast_in_dim3A_676, %sub3A_667] masked %lt3A_662 : memref<8x2560xf32, #tpu.memory_space<vmem>>[vector<16xi32>, vector<16xi32>], vector<16xf32>, vector<16xi1>
          %broadcast_in_dim3A_678 = arith.constant 1 : i32
          %broadcast_in_dim3A_679 = vector.broadcast %broadcast_in_dim3A_678 : i32 to vector<16xi32>
          tpu.vector_store_idx %arg8[%broadcast_in_dim3A_679, %shift_right_logical3A_669], %gather3A_677 masked %lt3A_662 : memref<8x8192xf32, #tpu.memory_space<vmem>>[vector<16xi32>, vector<16xi32>], vector<16xf32>, vector<16xi1>
          %broadcast_in_dim3A_680 = arith.constant 2 : i32
          %broadcast_in_dim3A_681 = vector.broadcast %broadcast_in_dim3A_680 : i32 to vector<16xi32>
          %gather3A_682 = tpu.vector_load_idx %arg7[%broadcast_in_dim3A_681, %sub3A_667] masked %lt3A_662 : memref<8x2560xf32, #tpu.memory_space<vmem>>[vector<16xi32>, vector<16xi32>], vector<16xf32>, vector<16xi1>
          %broadcast_in_dim3A_683 = arith.constant 2 : i32
          %broadcast_in_dim3A_684 = vector.broadcast %broadcast_in_dim3A_683 : i32 to vector<16xi32>
          tpu.vector_store_idx %arg8[%broadcast_in_dim3A_684, %shift_right_logical3A_669], %gather3A_682 masked %lt3A_662 : memref<8x8192xf32, #tpu.memory_space<vmem>>[vector<16xi32>, vector<16xi32>], vector<16xf32>, vector<16xi1>
          %broadcast_in_dim3A_685 = arith.constant 3 : i32
          %broadcast_in_dim3A_686 = vector.broadcast %broadcast_in_dim3A_685 : i32 to vector<16xi32>
          %gather3A_687 = tpu.vector_load_idx %arg7[%broadcast_in_dim3A_686, %sub3A_667] masked %lt3A_662 : memref<8x2560xf32, #tpu.memory_space<vmem>>[vector<16xi32>, vector<16xi32>], vector<16xf32>, vector<16xi1>
          %broadcast_in_dim3A_688 = arith.constant 3 : i32
          %broadcast_in_dim3A_689 = vector.broadcast %broadcast_in_dim3A_688 : i32 to vector<16xi32>
          tpu.vector_store_idx %arg8[%broadcast_in_dim3A_689, %shift_right_logical3A_669], %gather3A_687 masked %lt3A_662 : memref<8x8192xf32, #tpu.memory_space<vmem>>[vector<16xi32>, vector<16xi32>], vector<16xf32>, vector<16xi1>
          %broadcast_in_dim3A_690 = arith.constant 4 : i32
          %broadcast_in_dim3A_691 = vector.broadcast %broadcast_in_dim3A_690 : i32 to vector<16xi32>
          %gather3A_692 = tpu.vector_load_idx %arg7[%broadcast_in_dim3A_691, %sub3A_667] masked %lt3A_662 : memref<8x2560xf32, #tpu.memory_space<vmem>>[vector<16xi32>, vector<16xi32>], vector<16xf32>, vector<16xi1>
          %broadcast_in_dim3A_693 = arith.constant 4 : i32
          %broadcast_in_dim3A_694 = vector.broadcast %broadcast_in_dim3A_693 : i32 to vector<16xi32>
          tpu.vector_store_idx %arg8[%broadcast_in_dim3A_694, %shift_right_logical3A_669], %gather3A_692 masked %lt3A_662 : memref<8x8192xf32, #tpu.memory_space<vmem>>[vector<16xi32>, vector<16xi32>], vector<16xf32>, vector<16xi1>
          %broadcast_in_dim3A_695 = arith.constant 5 : i32
          %broadcast_in_dim3A_696 = vector.broadcast %broadcast_in_dim3A_695 : i32 to vector<16xi32>
          %gather3A_697 = tpu.vector_load_idx %arg7[%broadcast_in_dim3A_696, %sub3A_667] masked %lt3A_662 : memref<8x2560xf32, #tpu.memory_space<vmem>>[vector<16xi32>, vector<16xi32>], vector<16xf32>, vector<16xi1>
          %broadcast_in_dim3A_698 = arith.constant 5 : i32
          %broadcast_in_dim3A_699 = vector.broadcast %broadcast_in_dim3A_698 : i32 to vector<16xi32>
          tpu.vector_store_idx %arg8[%broadcast_in_dim3A_699, %shift_right_logical3A_669], %gather3A_697 masked %lt3A_662 : memref<8x8192xf32, #tpu.memory_space<vmem>>[vector<16xi32>, vector<16xi32>], vector<16xf32>, vector<16xi1>
          %broadcast_in_dim3A_700 = arith.constant 6 : i32
          %broadcast_in_dim3A_701 = vector.broadcast %broadcast_in_dim3A_700 : i32 to vector<16xi32>
          %gather3A_702 = tpu.vector_load_idx %arg7[%broadcast_in_dim3A_701, %sub3A_667] masked %lt3A_662 : memref<8x2560xf32, #tpu.memory_space<vmem>>[vector<16xi32>, vector<16xi32>], vector<16xf32>, vector<16xi1>
          %broadcast_in_dim3A_703 = arith.constant 6 : i32
          %broadcast_in_dim3A_704 = vector.broadcast %broadcast_in_dim3A_703 : i32 to vector<16xi32>
          tpu.vector_store_idx %arg8[%broadcast_in_dim3A_704, %shift_right_logical3A_669], %gather3A_702 masked %lt3A_662 : memref<8x8192xf32, #tpu.memory_space<vmem>>[vector<16xi32>, vector<16xi32>], vector<16xf32>, vector<16xi1>
          %broadcast_in_dim3A_705 = arith.constant 7 : i32
          %broadcast_in_dim3A_706 = vector.broadcast %broadcast_in_dim3A_705 : i32 to vector<16xi32>
          %gather3A_707 = tpu.vector_load_idx %arg7[%broadcast_in_dim3A_706, %sub3A_667] masked %lt3A_662 : memref<8x2560xf32, #tpu.memory_space<vmem>>[vector<16xi32>, vector<16xi32>], vector<16xf32>, vector<16xi1>
          %broadcast_in_dim3A_708 = arith.constant 7 : i32
          %broadcast_in_dim3A_709 = vector.broadcast %broadcast_in_dim3A_708 : i32 to vector<16xi32>
          tpu.vector_store_idx %arg8[%broadcast_in_dim3A_709, %shift_right_logical3A_669], %gather3A_707 masked %lt3A_662 : memref<8x8192xf32, #tpu.memory_space<vmem>>[vector<16xi32>, vector<16xi32>], vector<16xf32>, vector<16xi1>
        }
        %while3A_653 = arith.constant 1 : i32
        scf.for %while3A_654 = %while3A_651 to %while3A_647 step %while3A_653  : i32 {
          %mul3A_655 = arith.constant 16 : i32
          %mul3A_656 = arith.muli %while3A_654, %mul3A_655 : i32
          %add3A_657 = arith.addi %reduce_max3A_602, %mul3A_656 : i32
          %get3A = arith.index_cast %add3A_657 : i32 to index
          %get3A_658 = tpu.vector_load %arg9[%get3A] {strides = array<i32>} : memref<12288xi32, #tpu.memory_space<vmem>>, vector<16xi32>,
          %add3A_659 = vector.broadcast %add3A_657 : i32 to vector<16xi32>
          %add3A_660 = arith.addi %add3A_659, %iota3A : vector<16xi32>
          %lt3A_661 = vector.broadcast %reduce_max3A_612 : i32 to vector<16xi32>
          %lt3A_662 = arith.cmpi slt, %add3A_660, %lt3A_661 : vector<16xi32>
          %and3A_663 = arith.constant 131071 : i32
          %and3A_664 = vector.broadcast %and3A_663 : i32 to vector<16xi32>
          %and3A_665 = arith.andi %get3A_658, %and3A_664 : vector<16xi32>
          %sub3A_666 = vector.broadcast %mul3A_614 : i32 to vector<16xi32>
          %sub3A_667 = arith.subi %and3A_665, %sub3A_666 : vector<16xi32>
          %shift_right_logical3A = arith.constant 17 : i32
          %shift_right_logical3A_668 = vector.broadcast %shift_right_logical3A : i32 to vector<16xi32>
          %shift_right_logical3A_669 = arith.shrui %get3A_658, %shift_right_logical3A_668 : vector<16xi32>
          %broadcast_in_dim3A_670 = arith.constant 0 : i32
          %broadcast_in_dim3A_671 = vector.broadcast %broadcast_in_dim3A_670 : i32 to vector<16xi32>
          %gather3A_672 = tpu.vector_load_idx %arg7[%broadcast_in_dim3A_671, %sub3A_667] masked %lt3A_662 : memref<8x2560xf32, #tpu.memory_space<vmem>>[vector<16xi32>, vector<16xi32>], vector<16xf32>, vector<16xi1>
          %broadcast_in_dim3A_673 = arith.constant 0 : i32
          %broadcast_in_dim3A_674 = vector.broadcast %broadcast_in_dim3A_673 : i32 to vector<16xi32>
          tpu.vector_store_idx %arg8[%broadcast_in_dim3A_674, %shift_right_logical3A_669], %gather3A_672 masked %lt3A_662 : memref<8x8192xf32, #tpu.memory_space<vmem>>[vector<16xi32>, vector<16xi32>], vector<16xf32>, vector<16xi1>
          %broadcast_in_dim3A_675 = arith.constant 1 : i32
          %broadcast_in_dim3A_676 = vector.broadcast %broadcast_in_dim3A_675 : i32 to vector<16xi32>
          %gather3A_677 = tpu.vector_load_idx %arg7[%broadcast_in_dim3A_676, %sub3A_667] masked %lt3A_662 : memref<8x2560xf32, #tpu.memory_space<vmem>>[vector<16xi32>, vector<16xi32>], vector<16xf32>, vector<16xi1>
          %broadcast_in_dim3A_678 = arith.constant 1 : i32
          %broadcast_in_dim3A_679 = vector.broadcast %broadcast_in_dim3A_678 : i32 to vector<16xi32>
          tpu.vector_store_idx %arg8[%broadcast_in_dim3A_679, %shift_right_logical3A_669], %gather3A_677 masked %lt3A_662 : memref<8x8192xf32, #tpu.memory_space<vmem>>[vector<16xi32>, vector<16xi32>], vector<16xf32>, vector<16xi1>
          %broadcast_in_dim3A_680 = arith.constant 2 : i32
          %broadcast_in_dim3A_681 = vector.broadcast %broadcast_in_dim3A_680 : i32 to vector<16xi32>
          %gather3A_682 = tpu.vector_load_idx %arg7[%broadcast_in_dim3A_681, %sub3A_667] masked %lt3A_662 : memref<8x2560xf32, #tpu.memory_space<vmem>>[vector<16xi32>, vector<16xi32>], vector<16xf32>, vector<16xi1>
          %broadcast_in_dim3A_683 = arith.constant 2 : i32
          %broadcast_in_dim3A_684 = vector.broadcast %broadcast_in_dim3A_683 : i32 to vector<16xi32>
          tpu.vector_store_idx %arg8[%broadcast_in_dim3A_684, %shift_right_logical3A_669], %gather3A_682 masked %lt3A_662 : memref<8x8192xf32, #tpu.memory_space<vmem>>[vector<16xi32>, vector<16xi32>], vector<16xf32>, vector<16xi1>
          %broadcast_in_dim3A_685 = arith.constant 3 : i32
          %broadcast_in_dim3A_686 = vector.broadcast %broadcast_in_dim3A_685 : i32 to vector<16xi32>
          %gather3A_687 = tpu.vector_load_idx %arg7[%broadcast_in_dim3A_686, %sub3A_667] masked %lt3A_662 : memref<8x2560xf32, #tpu.memory_space<vmem>>[vector<16xi32>, vector<16xi32>], vector<16xf32>, vector<16xi1>
          %broadcast_in_dim3A_688 = arith.constant 3 : i32
          %broadcast_in_dim3A_689 = vector.broadcast %broadcast_in_dim3A_688 : i32 to vector<16xi32>
          tpu.vector_store_idx %arg8[%broadcast_in_dim3A_689, %shift_right_logical3A_669], %gather3A_687 masked %lt3A_662 : memref<8x8192xf32, #tpu.memory_space<vmem>>[vector<16xi32>, vector<16xi32>], vector<16xf32>, vector<16xi1>
          %broadcast_in_dim3A_690 = arith.constant 4 : i32
          %broadcast_in_dim3A_691 = vector.broadcast %broadcast_in_dim3A_690 : i32 to vector<16xi32>
          %gather3A_692 = tpu.vector_load_idx %arg7[%broadcast_in_dim3A_691, %sub3A_667] masked %lt3A_662 : memref<8x2560xf32, #tpu.memory_space<vmem>>[vector<16xi32>, vector<16xi32>], vector<16xf32>, vector<16xi1>
          %broadcast_in_dim3A_693 = arith.constant 4 : i32
          %broadcast_in_dim3A_694 = vector.broadcast %broadcast_in_dim3A_693 : i32 to vector<16xi32>
          tpu.vector_store_idx %arg8[%broadcast_in_dim3A_694, %shift_right_logical3A_669], %gather3A_692 masked %lt3A_662 : memref<8x8192xf32, #tpu.memory_space<vmem>>[vector<16xi32>, vector<16xi32>], vector<16xf32>, vector<16xi1>
          %broadcast_in_dim3A_695 = arith.constant 5 : i32
          %broadcast_in_dim3A_696 = vector.broadcast %broadcast_in_dim3A_695 : i32 to vector<16xi32>
          %gather3A_697 = tpu.vector_load_idx %arg7[%broadcast_in_dim3A_696, %sub3A_667] masked %lt3A_662 : memref<8x2560xf32, #tpu.memory_space<vmem>>[vector<16xi32>, vector<16xi32>], vector<16xf32>, vector<16xi1>
          %broadcast_in_dim3A_698 = arith.constant 5 : i32
          %broadcast_in_dim3A_699 = vector.broadcast %broadcast_in_dim3A_698 : i32 to vector<16xi32>
          tpu.vector_store_idx %arg8[%broadcast_in_dim3A_699, %shift_right_logical3A_669], %gather3A_697 masked %lt3A_662 : memref<8x8192xf32, #tpu.memory_space<vmem>>[vector<16xi32>, vector<16xi32>], vector<16xf32>, vector<16xi1>
          %broadcast_in_dim3A_700 = arith.constant 6 : i32
          %broadcast_in_dim3A_701 = vector.broadcast %broadcast_in_dim3A_700 : i32 to vector<16xi32>
          %gather3A_702 = tpu.vector_load_idx %arg7[%broadcast_in_dim3A_701, %sub3A_667] masked %lt3A_662 : memref<8x2560xf32, #tpu.memory_space<vmem>>[vector<16xi32>, vector<16xi32>], vector<16xf32>, vector<16xi1>
          %broadcast_in_dim3A_703 = arith.constant 6 : i32
          %broadcast_in_dim3A_704 = vector.broadcast %broadcast_in_dim3A_703 : i32 to vector<16xi32>
          tpu.vector_store_idx %arg8[%broadcast_in_dim3A_704, %shift_right_logical3A_669], %gather3A_702 masked %lt3A_662 : memref<8x8192xf32, #tpu.memory_space<vmem>>[vector<16xi32>, vector<16xi32>], vector<16xf32>, vector<16xi1>
          %broadcast_in_dim3A_705 = arith.constant 7 : i32
          %broadcast_in_dim3A_706 = vector.broadcast %broadcast_in_dim3A_705 : i32 to vector<16xi32>
          %gather3A_707 = tpu.vector_load_idx %arg7[%broadcast_in_dim3A_706, %sub3A_667] masked %lt3A_662 : memref<8x2560xf32, #tpu.memory_space<vmem>>[vector<16xi32>, vector<16xi32>], vector<16xf32>, vector<16xi1>
          %broadcast_in_dim3A_708 = arith.constant 7 : i32
          %broadcast_in_dim3A_709 = vector.broadcast %broadcast_in_dim3A_708 : i32 to vector<16xi32>
          tpu.vector_store_idx %arg8[%broadcast_in_dim3A_709, %shift_right_logical3A_669], %gather3A_707 masked %lt3A_662 : memref<8x8192xf32, #tpu.memory_space<vmem>>[vector<16xi32>, vector<16xi32>], vector<16xf32>, vector<16xi1>
        }
      }
      %scan3A_443 = arith.constant 20 : i32
      %dma_wait3A_444 = tpu.memref_slice %arg3[%multiple_of3A_433, %multiple_of3A_319] : memref<16x2600000xf32, #tpu.memory_space<hbm>> -> memref<8x2560xf32, #tpu.memory_space<hbm>>
      %dma_wait3A_445 = tpu.memref_slice %arg3[%multiple_of3A_433, %multiple_of3A_319] : memref<16x2600000xf32, #tpu.memory_space<hbm>> -> memref<8x2560xf32, #tpu.memory_space<hbm>>
      tpu.wait_dma2 semaphore(%arg13 : memref<!tpu.dma_semaphore, #tpu.memory_space<semaphore_mem>>) src(%dma_wait3A_445 : memref<8x2560xf32, #tpu.memory_space<hbm>>) dst(%arg6 : memref<8x2560xf32, #tpu.memory_space<vmem>>)
      %broadcast_in_dim3A_446 = arith.constant 40 : i32
      %broadcast_in_dim3A_447 = vector.broadcast %broadcast_in_dim3A_446 : i32 to vector<16xi32>
      %gather3A_448 = tpu.vector_load_idx %arg11[%broadcast_in_dim3A_447] : memref<64xi32, #tpu.memory_space<vmem>>[vector<16xi32>], vector<16xi32>,
      %reduce_max3A_449 = arith.constant true
      %reduce_max3A_450 = vector.broadcast %reduce_max3A_449 : i1 to vector<16xi1>
      %reduce_max3A_451 = arith.constant -2147483648 : i32
      %reduce_max3A_452 = vector.broadcast %reduce_max3A_451 : i32 to vector<16xi32>
      %reduce_max3A_453 = arith.xori %gather3A_448, %reduce_max3A_452 : vector<16xi32>
      %reduce_max3A_454 = tpu.scan <max>, %reduce_max3A_453 masked %reduce_max3A_450 : vector<16xi32>, vector<16xi1> -> vector<16xi32>
      %reduce_max3A_455 = arith.xori %reduce_max3A_454, %reduce_max3A_452 : vector<16xi32>
      %reduce_max3A_456 = vector.extract %reduce_max3A_455[15] : i32 from vector<16xi32>
      %broadcast_in_dim3A_457 = arith.constant 40 : i32
      %broadcast_in_dim3A_458 = vector.broadcast %broadcast_in_dim3A_457 : i32 to vector<16xi32>
      %gather3A_459 = tpu.vector_load_idx %arg12[%broadcast_in_dim3A_458] : memref<64xi32, #tpu.memory_space<vmem>>[vector<16xi32>], vector<16xi32>,
      %reduce_max3A_460 = arith.constant true
      %reduce_max3A_461 = vector.broadcast %reduce_max3A_460 : i1 to vector<16xi1>
      %reduce_max3A_462 = arith.constant -2147483648 : i32
      %reduce_max3A_463 = vector.broadcast %reduce_max3A_462 : i32 to vector<16xi32>
      %reduce_max3A_464 = arith.xori %gather3A_459, %reduce_max3A_463 : vector<16xi32>
      %reduce_max3A_465 = tpu.scan <max>, %reduce_max3A_464 masked %reduce_max3A_461 : vector<16xi32>, vector<16xi1> -> vector<16xi32>
      %reduce_max3A_466 = arith.xori %reduce_max3A_465, %reduce_max3A_463 : vector<16xi32>
      %reduce_max3A_467 = vector.extract %reduce_max3A_466[15] : i32 from vector<16xi32>
      %sub3A_468 = arith.subi %reduce_max3A_467, %reduce_max3A_456 : i32
      %add3A_469 = arith.constant 16 : i32
      %add3A_470 = arith.addi %sub3A_468, %add3A_469 : i32
      %sub3A_471 = arith.constant 1 : i32
      %sub3A_472 = arith.subi %add3A_470, %sub3A_471 : i32
      %jit3A_473 = arith.constant 16 : i32
      %div3A_474 = arith.divsi %sub3A_472, %jit3A_473 : i32
      %sign3A_475 = arith.constant 0 : i32
      %sign3A_476 = arith.cmpi sgt, %sub3A_472, %sign3A_475 : i32
      %sign3A_477 = arith.extui %sign3A_476 : i1 to i32
      %sign3A_478 = arith.constant 0 : i32
      %sign3A_479 = arith.cmpi slt, %sub3A_472, %sign3A_478 : i32
      %sign3A_480 = arith.extui %sign3A_479 : i1 to i32
      %sign3A_481 = arith.subi %sign3A_477, %sign3A_480 : i32
      %sign3A_482 = arith.constant 0 : i32
      %sign3A_483 = arith.cmpi sgt, %jit3A_473, %sign3A_482 : i32
      %sign3A_484 = arith.extui %sign3A_483 : i1 to i32
      %sign3A_485 = arith.constant 0 : i32
      %sign3A_486 = arith.cmpi slt, %jit3A_473, %sign3A_485 : i32
      %sign3A_487 = arith.extui %sign3A_486 : i1 to i32
      %sign3A_488 = arith.subi %sign3A_484, %sign3A_487 : i32
      %ne3A_489 = arith.cmpi ne, %sign3A_481, %sign3A_488 : i32
      %rem3A_490 = arith.remsi %sub3A_472, %jit3A_473 : i32
      %ne3A_491 = arith.constant 0 : i32
      %ne3A_492 = arith.cmpi ne, %rem3A_490, %ne3A_491 : i32
      %and3A_493 = arith.andi %ne3A_489, %ne3A_492 : i1
      %sub3A_494 = arith.constant 1 : i32
      %sub3A_495 = arith.subi %div3A_474, %sub3A_494 : i32
      %select_n3A_496 = arith.select %and3A_493, %sub3A_495, %div3A_474 : i32
      %while3A_497 = arith.constant 0 : i32
      %while3A_498 = arith.constant 0 : i32
      %while3A_499 = arith.subi %select_n3A_496, %while3A_498 : i32
      %while3A_500 = arith.addi %while3A_498, %while3A_499 : i32
      %while3A_501 = arith.constant 1 : i32
      %while3A_502 = arith.divsi %while3A_499, %while3A_501 : i32
      %while3A_503 = arith.muli %while3A_502, %while3A_501 : i32
      %while3A_504 = arith.addi %while3A_498, %while3A_503 : i32
      %while3A_505 = arith.constant 1 : i32
      scf.for %while3A_509 = %while3A_498 to %while3A_504 step %while3A_505  : i32 {
        %mul3A_510 = arith.constant 16 : i32
        %mul3A_511 = arith.muli %while3A_509, %mul3A_510 : i32
        %add3A_512 = arith.addi %reduce_max3A_456, %mul3A_511 : i32
        %get3A = arith.index_cast %add3A_512 : i32 to index
        %get3A_513 = tpu.vector_load %arg9[%get3A] {strides = array<i32>} : memref<12288xi32, #tpu.memory_space<vmem>>, vector<16xi32>,
        %add3A_514 = vector.broadcast %add3A_512 : i32 to vector<16xi32>
        %add3A_515 = arith.addi %add3A_514, %iota3A : vector<16xi32>
        %lt3A_516 = vector.broadcast %reduce_max3A_467 : i32 to vector<16xi32>
        %lt3A_517 = arith.cmpi slt, %add3A_515, %lt3A_516 : vector<16xi32>
        %and3A_518 = arith.constant 131071 : i32
        %and3A_519 = vector.broadcast %and3A_518 : i32 to vector<16xi32>
        %and3A_520 = arith.andi %get3A_513, %and3A_519 : vector<16xi32>
        %sub3A_521 = arith.constant 102400 : i32
        %sub3A_522 = vector.broadcast %sub3A_521 : i32 to vector<16xi32>
        %sub3A_523 = arith.subi %and3A_520, %sub3A_522 : vector<16xi32>
        %shift_right_logical3A = arith.constant 17 : i32
        %shift_right_logical3A_524 = vector.broadcast %shift_right_logical3A : i32 to vector<16xi32>
        %shift_right_logical3A_525 = arith.shrui %get3A_513, %shift_right_logical3A_524 : vector<16xi32>
        %broadcast_in_dim3A_526 = arith.constant 0 : i32
        %broadcast_in_dim3A_527 = vector.broadcast %broadcast_in_dim3A_526 : i32 to vector<16xi32>
        %gather3A_528 = tpu.vector_load_idx %arg6[%broadcast_in_dim3A_527, %sub3A_523] masked %lt3A_517 : memref<8x2560xf32, #tpu.memory_space<vmem>>[vector<16xi32>, vector<16xi32>], vector<16xf32>, vector<16xi1>
        %broadcast_in_dim3A_529 = arith.constant 0 : i32
        %broadcast_in_dim3A_530 = vector.broadcast %broadcast_in_dim3A_529 : i32 to vector<16xi32>
        tpu.vector_store_idx %arg8[%broadcast_in_dim3A_530, %shift_right_logical3A_525], %gather3A_528 masked %lt3A_517 : memref<8x8192xf32, #tpu.memory_space<vmem>>[vector<16xi32>, vector<16xi32>], vector<16xf32>, vector<16xi1>
        %broadcast_in_dim3A_531 = arith.constant 1 : i32
        %broadcast_in_dim3A_532 = vector.broadcast %broadcast_in_dim3A_531 : i32 to vector<16xi32>
        %gather3A_533 = tpu.vector_load_idx %arg6[%broadcast_in_dim3A_532, %sub3A_523] masked %lt3A_517 : memref<8x2560xf32, #tpu.memory_space<vmem>>[vector<16xi32>, vector<16xi32>], vector<16xf32>, vector<16xi1>
        %broadcast_in_dim3A_534 = arith.constant 1 : i32
        %broadcast_in_dim3A_535 = vector.broadcast %broadcast_in_dim3A_534 : i32 to vector<16xi32>
        tpu.vector_store_idx %arg8[%broadcast_in_dim3A_535, %shift_right_logical3A_525], %gather3A_533 masked %lt3A_517 : memref<8x8192xf32, #tpu.memory_space<vmem>>[vector<16xi32>, vector<16xi32>], vector<16xf32>, vector<16xi1>
        %broadcast_in_dim3A_536 = arith.constant 2 : i32
        %broadcast_in_dim3A_537 = vector.broadcast %broadcast_in_dim3A_536 : i32 to vector<16xi32>
        %gather3A_538 = tpu.vector_load_idx %arg6[%broadcast_in_dim3A_537, %sub3A_523] masked %lt3A_517 : memref<8x2560xf32, #tpu.memory_space<vmem>>[vector<16xi32>, vector<16xi32>], vector<16xf32>, vector<16xi1>
        %broadcast_in_dim3A_539 = arith.constant 2 : i32
        %broadcast_in_dim3A_540 = vector.broadcast %broadcast_in_dim3A_539 : i32 to vector<16xi32>
        tpu.vector_store_idx %arg8[%broadcast_in_dim3A_540, %shift_right_logical3A_525], %gather3A_538 masked %lt3A_517 : memref<8x8192xf32, #tpu.memory_space<vmem>>[vector<16xi32>, vector<16xi32>], vector<16xf32>, vector<16xi1>
        %broadcast_in_dim3A_541 = arith.constant 3 : i32
        %broadcast_in_dim3A_542 = vector.broadcast %broadcast_in_dim3A_541 : i32 to vector<16xi32>
        %gather3A_543 = tpu.vector_load_idx %arg6[%broadcast_in_dim3A_542, %sub3A_523] masked %lt3A_517 : memref<8x2560xf32, #tpu.memory_space<vmem>>[vector<16xi32>, vector<16xi32>], vector<16xf32>, vector<16xi1>
        %broadcast_in_dim3A_544 = arith.constant 3 : i32
        %broadcast_in_dim3A_545 = vector.broadcast %broadcast_in_dim3A_544 : i32 to vector<16xi32>
        tpu.vector_store_idx %arg8[%broadcast_in_dim3A_545, %shift_right_logical3A_525], %gather3A_543 masked %lt3A_517 : memref<8x8192xf32, #tpu.memory_space<vmem>>[vector<16xi32>, vector<16xi32>], vector<16xf32>, vector<16xi1>
        %broadcast_in_dim3A_546 = arith.constant 4 : i32
        %broadcast_in_dim3A_547 = vector.broadcast %broadcast_in_dim3A_546 : i32 to vector<16xi32>
        %gather3A_548 = tpu.vector_load_idx %arg6[%broadcast_in_dim3A_547, %sub3A_523] masked %lt3A_517 : memref<8x2560xf32, #tpu.memory_space<vmem>>[vector<16xi32>, vector<16xi32>], vector<16xf32>, vector<16xi1>
        %broadcast_in_dim3A_549 = arith.constant 4 : i32
        %broadcast_in_dim3A_550 = vector.broadcast %broadcast_in_dim3A_549 : i32 to vector<16xi32>
        tpu.vector_store_idx %arg8[%broadcast_in_dim3A_550, %shift_right_logical3A_525], %gather3A_548 masked %lt3A_517 : memref<8x8192xf32, #tpu.memory_space<vmem>>[vector<16xi32>, vector<16xi32>], vector<16xf32>, vector<16xi1>
        %broadcast_in_dim3A_551 = arith.constant 5 : i32
        %broadcast_in_dim3A_552 = vector.broadcast %broadcast_in_dim3A_551 : i32 to vector<16xi32>
        %gather3A_553 = tpu.vector_load_idx %arg6[%broadcast_in_dim3A_552, %sub3A_523] masked %lt3A_517 : memref<8x2560xf32, #tpu.memory_space<vmem>>[vector<16xi32>, vector<16xi32>], vector<16xf32>, vector<16xi1>
        %broadcast_in_dim3A_554 = arith.constant 5 : i32
        %broadcast_in_dim3A_555 = vector.broadcast %broadcast_in_dim3A_554 : i32 to vector<16xi32>
        tpu.vector_store_idx %arg8[%broadcast_in_dim3A_555, %shift_right_logical3A_525], %gather3A_553 masked %lt3A_517 : memref<8x8192xf32, #tpu.memory_space<vmem>>[vector<16xi32>, vector<16xi32>], vector<16xf32>, vector<16xi1>
        %broadcast_in_dim3A_556 = arith.constant 6 : i32
        %broadcast_in_dim3A_557 = vector.broadcast %broadcast_in_dim3A_556 : i32 to vector<16xi32>
        %gather3A_558 = tpu.vector_load_idx %arg6[%broadcast_in_dim3A_557, %sub3A_523] masked %lt3A_517 : memref<8x2560xf32, #tpu.memory_space<vmem>>[vector<16xi32>, vector<16xi32>], vector<16xf32>, vector<16xi1>
        %broadcast_in_dim3A_559 = arith.constant 6 : i32
        %broadcast_in_dim3A_560 = vector.broadcast %broadcast_in_dim3A_559 : i32 to vector<16xi32>
        tpu.vector_store_idx %arg8[%broadcast_in_dim3A_560, %shift_right_logical3A_525], %gather3A_558 masked %lt3A_517 : memref<8x8192xf32, #tpu.memory_space<vmem>>[vector<16xi32>, vector<16xi32>], vector<16xf32>, vector<16xi1>
        %broadcast_in_dim3A_561 = arith.constant 7 : i32
        %broadcast_in_dim3A_562 = vector.broadcast %broadcast_in_dim3A_561 : i32 to vector<16xi32>
        %gather3A_563 = tpu.vector_load_idx %arg6[%broadcast_in_dim3A_562, %sub3A_523] masked %lt3A_517 : memref<8x2560xf32, #tpu.memory_space<vmem>>[vector<16xi32>, vector<16xi32>], vector<16xf32>, vector<16xi1>
        %broadcast_in_dim3A_564 = arith.constant 7 : i32
        %broadcast_in_dim3A_565 = vector.broadcast %broadcast_in_dim3A_564 : i32 to vector<16xi32>
        tpu.vector_store_idx %arg8[%broadcast_in_dim3A_565, %shift_right_logical3A_525], %gather3A_563 masked %lt3A_517 : memref<8x8192xf32, #tpu.memory_space<vmem>>[vector<16xi32>, vector<16xi32>], vector<16xf32>, vector<16xi1>
      }
      %while3A_506 = arith.constant 1 : i32
      scf.for %while3A_509 = %while3A_504 to %while3A_500 step %while3A_506  : i32 {
        %mul3A_510 = arith.constant 16 : i32
        %mul3A_511 = arith.muli %while3A_509, %mul3A_510 : i32
        %add3A_512 = arith.addi %reduce_max3A_456, %mul3A_511 : i32
        %get3A = arith.index_cast %add3A_512 : i32 to index
        %get3A_513 = tpu.vector_load %arg9[%get3A] {strides = array<i32>} : memref<12288xi32, #tpu.memory_space<vmem>>, vector<16xi32>,
        %add3A_514 = vector.broadcast %add3A_512 : i32 to vector<16xi32>
        %add3A_515 = arith.addi %add3A_514, %iota3A : vector<16xi32>
        %lt3A_516 = vector.broadcast %reduce_max3A_467 : i32 to vector<16xi32>
        %lt3A_517 = arith.cmpi slt, %add3A_515, %lt3A_516 : vector<16xi32>
        %and3A_518 = arith.constant 131071 : i32
        %and3A_519 = vector.broadcast %and3A_518 : i32 to vector<16xi32>
        %and3A_520 = arith.andi %get3A_513, %and3A_519 : vector<16xi32>
        %sub3A_521 = arith.constant 102400 : i32
        %sub3A_522 = vector.broadcast %sub3A_521 : i32 to vector<16xi32>
        %sub3A_523 = arith.subi %and3A_520, %sub3A_522 : vector<16xi32>
        %shift_right_logical3A = arith.constant 17 : i32
        %shift_right_logical3A_524 = vector.broadcast %shift_right_logical3A : i32 to vector<16xi32>
        %shift_right_logical3A_525 = arith.shrui %get3A_513, %shift_right_logical3A_524 : vector<16xi32>
        %broadcast_in_dim3A_526 = arith.constant 0 : i32
        %broadcast_in_dim3A_527 = vector.broadcast %broadcast_in_dim3A_526 : i32 to vector<16xi32>
        %gather3A_528 = tpu.vector_load_idx %arg6[%broadcast_in_dim3A_527, %sub3A_523] masked %lt3A_517 : memref<8x2560xf32, #tpu.memory_space<vmem>>[vector<16xi32>, vector<16xi32>], vector<16xf32>, vector<16xi1>
        %broadcast_in_dim3A_529 = arith.constant 0 : i32
        %broadcast_in_dim3A_530 = vector.broadcast %broadcast_in_dim3A_529 : i32 to vector<16xi32>
        tpu.vector_store_idx %arg8[%broadcast_in_dim3A_530, %shift_right_logical3A_525], %gather3A_528 masked %lt3A_517 : memref<8x8192xf32, #tpu.memory_space<vmem>>[vector<16xi32>, vector<16xi32>], vector<16xf32>, vector<16xi1>
        %broadcast_in_dim3A_531 = arith.constant 1 : i32
        %broadcast_in_dim3A_532 = vector.broadcast %broadcast_in_dim3A_531 : i32 to vector<16xi32>
        %gather3A_533 = tpu.vector_load_idx %arg6[%broadcast_in_dim3A_532, %sub3A_523] masked %lt3A_517 : memref<8x2560xf32, #tpu.memory_space<vmem>>[vector<16xi32>, vector<16xi32>], vector<16xf32>, vector<16xi1>
        %broadcast_in_dim3A_534 = arith.constant 1 : i32
        %broadcast_in_dim3A_535 = vector.broadcast %broadcast_in_dim3A_534 : i32 to vector<16xi32>
        tpu.vector_store_idx %arg8[%broadcast_in_dim3A_535, %shift_right_logical3A_525], %gather3A_533 masked %lt3A_517 : memref<8x8192xf32, #tpu.memory_space<vmem>>[vector<16xi32>, vector<16xi32>], vector<16xf32>, vector<16xi1>
        %broadcast_in_dim3A_536 = arith.constant 2 : i32
        %broadcast_in_dim3A_537 = vector.broadcast %broadcast_in_dim3A_536 : i32 to vector<16xi32>
        %gather3A_538 = tpu.vector_load_idx %arg6[%broadcast_in_dim3A_537, %sub3A_523] masked %lt3A_517 : memref<8x2560xf32, #tpu.memory_space<vmem>>[vector<16xi32>, vector<16xi32>], vector<16xf32>, vector<16xi1>
        %broadcast_in_dim3A_539 = arith.constant 2 : i32
        %broadcast_in_dim3A_540 = vector.broadcast %broadcast_in_dim3A_539 : i32 to vector<16xi32>
        tpu.vector_store_idx %arg8[%broadcast_in_dim3A_540, %shift_right_logical3A_525], %gather3A_538 masked %lt3A_517 : memref<8x8192xf32, #tpu.memory_space<vmem>>[vector<16xi32>, vector<16xi32>], vector<16xf32>, vector<16xi1>
        %broadcast_in_dim3A_541 = arith.constant 3 : i32
        %broadcast_in_dim3A_542 = vector.broadcast %broadcast_in_dim3A_541 : i32 to vector<16xi32>
        %gather3A_543 = tpu.vector_load_idx %arg6[%broadcast_in_dim3A_542, %sub3A_523] masked %lt3A_517 : memref<8x2560xf32, #tpu.memory_space<vmem>>[vector<16xi32>, vector<16xi32>], vector<16xf32>, vector<16xi1>
        %broadcast_in_dim3A_544 = arith.constant 3 : i32
        %broadcast_in_dim3A_545 = vector.broadcast %broadcast_in_dim3A_544 : i32 to vector<16xi32>
        tpu.vector_store_idx %arg8[%broadcast_in_dim3A_545, %shift_right_logical3A_525], %gather3A_543 masked %lt3A_517 : memref<8x8192xf32, #tpu.memory_space<vmem>>[vector<16xi32>, vector<16xi32>], vector<16xf32>, vector<16xi1>
        %broadcast_in_dim3A_546 = arith.constant 4 : i32
        %broadcast_in_dim3A_547 = vector.broadcast %broadcast_in_dim3A_546 : i32 to vector<16xi32>
        %gather3A_548 = tpu.vector_load_idx %arg6[%broadcast_in_dim3A_547, %sub3A_523] masked %lt3A_517 : memref<8x2560xf32, #tpu.memory_space<vmem>>[vector<16xi32>, vector<16xi32>], vector<16xf32>, vector<16xi1>
        %broadcast_in_dim3A_549 = arith.constant 4 : i32
        %broadcast_in_dim3A_550 = vector.broadcast %broadcast_in_dim3A_549 : i32 to vector<16xi32>
        tpu.vector_store_idx %arg8[%broadcast_in_dim3A_550, %shift_right_logical3A_525], %gather3A_548 masked %lt3A_517 : memref<8x8192xf32, #tpu.memory_space<vmem>>[vector<16xi32>, vector<16xi32>], vector<16xf32>, vector<16xi1>
        %broadcast_in_dim3A_551 = arith.constant 5 : i32
        %broadcast_in_dim3A_552 = vector.broadcast %broadcast_in_dim3A_551 : i32 to vector<16xi32>
        %gather3A_553 = tpu.vector_load_idx %arg6[%broadcast_in_dim3A_552, %sub3A_523] masked %lt3A_517 : memref<8x2560xf32, #tpu.memory_space<vmem>>[vector<16xi32>, vector<16xi32>], vector<16xf32>, vector<16xi1>
        %broadcast_in_dim3A_554 = arith.constant 5 : i32
        %broadcast_in_dim3A_555 = vector.broadcast %broadcast_in_dim3A_554 : i32 to vector<16xi32>
        tpu.vector_store_idx %arg8[%broadcast_in_dim3A_555, %shift_right_logical3A_525], %gather3A_553 masked %lt3A_517 : memref<8x8192xf32, #tpu.memory_space<vmem>>[vector<16xi32>, vector<16xi32>], vector<16xf32>, vector<16xi1>
        %broadcast_in_dim3A_556 = arith.constant 6 : i32
        %broadcast_in_dim3A_557 = vector.broadcast %broadcast_in_dim3A_556 : i32 to vector<16xi32>
        %gather3A_558 = tpu.vector_load_idx %arg6[%broadcast_in_dim3A_557, %sub3A_523] masked %lt3A_517 : memref<8x2560xf32, #tpu.memory_space<vmem>>[vector<16xi32>, vector<16xi32>], vector<16xf32>, vector<16xi1>
        %broadcast_in_dim3A_559 = arith.constant 6 : i32
        %broadcast_in_dim3A_560 = vector.broadcast %broadcast_in_dim3A_559 : i32 to vector<16xi32>
        tpu.vector_store_idx %arg8[%broadcast_in_dim3A_560, %shift_right_logical3A_525], %gather3A_558 masked %lt3A_517 : memref<8x8192xf32, #tpu.memory_space<vmem>>[vector<16xi32>, vector<16xi32>], vector<16xf32>, vector<16xi1>
        %broadcast_in_dim3A_561 = arith.constant 7 : i32
        %broadcast_in_dim3A_562 = vector.broadcast %broadcast_in_dim3A_561 : i32 to vector<16xi32>
        %gather3A_563 = tpu.vector_load_idx %arg6[%broadcast_in_dim3A_562, %sub3A_523] masked %lt3A_517 : memref<8x2560xf32, #tpu.memory_space<vmem>>[vector<16xi32>, vector<16xi32>], vector<16xf32>, vector<16xi1>
        %broadcast_in_dim3A_564 = arith.constant 7 : i32
        %broadcast_in_dim3A_565 = vector.broadcast %broadcast_in_dim3A_564 : i32 to vector<16xi32>
        tpu.vector_store_idx %arg8[%broadcast_in_dim3A_565, %shift_right_logical3A_525], %gather3A_563 masked %lt3A_517 : memref<8x8192xf32, #tpu.memory_space<vmem>>[vector<16xi32>, vector<16xi32>], vector<16xf32>, vector<16xi1>
      }
      %mul3A_507 = arith.constant 8192 : i32
      %mul3A_508 = arith.muli %select_n3A_288, %mul3A_507 : i32
      "tpu.region"() ({
        %run_scoped3A = tpu.sem_alloc : memref<!tpu.dma_semaphore, #tpu.memory_space<semaphore_mem>>
        %dma_start3A_509 = tpu.memref_slice %arg4[%select_n3A_272, %multiple_of3A_433, %mul3A_508] : memref<26x16x16384xf32, #tpu.memory_space<hbm>> -> memref<1x8x8192xf32, #tpu.memory_space<hbm>>
        %dma_start3A_510 = tpu.memref_squeeze %dma_start3A_509 : memref<1x8x8192xf32, #tpu.memory_space<hbm>> -> memref<8x8192xf32, #tpu.memory_space<hbm>>
        %dma_start3A_511 = tpu.memref_slice %arg4[%select_n3A_272, %multiple_of3A_433, %mul3A_508] : memref<26x16x16384xf32, #tpu.memory_space<hbm>> -> memref<1x8x8192xf32, #tpu.memory_space<hbm>>
        %dma_start3A_512 = tpu.memref_squeeze %dma_start3A_511 : memref<1x8x8192xf32, #tpu.memory_space<hbm>> -> memref<8x8192xf32, #tpu.memory_space<hbm>>
        tpu.enqueue_dma source(%arg8 : memref<8x8192xf32, #tpu.memory_space<vmem>>) target(%dma_start3A_512 : memref<8x8192xf32, #tpu.memory_space<hbm>>) target_semaphore(%run_scoped3A : memref<!tpu.dma_semaphore, #tpu.memory_space<semaphore_mem>>)
        %dma_wait3A_513 = tpu.memref_slice %arg4[%select_n3A_272, %multiple_of3A_433, %mul3A_508] : memref<26x16x16384xf32, #tpu.memory_space<hbm>> -> memref<1x8x8192xf32, #tpu.memory_space<hbm>>
        %dma_wait3A_514 = tpu.memref_squeeze %dma_wait3A_513 : memref<1x8x8192xf32, #tpu.memory_space<hbm>> -> memref<8x8192xf32, #tpu.memory_space<hbm>>
        %dma_wait3A_515 = tpu.memref_slice %arg4[%select_n3A_272, %multiple_of3A_433, %mul3A_508] : memref<26x16x16384xf32, #tpu.memory_space<hbm>> -> memref<1x8x8192xf32, #tpu.memory_space<hbm>>
        %dma_wait3A_516 = tpu.memref_squeeze %dma_wait3A_515 : memref<1x8x8192xf32, #tpu.memory_space<hbm>> -> memref<8x8192xf32, #tpu.memory_space<hbm>>
        tpu.wait_dma2 semaphore(%run_scoped3A : memref<!tpu.dma_semaphore, #tpu.memory_space<semaphore_mem>>) src(%arg8 : memref<8x8192xf32, #tpu.memory_space<vmem>>) dst(%dma_wait3A_516 : memref<8x8192xf32, #tpu.memory_space<hbm>>)
        tpu.yield
      }) : () -> ()
    } else {
    }
    return
  }
}

</mosaic_0001>

<sc_bundles>
// kernel: _embed_t.3.cloned.1.call-start
scs
__scs_entry_jumppad:
0x0: {  	(pc) =	sbr.rel $0x88, $3  }
0x1: {  	(tag) =	ssettag $0x0;
	lr =	simm.s32 $0x1  }
0x2: {  	[smem:$0x3F9F] =	sst lr;
	_ =	strace $0xD0000000  }
0x3: {  	_ = 	snop  }
0x4: {  	_ = 	snop  }
0x5: {  	_ = 	snop  }
0x6: {  	_ = 	snop  }
0x7: {  	_ = 	snop  }
__scs_overlays_trampoline_lowered:
0x8: {  	[smem:$0x3FAE] =	sst s0  }
0x9: {  	[smem:$0x3FAF] =	sst s1  }
0xa: {  	[smem:$0x3FB0] =	sst s2  }
0xb: {  	[smem:$0x3FB1] =	sst s3  }
0xc: {  	[smem:$0x3FB2] =	sst s4  }
0xd: {  	[smem:$0x3FB3] =	sst s5  }
0xe: {  	[smem:$0x3FB4] =	sst s6  }
0xf: {  	[smem:$0x3FB5] =	sst s7  }
0x10: {  	[smem:$0x3FB6] =	sst s8  }
0x11: {  	[smem:$0x3FB7] =	sst s9;
	s0 =	simm.s32 @!p0 $0x0  }
0x12: {  	s1 =	sld [smem:$0x3F9D];
	s0 =	simm.s32 @p0 $0x1  }
0x13: {  	[smem:$0x3FB8] =	sst s0;
	s0 =	simm.s32 @!p1 $0x0  }
0x14: {  	s2 =	sld [smem:$0x3F9C];
	s0 =	simm.s32 @p1 $0x1  }
0x15: {  	[smem:$0x3FB9] =	sst s0;
	s0 =	simm.s32 @!p2 $0x0  }
0x16: {  	s3 =	sld [smem:$0x3FDB];
	s0 =	simm.s32 @p2 $0x1  }
0x17: {  	s4 =	simm.s32 $0x1BF5;
	[smem:$0x3FBB] =	sst s0  }
0x18: {  	s0 =	sld [smem:$0x3F9E];
	_ =	swait.ge [sflag:s4], $0x0  }
0x19: {  	s7 =	sld [smem:$0x3F9F]  }
0x1a: {  	s8 =	sadd.s32 $0xFFFFE003, lr  }
0x1b: {  	s9 =	sadd.s32 $0xFFFFFEF7, lr;
	s5 =	simm.s32 $0xFFFFFFFF;
	p2 =	slt.u32 s8, $0xFFFFF086  }
0x1c: {  	p1 =	slt.u32 s9, $0xF7A;
	s5 =	simm.s32 @!p2 $0x0  }
0x1d: {  	s5 =	simm.s32 @p1 $0x1;
	p0 =	seq.s32 s7, s2  }
0x1e: {  	s7 =	smul.u32 @!p0 $0xF7A, s2;
	p2 =	seq.s32 @!p0 s5, $0x0  }
0x1f: {  	s9 =	smul.u32 $0xF7A, s1;
	s8 =	simm.s32 @!p0 $0x1BF5;
	p2 =	por !p2, p0  }
0x20: {  	[sflag:s8] =	ssyncset.s32 @!p0 $0xFFFFF086;
	s6 =	sadd.s32 @!p0 s3, s7;
	s7 =	simm.s32 @!p0 $0x108  }
0x21: {  	s3 =	sadd.s32 s3, s9;
	s6 =	sadd.s32 @!p0 $0x88, s6;
	s7 =	simm.s32 @p2 $0x1082  }
0x22: {  	[simem:s7], [sflag:s8] =	dma.local @!p0 [hbm:s6], $0xF7A  }
0x23: {  	s9 =	sor.u32 $0xD0000000, s2;
	s6 =	simm.s32 $0x108;
	_ =	swait.ge @!p0 [sflag:s8], $0x0  }
0x24: {  	s3 =	sadd.s32 $0x88, s3;
	s6 =	simm.s32 @!p1 $0x1082;
	[sflag:s4] =	ssyncset.s32 $0xFFFFF086  }
0x25: {  	[simem:s6], [sflag:s4] =	dma.local [hbm:s3], $0xF7A  }
0x26: {  	[smem:$0x3F9F] =	sst s1;
	(tag) =	ssettag s2;
	_ =	strace s9  }
0x27: {  	s1 =	sld [smem:$0x3FAF]  }
0x28: {  	s2 =	sld [smem:$0x3FB0]  }
0x29: {  	s4 =	sld [smem:$0x3FB2]  }
0x2a: {  	p0 =	seq.s32 s5, $0x0;
	s5 =	sld [smem:$0x3FB3]  }
0x2b: {  	s6 =	sld [smem:$0x3FB4]  }
0x2c: {  	s7 =	sld [smem:$0x3FB5]  }
0x2d: {  	s3 =	simm.s32 $0x108;
	s8 =	sld [smem:$0x3FB6]  }
0x2e: {  	s3 =	simm.s32 @!p0 $0x1082;
	s9 =	sld [smem:$0x3FB7]  }
0x2f: {  	lr =	sadd.s32 s0, s3;
	s0 =	sld [smem:$0x3FAE]  }
0x30: {  	s3 =	sld [smem:$0x3FB1]  }
0x31: {  	[smem:$0x3FBA] =	sst s10  }
0x32: {  	s10 =	sld [smem:$0x3FB8];
	_ =	sdelay $0x3  }
0x33: {  	p0 =	seq.s32 s10, $0x1;
	s10 =	sld [smem:$0x3FBA];
	_ =	sdelay $0x3  }
0x34: {  	[smem:$0x3FBA] =	sst s10  }
0x35: {  	s10 =	sld [smem:$0x3FB9];
	_ =	sdelay $0x3  }
0x36: {  	p1 =	seq.s32 s10, $0x1;
	s10 =	sld [smem:$0x3FBA];
	_ =	sdelay $0x3  }
0x37: {  	[smem:$0x3FBA] =	sst s10  }
0x38: {  	s10 =	sld [smem:$0x3FBB]  }
0x39: {  	_ = 	snop;
	(pc) =	sbr.ind lr, $3  }
0x3a: {  	_ = 	snop  }
0x3b: {  	_ = 	snop  }
0x3c: {  	p2 =	seq.s32 s10, $0x1;
	s10 =	sld [smem:$0x3FBA]  }
0x3d: {  	_ =	shalt  }
0x3e: {  	_ =	shalt  }
0x3f: {  	_ =	shalt  }
0x40: {  	_ =	shalt  }
0x41: {  	_ =	shalt  }
0x42: {  	_ =	shalt  }
0x43: {  	_ =	shalt  }
0x44: {  	_ =	shalt  }
0x45: {  	_ =	shalt  }
0x46: {  	_ =	shalt  }
0x47: {  	_ =	shalt  }
0x48: {  	_ =	shalt  }
0x49: {  	_ =	shalt  }
0x4a: {  	_ =	shalt  }
0x4b: {  	_ =	shalt  }
0x4c: {  	_ =	shalt  }
0x4d: {  	_ =	shalt  }
0x4e: {  	_ =	shalt  }
0x4f: {  	_ =	shalt  }
0x50: {  	_ =	shalt  }
0x51: {  	_ =	shalt  }
0x52: {  	_ =	shalt  }
0x53: {  	_ =	shalt  }
0x54: {  	_ =	shalt  }
0x55: {  	_ =	shalt  }
0x56: {  	_ =	shalt  }
0x57: {  	_ =	shalt  }
0x58: {  	_ =	shalt  }
0x59: {  	_ =	shalt  }
0x5a: {  	_ =	shalt  }
0x5b: {  	_ =	shalt  }
0x5c: {  	_ =	shalt  }
0x5d: {  	_ =	shalt  }
0x5e: {  	_ =	shalt  }
0x5f: {  	_ =	shalt  }
0x60: {  	_ =	shalt  }
0x61: {  	_ =	shalt  }
0x62: {  	_ =	shalt  }
0x63: {  	_ =	shalt  }
0x64: {  	_ =	shalt  }
0x65: {  	_ =	shalt  }
0x66: {  	_ =	shalt  }
0x67: {  	_ =	shalt  }
0x68: {  	_ =	shalt  }
0x69: {  	_ =	shalt  }
0x6a: {  	_ =	shalt  }
0x6b: {  	_ =	shalt  }
0x6c: {  	_ =	shalt  }
0x6d: {  	_ =	shalt  }
0x6e: {  	_ =	shalt  }
0x6f: {  	_ =	shalt  }
0x70: {  	_ =	shalt  }
0x71: {  	_ =	shalt  }
0x72: {  	_ =	shalt  }
0x73: {  	_ =	shalt  }
0x74: {  	_ =	shalt  }
0x75: {  	_ =	shalt  }
0x76: {  	_ =	shalt  }
0x77: {  	_ =	shalt  }
0x78: {  	_ =	shalt  }
0x79: {  	_ =	shalt  }
0x7a: {  	_ =	shalt  }
0x7b: {  	_ =	shalt  }
0x7c: {  	_ =	shalt  }
0x7d: {  	_ =	shalt  }
0x7e: {  	_ =	shalt  }
0x7f: {  	_ =	shalt  }
0x80: {  	_ =	shalt  }
0x81: {  	_ =	shalt  }
0x82: {  	_ =	shalt  }
0x83: {  	_ =	shalt  }
0x84: {  	_ =	shalt  }
0x85: {  	_ =	shalt  }
0x86: {  	_ =	shalt  }
0x87: {  	_ =	shalt  }
.Lfunc_end0:
.L_simem_size_0:
called_computation_lowered:
.L_overlay_start_0:
0x88: {  	s2 =	sld [smem:$0x3FD9]  }
0x89: {  	s3 =	sld [smem:$0x3FFE];
	_ =	sdelay $0x1  }
0x8a: {  	s1 =	srdreg.scid  }
0x8b: {  	s0 =	sand.u32 $0x1, s1  }
0x8c: {  	s18 =	sshll.u32 s0, $0xA;
	s2 =	sadd.s32 s3, s2  }
0x8d: {  	s2 =	sadd.s32 s2, s18  }
0x8e: {  	[smem:$0x3FC6] =	sst s2  }
0x8f: {  	_ = 	snop  }
0x90: {  	s2 =	sld [smem:$0x3FC9]  }
0x91: {  	s19 =	sld [smem:$0x3FC8]  }
0x92: {  	s4 =	sld [smem:$0x3FD0];
	(tm) =	ssettm $0x1  }
0x93: {  	s5 =	sld [smem:$0x3FFB];
	_ =	sdelay $0x3  }
0x94: {  	_ =	strace s5  }
0x95: {  	s5 =	sld [smem:$0x3FFC];
	_ =	sdelay $0x3  }
0x96: {  	_ =	strace s5  }
0x97: {  	s5 =	sld [smem:$0x3FFD];
	_ =	sdelay $0x3  }
0x98: {  	_ =	strace s5  }
0x99: {  	_ =	strace $0x8FFFFFFF  }
0x9a: {  	s20 =	sld [smem:$0x3FDB];
	_ =	sdelay $0x1  }
0x9b: {  	s6 =	simm.s32 $_scs_section_size  }
0x9c: {  	s7 =	simm.s32 $_size__tile_overlayer_lowered;
	s8 =	simm.s32 $_tile_overlayer_lowered  }
0x9d: {  	s23 =	simm.s32 $0x1BFF;
	s22 =	sshll.u32 s8, $0x1;
	s5 =	sadd.s32 s6, s20  }
0x9e: {  	s9 =	simm.s32 $0x0;
	s21 =	sshll.u32 s7, $0x1;
	s7 =	sadd.s32 s22, s5  }
0x9f: {  	[timem:s9], [sflag:s23] =	dma.local [hbm:s7], s21  }
0xa0: {  	_ =	swait.ge [sflag:s23], s21  }
0xa1: {  	s6 =	ssub.s32 $0x0, s21;
	[sflag:s23] =	ssyncset.done $0x0  }
0xa2: {  	[sflag:s23] =	ssyncadd.s32 s6;
	_ =	sdelay $0x1  }
0xa3: {  	s24 =	simm.s32 $0x1B8B  }
0xa4: {  	_ =	swait.ge [sflag:s24], $0x1  }
0xa5: {  	[sflag:s24] =	ssyncset.done $0x0  }
0xa6: {  	s25 =	simm.s32 $0x1B8E;
	[sflag:s24] =	ssyncadd.s32 $0xFFFFFFFF  }
0xa7: {  	s26 =	simm.s32 $execute0_lowered;
	[smem:$0x3FD2] =	sst s25  }
0xa8: {  	s6 =	sshll.u32 s26, $0x1;
	_ =	strace $0x80000046;
	[dreg:$0x1] =	wrdreg $0xFFFFFFFF  }
0xa9: {  	s28 =	simm.s32 $_size_execute0_lowered;
	s5 =	sadd.s32 s5, s6;
	[dreg:$0x0] =	wrdreg $0x0  }
0xaa: {  	s6 =	sshll.u32 s28, $0x1;
	[dreg:$0x2] =	wrdreg s5  }
0xab: {  	[dreg:$0x3] =	wrdreg s6  }
0xac: {  	[dreg:$0x4] =	wrdreg $0xC0  }
0xad: {  	_ =	task [dreg:s9], $0x5FFFF  }
0xae: {  	[dreg:$0x1] =	wrdreg $0xFFFFFFFF  }
0xaf: {  	[dreg:$0x0] =	wrdreg $0x60  }
0xb0: {  	[dreg:$0x2] =	wrdreg s2  }
0xb1: {  	[dreg:$0x3] =	wrdreg s19  }
0xb2: {  	[dreg:$0x4] =	wrdreg s4  }
0xb3: {  	[dreg:$0x5] =	wrdreg $0x9  }
0xb4: {  	_ =	task.clear_ibuf [dreg:s9], $0x6FFFF;
	_ =	strace $0x90000046  }
0xb5: {  	s29 =	simm.s32 $0x9;
	_ =	strace $0x80000048  }
0xb6: {  	_ =	swait.ge [sflag:s29], $0x1  }
0xb7: {  	[sflag:s29] =	ssyncadd.s32 $0xFFFFFFFF  }
0xb8: {  	_ =	strace $0x90000048  }
0xb9: {  	_ =	sfence  }
0xba: {  	s30 =	sld [smem:$0x0];
	_ =	sdelay $0x2  }
0xbb: {  	s31 =	sshll.u32 s1, $0xD;
	s1 =	sshrl.u32 s1, $0x2  }
0xbc: {  	s3 =	sand.u32 $0x4000, s31;
	s1 =	sadd.s32 s1, s30  }
0xbd: {  	s0 =	sor.u32 s3, s0;
	s1 =	sshll.u32 s1, $0x11  }
0xbe: {  	s0 =	sor.u32 s1, s0  }
0xbf: {  	s0 =	sadd.s32 $0x8F2B, s0  }
0xc0: {  	[sflag:s0] =	ssyncadd.remote.s32 $0x1  }
0xc1: {  	_ =	sfence.sel $0xFFFF  }
0xc2: {  	[dreg:$0x0] =	wrdreg $0xFFFFFFFF;
	(pc) =	sbr.abs _section_cstart, $3  }
0xc3: {  	[dreg:$0x1] =	wrdreg $0xFFFFFFFF  }
0xc4: {  	_ =	task.clear_ibuf [dreg:s9], $0x2FFFF;
	_ =	strace $0x9FFFFFFF  }
0xc5: {  	(tm) =	ssettm $0x7FFFFFFF  }
tec
execute0_lowered:
.L_overlay_start_1:
0x0: {  	(tag) =	ssettag $0x1  }
0x1: {  	s31 =	rddreg [dreg:$0x0]  }
0x2: {  	s0 =	srdreg.scid;
	s11 =	rddreg [dreg:$0x1]  }
0x3: {  	s26 =	stileid.u32;
	s2 =	simm.s32 $0x1;
	s12 =	rddreg [dreg:$0x2]  }
0x4: {  	s8 =	simm.s32 $0x1;
	s28 =	simm.s32 $0x2;
	s0 =	sand.u32 $0x1, s0  }
0x5: {  	s29 =	simm.s32 $0x0;
	s13 =	sadd.s32 $0x1400, s11;
	s1 =	sor.u32 s0, s26  }
0x6: {  	s15 =	sor.u32 $0x10, s26;
	p1 =	seq.s32 s0, $0x1;
	p0 =	seq.s32 s1, $0x0  }
0x7: {  	s16 =	sadd.s32 $0x27AC80, s11;
	s19 =	sadd.s32 $0x27C080, s11;
	p0 =	por !p0, !p1  }
0x8: {  	s5 =	ssub.s32 $0x2, s0;
	s0 =	sshll.u32 s0, $0xD;
	p0 =	por !p0, !p0  }
0x9: {  	s18 =	smul.u32 $0x186A0, s15;
	s20 =	sshrl.u32 s5, $0x1;
	s2 =	simm.s32 @!p0 $0x0  }
0xa: {  	s14 =	ssub.s32 s5, s20;
	s6 =	ssub.s32 s26, s2;
	s2 =	simm.s32 $0x0  }
0xb: {  	s20 =	sadd.s32 $0x4000, s12;
	s4 =	smul.u32 $0x186A0, s6;
	[smem:$0x7FF] =	sst s2  }
0xc: {  	p5 =	slt.s32 s6, $0x1;
	s23 =	sshll.u32 s6, $0xE;
	s25 =	sshll.u32 s6, $0xF  }
0xd: {  	_ =	strace $0x80000047;
	s24 =	sor.u32 s0, s23;
	s23 =	simm.s32 $0x1C000  }
0xe: {  	s3 =	sand.u32 $0x60, s4;
	s7 =	sshrl.u32 s4, $0x19;
	s5 =	sshrl.u32 s24, $0x3  }
0xf: {  	p6 =	sne.s32 s3, $0x0;
	s7 =	sadd.s32 s7, s4;
	s3 =	simm.s32 $0x1  }
0x10: {  	s5 =	sadd.s32 s31, s5;
	p0 =	por !p5, !p6;
	s21 =	sshrl.u32 s7, $0x7  }
0x11: {  	[dreg:$0x4] =	wrdreg s5;
	s7 =	sand.u32 $0x1FFF8000, s25;
	p0 =	por !p0, !p0  }
0x12: {  	s25 =	simm.s32 $0x1F080;
	s10 =	sor.u32 s0, s7;
	s8 =	simm.s32 @!p0 $0x0  }
0x13: {  	s7 =	sadd.s32 s12, s10;
	s10 =	sadd.s32 s10, s20;
	p0 =	sgt.u32 s26, $0x9  }
0x14: {  	s26 =	simm.s32 $0xC000;
	s22 =	ssub.s32 s21, s8;
	s21 =	sand.u32 $0x3FFF80, s18  }
0x15: {  	s9 =	sshll.u32 s22, $0x7;
	s21 =	smin.u32 s21, $0x261280;
	s22 =	sshll.u32 s15, $0xE  }
0x16: {  	s15 =	sshll.u32 s15, $0xF;
	s17 =	ssub.s32 s4, s9;
	s4 =	sadd.s32 s11, s9  }
0x17: {  	s6 =	sadd.s32 s9, s13;
	s8 =	sadd.s32 s9, s16;
	s9 =	sadd.s32 s9, s19  }
0x18: {  	s24 =	ssub.s32 s18, s21;
	s30 =	sor.u32 s0, s22;
	s11 =	sadd.s32 s11, s21  }
0x19: {  	s0 =	sor.u32 s0, s15;
	s13 =	sadd.s32 s21, s13;
	s15 =	sadd.s32 s21, s16  }
.Ltmp0:
0x1a: {  	s16 =	sadd.s32 s21, s19;
	s18 =	sshrl.u32 s30, $0x3;
	(pc) =	sbr.rel .LBB2_1-.Ltmp0, $4  }
0x1b: {  	s19 =	simm.s32 $0x2000;
	s21 =	simm.s32 $0x1F000;
	s1 =	sadd.s32 s31, s18  }
0x1c: {  	s22 =	simm.s32 $0x1F100;
	s31 =	sadd.s32 s12, s0;
	[dreg:$0x5] =	wrdreg s1  }
0x1d: {  	v2 =	vlaneseq.u32;
	v3 =	vimm.s32 $0x0;
	v1 =	vmov s24;
	s24 =	simm.s32 $0x7000;
	s0 =	sadd.s32 s0, s20;
	[dreg:$0x6] =	wrdreg s31  }
0x1e: {  	v5 =	vimm.s32 $0x28;
	v4 =	vmul.u32 $0x20000, v2;
	v0 =	vmov s17;
	s18 =	smax.u32 s14, $0x1;
	s20 =	simm.s32 $0x3;
	[dreg:$0x7] =	wrdreg s0  }
.LBB2_65:
0x1f: {  	_ =	sdelay $0x4  }
0x20: {  	[tilespmem:v8+s26+$0x0] =	vst.idx.msk vm0, v7  }
.LBB2_66:
0x21: {  	s0 =	rddreg [dreg:$0x7]  }
0x22: {  	[hbm4b:s0+s2] =	stream.linear.scatter [tilespmem:s26], [sflag:$0x3], $0x10000, $0x38;
	[tilespmem:$0x1F180] =	vst v63  }
0x23: {  	_ =	swait.ge [sflag:s20], $0x10000  }
0x24: {  	[sflag:s20] =	ssyncset.done $0x0  }
0x25: {  	[sflag:s20] =	ssyncadd.s32 $0xFFFF0000  }
.LBB2_67:
0x26: {  	s29 =	sadd.s32 $0x1, s29  }
0x27: {  	p1 =	sne.s32 s29, s18  }
.Ltmp1:
0x28: {  	_ = 	snop;
	(pc) =	sbr.rel @!p1 .LBB2_68-.Ltmp1, $1  }
0x29: {  	_ =	sdelay $0x3  }
.LBB2_1:
0x2a: {  	[tilespmem:s19], [sflag:$0x1] =	stream.linear.gather [hbm4b:s4+s2], $0x5000, $0x38;
	[tilespmem:$0x1F180] =	vst v63  }
0x2b: {  	s0 =	rddreg [dreg:$0x4]  }
0x2c: {  	[tilespmem:s2], [sflag:$0x3] =	stream.linear.gather [hbm4b:s0+s2], $0x2000, $0x38;
	[tilespmem:$0x1F180] =	vst v63  }
0x2d: {  	_ =	swait.ge [sflag:s20], $0x2000  }
0x2e: {  	[sflag:s20] =	ssyncset.done $0x0  }
0x2f: {  	[sflag:s20] =	ssyncadd.s32 $0xFFFFE000  }
0x30: {  	[tilespmem:$0x1F000] =	vst v3  }
0x31: {  	[tilespmem:$0x1F010] =	vst v3  }
0x32: {  	[tilespmem:$0x1F020] =	vst v3  }
0x33: {  	s0 =	simm.s32 $0x0;
	[tilespmem:$0x1F030] =	vst v3  }
.LBB2_2:
0x34: {  	s1 =	sshra.s32 s0, $0x2  }
0x35: {  	v6 =	vld [tilespmem:s1+$0x0];
	_ =	sdelay $0x4  }
0x36: {  	v6 =	vadd.s32 v0, v6  }
0x37: {  	v6 =	vshra.s32 v6, $0x7  }
0x38: {  	v6 =	vmul.u32 $0xCD, v6;
	_ =	sdelay $0x1  }
0x39: {  	v6 =	vshra.s32 v6, $0xC  }
0x3a: {  	(xrf1) =	vunique.msk.u32 $0xffff, v6;
	_ =	sdelay $0xd  }
0x3b: {  	_, v7, vm0 =	vpop (xrf1);
	_ =	sdelay $0x5  }
0x3c: {  	[tilespmem:v6+s21+$0x0] =	vst.idx.add.s32.msk vm0, v7  }
0x3d: {  	v6 =	vld [tilespmem:s1+$0x10];
	_ =	sdelay $0x4  }
0x3e: {  	v6 =	vadd.s32 v0, v6  }
0x3f: {  	v6 =	vshra.s32 v6, $0x7  }
0x40: {  	v6 =	vmul.u32 $0xCD, v6;
	_ =	sdelay $0x1  }
0x41: {  	v6 =	vshra.s32 v6, $0xC  }
0x42: {  	(xrf1) =	vunique.msk.u32 $0xffff, v6;
	_ =	sdelay $0xd  }
0x43: {  	_, v7, vm0 =	vpop (xrf1);
	_ =	sdelay $0x5  }
0x44: {  	[tilespmem:v6+s21+$0x0] =	vst.idx.add.s32.msk vm0, v7  }
0x45: {  	v6 =	vld [tilespmem:s1+$0x20];
	_ =	sdelay $0x4  }
0x46: {  	v6 =	vadd.s32 v0, v6  }
0x47: {  	v6 =	vshra.s32 v6, $0x7  }
0x48: {  	v6 =	vmul.u32 $0xCD, v6;
	_ =	sdelay $0x1  }
0x49: {  	v6 =	vshra.s32 v6, $0xC  }
0x4a: {  	(xrf1) =	vunique.msk.u32 $0xffff, v6;
	_ =	sdelay $0xd  }
0x4b: {  	_, v7, vm0 =	vpop (xrf1);
	_ =	sdelay $0x5  }
0x4c: {  	[tilespmem:v6+s21+$0x0] =	vst.idx.add.s32.msk vm0, v7  }
0x4d: {  	v6 =	vld [tilespmem:s1+$0x30];
	_ =	sdelay $0x4  }
0x4e: {  	v6 =	vadd.s32 v0, v6  }
0x4f: {  	v6 =	vshra.s32 v6, $0x7  }
0x50: {  	v6 =	vmul.u32 $0xCD, v6;
	_ =	sdelay $0x1  }
0x51: {  	v6 =	vshra.s32 v6, $0xC  }
0x52: {  	(xrf1) =	vunique.msk.u32 $0xffff, v6;
	_ =	sdelay $0xd  }
0x53: {  	_, v7, vm0 =	vpop (xrf1);
	_ =	sdelay $0x5  }
0x54: {  	[tilespmem:v6+s21+$0x0] =	vst.idx.add.s32.msk vm0, v7  }
0x55: {  	v6 =	vld [tilespmem:s1+$0x40];
	_ =	sdelay $0x4  }
0x56: {  	v6 =	vadd.s32 v0, v6  }
0x57: {  	v6 =	vshra.s32 v6, $0x7  }
0x58: {  	v6 =	vmul.u32 $0xCD, v6;
	_ =	sdelay $0x1  }
0x59: {  	v6 =	vshra.s32 v6, $0xC  }
0x5a: {  	(xrf1) =	vunique.msk.u32 $0xffff, v6;
	_ =	sdelay $0xd  }
0x5b: {  	_, v7, vm0 =	vpop (xrf1);
	_ =	sdelay $0x5  }
0x5c: {  	[tilespmem:v6+s21+$0x0] =	vst.idx.add.s32.msk vm0, v7  }
0x5d: {  	v6 =	vld [tilespmem:s1+$0x50];
	_ =	sdelay $0x4  }
0x5e: {  	v6 =	vadd.s32 v0, v6  }
0x5f: {  	v6 =	vshra.s32 v6, $0x7  }
0x60: {  	v6 =	vmul.u32 $0xCD, v6;
	_ =	sdelay $0x1  }
0x61: {  	v6 =	vshra.s32 v6, $0xC  }
0x62: {  	(xrf1) =	vunique.msk.u32 $0xffff, v6;
	_ =	sdelay $0xd  }
0x63: {  	_, v7, vm0 =	vpop (xrf1);
	_ =	sdelay $0x5  }
0x64: {  	[tilespmem:v6+s21+$0x0] =	vst.idx.add.s32.msk vm0, v7  }
0x65: {  	v6 =	vld [tilespmem:s1+$0x60];
	_ =	sdelay $0x4  }
0x66: {  	v6 =	vadd.s32 v0, v6  }
0x67: {  	v6 =	vshra.s32 v6, $0x7  }
0x68: {  	v6 =	vmul.u32 $0xCD, v6;
	_ =	sdelay $0x1  }
0x69: {  	v6 =	vshra.s32 v6, $0xC  }
0x6a: {  	(xrf1) =	vunique.msk.u32 $0xffff, v6;
	_ =	sdelay $0xd  }
0x6b: {  	_, v7, vm0 =	vpop (xrf1);
	_ =	sdelay $0x5  }
0x6c: {  	[tilespmem:v6+s21+$0x0] =	vst.idx.add.s32.msk vm0, v7  }
0x6d: {  	v6 =	vld [tilespmem:s1+$0x70];
	_ =	sdelay $0x4  }
0x6e: {  	v6 =	vadd.s32 v0, v6  }
0x6f: {  	v6 =	vshra.s32 v6, $0x7  }
0x70: {  	v6 =	vmul.u32 $0xCD, v6;
	_ =	sdelay $0x1  }
0x71: {  	v6 =	vshra.s32 v6, $0xC  }
0x72: {  	(xrf1) =	vunique.msk.u32 $0xffff, v6;
	_ =	sdelay $0xd  }
0x73: {  	_, v7, vm0 =	vpop (xrf1)  }
0x74: {  	p1 =	sne.s32 s0, $0x7E00  }
.Ltmp2:
0x75: {  	_ = 	snop;
	(pc) =	sbr.rel @p1 .LBB2_2-.Ltmp2, $2  }
0x76: {  	_ =	sdelay $0x2  }
0x77: {  	s0 =	sadd.s32 $0x200, s0;
	[tilespmem:v6+s21+$0x0] =	vst.idx.add.s32.msk vm0, v7  }
0x78: {  	v6 =	vld [tilespmem:$0x1F000];
	_ =	sdelay $0x4  }
0x79: {  	v6 =	vadd.s32 $0xF, v6  }
0x7a: {  	v6 =	vand.u32 $0xFFFFFFF0, v6  }
0x7b: {  	(xrf0) =	vadd.scan.msk.s32 $0xffff, v6;
	_ =	sdelay $0x1  }
0x7c: {  	v7 =	vld [tilespmem:$0x1F010];
	_ =	sdelay $0x3  }
0x7d: {  	v8, _, _ =	vpop (xrf0)  }
0x7e: {  	v7 =	vadd.s32 $0xF, v7;
	v9 =	vxor.u32 $0x80000000, v8  }
0x7f: {  	v7 =	vand.u32 $0xFFFFFFF0, v7;
	(xrf0) =	vmax.scan.msk.u32 $0xffff, v9  }
0x80: {  	(xrf0) =	vadd.scan.msk.s32 $0xffff, v7;
	_ =	sdelay $0x1  }
0x81: {  	v61 =	vld [tilespmem:$0x1F020];
	_ =	sdelay $0x2  }
0x82: {  	v10, _, _ =	vpop (xrf0)  }
0x83: {  	v11, _, _ =	vpop (xrf0)  }
0x84: {  	v9 =	vadd.s32 $0xF, v61;
	v12 =	vxor.u32 $0x80000000, v11  }
0x85: {  	v9 =	vand.u32 $0xFFFFFFF0, v9;
	(xrf0) =	vmax.scan.msk.u32 $0xffff, v12  }
0x86: {  	(xrf0) =	vadd.scan.msk.s32 $0xffff, v9;
	_ =	sdelay $0x4  }
0x87: {  	v12, _, _ =	vpop (xrf0)  }
0x88: {  	v13, _, _ =	vpop (xrf0)  }
0x89: {  	v14 =	vxor.u32 $0x80000000, v13  }
0x8a: {  	(xrf0) =	vmax.scan.msk.u32 $0xffff, v14;
	_ =	sdelay $0x2  }
0x8b: {  	(v2sf) =	vpush v10, $0xF;
	_ =	sdelay $0x1  }
0x8c: {  	(v2sf) =	vpush v12, $0xF  }
0x8d: {  	v62, _, _ =	vpop (xrf0)  }
0x8e: {  	(v2sf) =	vpush v62, $0xF;
	_ =	sdelay $0x2  }
0x8f: {  	v63 =	vld [tilespmem:$0x1F030];
	_ =	sdelay $0x4  }
0x90: {  	v10 =	vadd.s32 $0xF, v63  }
0x91: {  	v10 =	vand.u32 $0xFFFFFFF0, v10  }
0x92: {  	(xrf0) =	vadd.scan.msk.s32 $0xffff, v10  }
0x93: {  	v6 =	vsub.s32 v8, v6;
	s0 =	spop (v2sf)  }
0x94: {  	[tilespmem:$0x1F080] =	vst v6;
	v7 =	vsub.s32 v11, v7;
	s0 =	sxor.u32 $0x80000000, s0  }
0x95: {  	[tilespmem:$0x1F100] =	vst v6;
	v6 =	vadd.s32 s0, v7;
	v7 =	vsub.s32 v13, v9;
	s1 =	spop (v2sf)  }
0x96: {  	s0 =	sadd.s32 s1, s0  }
0x97: {  	[tilespmem:$0x1F090] =	vst v6;
	s0 =	sadd.s32 $0x80000000, s0;
	s31 =	spop (v2sf)  }
0x98: {  	[tilespmem:$0x1F110] =	vst v6;
	v6 =	vadd.s32 s0, v7;
	v7, _, _ =	vpop (xrf0);
	s0 =	sadd.s32 s31, s0  }
0x99: {  	v7 =	vsub.s32 v7, v10;
	[tilespmem:$0x1F0A0] =	vst v6;
	s0 =	sadd.s32 $0x80000000, s0  }
0x9a: {  	[tilespmem:$0x1F120] =	vst v6;
	v6 =	vadd.s32 s0, v7  }
0x9b: {  	[tilespmem:$0x1F0B0] =	vst v6  }
0x9c: {  	s1 =	simm.s32 $0x40;
	s0 =	simm.s32 $0x70;
	[tilespmem:$0x1F130] =	vst v6  }
.LBB2_4:
0x9d: {  	v6 =	vld [tilespmem:s1+$0xFFFFFFC0];
	_ =	sdelay $0x4  }
0x9e: {  	v6 =	vadd.s32 v0, v6  }
0x9f: {  	v7 =	vshra.s32 v6, $0x7  }
0xa0: {  	v7 =	vmul.u32 $0xCD, v7;
	_ =	sdelay $0x1  }
0xa1: {  	v7 =	vshra.s32 v7, $0xC  }
0xa2: {  	(xrf1) =	vunique.msk.u32 $0xffff, v7;
	_ =	sdelay $0x9  }
0xa3: {  	v8 =	vld.idx.msk [tilespmem:v7+s22+$0x0], $0xffff;
	_ =	sdelay $0x3  }
0xa4: {  	_, v9, vm0 =	vpop (xrf1)  }
0xa5: {  	v8 =	vadd.s32 v9, v8  }
0xa6: {  	s12 =	sadd.s32 $0xFFFFFF90, s0;
	v8 =	vadd.s32 $0xFFFFFFFF, v8  }
0xa7: {  	v10 =	vmov s12  }
0xa8: {  	v10 =	vshll.u32 v10, $0x11  }
0xa9: {  	v10 =	vor.u32 v4, v10  }
0xaa: {  	v6 =	vor.u32 v10, v6  }
0xab: {  	[tilespmem:v8+s23+$0x0] =	vst.idx.msk $0xffff, v6  }
0xac: {  	[tilespmem:v7+s22+$0x0] =	vst.idx.add.s32.msk vm0, v9  }
0xad: {  	v6 =	vld [tilespmem:s1+$0xFFFFFFD0];
	_ =	sdelay $0x4  }
0xae: {  	v6 =	vadd.s32 v0, v6  }
0xaf: {  	v7 =	vshra.s32 v6, $0x7  }
0xb0: {  	v7 =	vmul.u32 $0xCD, v7;
	_ =	sdelay $0x1  }
0xb1: {  	v7 =	vshra.s32 v7, $0xC  }
0xb2: {  	(xrf1) =	vunique.msk.u32 $0xffff, v7;
	_ =	sdelay $0x9  }
0xb3: {  	v8 =	vld.idx.msk [tilespmem:v7+s22+$0x0], $0xffff;
	_ =	sdelay $0x3  }
0xb4: {  	_, v9, vm0 =	vpop (xrf1)  }
0xb5: {  	v8 =	vadd.s32 v9, v8  }
0xb6: {  	s31 =	sadd.s32 $0xFFFFFFA0, s0;
	v8 =	vadd.s32 $0xFFFFFFFF, v8  }
0xb7: {  	v57 =	vmov s31  }
0xb8: {  	v10 =	vshll.u32 v57, $0x11  }
0xb9: {  	v10 =	vor.u32 v4, v10  }
0xba: {  	v6 =	vor.u32 v10, v6  }
0xbb: {  	[tilespmem:v8+s23+$0x0] =	vst.idx.msk $0xffff, v6  }
0xbc: {  	[tilespmem:v7+s22+$0x0] =	vst.idx.add.s32.msk vm0, v9  }
0xbd: {  	v6 =	vld [tilespmem:s1+$0xFFFFFFE0];
	_ =	sdelay $0x4  }
0xbe: {  	v6 =	vadd.s32 v0, v6  }
0xbf: {  	v7 =	vshra.s32 v6, $0x7  }
0xc0: {  	v7 =	vmul.u32 $0xCD, v7;
	_ =	sdelay $0x1  }
0xc1: {  	v7 =	vshra.s32 v7, $0xC  }
0xc2: {  	(xrf1) =	vunique.msk.u32 $0xffff, v7;
	_ =	sdelay $0x9  }
0xc3: {  	v8 =	vld.idx.msk [tilespmem:v7+s22+$0x0], $0xffff;
	_ =	sdelay $0x3  }
0xc4: {  	_, v9, vm0 =	vpop (xrf1)  }
0xc5: {  	v8 =	vadd.s32 v9, v8  }
0xc6: {  	s5 =	sadd.s32 $0xFFFFFFB0, s0;
	v8 =	vadd.s32 $0xFFFFFFFF, v8  }
0xc7: {  	v58 =	vmov s5  }
0xc8: {  	v10 =	vshll.u32 v58, $0x11  }
0xc9: {  	v10 =	vor.u32 v4, v10  }
0xca: {  	v6 =	vor.u32 v10, v6  }
0xcb: {  	[tilespmem:v8+s23+$0x0] =	vst.idx.msk $0xffff, v6  }
0xcc: {  	[tilespmem:v7+s22+$0x0] =	vst.idx.add.s32.msk vm0, v9  }
0xcd: {  	v6 =	vld [tilespmem:s1+$0xFFFFFFF0];
	_ =	sdelay $0x4  }
0xce: {  	v6 =	vadd.s32 v0, v6  }
0xcf: {  	v7 =	vshra.s32 v6, $0x7  }
0xd0: {  	v7 =	vmul.u32 $0xCD, v7;
	_ =	sdelay $0x1  }
0xd1: {  	v7 =	vshra.s32 v7, $0xC  }
0xd2: {  	(xrf1) =	vunique.msk.u32 $0xffff, v7;
	_ =	sdelay $0x9  }
0xd3: {  	v8 =	vld.idx.msk [tilespmem:v7+s22+$0x0], $0xffff;
	_ =	sdelay $0x3  }
0xd4: {  	_, v9, vm0 =	vpop (xrf1)  }
0xd5: {  	v8 =	vadd.s32 v9, v8  }
0xd6: {  	s14 =	sadd.s32 $0xFFFFFFC0, s0;
	v8 =	vadd.s32 $0xFFFFFFFF, v8  }
0xd7: {  	v59 =	vmov s14  }
0xd8: {  	v10 =	vshll.u32 v59, $0x11  }
0xd9: {  	v10 =	vor.u32 v4, v10  }
0xda: {  	v6 =	vor.u32 v10, v6  }
0xdb: {  	[tilespmem:v8+s23+$0x0] =	vst.idx.msk $0xffff, v6  }
0xdc: {  	[tilespmem:v7+s22+$0x0] =	vst.idx.add.s32.msk vm0, v9  }
0xdd: {  	v6 =	vld [tilespmem:s1+$0x0];
	_ =	sdelay $0x4  }
0xde: {  	v6 =	vadd.s32 v0, v6  }
0xdf: {  	v7 =	vshra.s32 v6, $0x7  }
0xe0: {  	v7 =	vmul.u32 $0xCD, v7;
	_ =	sdelay $0x1  }
0xe1: {  	v7 =	vshra.s32 v7, $0xC  }
0xe2: {  	(xrf1) =	vunique.msk.u32 $0xffff, v7;
	_ =	sdelay $0x9  }
0xe3: {  	v8 =	vld.idx.msk [tilespmem:v7+s22+$0x0], $0xffff;
	_ =	sdelay $0x3  }
0xe4: {  	_, v9, vm0 =	vpop (xrf1)  }
0xe5: {  	v8 =	vadd.s32 v9, v8  }
0xe6: {  	s17 =	sadd.s32 $0xFFFFFFD0, s0;
	v8 =	vadd.s32 $0xFFFFFFFF, v8  }
0xe7: {  	v60 =	vmov s17  }
0xe8: {  	v10 =	vshll.u32 v60, $0x11  }
0xe9: {  	v10 =	vor.u32 v4, v10  }
0xea: {  	v6 =	vor.u32 v10, v6  }
0xeb: {  	[tilespmem:v8+s23+$0x0] =	vst.idx.msk $0xffff, v6  }
0xec: {  	[tilespmem:v7+s22+$0x0] =	vst.idx.add.s32.msk vm0, v9  }
0xed: {  	v6 =	vld [tilespmem:s1+$0x10];
	_ =	sdelay $0x4  }
0xee: {  	v6 =	vadd.s32 v0, v6  }
0xef: {  	v7 =	vshra.s32 v6, $0x7  }
0xf0: {  	v7 =	vmul.u32 $0xCD, v7;
	_ =	sdelay $0x1  }
0xf1: {  	v7 =	vshra.s32 v7, $0xC  }
0xf2: {  	(xrf1) =	vunique.msk.u32 $0xffff, v7;
	_ =	sdelay $0x9  }
0xf3: {  	v8 =	vld.idx.msk [tilespmem:v7+s22+$0x0], $0xffff;
	_ =	sdelay $0x3  }
0xf4: {  	_, v9, vm0 =	vpop (xrf1)  }
0xf5: {  	v8 =	vadd.s32 v9, v8  }
0xf6: {  	s30 =	sadd.s32 $0xFFFFFFE0, s0;
	v8 =	vadd.s32 $0xFFFFFFFF, v8  }
0xf7: {  	v61 =	vmov s30  }
0xf8: {  	v10 =	vshll.u32 v61, $0x11  }
0xf9: {  	v10 =	vor.u32 v4, v10  }
0xfa: {  	v6 =	vor.u32 v10, v6  }
0xfb: {  	[tilespmem:v8+s23+$0x0] =	vst.idx.msk $0xffff, v6  }
0xfc: {  	[tilespmem:v7+s22+$0x0] =	vst.idx.add.s32.msk vm0, v9  }
0xfd: {  	v6 =	vld [tilespmem:s1+$0x20];
	_ =	sdelay $0x4  }
0xfe: {  	v6 =	vadd.s32 v0, v6  }
0xff: {  	v7 =	vshra.s32 v6, $0x7  }
0x100: {  	v7 =	vmul.u32 $0xCD, v7;
	_ =	sdelay $0x1  }
0x101: {  	v7 =	vshra.s32 v7, $0xC  }
0x102: {  	(xrf1) =	vunique.msk.u32 $0xffff, v7;
	_ =	sdelay $0x9  }
0x103: {  	v8 =	vld.idx.msk [tilespmem:v7+s22+$0x0], $0xffff;
	_ =	sdelay $0x3  }
0x104: {  	_, v9, vm0 =	vpop (xrf1)  }
0x105: {  	v8 =	vadd.s32 v9, v8  }
0x106: {  	s31 =	sadd.s32 $0xFFFFFFF0, s0;
	v8 =	vadd.s32 $0xFFFFFFFF, v8  }
0x107: {  	v62 =	vmov s31  }
0x108: {  	v10 =	vshll.u32 v62, $0x11  }
0x109: {  	v10 =	vor.u32 v4, v10  }
0x10a: {  	v6 =	vor.u32 v10, v6  }
0x10b: {  	[tilespmem:v8+s23+$0x0] =	vst.idx.msk $0xffff, v6  }
0x10c: {  	[tilespmem:v7+s22+$0x0] =	vst.idx.add.s32.msk vm0, v9  }
0x10d: {  	v6 =	vld [tilespmem:s1+$0x30];
	_ =	sdelay $0x4  }
0x10e: {  	v6 =	vadd.s32 v0, v6  }
0x10f: {  	v7 =	vshra.s32 v6, $0x7  }
0x110: {  	v7 =	vmul.u32 $0xCD, v7;
	_ =	sdelay $0x1  }
0x111: {  	v7 =	vshra.s32 v7, $0xC  }
0x112: {  	(xrf1) =	vunique.msk.u32 $0xffff, v7;
	_ =	sdelay $0x9  }
0x113: {  	v8 =	vld.idx.msk [tilespmem:v7+s22+$0x0], $0xffff;
	_ =	sdelay $0x3  }
0x114: {  	_, v9, vm0 =	vpop (xrf1)  }
0x115: {  	v8 =	vadd.s32 v9, v8  }
0x116: {  	v8 =	vadd.s32 $0xFFFFFFFF, v8  }
0x117: {  	v63 =	vmov s0;
	p1 =	sne.s32 s0, $0x1FF0  }
.Ltmp3:
0x118: {  	v10 =	vshll.u32 v63, $0x11;
	(pc) =	sbr.rel @p1 .LBB2_4-.Ltmp3, $4  }
0x119: {  	v10 =	vor.u32 v4, v10  }
0x11a: {  	v6 =	vor.u32 v10, v6  }
0x11b: {  	[tilespmem:v8+s23+$0x0] =	vst.idx.msk $0xffff, v6  }
0x11c: {  	s0 =	sadd.s32 $0x80, s0;
	s1 =	sadd.s32 $0x80, s1;
	[tilespmem:v7+s22+$0x0] =	vst.idx.add.s32.msk vm0, v9  }
.Ltmp4:
0x11d: {  	(pc) =	sbr.rel .LBB2_6-.Ltmp4, $2  }
0x11e: {  	_ =	sdelay $0x2  }
0x11f: {  	s30 =	simm.s32 $0x0  }
.LBB2_13:
0x120: {  	_ =	sdelay $0x4  }
0x121: {  	[tilespmem:v9+s26+$0x0] =	vst.idx.msk vm0, v8  }
.LBB2_14:
0x122: {  	s30 =	sadd.s32 $0x1, s30  }
0x123: {  	p1 =	sne.s32 s30, $0x14  }
.Ltmp5:
0x124: {  	_ = 	snop;
	(pc) =	sbr.rel @!p1 .LBB2_15-.Ltmp5, $1  }
0x125: {  	_ =	sdelay $0x3  }
.LBB2_6:
0x126: {  	s0 =	sshll.u32 s30, $0x1;
	s1 =	sshllo.u32 s30, $0x1  }
0x127: {  	s31 =	smul.u32 $0xA00, s1;
	v6 =	vmov s0  }
0x128: {  	v6 =	vbroadcast v6, $0x0  }
0x129: {  	s17 =	sadd.s32 s31, s4  }
0x12a: {  	[tilespmem:s24], [sflag:$0x2] =	stream.linear.gather [hbm4b:s17+s2], $0x5000, $0x38;
	[tilespmem:$0x1F180] =	vst v63  }
0x12b: {  	_ =	swait.ge [sflag:s3], $0x5000  }
0x12c: {  	[sflag:s3] =	ssyncset.done $0x0  }
0x12d: {  	[sflag:s3] =	ssyncadd.s32 $0xFFFFB000  }
0x12e: {  	v7 =	vld.idx.msk [tilespmem:v6+s25+$0x0], $0xffff  }
0x12f: {  	v6 =	vld.idx.msk [tilespmem:v6+s22+$0x0], $0xffff;
	_ =	sdelay $0x3  }
0x130: {  	v7 =	vxor.u32 $0x80000000, v7  }
0x131: {  	v6 =	vxor.u32 $0x80000000, v6;
	(xrf0) =	vmax.scan.msk.u32 $0xffff, v7  }
0x132: {  	(xrf0) =	vmax.scan.msk.u32 $0xffff, v6;
	_ =	sdelay $0x4  }
0x133: {  	v6, _, _ =	vpop (xrf0)  }
0x134: {  	(v2sf) =	vpush v6, $0xF;
	v6, _, _ =	vpop (xrf0)  }
0x135: {  	(v2sf) =	vpush v6, $0xF;
	_ =	sdelay $0xd  }
0x136: {  	s12 =	spop (v2sf)  }
0x137: {  	s14 =	spop (v2sf)  }
0x138: {  	s0 =	sxor.u32 $0x80000000, s12;
	s17 =	sxor.u32 $0x80000000, s14  }
0x139: {  	s14 =	ssub.s32 s17, s0  }
0x13a: {  	s14 =	sadd.s32 $0xF, s14  }
0x13b: {  	s5 =	sand.u32 $0xF, s14  }
0x13c: {  	p2 =	slt.s32 s14, $0x1;
	p1 =	sne.s32 s5, $0x0;
	s5 =	sshra.s32 s14, $0x1F  }
0x13d: {  	s5 =	sshrl.u32 s5, $0x1C;
	p1 =	por !p2, !p1  }
0x13e: {  	s5 =	sadd.s32 s5, s14;
	p1 =	por !p1, !p1;
	s14 =	simm.s32 $0x1  }
0x13f: {  	s5 =	sshra.s32 s5, $0x4;
	s14 =	simm.s32 @!p1 $0x0  }
0x140: {  	s14 =	ssub.s32 s5, s14  }
0x141: {  	p1 =	slt.s32 s14, $0x1  }
.Ltmp6:
0x142: {  	_ = 	snop;
	(pc) =	sbr.rel @p1 .LBB2_10-.Ltmp6, $1  }
0x143: {  	_ =	sdelay $0x3  }
0x144: {  	s5 =	sshll.u32 s12, $0x2  }
0x145: {  	s5 =	sshra.s32 s5, $0x2  }
0x146: {  	s12 =	sadd.s32 $0x1C000, s5  }
0x147: {  	v8 =	vld [tilespmem:s12+$0x0];
	_ =	sdelay $0x2  }
0x148: {  	s5 =	smul.u32 $0xFFFFEC00, s30;
	_ =	sdelay $0x1  }
0x149: {  	v6 =	vmov s5;
	v9 =	vand.u32 $0x1FF80, v8  }
0x14a: {  	v7 =	vmov s17;
	v10 =	vadd.s32 s0, v2;
	v9 =	vadd.s32 v6, v9  }
0x14b: {  	vm0 =	vlt.s32 v10, v7;
	v10 =	vand.u32 $0x7F, v8;
	v9 =	vshll.u32 v9, $0x3  }
0x14c: {  	v9 =	vor.u32 v10, v9;
	_ =	sdelay $0x2  }
0x14d: {  	v10 =	vshrl.u32 v8, $0x11;
	v8 =	vshrl.u32 v8, $0xE  }
0x14e: {  	v10 =	vand.u32 $0x7F, v10;
	v8 =	vand.u32 $0x3FC00, v8  }
0x14f: {  	v10 =	vor.u32 v10, v8;
	v8 =	vld.idx.msk [tilespmem:v9+s19+$0x0], vm0  }
0x150: {  	v11 =	vor.u32 $0x80, v9;
	_ =	sdelay $0x3  }
0x151: {  	[tilespmem:v10+s26+$0x0] =	vst.idx.msk vm0, v8  }
0x152: {  	v8 =	vld.idx.msk [tilespmem:v11+s19+$0x0], vm0;
	v11 =	vor.u32 $0x80, v10  }
0x153: {  	v12 =	vor.u32 $0x100, v9;
	_ =	sdelay $0x3  }
0x154: {  	[tilespmem:v11+s26+$0x0] =	vst.idx.msk vm0, v8  }
0x155: {  	v11 =	vor.u32 $0x100, v10;
	v8 =	vld.idx.msk [tilespmem:v12+s19+$0x0], vm0  }
0x156: {  	v60 =	vor.u32 $0x180, v9;
	_ =	sdelay $0x3  }
0x157: {  	[tilespmem:v11+s26+$0x0] =	vst.idx.msk vm0, v8  }
0x158: {  	v11 =	vor.u32 $0x180, v10;
	v8 =	vld.idx.msk [tilespmem:v60+s19+$0x0], vm0  }
0x159: {  	v61 =	vor.u32 $0x200, v9;
	_ =	sdelay $0x3  }
0x15a: {  	[tilespmem:v11+s26+$0x0] =	vst.idx.msk vm0, v8  }
0x15b: {  	v11 =	vor.u32 $0x200, v10;
	v8 =	vld.idx.msk [tilespmem:v61+s19+$0x0], vm0  }
0x15c: {  	v62 =	vor.u32 $0x280, v9;
	_ =	sdelay $0x3  }
0x15d: {  	[tilespmem:v11+s26+$0x0] =	vst.idx.msk vm0, v8  }
0x15e: {  	v11 =	vor.u32 $0x280, v10;
	v8 =	vld.idx.msk [tilespmem:v62+s19+$0x0], vm0  }
0x15f: {  	v63 =	vor.u32 $0x300, v9;
	_ =	sdelay $0x3  }
0x160: {  	[tilespmem:v11+s26+$0x0] =	vst.idx.msk vm0, v8  }
0x161: {  	v11 =	vor.u32 $0x300, v10;
	v8 =	vld.idx.msk [tilespmem:v63+s19+$0x0], vm0  }
0x162: {  	p1 =	sne.s32 s14, $0x1;
	v9 =	vor.u32 $0x380, v9  }
.Ltmp7:
0x163: {  	_ = 	snop;
	(pc) =	sbr.rel @!p1 .LBB2_9-.Ltmp7, $3  }
0x164: {  	_ =	sdelay $0x1  }
0x165: {  	[tilespmem:v11+s26+$0x0] =	vst.idx.msk vm0, v8  }
0x166: {  	s14 =	sadd.s32 $0xFFFFFFFF, s14;
	v8 =	vld.idx.msk [tilespmem:v9+s19+$0x0], vm0;
	v9 =	vor.u32 $0x380, v10  }
.LBB2_8:
0x167: {  	_ =	sdelay $0x3  }
0x168: {  	p1 =	sne.s32 s14, $0x1;
	s12 =	sadd.s32 $0x10, s12;
	s0 =	sadd.s32 $0x10, s0;
	[tilespmem:v9+s26+$0x0] =	vst.idx.msk vm0, v8  }
0x169: {  	s14 =	sadd.s32 $0xFFFFFFFF, s14;
	v8 =	vld [tilespmem:s12+$0x0];
	_ =	sdelay $0x4  }
0x16a: {  	v9 =	vand.u32 $0x1FF80, v8;
	v10 =	vshrl.u32 v8, $0x11;
	v11 =	vshrl.u32 v8, $0xE  }
0x16b: {  	v12 =	vadd.s32 s0, v2;
	v9 =	vadd.s32 v6, v9;
	v10 =	vand.u32 $0x7F, v10  }
0x16c: {  	vm0 =	vlt.s32 v12, v7;
	v8 =	vand.u32 $0x7F, v8;
	v9 =	vshll.u32 v9, $0x3  }
0x16d: {  	v8 =	vor.u32 v8, v9;
	v9 =	vand.u32 $0x3FC00, v11  }
0x16e: {  	v9 =	vor.u32 v10, v9;
	_ =	sdelay $0x3  }
0x16f: {  	v10 =	vld.idx.msk [tilespmem:v8+s19+$0x0], vm0;
	_ =	sdelay $0x1  }
0x170: {  	v11 =	vor.u32 $0x80, v8;
	_ =	sdelay $0x3  }
0x171: {  	[tilespmem:v9+s26+$0x0] =	vst.idx.msk vm0, v10  }
0x172: {  	v10 =	vld.idx.msk [tilespmem:v11+s19+$0x0], vm0  }
0x173: {  	v11 =	vor.u32 $0x80, v9  }
0x174: {  	v12 =	vor.u32 $0x100, v8;
	_ =	sdelay $0x3  }
0x175: {  	[tilespmem:v11+s26+$0x0] =	vst.idx.msk vm0, v10  }
0x176: {  	v10 =	vld.idx.msk [tilespmem:v12+s19+$0x0], vm0  }
0x177: {  	v11 =	vor.u32 $0x100, v9  }
0x178: {  	v12 =	vor.u32 $0x180, v8;
	_ =	sdelay $0x3  }
0x179: {  	[tilespmem:v11+s26+$0x0] =	vst.idx.msk vm0, v10  }
0x17a: {  	v10 =	vld.idx.msk [tilespmem:v12+s19+$0x0], vm0  }
0x17b: {  	v11 =	vor.u32 $0x180, v9  }
0x17c: {  	v12 =	vor.u32 $0x200, v8;
	_ =	sdelay $0x3  }
0x17d: {  	[tilespmem:v11+s26+$0x0] =	vst.idx.msk vm0, v10  }
0x17e: {  	v10 =	vld.idx.msk [tilespmem:v12+s19+$0x0], vm0  }
0x17f: {  	v11 =	vor.u32 $0x200, v9  }
0x180: {  	v12 =	vor.u32 $0x280, v8;
	_ =	sdelay $0x3  }
0x181: {  	[tilespmem:v11+s26+$0x0] =	vst.idx.msk vm0, v10  }
0x182: {  	v10 =	vld.idx.msk [tilespmem:v12+s19+$0x0], vm0  }
0x183: {  	v11 =	vor.u32 $0x280, v9  }
0x184: {  	v12 =	vor.u32 $0x300, v8;
	_ =	sdelay $0x3  }
0x185: {  	[tilespmem:v11+s26+$0x0] =	vst.idx.msk vm0, v10  }
0x186: {  	v10 =	vld.idx.msk [tilespmem:v12+s19+$0x0], vm0  }
0x187: {  	v11 =	vor.u32 $0x300, v9  }
0x188: {  	v8 =	vor.u32 $0x380, v8;
	_ =	sdelay $0x1  }
.Ltmp8:
0x189: {  	(pc) =	sbr.rel @p1 .LBB2_8-.Ltmp8, $4  }
0x18a: {  	_ = 	snop  }
0x18b: {  	[tilespmem:v11+s26+$0x0] =	vst.idx.msk vm0, v10  }
0x18c: {  	v8 =	vld.idx.msk [tilespmem:v8+s19+$0x0], vm0  }
0x18d: {  	v9 =	vor.u32 $0x380, v9  }
.LBB2_9:
0x18e: {  	_ =	sdelay $0x4  }
0x18f: {  	[tilespmem:v9+s26+$0x0] =	vst.idx.msk vm0, v8  }
.LBB2_10:
0x190: {  	s0 =	smul.u32 $0x1400, s30;
	_ =	sdelay $0x1  }
0x191: {  	v6 =	vmov s1;
	s0 =	sadd.s32 s0, s6  }
0x192: {  	[tilespmem:s19], [sflag:$0x1] =	stream.linear.gather [hbm4b:s0+s2], $0x5000, $0x38;
	[tilespmem:$0x1F180] =	vst v63  }
0x193: {  	_ =	swait.ge [sflag:s28], $0x5000  }
0x194: {  	[sflag:s28] =	ssyncset.done $0x0  }
0x195: {  	[sflag:s28] =	ssyncadd.s32 $0xFFFFB000  }
0x196: {  	v7 =	vld.idx.msk [tilespmem:v6+s25+$0x0], $0xffff  }
0x197: {  	v6 =	vld.idx.msk [tilespmem:v6+s22+$0x0], $0xffff;
	_ =	sdelay $0x3  }
0x198: {  	v7 =	vxor.u32 $0x80000000, v7  }
0x199: {  	v6 =	vxor.u32 $0x80000000, v6;
	(xrf0) =	vmax.scan.msk.u32 $0xffff, v7  }
0x19a: {  	(xrf0) =	vmax.scan.msk.u32 $0xffff, v6;
	_ =	sdelay $0x4  }
0x19b: {  	v6, _, _ =	vpop (xrf0)  }
0x19c: {  	(v2sf) =	vpush v6, $0xF;
	v6, _, _ =	vpop (xrf0)  }
0x19d: {  	(v2sf) =	vpush v6, $0xF;
	_ =	sdelay $0xd  }
0x19e: {  	s1 =	spop (v2sf)  }
0x19f: {  	s5 =	spop (v2sf)  }
0x1a0: {  	s0 =	sxor.u32 $0x80000000, s1;
	s14 =	sxor.u32 $0x80000000, s5  }
0x1a1: {  	s5 =	ssub.s32 s14, s0  }
0x1a2: {  	s5 =	sadd.s32 $0xF, s5  }
0x1a3: {  	s12 =	sand.u32 $0xF, s5  }
0x1a4: {  	s17 =	sshra.s32 s5, $0x1F;
	p2 =	slt.s32 s5, $0x1;
	p1 =	sne.s32 s12, $0x0  }
0x1a5: {  	s12 =	sshrl.u32 s17, $0x1C;
	p1 =	por !p2, !p1  }
0x1a6: {  	s5 =	sadd.s32 s12, s5;
	s12 =	simm.s32 $0x1;
	p1 =	por !p1, !p1  }
0x1a7: {  	s5 =	sshra.s32 s5, $0x4;
	s12 =	simm.s32 @!p1 $0x0  }
0x1a8: {  	s12 =	ssub.s32 s5, s12  }
0x1a9: {  	p1 =	slt.s32 s12, $0x1  }
.Ltmp9:
0x1aa: {  	_ = 	snop;
	(pc) =	sbr.rel @p1 .LBB2_14-.Ltmp9, $1  }
0x1ab: {  	_ =	sdelay $0x3  }
0x1ac: {  	s1 =	sshll.u32 s1, $0x2  }
0x1ad: {  	s1 =	sshra.s32 s1, $0x2  }
0x1ae: {  	s1 =	sadd.s32 $0x1C000, s1  }
0x1af: {  	v8 =	vld [tilespmem:s1+$0x0];
	_ =	sdelay $0x4  }
0x1b0: {  	v6 =	vmov s31;
	v9 =	vand.u32 $0x1FF80, v8  }
0x1b1: {  	v7 =	vmov s14;
	v10 =	vadd.s32 s0, v2;
	v9 =	vsub.s32 v9, v6  }
0x1b2: {  	vm0 =	vlt.s32 v10, v7;
	v10 =	vand.u32 $0x7F, v8;
	v9 =	vshll.u32 v9, $0x3  }
0x1b3: {  	v9 =	vor.u32 v10, v9;
	_ =	sdelay $0x2  }
0x1b4: {  	v10 =	vshrl.u32 v8, $0x11;
	v8 =	vshrl.u32 v8, $0xE  }
0x1b5: {  	v10 =	vand.u32 $0x7F, v10;
	v8 =	vand.u32 $0x3FC00, v8  }
0x1b6: {  	v10 =	vor.u32 v10, v8;
	v8 =	vld.idx.msk [tilespmem:v9+s24+$0x0], vm0  }
0x1b7: {  	v11 =	vor.u32 $0x80, v9;
	_ =	sdelay $0x3  }
0x1b8: {  	[tilespmem:v10+s26+$0x0] =	vst.idx.msk vm0, v8  }
0x1b9: {  	v8 =	vld.idx.msk [tilespmem:v11+s24+$0x0], vm0;
	v11 =	vor.u32 $0x80, v10  }
0x1ba: {  	v12 =	vor.u32 $0x100, v9;
	_ =	sdelay $0x3  }
0x1bb: {  	[tilespmem:v11+s26+$0x0] =	vst.idx.msk vm0, v8  }
0x1bc: {  	v11 =	vor.u32 $0x100, v10;
	v8 =	vld.idx.msk [tilespmem:v12+s24+$0x0], vm0  }
0x1bd: {  	v60 =	vor.u32 $0x180, v9;
	_ =	sdelay $0x3  }
0x1be: {  	[tilespmem:v11+s26+$0x0] =	vst.idx.msk vm0, v8  }
0x1bf: {  	v11 =	vor.u32 $0x180, v10;
	v8 =	vld.idx.msk [tilespmem:v60+s24+$0x0], vm0  }
0x1c0: {  	v61 =	vor.u32 $0x200, v9;
	_ =	sdelay $0x3  }
0x1c1: {  	[tilespmem:v11+s26+$0x0] =	vst.idx.msk vm0, v8  }
0x1c2: {  	v11 =	vor.u32 $0x200, v10;
	v8 =	vld.idx.msk [tilespmem:v61+s24+$0x0], vm0  }
0x1c3: {  	v62 =	vor.u32 $0x280, v9;
	_ =	sdelay $0x3  }
0x1c4: {  	[tilespmem:v11+s26+$0x0] =	vst.idx.msk vm0, v8  }
0x1c5: {  	v11 =	vor.u32 $0x280, v10;
	v8 =	vld.idx.msk [tilespmem:v62+s24+$0x0], vm0  }
0x1c6: {  	v63 =	vor.u32 $0x300, v9;
	_ =	sdelay $0x3  }
0x1c7: {  	[tilespmem:v11+s26+$0x0] =	vst.idx.msk vm0, v8  }
0x1c8: {  	v11 =	vor.u32 $0x300, v10;
	v8 =	vld.idx.msk [tilespmem:v63+s24+$0x0], vm0  }
0x1c9: {  	v9 =	vor.u32 $0x380, v9;
	_ =	sdelay $0x3  }
0x1ca: {  	p1 =	sne.s32 s12, $0x1;
	[tilespmem:v11+s26+$0x0] =	vst.idx.msk vm0, v8  }
.Ltmp10:
0x1cb: {  	v8 =	vld.idx.msk [tilespmem:v9+s24+$0x0], vm0;
	v9 =	vor.u32 $0x380, v10;
	(pc) =	sbr.rel @!p1 .LBB2_13-.Ltmp10, $2  }
0x1cc: {  	_ =	sdelay $0x2  }
0x1cd: {  	s12 =	sadd.s32 $0xFFFFFFFF, s12  }
.LBB2_12:
0x1ce: {  	p1 =	sne.s32 s12, $0x1;
	[tilespmem:v9+s26+$0x0] =	vst.idx.msk vm0, v8;
	s1 =	sadd.s32 $0x10, s1;
	s0 =	sadd.s32 $0x10, s0  }
0x1cf: {  	s12 =	sadd.s32 $0xFFFFFFFF, s12;
	v8 =	vld [tilespmem:s1+$0x0];
	_ =	sdelay $0x4  }
0x1d0: {  	v9 =	vand.u32 $0x1FF80, v8;
	v10 =	vshrl.u32 v8, $0x11;
	v11 =	vshrl.u32 v8, $0xE  }
0x1d1: {  	v12 =	vadd.s32 s0, v2;
	v9 =	vsub.s32 v9, v6;
	v10 =	vand.u32 $0x7F, v10  }
0x1d2: {  	vm0 =	vlt.s32 v12, v7;
	v8 =	vand.u32 $0x7F, v8;
	v9 =	vshll.u32 v9, $0x3  }
0x1d3: {  	v8 =	vor.u32 v8, v9;
	v9 =	vand.u32 $0x3FC00, v11  }
0x1d4: {  	v9 =	vor.u32 v10, v9;
	_ =	sdelay $0x3  }
0x1d5: {  	v10 =	vld.idx.msk [tilespmem:v8+s24+$0x0], vm0;
	_ =	sdelay $0x1  }
0x1d6: {  	v11 =	vor.u32 $0x80, v8;
	_ =	sdelay $0x3  }
0x1d7: {  	[tilespmem:v9+s26+$0x0] =	vst.idx.msk vm0, v10  }
0x1d8: {  	v10 =	vld.idx.msk [tilespmem:v11+s24+$0x0], vm0  }
0x1d9: {  	v11 =	vor.u32 $0x80, v9  }
0x1da: {  	v12 =	vor.u32 $0x100, v8;
	_ =	sdelay $0x3  }
0x1db: {  	[tilespmem:v11+s26+$0x0] =	vst.idx.msk vm0, v10  }
0x1dc: {  	v10 =	vld.idx.msk [tilespmem:v12+s24+$0x0], vm0  }
0x1dd: {  	v11 =	vor.u32 $0x100, v9  }
0x1de: {  	v12 =	vor.u32 $0x180, v8;
	_ =	sdelay $0x3  }
0x1df: {  	[tilespmem:v11+s26+$0x0] =	vst.idx.msk vm0, v10  }
0x1e0: {  	v10 =	vld.idx.msk [tilespmem:v12+s24+$0x0], vm0  }
0x1e1: {  	v11 =	vor.u32 $0x180, v9  }
0x1e2: {  	v12 =	vor.u32 $0x200, v8;
	_ =	sdelay $0x3  }
0x1e3: {  	[tilespmem:v11+s26+$0x0] =	vst.idx.msk vm0, v10  }
0x1e4: {  	v10 =	vld.idx.msk [tilespmem:v12+s24+$0x0], vm0  }
0x1e5: {  	v11 =	vor.u32 $0x200, v9  }
0x1e6: {  	v12 =	vor.u32 $0x280, v8;
	_ =	sdelay $0x3  }
0x1e7: {  	[tilespmem:v11+s26+$0x0] =	vst.idx.msk vm0, v10  }
0x1e8: {  	v10 =	vld.idx.msk [tilespmem:v12+s24+$0x0], vm0  }
0x1e9: {  	v11 =	vor.u32 $0x280, v9  }
0x1ea: {  	v12 =	vor.u32 $0x300, v8;
	_ =	sdelay $0x3  }
0x1eb: {  	[tilespmem:v11+s26+$0x0] =	vst.idx.msk vm0, v10  }
0x1ec: {  	v10 =	vld.idx.msk [tilespmem:v12+s24+$0x0], vm0  }
0x1ed: {  	v11 =	vor.u32 $0x300, v9  }
0x1ee: {  	v8 =	vor.u32 $0x380, v8;
	_ =	sdelay $0x1  }
.Ltmp11:
0x1ef: {  	(pc) =	sbr.rel @p1 .LBB2_12-.Ltmp11, $4  }
0x1f0: {  	_ = 	snop  }
0x1f1: {  	[tilespmem:v11+s26+$0x0] =	vst.idx.msk vm0, v10  }
0x1f2: {  	v8 =	vld.idx.msk [tilespmem:v8+s24+$0x0], vm0  }
0x1f3: {  	v9 =	vor.u32 $0x380, v9  }
.Ltmp12:
0x1f4: {  	_ = 	snop;
	(pc) =	sbr.rel .LBB2_13-.Ltmp12, $1  }
0x1f5: {  	_ =	sdelay $0x3  }
.LBB2_15:
0x1f6: {  	_ = 	snop  }
0x1f7: {  	_ =	swait.ge [sflag:s3], $0x5000  }
0x1f8: {  	[sflag:s3] =	ssyncset.done $0x0  }
0x1f9: {  	[sflag:s3] =	ssyncadd.s32 $0xFFFFB000  }
0x1fa: {  	v6 =	vld.idx.msk [tilespmem:v5+s25+$0x0], $0xffff  }
0x1fb: {  	v7 =	vld.idx.msk [tilespmem:v5+s22+$0x0], $0xffff;
	_ =	sdelay $0x3  }
0x1fc: {  	v6 =	vxor.u32 $0x80000000, v6  }
0x1fd: {  	(xrf0) =	vmax.scan.msk.u32 $0xffff, v6;
	v6 =	vxor.u32 $0x80000000, v7  }
0x1fe: {  	(xrf0) =	vmax.scan.msk.u32 $0xffff, v6;
	_ =	sdelay $0x4  }
0x1ff: {  	v6, _, _ =	vpop (xrf0)  }
0x200: {  	(v2sf) =	vpush v6, $0xF;
	v6, _, _ =	vpop (xrf0)  }
0x201: {  	(v2sf) =	vpush v6, $0xF;
	_ =	sdelay $0xd  }
0x202: {  	s1 =	spop (v2sf)  }
0x203: {  	s5 =	spop (v2sf)  }
0x204: {  	s0 =	sxor.u32 $0x80000000, s1;
	s14 =	sxor.u32 $0x80000000, s5  }
0x205: {  	s5 =	ssub.s32 s14, s0  }
0x206: {  	s5 =	sadd.s32 $0xF, s5  }
0x207: {  	s12 =	sand.u32 $0xF, s5  }
0x208: {  	s31 =	sshra.s32 s5, $0x1F;
	p2 =	slt.s32 s5, $0x1;
	p1 =	sne.s32 s12, $0x0  }
0x209: {  	s12 =	sshrl.u32 s31, $0x1C;
	p1 =	por !p2, !p1  }
0x20a: {  	s5 =	sadd.s32 s12, s5;
	s12 =	simm.s32 $0x1;
	p1 =	por !p1, !p1  }
0x20b: {  	s5 =	sshra.s32 s5, $0x4;
	s12 =	simm.s32 @!p1 $0x0  }
0x20c: {  	s12 =	ssub.s32 s5, s12  }
0x20d: {  	p1 =	slt.s32 s12, $0x1  }
.Ltmp13:
0x20e: {  	_ = 	snop;
	(pc) =	sbr.rel @p1 .LBB2_19-.Ltmp13, $1  }
0x20f: {  	_ =	sdelay $0x3  }
0x210: {  	s1 =	sshll.u32 s1, $0x2  }
0x211: {  	s1 =	sshra.s32 s1, $0x2  }
0x212: {  	s1 =	sadd.s32 $0x1C000, s1  }
0x213: {  	v7 =	vld [tilespmem:s1+$0x0];
	_ =	sdelay $0x4  }
0x214: {  	v6 =	vmov s14;
	v8 =	vshll.u32 v7, $0x3  }
0x215: {  	v9 =	vadd.s32 s0, v2;
	v10 =	vand.u32 $0x7F, v7;
	v8 =	vand.u32 $0xFFC00, v8  }
0x216: {  	vm0 =	vlt.s32 v9, v6;
	v8 =	vor.u32 v10, v8  }
0x217: {  	v9 =	vadd.s32 $0xFFF38000, v8;
	_ =	sdelay $0x2  }
0x218: {  	v10 =	vshrl.u32 v7, $0x11;
	v7 =	vshrl.u32 v7, $0xE  }
0x219: {  	v10 =	vand.u32 $0x7F, v10;
	v7 =	vand.u32 $0x3FC00, v7  }
0x21a: {  	v10 =	vor.u32 v10, v7;
	v7 =	vld.idx.msk [tilespmem:v9+s19+$0x0], vm0  }
0x21b: {  	v9 =	vadd.s32 $0xFFF38080, v8;
	_ =	sdelay $0x3  }
0x21c: {  	[tilespmem:v10+s26+$0x0] =	vst.idx.msk vm0, v7  }
0x21d: {  	v7 =	vld.idx.msk [tilespmem:v9+s19+$0x0], vm0;
	v9 =	vor.u32 $0x80, v10  }
0x21e: {  	v11 =	vadd.s32 $0xFFF38100, v8;
	_ =	sdelay $0x3  }
0x21f: {  	[tilespmem:v9+s26+$0x0] =	vst.idx.msk vm0, v7  }
0x220: {  	v9 =	vor.u32 $0x100, v10;
	v7 =	vld.idx.msk [tilespmem:v11+s19+$0x0], vm0  }
0x221: {  	v11 =	vadd.s32 $0xFFF38180, v8;
	_ =	sdelay $0x3  }
0x222: {  	[tilespmem:v9+s26+$0x0] =	vst.idx.msk vm0, v7  }
0x223: {  	v9 =	vor.u32 $0x180, v10;
	v7 =	vld.idx.msk [tilespmem:v11+s19+$0x0], vm0  }
0x224: {  	v11 =	vadd.s32 $0xFFF38200, v8;
	_ =	sdelay $0x3  }
0x225: {  	[tilespmem:v9+s26+$0x0] =	vst.idx.msk vm0, v7  }
0x226: {  	v9 =	vor.u32 $0x200, v10;
	v7 =	vld.idx.msk [tilespmem:v11+s19+$0x0], vm0  }
0x227: {  	v11 =	vadd.s32 $0xFFF38280, v8;
	_ =	sdelay $0x3  }
0x228: {  	[tilespmem:v9+s26+$0x0] =	vst.idx.msk vm0, v7  }
0x229: {  	v9 =	vor.u32 $0x280, v10;
	v7 =	vld.idx.msk [tilespmem:v11+s19+$0x0], vm0  }
0x22a: {  	v11 =	vadd.s32 $0xFFF38300, v8;
	_ =	sdelay $0x3  }
0x22b: {  	[tilespmem:v9+s26+$0x0] =	vst.idx.msk vm0, v7  }
0x22c: {  	v9 =	vor.u32 $0x300, v10;
	v7 =	vld.idx.msk [tilespmem:v11+s19+$0x0], vm0  }
0x22d: {  	p1 =	sne.s32 s12, $0x1;
	v8 =	vadd.s32 $0xFFF38380, v8  }
.Ltmp14:
0x22e: {  	_ = 	snop;
	(pc) =	sbr.rel @!p1 .LBB2_18-.Ltmp14, $3  }
0x22f: {  	_ =	sdelay $0x1  }
0x230: {  	[tilespmem:v9+s26+$0x0] =	vst.idx.msk vm0, v7  }
0x231: {  	s12 =	sadd.s32 $0xFFFFFFFF, s12;
	v7 =	vld.idx.msk [tilespmem:v8+s19+$0x0], vm0;
	v8 =	vor.u32 $0x380, v10  }
.LBB2_17:
0x232: {  	_ =	sdelay $0x3  }
0x233: {  	p1 =	sne.s32 s12, $0x1;
	s1 =	sadd.s32 $0x10, s1;
	s0 =	sadd.s32 $0x10, s0;
	[tilespmem:v8+s26+$0x0] =	vst.idx.msk vm0, v7  }
0x234: {  	s12 =	sadd.s32 $0xFFFFFFFF, s12;
	v7 =	vld [tilespmem:s1+$0x0];
	_ =	sdelay $0x4  }
0x235: {  	v8 =	vshrl.u32 v7, $0x11;
	v9 =	vshll.u32 v7, $0x3;
	v10 =	vshrl.u32 v7, $0xE  }
0x236: {  	v11 =	vadd.s32 s0, v2;
	v7 =	vand.u32 $0x7F, v7;
	v9 =	vand.u32 $0xFFC00, v9  }
0x237: {  	vm0 =	vlt.s32 v11, v6;
	v8 =	vand.u32 $0x7F, v8;
	v7 =	vor.u32 v7, v9  }
0x238: {  	v10 =	vand.u32 $0x3FC00, v10;
	v9 =	vadd.s32 $0xFFF38000, v7  }
0x239: {  	v8 =	vor.u32 v8, v10;
	_ =	sdelay $0x3  }
0x23a: {  	v9 =	vld.idx.msk [tilespmem:v9+s19+$0x0], vm0;
	_ =	sdelay $0x1  }
0x23b: {  	v10 =	vadd.s32 $0xFFF38080, v7;
	_ =	sdelay $0x3  }
0x23c: {  	[tilespmem:v8+s26+$0x0] =	vst.idx.msk vm0, v9  }
0x23d: {  	v9 =	vld.idx.msk [tilespmem:v10+s19+$0x0], vm0  }
0x23e: {  	v10 =	vor.u32 $0x80, v8  }
0x23f: {  	v11 =	vadd.s32 $0xFFF38100, v7;
	_ =	sdelay $0x3  }
0x240: {  	[tilespmem:v10+s26+$0x0] =	vst.idx.msk vm0, v9  }
0x241: {  	v9 =	vld.idx.msk [tilespmem:v11+s19+$0x0], vm0  }
0x242: {  	v10 =	vor.u32 $0x100, v8  }
0x243: {  	v11 =	vadd.s32 $0xFFF38180, v7;
	_ =	sdelay $0x3  }
0x244: {  	[tilespmem:v10+s26+$0x0] =	vst.idx.msk vm0, v9  }
0x245: {  	v9 =	vld.idx.msk [tilespmem:v11+s19+$0x0], vm0  }
0x246: {  	v10 =	vor.u32 $0x180, v8  }
0x247: {  	v11 =	vadd.s32 $0xFFF38200, v7;
	_ =	sdelay $0x3  }
0x248: {  	[tilespmem:v10+s26+$0x0] =	vst.idx.msk vm0, v9  }
0x249: {  	v9 =	vld.idx.msk [tilespmem:v11+s19+$0x0], vm0  }
0x24a: {  	v10 =	vor.u32 $0x200, v8  }
0x24b: {  	v11 =	vadd.s32 $0xFFF38280, v7;
	_ =	sdelay $0x3  }
0x24c: {  	[tilespmem:v10+s26+$0x0] =	vst.idx.msk vm0, v9  }
0x24d: {  	v9 =	vld.idx.msk [tilespmem:v11+s19+$0x0], vm0  }
0x24e: {  	v10 =	vor.u32 $0x280, v8  }
0x24f: {  	v11 =	vadd.s32 $0xFFF38300, v7;
	_ =	sdelay $0x3  }
0x250: {  	[tilespmem:v10+s26+$0x0] =	vst.idx.msk vm0, v9  }
0x251: {  	v9 =	vld.idx.msk [tilespmem:v11+s19+$0x0], vm0  }
0x252: {  	v10 =	vor.u32 $0x300, v8  }
0x253: {  	v7 =	vadd.s32 $0xFFF38380, v7;
	_ =	sdelay $0x1  }
.Ltmp15:
0x254: {  	(pc) =	sbr.rel @p1 .LBB2_17-.Ltmp15, $4  }
0x255: {  	_ = 	snop  }
0x256: {  	[tilespmem:v10+s26+$0x0] =	vst.idx.msk vm0, v9  }
0x257: {  	v7 =	vld.idx.msk [tilespmem:v7+s19+$0x0], vm0  }
0x258: {  	v8 =	vor.u32 $0x380, v8  }
.LBB2_18:
0x259: {  	_ =	sdelay $0x4  }
0x25a: {  	[tilespmem:v8+s26+$0x0] =	vst.idx.msk vm0, v7  }
.LBB2_19:
0x25b: {  	s30 =	simm.s32 $0x0  }
0x25c: {  	[hbm4b:s7+s30] =	stream.linear.scatter [tilespmem:s26], [sflag:$0x3], $0x10000, $0x38;
	[tilespmem:$0x1F180] =	vst v63  }
.Ltmp16:
0x25d: {  	_ = 	snop;
	(pc) =	sbr.rel .LBB2_20-.Ltmp16, $4  }
0x25e: {  	_ =	swait.ge [sflag:s20], $0x10000  }
0x25f: {  	[sflag:s20] =	ssyncset.done $0x0  }
0x260: {  	[sflag:s20] =	ssyncadd.s32 $0xFFFF0000  }
0x261: {  	[tilespmem:s19], [sflag:$0x1] =	stream.linear.gather [hbm4b:s8+s30], $0x5000, $0x38;
	[tilespmem:$0x1F180] =	vst v63  }
.LBB2_27:
0x262: {  	_ =	sdelay $0x4  }
0x263: {  	[tilespmem:v9+s26+$0x0] =	vst.idx.msk vm0, v8  }
.LBB2_28:
0x264: {  	s30 =	sadd.s32 $0x1, s30  }
0x265: {  	p1 =	sne.s32 s30, $0x14  }
.Ltmp17:
0x266: {  	_ = 	snop;
	(pc) =	sbr.rel @!p1 .LBB2_29-.Ltmp17, $1  }
0x267: {  	_ =	sdelay $0x3  }
.LBB2_20:
0x268: {  	s0 =	sshll.u32 s30, $0x1;
	s1 =	sshllo.u32 s30, $0x1  }
0x269: {  	s31 =	smul.u32 $0xA00, s1;
	v6 =	vmov s0  }
0x26a: {  	v6 =	vbroadcast v6, $0x0  }
0x26b: {  	s17 =	sadd.s32 s31, s8  }
0x26c: {  	[tilespmem:s24], [sflag:$0x2] =	stream.linear.gather [hbm4b:s17+s2], $0x5000, $0x38;
	[tilespmem:$0x1F180] =	vst v63  }
0x26d: {  	_ =	swait.ge [sflag:s3], $0x5000  }
0x26e: {  	[sflag:s3] =	ssyncset.done $0x0  }
0x26f: {  	[sflag:s3] =	ssyncadd.s32 $0xFFFFB000  }
0x270: {  	v7 =	vld.idx.msk [tilespmem:v6+s25+$0x0], $0xffff  }
0x271: {  	v6 =	vld.idx.msk [tilespmem:v6+s22+$0x0], $0xffff;
	_ =	sdelay $0x3  }
0x272: {  	v7 =	vxor.u32 $0x80000000, v7  }
0x273: {  	v6 =	vxor.u32 $0x80000000, v6;
	(xrf0) =	vmax.scan.msk.u32 $0xffff, v7  }
0x274: {  	(xrf0) =	vmax.scan.msk.u32 $0xffff, v6;
	_ =	sdelay $0x4  }
0x275: {  	v6, _, _ =	vpop (xrf0)  }
0x276: {  	(v2sf) =	vpush v6, $0xF;
	v6, _, _ =	vpop (xrf0)  }
0x277: {  	(v2sf) =	vpush v6, $0xF;
	_ =	sdelay $0xd  }
0x278: {  	s12 =	spop (v2sf)  }
0x279: {  	s5 =	spop (v2sf)  }
0x27a: {  	s0 =	sxor.u32 $0x80000000, s12;
	s17 =	sxor.u32 $0x80000000, s5  }
0x27b: {  	s5 =	ssub.s32 s17, s0  }
0x27c: {  	s5 =	sadd.s32 $0xF, s5  }
0x27d: {  	s14 =	sand.u32 $0xF, s5  }
0x27e: {  	p2 =	slt.s32 s5, $0x1;
	p1 =	sne.s32 s14, $0x0;
	s14 =	sshra.s32 s5, $0x1F  }
0x27f: {  	s14 =	sshrl.u32 s14, $0x1C;
	p1 =	por !p2, !p1  }
0x280: {  	s5 =	sadd.s32 s14, s5;
	p1 =	por !p1, !p1;
	s14 =	simm.s32 $0x1  }
0x281: {  	s5 =	sshra.s32 s5, $0x4;
	s14 =	simm.s32 @!p1 $0x0  }
0x282: {  	s14 =	ssub.s32 s5, s14  }
0x283: {  	p1 =	slt.s32 s14, $0x1  }
.Ltmp18:
0x284: {  	_ = 	snop;
	(pc) =	sbr.rel @p1 .LBB2_24-.Ltmp18, $1  }
0x285: {  	_ =	sdelay $0x3  }
0x286: {  	s5 =	sshll.u32 s12, $0x2  }
0x287: {  	s5 =	sshra.s32 s5, $0x2  }
0x288: {  	s12 =	sadd.s32 $0x1C000, s5  }
0x289: {  	v8 =	vld [tilespmem:s12+$0x0];
	_ =	sdelay $0x2  }
0x28a: {  	s5 =	smul.u32 $0xFFFFEC00, s30;
	_ =	sdelay $0x1  }
0x28b: {  	v6 =	vmov s5;
	v9 =	vand.u32 $0x1FF80, v8  }
0x28c: {  	v7 =	vmov s17;
	v10 =	vadd.s32 s0, v2;
	v9 =	vadd.s32 v6, v9  }
0x28d: {  	vm0 =	vlt.s32 v10, v7;
	v10 =	vand.u32 $0x7F, v8;
	v9 =	vshll.u32 v9, $0x3  }
0x28e: {  	v9 =	vor.u32 v10, v9;
	_ =	sdelay $0x2  }
0x28f: {  	v10 =	vshrl.u32 v8, $0x11;
	v8 =	vshrl.u32 v8, $0xE  }
0x290: {  	v10 =	vand.u32 $0x7F, v10;
	v8 =	vand.u32 $0x3FC00, v8  }
0x291: {  	v10 =	vor.u32 v10, v8;
	v8 =	vld.idx.msk [tilespmem:v9+s19+$0x0], vm0  }
0x292: {  	v11 =	vor.u32 $0x80, v9;
	_ =	sdelay $0x3  }
0x293: {  	[tilespmem:v10+s26+$0x0] =	vst.idx.msk vm0, v8  }
0x294: {  	v8 =	vld.idx.msk [tilespmem:v11+s19+$0x0], vm0;
	v11 =	vor.u32 $0x80, v10  }
0x295: {  	v12 =	vor.u32 $0x100, v9;
	_ =	sdelay $0x3  }
0x296: {  	[tilespmem:v11+s26+$0x0] =	vst.idx.msk vm0, v8  }
0x297: {  	v11 =	vor.u32 $0x100, v10;
	v8 =	vld.idx.msk [tilespmem:v12+s19+$0x0], vm0  }
0x298: {  	v60 =	vor.u32 $0x180, v9;
	_ =	sdelay $0x3  }
0x299: {  	[tilespmem:v11+s26+$0x0] =	vst.idx.msk vm0, v8  }
0x29a: {  	v11 =	vor.u32 $0x180, v10;
	v8 =	vld.idx.msk [tilespmem:v60+s19+$0x0], vm0  }
0x29b: {  	v61 =	vor.u32 $0x200, v9;
	_ =	sdelay $0x3  }
0x29c: {  	[tilespmem:v11+s26+$0x0] =	vst.idx.msk vm0, v8  }
0x29d: {  	v11 =	vor.u32 $0x200, v10;
	v8 =	vld.idx.msk [tilespmem:v61+s19+$0x0], vm0  }
0x29e: {  	v62 =	vor.u32 $0x280, v9;
	_ =	sdelay $0x3  }
0x29f: {  	[tilespmem:v11+s26+$0x0] =	vst.idx.msk vm0, v8  }
0x2a0: {  	v11 =	vor.u32 $0x280, v10;
	v8 =	vld.idx.msk [tilespmem:v62+s19+$0x0], vm0  }
0x2a1: {  	v63 =	vor.u32 $0x300, v9;
	_ =	sdelay $0x3  }
0x2a2: {  	[tilespmem:v11+s26+$0x0] =	vst.idx.msk vm0, v8  }
0x2a3: {  	v11 =	vor.u32 $0x300, v10;
	v8 =	vld.idx.msk [tilespmem:v63+s19+$0x0], vm0  }
0x2a4: {  	p1 =	sne.s32 s14, $0x1;
	v9 =	vor.u32 $0x380, v9  }
.Ltmp19:
0x2a5: {  	_ = 	snop;
	(pc) =	sbr.rel @!p1 .LBB2_23-.Ltmp19, $3  }
0x2a6: {  	_ =	sdelay $0x1  }
0x2a7: {  	[tilespmem:v11+s26+$0x0] =	vst.idx.msk vm0, v8  }
0x2a8: {  	s14 =	sadd.s32 $0xFFFFFFFF, s14;
	v8 =	vld.idx.msk [tilespmem:v9+s19+$0x0], vm0;
	v9 =	vor.u32 $0x380, v10  }
.LBB2_22:
0x2a9: {  	_ =	sdelay $0x3  }
0x2aa: {  	p1 =	sne.s32 s14, $0x1;
	s12 =	sadd.s32 $0x10, s12;
	s0 =	sadd.s32 $0x10, s0;
	[tilespmem:v9+s26+$0x0] =	vst.idx.msk vm0, v8  }
0x2ab: {  	s14 =	sadd.s32 $0xFFFFFFFF, s14;
	v8 =	vld [tilespmem:s12+$0x0];
	_ =	sdelay $0x4  }
0x2ac: {  	v9 =	vand.u32 $0x1FF80, v8;
	v10 =	vshrl.u32 v8, $0x11;
	v11 =	vshrl.u32 v8, $0xE  }
0x2ad: {  	v12 =	vadd.s32 s0, v2;
	v9 =	vadd.s32 v6, v9;
	v10 =	vand.u32 $0x7F, v10  }
0x2ae: {  	vm0 =	vlt.s32 v12, v7;
	v8 =	vand.u32 $0x7F, v8;
	v9 =	vshll.u32 v9, $0x3  }
0x2af: {  	v8 =	vor.u32 v8, v9;
	v9 =	vand.u32 $0x3FC00, v11  }
0x2b0: {  	v9 =	vor.u32 v10, v9;
	_ =	sdelay $0x3  }
0x2b1: {  	v10 =	vld.idx.msk [tilespmem:v8+s19+$0x0], vm0;
	_ =	sdelay $0x1  }
0x2b2: {  	v11 =	vor.u32 $0x80, v8;
	_ =	sdelay $0x3  }
0x2b3: {  	[tilespmem:v9+s26+$0x0] =	vst.idx.msk vm0, v10  }
0x2b4: {  	v10 =	vld.idx.msk [tilespmem:v11+s19+$0x0], vm0  }
0x2b5: {  	v11 =	vor.u32 $0x80, v9  }
0x2b6: {  	v12 =	vor.u32 $0x100, v8;
	_ =	sdelay $0x3  }
0x2b7: {  	[tilespmem:v11+s26+$0x0] =	vst.idx.msk vm0, v10  }
0x2b8: {  	v10 =	vld.idx.msk [tilespmem:v12+s19+$0x0], vm0  }
0x2b9: {  	v11 =	vor.u32 $0x100, v9  }
0x2ba: {  	v12 =	vor.u32 $0x180, v8;
	_ =	sdelay $0x3  }
0x2bb: {  	[tilespmem:v11+s26+$0x0] =	vst.idx.msk vm0, v10  }
0x2bc: {  	v10 =	vld.idx.msk [tilespmem:v12+s19+$0x0], vm0  }
0x2bd: {  	v11 =	vor.u32 $0x180, v9  }
0x2be: {  	v12 =	vor.u32 $0x200, v8;
	_ =	sdelay $0x3  }
0x2bf: {  	[tilespmem:v11+s26+$0x0] =	vst.idx.msk vm0, v10  }
0x2c0: {  	v10 =	vld.idx.msk [tilespmem:v12+s19+$0x0], vm0  }
0x2c1: {  	v11 =	vor.u32 $0x200, v9  }
0x2c2: {  	v12 =	vor.u32 $0x280, v8;
	_ =	sdelay $0x3  }
0x2c3: {  	[tilespmem:v11+s26+$0x0] =	vst.idx.msk vm0, v10  }
0x2c4: {  	v10 =	vld.idx.msk [tilespmem:v12+s19+$0x0], vm0  }
0x2c5: {  	v11 =	vor.u32 $0x280, v9  }
0x2c6: {  	v12 =	vor.u32 $0x300, v8;
	_ =	sdelay $0x3  }
0x2c7: {  	[tilespmem:v11+s26+$0x0] =	vst.idx.msk vm0, v10  }
0x2c8: {  	v10 =	vld.idx.msk [tilespmem:v12+s19+$0x0], vm0  }
0x2c9: {  	v11 =	vor.u32 $0x300, v9  }
0x2ca: {  	v8 =	vor.u32 $0x380, v8;
	_ =	sdelay $0x1  }
.Ltmp20:
0x2cb: {  	(pc) =	sbr.rel @p1 .LBB2_22-.Ltmp20, $4  }
0x2cc: {  	_ = 	snop  }
0x2cd: {  	[tilespmem:v11+s26+$0x0] =	vst.idx.msk vm0, v10  }
0x2ce: {  	v8 =	vld.idx.msk [tilespmem:v8+s19+$0x0], vm0  }
0x2cf: {  	v9 =	vor.u32 $0x380, v9  }
.LBB2_23:
0x2d0: {  	_ =	sdelay $0x4  }
0x2d1: {  	[tilespmem:v9+s26+$0x0] =	vst.idx.msk vm0, v8  }
.LBB2_24:
0x2d2: {  	s0 =	smul.u32 $0x1400, s30;
	_ =	sdelay $0x1  }
0x2d3: {  	v6 =	vmov s1;
	s0 =	sadd.s32 s0, s9  }
0x2d4: {  	[tilespmem:s19], [sflag:$0x1] =	stream.linear.gather [hbm4b:s0+s2], $0x5000, $0x38;
	[tilespmem:$0x1F180] =	vst v63  }
0x2d5: {  	_ =	swait.ge [sflag:s28], $0x5000  }
0x2d6: {  	[sflag:s28] =	ssyncset.done $0x0  }
0x2d7: {  	[sflag:s28] =	ssyncadd.s32 $0xFFFFB000  }
0x2d8: {  	v7 =	vld.idx.msk [tilespmem:v6+s25+$0x0], $0xffff  }
0x2d9: {  	v6 =	vld.idx.msk [tilespmem:v6+s22+$0x0], $0xffff;
	_ =	sdelay $0x3  }
0x2da: {  	v7 =	vxor.u32 $0x80000000, v7  }
0x2db: {  	v6 =	vxor.u32 $0x80000000, v6;
	(xrf0) =	vmax.scan.msk.u32 $0xffff, v7  }
0x2dc: {  	(xrf0) =	vmax.scan.msk.u32 $0xffff, v6;
	_ =	sdelay $0x4  }
0x2dd: {  	v6, _, _ =	vpop (xrf0)  }
0x2de: {  	(v2sf) =	vpush v6, $0xF;
	v6, _, _ =	vpop (xrf0)  }
0x2df: {  	(v2sf) =	vpush v6, $0xF;
	_ =	sdelay $0xd  }
0x2e0: {  	s1 =	spop (v2sf)  }
0x2e1: {  	s5 =	spop (v2sf)  }
0x2e2: {  	s0 =	sxor.u32 $0x80000000, s1;
	s14 =	sxor.u32 $0x80000000, s5  }
0x2e3: {  	s5 =	ssub.s32 s14, s0  }
0x2e4: {  	s5 =	sadd.s32 $0xF, s5  }
0x2e5: {  	s12 =	sand.u32 $0xF, s5  }
0x2e6: {  	s17 =	sshra.s32 s5, $0x1F;
	p2 =	slt.s32 s5, $0x1;
	p1 =	sne.s32 s12, $0x0  }
0x2e7: {  	s12 =	sshrl.u32 s17, $0x1C;
	p1 =	por !p2, !p1  }
0x2e8: {  	s5 =	sadd.s32 s12, s5;
	s12 =	simm.s32 $0x1;
	p1 =	por !p1, !p1  }
0x2e9: {  	s5 =	sshra.s32 s5, $0x4;
	s12 =	simm.s32 @!p1 $0x0  }
0x2ea: {  	s12 =	ssub.s32 s5, s12  }
0x2eb: {  	p1 =	slt.s32 s12, $0x1  }
.Ltmp21:
0x2ec: {  	_ = 	snop;
	(pc) =	sbr.rel @p1 .LBB2_28-.Ltmp21, $1  }
0x2ed: {  	_ =	sdelay $0x3  }
0x2ee: {  	s1 =	sshll.u32 s1, $0x2  }
0x2ef: {  	s1 =	sshra.s32 s1, $0x2  }
0x2f0: {  	s1 =	sadd.s32 $0x1C000, s1  }
0x2f1: {  	v8 =	vld [tilespmem:s1+$0x0];
	_ =	sdelay $0x4  }
0x2f2: {  	v6 =	vmov s31;
	v9 =	vand.u32 $0x1FF80, v8  }
0x2f3: {  	v7 =	vmov s14;
	v10 =	vadd.s32 s0, v2;
	v9 =	vsub.s32 v9, v6  }
0x2f4: {  	vm0 =	vlt.s32 v10, v7;
	v10 =	vand.u32 $0x7F, v8;
	v9 =	vshll.u32 v9, $0x3  }
0x2f5: {  	v9 =	vor.u32 v10, v9;
	_ =	sdelay $0x2  }
0x2f6: {  	v10 =	vshrl.u32 v8, $0x11;
	v8 =	vshrl.u32 v8, $0xE  }
0x2f7: {  	v10 =	vand.u32 $0x7F, v10;
	v8 =	vand.u32 $0x3FC00, v8  }
0x2f8: {  	v10 =	vor.u32 v10, v8;
	v8 =	vld.idx.msk [tilespmem:v9+s24+$0x0], vm0  }
0x2f9: {  	v11 =	vor.u32 $0x80, v9;
	_ =	sdelay $0x3  }
0x2fa: {  	[tilespmem:v10+s26+$0x0] =	vst.idx.msk vm0, v8  }
0x2fb: {  	v8 =	vld.idx.msk [tilespmem:v11+s24+$0x0], vm0;
	v11 =	vor.u32 $0x80, v10  }
0x2fc: {  	v12 =	vor.u32 $0x100, v9;
	_ =	sdelay $0x3  }
0x2fd: {  	[tilespmem:v11+s26+$0x0] =	vst.idx.msk vm0, v8  }
0x2fe: {  	v11 =	vor.u32 $0x100, v10;
	v8 =	vld.idx.msk [tilespmem:v12+s24+$0x0], vm0  }
0x2ff: {  	v60 =	vor.u32 $0x180, v9;
	_ =	sdelay $0x3  }
0x300: {  	[tilespmem:v11+s26+$0x0] =	vst.idx.msk vm0, v8  }
0x301: {  	v11 =	vor.u32 $0x180, v10;
	v8 =	vld.idx.msk [tilespmem:v60+s24+$0x0], vm0  }
0x302: {  	v61 =	vor.u32 $0x200, v9;
	_ =	sdelay $0x3  }
0x303: {  	[tilespmem:v11+s26+$0x0] =	vst.idx.msk vm0, v8  }
0x304: {  	v11 =	vor.u32 $0x200, v10;
	v8 =	vld.idx.msk [tilespmem:v61+s24+$0x0], vm0  }
0x305: {  	v62 =	vor.u32 $0x280, v9;
	_ =	sdelay $0x3  }
0x306: {  	[tilespmem:v11+s26+$0x0] =	vst.idx.msk vm0, v8  }
0x307: {  	v11 =	vor.u32 $0x280, v10;
	v8 =	vld.idx.msk [tilespmem:v62+s24+$0x0], vm0  }
0x308: {  	v63 =	vor.u32 $0x300, v9;
	_ =	sdelay $0x3  }
0x309: {  	[tilespmem:v11+s26+$0x0] =	vst.idx.msk vm0, v8  }
0x30a: {  	v11 =	vor.u32 $0x300, v10;
	v8 =	vld.idx.msk [tilespmem:v63+s24+$0x0], vm0  }
0x30b: {  	v9 =	vor.u32 $0x380, v9;
	_ =	sdelay $0x3  }
0x30c: {  	p1 =	sne.s32 s12, $0x1;
	[tilespmem:v11+s26+$0x0] =	vst.idx.msk vm0, v8  }
.Ltmp22:
0x30d: {  	v8 =	vld.idx.msk [tilespmem:v9+s24+$0x0], vm0;
	v9 =	vor.u32 $0x380, v10;
	(pc) =	sbr.rel @!p1 .LBB2_27-.Ltmp22, $2  }
0x30e: {  	_ =	sdelay $0x2  }
0x30f: {  	s12 =	sadd.s32 $0xFFFFFFFF, s12  }
.LBB2_26:
0x310: {  	p1 =	sne.s32 s12, $0x1;
	[tilespmem:v9+s26+$0x0] =	vst.idx.msk vm0, v8;
	s1 =	sadd.s32 $0x10, s1;
	s0 =	sadd.s32 $0x10, s0  }
0x311: {  	s12 =	sadd.s32 $0xFFFFFFFF, s12;
	v8 =	vld [tilespmem:s1+$0x0];
	_ =	sdelay $0x4  }
0x312: {  	v9 =	vand.u32 $0x1FF80, v8;
	v10 =	vshrl.u32 v8, $0x11;
	v11 =	vshrl.u32 v8, $0xE  }
0x313: {  	v12 =	vadd.s32 s0, v2;
	v9 =	vsub.s32 v9, v6;
	v10 =	vand.u32 $0x7F, v10  }
0x314: {  	vm0 =	vlt.s32 v12, v7;
	v8 =	vand.u32 $0x7F, v8;
	v9 =	vshll.u32 v9, $0x3  }
0x315: {  	v8 =	vor.u32 v8, v9;
	v9 =	vand.u32 $0x3FC00, v11  }
0x316: {  	v9 =	vor.u32 v10, v9;
	_ =	sdelay $0x3  }
0x317: {  	v10 =	vld.idx.msk [tilespmem:v8+s24+$0x0], vm0;
	_ =	sdelay $0x1  }
0x318: {  	v11 =	vor.u32 $0x80, v8;
	_ =	sdelay $0x3  }
0x319: {  	[tilespmem:v9+s26+$0x0] =	vst.idx.msk vm0, v10  }
0x31a: {  	v10 =	vld.idx.msk [tilespmem:v11+s24+$0x0], vm0  }
0x31b: {  	v11 =	vor.u32 $0x80, v9  }
0x31c: {  	v12 =	vor.u32 $0x100, v8;
	_ =	sdelay $0x3  }
0x31d: {  	[tilespmem:v11+s26+$0x0] =	vst.idx.msk vm0, v10  }
0x31e: {  	v10 =	vld.idx.msk [tilespmem:v12+s24+$0x0], vm0  }
0x31f: {  	v11 =	vor.u32 $0x100, v9  }
0x320: {  	v12 =	vor.u32 $0x180, v8;
	_ =	sdelay $0x3  }
0x321: {  	[tilespmem:v11+s26+$0x0] =	vst.idx.msk vm0, v10  }
0x322: {  	v10 =	vld.idx.msk [tilespmem:v12+s24+$0x0], vm0  }
0x323: {  	v11 =	vor.u32 $0x180, v9  }
0x324: {  	v12 =	vor.u32 $0x200, v8;
	_ =	sdelay $0x3  }
0x325: {  	[tilespmem:v11+s26+$0x0] =	vst.idx.msk vm0, v10  }
0x326: {  	v10 =	vld.idx.msk [tilespmem:v12+s24+$0x0], vm0  }
0x327: {  	v11 =	vor.u32 $0x200, v9  }
0x328: {  	v12 =	vor.u32 $0x280, v8;
	_ =	sdelay $0x3  }
0x329: {  	[tilespmem:v11+s26+$0x0] =	vst.idx.msk vm0, v10  }
0x32a: {  	v10 =	vld.idx.msk [tilespmem:v12+s24+$0x0], vm0  }
0x32b: {  	v11 =	vor.u32 $0x280, v9  }
0x32c: {  	v12 =	vor.u32 $0x300, v8;
	_ =	sdelay $0x3  }
0x32d: {  	[tilespmem:v11+s26+$0x0] =	vst.idx.msk vm0, v10  }
0x32e: {  	v10 =	vld.idx.msk [tilespmem:v12+s24+$0x0], vm0  }
0x32f: {  	v11 =	vor.u32 $0x300, v9  }
0x330: {  	v8 =	vor.u32 $0x380, v8;
	_ =	sdelay $0x1  }
.Ltmp23:
0x331: {  	(pc) =	sbr.rel @p1 .LBB2_26-.Ltmp23, $4  }
0x332: {  	_ = 	snop  }
0x333: {  	[tilespmem:v11+s26+$0x0] =	vst.idx.msk vm0, v10  }
0x334: {  	v8 =	vld.idx.msk [tilespmem:v8+s24+$0x0], vm0  }
0x335: {  	v9 =	vor.u32 $0x380, v9  }
.Ltmp24:
0x336: {  	_ = 	snop;
	(pc) =	sbr.rel .LBB2_27-.Ltmp24, $1  }
0x337: {  	_ =	sdelay $0x3  }
.LBB2_29:
0x338: {  	_ = 	snop  }
0x339: {  	_ =	swait.ge [sflag:s3], $0x5000  }
0x33a: {  	[sflag:s3] =	ssyncset.done $0x0  }
0x33b: {  	[sflag:s3] =	ssyncadd.s32 $0xFFFFB000  }
0x33c: {  	v6 =	vld.idx.msk [tilespmem:v5+s25+$0x0], $0xffff  }
0x33d: {  	v7 =	vld.idx.msk [tilespmem:v5+s22+$0x0], $0xffff;
	_ =	sdelay $0x3  }
0x33e: {  	v6 =	vxor.u32 $0x80000000, v6  }
0x33f: {  	(xrf0) =	vmax.scan.msk.u32 $0xffff, v6;
	v6 =	vxor.u32 $0x80000000, v7  }
0x340: {  	(xrf0) =	vmax.scan.msk.u32 $0xffff, v6;
	_ =	sdelay $0x4  }
0x341: {  	v6, _, _ =	vpop (xrf0)  }
0x342: {  	(v2sf) =	vpush v6, $0xF;
	v6, _, _ =	vpop (xrf0)  }
0x343: {  	(v2sf) =	vpush v6, $0xF;
	_ =	sdelay $0xd  }
0x344: {  	s1 =	spop (v2sf)  }
0x345: {  	s5 =	spop (v2sf)  }
0x346: {  	s0 =	sxor.u32 $0x80000000, s1;
	s14 =	sxor.u32 $0x80000000, s5  }
0x347: {  	s5 =	ssub.s32 s14, s0  }
0x348: {  	s5 =	sadd.s32 $0xF, s5  }
0x349: {  	s12 =	sand.u32 $0xF, s5  }
0x34a: {  	s31 =	sshra.s32 s5, $0x1F;
	p2 =	slt.s32 s5, $0x1;
	p1 =	sne.s32 s12, $0x0  }
0x34b: {  	s12 =	sshrl.u32 s31, $0x1C;
	p1 =	por !p2, !p1  }
0x34c: {  	s5 =	sadd.s32 s12, s5;
	s12 =	simm.s32 $0x1;
	p1 =	por !p1, !p1  }
0x34d: {  	s5 =	sshra.s32 s5, $0x4;
	s12 =	simm.s32 @!p1 $0x0  }
0x34e: {  	s12 =	ssub.s32 s5, s12  }
0x34f: {  	p1 =	slt.s32 s12, $0x1  }
.Ltmp25:
0x350: {  	_ = 	snop;
	(pc) =	sbr.rel @p1 .LBB2_33-.Ltmp25, $1  }
0x351: {  	_ =	sdelay $0x3  }
0x352: {  	s1 =	sshll.u32 s1, $0x2  }
0x353: {  	s1 =	sshra.s32 s1, $0x2  }
0x354: {  	s1 =	sadd.s32 $0x1C000, s1  }
0x355: {  	v7 =	vld [tilespmem:s1+$0x0];
	_ =	sdelay $0x4  }
0x356: {  	v6 =	vmov s14;
	v8 =	vshll.u32 v7, $0x3  }
0x357: {  	v9 =	vadd.s32 s0, v2;
	v10 =	vand.u32 $0x7F, v7;
	v8 =	vand.u32 $0xFFC00, v8  }
0x358: {  	vm0 =	vlt.s32 v9, v6;
	v8 =	vor.u32 v10, v8  }
0x359: {  	v9 =	vadd.s32 $0xFFF38000, v8;
	_ =	sdelay $0x2  }
0x35a: {  	v10 =	vshrl.u32 v7, $0x11;
	v7 =	vshrl.u32 v7, $0xE  }
0x35b: {  	v10 =	vand.u32 $0x7F, v10;
	v7 =	vand.u32 $0x3FC00, v7  }
0x35c: {  	v10 =	vor.u32 v10, v7;
	v7 =	vld.idx.msk [tilespmem:v9+s19+$0x0], vm0  }
0x35d: {  	v9 =	vadd.s32 $0xFFF38080, v8;
	_ =	sdelay $0x3  }
0x35e: {  	[tilespmem:v10+s26+$0x0] =	vst.idx.msk vm0, v7  }
0x35f: {  	v7 =	vld.idx.msk [tilespmem:v9+s19+$0x0], vm0;
	v9 =	vor.u32 $0x80, v10  }
0x360: {  	v11 =	vadd.s32 $0xFFF38100, v8;
	_ =	sdelay $0x3  }
0x361: {  	[tilespmem:v9+s26+$0x0] =	vst.idx.msk vm0, v7  }
0x362: {  	v9 =	vor.u32 $0x100, v10;
	v7 =	vld.idx.msk [tilespmem:v11+s19+$0x0], vm0  }
0x363: {  	v11 =	vadd.s32 $0xFFF38180, v8;
	_ =	sdelay $0x3  }
0x364: {  	[tilespmem:v9+s26+$0x0] =	vst.idx.msk vm0, v7  }
0x365: {  	v9 =	vor.u32 $0x180, v10;
	v7 =	vld.idx.msk [tilespmem:v11+s19+$0x0], vm0  }
0x366: {  	v11 =	vadd.s32 $0xFFF38200, v8;
	_ =	sdelay $0x3  }
0x367: {  	[tilespmem:v9+s26+$0x0] =	vst.idx.msk vm0, v7  }
0x368: {  	v9 =	vor.u32 $0x200, v10;
	v7 =	vld.idx.msk [tilespmem:v11+s19+$0x0], vm0  }
0x369: {  	v11 =	vadd.s32 $0xFFF38280, v8;
	_ =	sdelay $0x3  }
0x36a: {  	[tilespmem:v9+s26+$0x0] =	vst.idx.msk vm0, v7  }
0x36b: {  	v9 =	vor.u32 $0x280, v10;
	v7 =	vld.idx.msk [tilespmem:v11+s19+$0x0], vm0  }
0x36c: {  	v11 =	vadd.s32 $0xFFF38300, v8;
	_ =	sdelay $0x3  }
0x36d: {  	[tilespmem:v9+s26+$0x0] =	vst.idx.msk vm0, v7  }
0x36e: {  	v9 =	vor.u32 $0x300, v10;
	v7 =	vld.idx.msk [tilespmem:v11+s19+$0x0], vm0  }
0x36f: {  	p1 =	sne.s32 s12, $0x1;
	v8 =	vadd.s32 $0xFFF38380, v8  }
.Ltmp26:
0x370: {  	_ = 	snop;
	(pc) =	sbr.rel @!p1 .LBB2_32-.Ltmp26, $3  }
0x371: {  	_ =	sdelay $0x1  }
0x372: {  	[tilespmem:v9+s26+$0x0] =	vst.idx.msk vm0, v7  }
0x373: {  	s12 =	sadd.s32 $0xFFFFFFFF, s12;
	v7 =	vld.idx.msk [tilespmem:v8+s19+$0x0], vm0;
	v8 =	vor.u32 $0x380, v10  }
.LBB2_31:
0x374: {  	_ =	sdelay $0x3  }
0x375: {  	p1 =	sne.s32 s12, $0x1;
	s1 =	sadd.s32 $0x10, s1;
	s0 =	sadd.s32 $0x10, s0;
	[tilespmem:v8+s26+$0x0] =	vst.idx.msk vm0, v7  }
0x376: {  	s12 =	sadd.s32 $0xFFFFFFFF, s12;
	v7 =	vld [tilespmem:s1+$0x0];
	_ =	sdelay $0x4  }
0x377: {  	v8 =	vshrl.u32 v7, $0x11;
	v9 =	vshll.u32 v7, $0x3;
	v10 =	vshrl.u32 v7, $0xE  }
0x378: {  	v11 =	vadd.s32 s0, v2;
	v7 =	vand.u32 $0x7F, v7;
	v9 =	vand.u32 $0xFFC00, v9  }
0x379: {  	vm0 =	vlt.s32 v11, v6;
	v8 =	vand.u32 $0x7F, v8;
	v7 =	vor.u32 v7, v9  }
0x37a: {  	v10 =	vand.u32 $0x3FC00, v10;
	v9 =	vadd.s32 $0xFFF38000, v7  }
0x37b: {  	v8 =	vor.u32 v8, v10;
	_ =	sdelay $0x3  }
0x37c: {  	v9 =	vld.idx.msk [tilespmem:v9+s19+$0x0], vm0;
	_ =	sdelay $0x1  }
0x37d: {  	v10 =	vadd.s32 $0xFFF38080, v7;
	_ =	sdelay $0x3  }
0x37e: {  	[tilespmem:v8+s26+$0x0] =	vst.idx.msk vm0, v9  }
0x37f: {  	v9 =	vld.idx.msk [tilespmem:v10+s19+$0x0], vm0  }
0x380: {  	v10 =	vor.u32 $0x80, v8  }
0x381: {  	v11 =	vadd.s32 $0xFFF38100, v7;
	_ =	sdelay $0x3  }
0x382: {  	[tilespmem:v10+s26+$0x0] =	vst.idx.msk vm0, v9  }
0x383: {  	v9 =	vld.idx.msk [tilespmem:v11+s19+$0x0], vm0  }
0x384: {  	v10 =	vor.u32 $0x100, v8  }
0x385: {  	v11 =	vadd.s32 $0xFFF38180, v7;
	_ =	sdelay $0x3  }
0x386: {  	[tilespmem:v10+s26+$0x0] =	vst.idx.msk vm0, v9  }
0x387: {  	v9 =	vld.idx.msk [tilespmem:v11+s19+$0x0], vm0  }
0x388: {  	v10 =	vor.u32 $0x180, v8  }
0x389: {  	v11 =	vadd.s32 $0xFFF38200, v7;
	_ =	sdelay $0x3  }
0x38a: {  	[tilespmem:v10+s26+$0x0] =	vst.idx.msk vm0, v9  }
0x38b: {  	v9 =	vld.idx.msk [tilespmem:v11+s19+$0x0], vm0  }
0x38c: {  	v10 =	vor.u32 $0x200, v8  }
0x38d: {  	v11 =	vadd.s32 $0xFFF38280, v7;
	_ =	sdelay $0x3  }
0x38e: {  	[tilespmem:v10+s26+$0x0] =	vst.idx.msk vm0, v9  }
0x38f: {  	v9 =	vld.idx.msk [tilespmem:v11+s19+$0x0], vm0  }
0x390: {  	v10 =	vor.u32 $0x280, v8  }
0x391: {  	v11 =	vadd.s32 $0xFFF38300, v7;
	_ =	sdelay $0x3  }
0x392: {  	[tilespmem:v10+s26+$0x0] =	vst.idx.msk vm0, v9  }
0x393: {  	v9 =	vld.idx.msk [tilespmem:v11+s19+$0x0], vm0  }
0x394: {  	v10 =	vor.u32 $0x300, v8  }
0x395: {  	v7 =	vadd.s32 $0xFFF38380, v7;
	_ =	sdelay $0x1  }
.Ltmp27:
0x396: {  	(pc) =	sbr.rel @p1 .LBB2_31-.Ltmp27, $4  }
0x397: {  	_ = 	snop  }
0x398: {  	[tilespmem:v10+s26+$0x0] =	vst.idx.msk vm0, v9  }
0x399: {  	v7 =	vld.idx.msk [tilespmem:v7+s19+$0x0], vm0  }
0x39a: {  	v8 =	vor.u32 $0x380, v8  }
.LBB2_32:
0x39b: {  	_ =	sdelay $0x4  }
0x39c: {  	[tilespmem:v8+s26+$0x0] =	vst.idx.msk vm0, v7  }
.LBB2_33:
.Ltmp28:
0x39d: {  	(pc) =	sbr.rel @p0 .LBB2_67-.Ltmp28, $4  }
0x39e: {  	[hbm4b:s10+s2] =	stream.linear.scatter [tilespmem:s26], [sflag:$0x3], $0x10000, $0x38;
	[tilespmem:$0x1F180] =	vst v63  }
0x39f: {  	_ =	swait.ge [sflag:s20], $0x10000  }
0x3a0: {  	[sflag:s20] =	ssyncset.done $0x0  }
0x3a1: {  	[sflag:s20] =	ssyncadd.s32 $0xFFFF0000  }
0x3a2: {  	s0 =	simm.s32 $0x0  }
0x3a3: {  	[tilespmem:s19], [sflag:$0x1] =	stream.linear.gather [hbm4b:s11+s0], $0x5000, $0x38;
	[tilespmem:$0x1F180] =	vst v63  }
0x3a4: {  	s1 =	rddreg [dreg:$0x5]  }
0x3a5: {  	[tilespmem:s0], [sflag:$0x3] =	stream.linear.gather [hbm4b:s1+s0], $0x2000, $0x38;
	[tilespmem:$0x1F180] =	vst v63  }
0x3a6: {  	_ =	swait.ge [sflag:s20], $0x2000  }
0x3a7: {  	[sflag:s20] =	ssyncset.done $0x0  }
0x3a8: {  	[sflag:s20] =	ssyncadd.s32 $0xFFFFE000  }
0x3a9: {  	[tilespmem:$0x1F000] =	vst v3  }
0x3aa: {  	[tilespmem:$0x1F010] =	vst v3  }
0x3ab: {  	[tilespmem:$0x1F020] =	vst v3  }
0x3ac: {  	[tilespmem:$0x1F030] =	vst v3  }
.LBB2_35:
0x3ad: {  	s1 =	sshra.s32 s0, $0x2  }
0x3ae: {  	v6 =	vld [tilespmem:s1+$0x0];
	_ =	sdelay $0x4  }
0x3af: {  	v6 =	vadd.s32 v1, v6  }
0x3b0: {  	v6 =	vshra.s32 v6, $0x7  }
0x3b1: {  	v6 =	vmul.u32 $0xCD, v6;
	_ =	sdelay $0x1  }
0x3b2: {  	v6 =	vshra.s32 v6, $0xC  }
0x3b3: {  	(xrf1) =	vunique.msk.u32 $0xffff, v6;
	_ =	sdelay $0xd  }
0x3b4: {  	_, v7, vm0 =	vpop (xrf1);
	_ =	sdelay $0x5  }
0x3b5: {  	[tilespmem:v6+s21+$0x0] =	vst.idx.add.s32.msk vm0, v7  }
0x3b6: {  	v6 =	vld [tilespmem:s1+$0x10];
	_ =	sdelay $0x4  }
0x3b7: {  	v6 =	vadd.s32 v1, v6  }
0x3b8: {  	v6 =	vshra.s32 v6, $0x7  }
0x3b9: {  	v6 =	vmul.u32 $0xCD, v6;
	_ =	sdelay $0x1  }
0x3ba: {  	v6 =	vshra.s32 v6, $0xC  }
0x3bb: {  	(xrf1) =	vunique.msk.u32 $0xffff, v6;
	_ =	sdelay $0xd  }
0x3bc: {  	_, v7, vm0 =	vpop (xrf1);
	_ =	sdelay $0x5  }
0x3bd: {  	[tilespmem:v6+s21+$0x0] =	vst.idx.add.s32.msk vm0, v7  }
0x3be: {  	v6 =	vld [tilespmem:s1+$0x20];
	_ =	sdelay $0x4  }
0x3bf: {  	v6 =	vadd.s32 v1, v6  }
0x3c0: {  	v6 =	vshra.s32 v6, $0x7  }
0x3c1: {  	v6 =	vmul.u32 $0xCD, v6;
	_ =	sdelay $0x1  }
0x3c2: {  	v6 =	vshra.s32 v6, $0xC  }
0x3c3: {  	(xrf1) =	vunique.msk.u32 $0xffff, v6;
	_ =	sdelay $0xd  }
0x3c4: {  	_, v7, vm0 =	vpop (xrf1);
	_ =	sdelay $0x5  }
0x3c5: {  	[tilespmem:v6+s21+$0x0] =	vst.idx.add.s32.msk vm0, v7  }
0x3c6: {  	v6 =	vld [tilespmem:s1+$0x30];
	_ =	sdelay $0x4  }
0x3c7: {  	v6 =	vadd.s32 v1, v6  }
0x3c8: {  	v6 =	vshra.s32 v6, $0x7  }
0x3c9: {  	v6 =	vmul.u32 $0xCD, v6;
	_ =	sdelay $0x1  }
0x3ca: {  	v6 =	vshra.s32 v6, $0xC  }
0x3cb: {  	(xrf1) =	vunique.msk.u32 $0xffff, v6;
	_ =	sdelay $0xd  }
0x3cc: {  	_, v7, vm0 =	vpop (xrf1);
	_ =	sdelay $0x5  }
0x3cd: {  	[tilespmem:v6+s21+$0x0] =	vst.idx.add.s32.msk vm0, v7  }
0x3ce: {  	v6 =	vld [tilespmem:s1+$0x40];
	_ =	sdelay $0x4  }
0x3cf: {  	v6 =	vadd.s32 v1, v6  }
0x3d0: {  	v6 =	vshra.s32 v6, $0x7  }
0x3d1: {  	v6 =	vmul.u32 $0xCD, v6;
	_ =	sdelay $0x1  }
0x3d2: {  	v6 =	vshra.s32 v6, $0xC  }
0x3d3: {  	(xrf1) =	vunique.msk.u32 $0xffff, v6;
	_ =	sdelay $0xd  }
0x3d4: {  	_, v7, vm0 =	vpop (xrf1);
	_ =	sdelay $0x5  }
0x3d5: {  	[tilespmem:v6+s21+$0x0] =	vst.idx.add.s32.msk vm0, v7  }
0x3d6: {  	v6 =	vld [tilespmem:s1+$0x50];
	_ =	sdelay $0x4  }
0x3d7: {  	v6 =	vadd.s32 v1, v6  }
0x3d8: {  	v6 =	vshra.s32 v6, $0x7  }
0x3d9: {  	v6 =	vmul.u32 $0xCD, v6;
	_ =	sdelay $0x1  }
0x3da: {  	v6 =	vshra.s32 v6, $0xC  }
0x3db: {  	(xrf1) =	vunique.msk.u32 $0xffff, v6;
	_ =	sdelay $0xd  }
0x3dc: {  	_, v7, vm0 =	vpop (xrf1);
	_ =	sdelay $0x5  }
0x3dd: {  	[tilespmem:v6+s21+$0x0] =	vst.idx.add.s32.msk vm0, v7  }
0x3de: {  	v6 =	vld [tilespmem:s1+$0x60];
	_ =	sdelay $0x4  }
0x3df: {  	v6 =	vadd.s32 v1, v6  }
0x3e0: {  	v6 =	vshra.s32 v6, $0x7  }
0x3e1: {  	v6 =	vmul.u32 $0xCD, v6;
	_ =	sdelay $0x1  }
0x3e2: {  	v6 =	vshra.s32 v6, $0xC  }
0x3e3: {  	(xrf1) =	vunique.msk.u32 $0xffff, v6;
	_ =	sdelay $0xd  }
0x3e4: {  	_, v7, vm0 =	vpop (xrf1);
	_ =	sdelay $0x5  }
0x3e5: {  	[tilespmem:v6+s21+$0x0] =	vst.idx.add.s32.msk vm0, v7  }
0x3e6: {  	v6 =	vld [tilespmem:s1+$0x70];
	_ =	sdelay $0x4  }
0x3e7: {  	v6 =	vadd.s32 v1, v6  }
0x3e8: {  	v6 =	vshra.s32 v6, $0x7  }
0x3e9: {  	v6 =	vmul.u32 $0xCD, v6;
	_ =	sdelay $0x1  }
0x3ea: {  	v6 =	vshra.s32 v6, $0xC  }
0x3eb: {  	(xrf1) =	vunique.msk.u32 $0xffff, v6;
	_ =	sdelay $0xd  }
0x3ec: {  	_, v7, vm0 =	vpop (xrf1)  }
0x3ed: {  	p1 =	sne.s32 s0, $0x7E00  }
.Ltmp29:
0x3ee: {  	_ = 	snop;
	(pc) =	sbr.rel @p1 .LBB2_35-.Ltmp29, $2  }
0x3ef: {  	_ =	sdelay $0x2  }
0x3f0: {  	s0 =	sadd.s32 $0x200, s0;
	[tilespmem:v6+s21+$0x0] =	vst.idx.add.s32.msk vm0, v7  }
0x3f1: {  	v6 =	vld [tilespmem:$0x1F000];
	_ =	sdelay $0x4  }
0x3f2: {  	v6 =	vadd.s32 $0xF, v6  }
0x3f3: {  	v6 =	vand.u32 $0xFFFFFFF0, v6  }
0x3f4: {  	(xrf0) =	vadd.scan.msk.s32 $0xffff, v6;
	_ =	sdelay $0x1  }
0x3f5: {  	v7 =	vld [tilespmem:$0x1F010];
	_ =	sdelay $0x3  }
0x3f6: {  	v8, _, _ =	vpop (xrf0)  }
0x3f7: {  	v7 =	vadd.s32 $0xF, v7;
	v9 =	vxor.u32 $0x80000000, v8  }
0x3f8: {  	v7 =	vand.u32 $0xFFFFFFF0, v7;
	(xrf0) =	vmax.scan.msk.u32 $0xffff, v9  }
0x3f9: {  	(xrf0) =	vadd.scan.msk.s32 $0xffff, v7;
	_ =	sdelay $0x1  }
0x3fa: {  	v61 =	vld [tilespmem:$0x1F020];
	_ =	sdelay $0x2  }
0x3fb: {  	v10, _, _ =	vpop (xrf0)  }
0x3fc: {  	v11, _, _ =	vpop (xrf0)  }
0x3fd: {  	v9 =	vadd.s32 $0xF, v61;
	v12 =	vxor.u32 $0x80000000, v11  }
0x3fe: {  	v9 =	vand.u32 $0xFFFFFFF0, v9;
	(xrf0) =	vmax.scan.msk.u32 $0xffff, v12  }
0x3ff: {  	(xrf0) =	vadd.scan.msk.s32 $0xffff, v9;
	_ =	sdelay $0x4  }
0x400: {  	v12, _, _ =	vpop (xrf0)  }
0x401: {  	v13, _, _ =	vpop (xrf0)  }
0x402: {  	v14 =	vxor.u32 $0x80000000, v13  }
0x403: {  	(xrf0) =	vmax.scan.msk.u32 $0xffff, v14;
	_ =	sdelay $0x2  }
0x404: {  	(v2sf) =	vpush v10, $0xF;
	_ =	sdelay $0x1  }
0x405: {  	(v2sf) =	vpush v12, $0xF  }
0x406: {  	v62, _, _ =	vpop (xrf0)  }
0x407: {  	(v2sf) =	vpush v62, $0xF;
	_ =	sdelay $0x2  }
0x408: {  	v63 =	vld [tilespmem:$0x1F030];
	_ =	sdelay $0x4  }
0x409: {  	v10 =	vadd.s32 $0xF, v63  }
0x40a: {  	v10 =	vand.u32 $0xFFFFFFF0, v10  }
0x40b: {  	(xrf0) =	vadd.scan.msk.s32 $0xffff, v10  }
0x40c: {  	v6 =	vsub.s32 v8, v6;
	s0 =	spop (v2sf)  }
0x40d: {  	[tilespmem:$0x1F080] =	vst v6;
	v7 =	vsub.s32 v11, v7;
	s0 =	sxor.u32 $0x80000000, s0  }
0x40e: {  	[tilespmem:$0x1F100] =	vst v6;
	v6 =	vadd.s32 s0, v7;
	v7 =	vsub.s32 v13, v9;
	s1 =	spop (v2sf)  }
0x40f: {  	s0 =	sadd.s32 s1, s0  }
0x410: {  	[tilespmem:$0x1F090] =	vst v6;
	s0 =	sadd.s32 $0x80000000, s0;
	s31 =	spop (v2sf)  }
0x411: {  	[tilespmem:$0x1F110] =	vst v6;
	v6 =	vadd.s32 s0, v7;
	v7, _, _ =	vpop (xrf0);
	s0 =	sadd.s32 s31, s0  }
0x412: {  	v7 =	vsub.s32 v7, v10;
	[tilespmem:$0x1F0A0] =	vst v6;
	s0 =	sadd.s32 $0x80000000, s0  }
0x413: {  	[tilespmem:$0x1F120] =	vst v6;
	v6 =	vadd.s32 s0, v7  }
0x414: {  	[tilespmem:$0x1F0B0] =	vst v6  }
0x415: {  	s1 =	simm.s32 $0x40;
	s0 =	simm.s32 $0x70;
	[tilespmem:$0x1F130] =	vst v6  }
.LBB2_37:
0x416: {  	v6 =	vld [tilespmem:s1+$0xFFFFFFC0];
	_ =	sdelay $0x4  }
0x417: {  	v6 =	vadd.s32 v1, v6  }
0x418: {  	v7 =	vshra.s32 v6, $0x7  }
0x419: {  	v7 =	vmul.u32 $0xCD, v7;
	_ =	sdelay $0x1  }
0x41a: {  	v7 =	vshra.s32 v7, $0xC  }
0x41b: {  	(xrf1) =	vunique.msk.u32 $0xffff, v7;
	_ =	sdelay $0x9  }
0x41c: {  	v8 =	vld.idx.msk [tilespmem:v7+s22+$0x0], $0xffff;
	_ =	sdelay $0x3  }
0x41d: {  	_, v9, vm0 =	vpop (xrf1)  }
0x41e: {  	v8 =	vadd.s32 v9, v8  }
0x41f: {  	s5 =	sadd.s32 $0xFFFFFF90, s0;
	v8 =	vadd.s32 $0xFFFFFFFF, v8  }
0x420: {  	v10 =	vmov s5  }
0x421: {  	v10 =	vshll.u32 v10, $0x11  }
0x422: {  	v10 =	vor.u32 v4, v10  }
0x423: {  	v6 =	vor.u32 v10, v6  }
0x424: {  	[tilespmem:v8+s23+$0x0] =	vst.idx.msk $0xffff, v6  }
0x425: {  	[tilespmem:v7+s22+$0x0] =	vst.idx.add.s32.msk vm0, v9  }
0x426: {  	v6 =	vld [tilespmem:s1+$0xFFFFFFD0];
	_ =	sdelay $0x4  }
0x427: {  	v6 =	vadd.s32 v1, v6  }
0x428: {  	v7 =	vshra.s32 v6, $0x7  }
0x429: {  	v7 =	vmul.u32 $0xCD, v7;
	_ =	sdelay $0x1  }
0x42a: {  	v7 =	vshra.s32 v7, $0xC  }
0x42b: {  	(xrf1) =	vunique.msk.u32 $0xffff, v7;
	_ =	sdelay $0x9  }
0x42c: {  	v8 =	vld.idx.msk [tilespmem:v7+s22+$0x0], $0xffff;
	_ =	sdelay $0x3  }
0x42d: {  	_, v9, vm0 =	vpop (xrf1)  }
0x42e: {  	v8 =	vadd.s32 v9, v8  }
0x42f: {  	s31 =	sadd.s32 $0xFFFFFFA0, s0;
	v8 =	vadd.s32 $0xFFFFFFFF, v8  }
0x430: {  	v57 =	vmov s31  }
0x431: {  	v10 =	vshll.u32 v57, $0x11  }
0x432: {  	v10 =	vor.u32 v4, v10  }
0x433: {  	v6 =	vor.u32 v10, v6  }
0x434: {  	[tilespmem:v8+s23+$0x0] =	vst.idx.msk $0xffff, v6  }
0x435: {  	[tilespmem:v7+s22+$0x0] =	vst.idx.add.s32.msk vm0, v9  }
0x436: {  	v6 =	vld [tilespmem:s1+$0xFFFFFFE0];
	_ =	sdelay $0x4  }
0x437: {  	v6 =	vadd.s32 v1, v6  }
0x438: {  	v7 =	vshra.s32 v6, $0x7  }
0x439: {  	v7 =	vmul.u32 $0xCD, v7;
	_ =	sdelay $0x1  }
0x43a: {  	v7 =	vshra.s32 v7, $0xC  }
0x43b: {  	(xrf1) =	vunique.msk.u32 $0xffff, v7;
	_ =	sdelay $0x9  }
0x43c: {  	v8 =	vld.idx.msk [tilespmem:v7+s22+$0x0], $0xffff;
	_ =	sdelay $0x3  }
0x43d: {  	_, v9, vm0 =	vpop (xrf1)  }
0x43e: {  	v8 =	vadd.s32 v9, v8  }
0x43f: {  	s12 =	sadd.s32 $0xFFFFFFB0, s0;
	v8 =	vadd.s32 $0xFFFFFFFF, v8  }
0x440: {  	v58 =	vmov s12  }
0x441: {  	v10 =	vshll.u32 v58, $0x11  }
0x442: {  	v10 =	vor.u32 v4, v10  }
0x443: {  	v6 =	vor.u32 v10, v6  }
0x444: {  	[tilespmem:v8+s23+$0x0] =	vst.idx.msk $0xffff, v6  }
0x445: {  	[tilespmem:v7+s22+$0x0] =	vst.idx.add.s32.msk vm0, v9  }
0x446: {  	v6 =	vld [tilespmem:s1+$0xFFFFFFF0];
	_ =	sdelay $0x4  }
0x447: {  	v6 =	vadd.s32 v1, v6  }
0x448: {  	v7 =	vshra.s32 v6, $0x7  }
0x449: {  	v7 =	vmul.u32 $0xCD, v7;
	_ =	sdelay $0x1  }
0x44a: {  	v7 =	vshra.s32 v7, $0xC  }
0x44b: {  	(xrf1) =	vunique.msk.u32 $0xffff, v7;
	_ =	sdelay $0x9  }
0x44c: {  	v8 =	vld.idx.msk [tilespmem:v7+s22+$0x0], $0xffff;
	_ =	sdelay $0x3  }
0x44d: {  	_, v9, vm0 =	vpop (xrf1)  }
0x44e: {  	v8 =	vadd.s32 v9, v8  }
0x44f: {  	s14 =	sadd.s32 $0xFFFFFFC0, s0;
	v8 =	vadd.s32 $0xFFFFFFFF, v8  }
0x450: {  	v59 =	vmov s14  }
0x451: {  	v10 =	vshll.u32 v59, $0x11  }
0x452: {  	v10 =	vor.u32 v4, v10  }
0x453: {  	v6 =	vor.u32 v10, v6  }
0x454: {  	[tilespmem:v8+s23+$0x0] =	vst.idx.msk $0xffff, v6  }
0x455: {  	[tilespmem:v7+s22+$0x0] =	vst.idx.add.s32.msk vm0, v9  }
0x456: {  	v6 =	vld [tilespmem:s1+$0x0];
	_ =	sdelay $0x4  }
0x457: {  	v6 =	vadd.s32 v1, v6  }
0x458: {  	v7 =	vshra.s32 v6, $0x7  }
0x459: {  	v7 =	vmul.u32 $0xCD, v7;
	_ =	sdelay $0x1  }
0x45a: {  	v7 =	vshra.s32 v7, $0xC  }
0x45b: {  	(xrf1) =	vunique.msk.u32 $0xffff, v7;
	_ =	sdelay $0x9  }
0x45c: {  	v8 =	vld.idx.msk [tilespmem:v7+s22+$0x0], $0xffff;
	_ =	sdelay $0x3  }
0x45d: {  	_, v9, vm0 =	vpop (xrf1)  }
0x45e: {  	v8 =	vadd.s32 v9, v8  }
0x45f: {  	s17 =	sadd.s32 $0xFFFFFFD0, s0;
	v8 =	vadd.s32 $0xFFFFFFFF, v8  }
0x460: {  	v60 =	vmov s17  }
0x461: {  	v10 =	vshll.u32 v60, $0x11  }
0x462: {  	v10 =	vor.u32 v4, v10  }
0x463: {  	v6 =	vor.u32 v10, v6  }
0x464: {  	[tilespmem:v8+s23+$0x0] =	vst.idx.msk $0xffff, v6  }
0x465: {  	[tilespmem:v7+s22+$0x0] =	vst.idx.add.s32.msk vm0, v9  }
0x466: {  	v6 =	vld [tilespmem:s1+$0x10];
	_ =	sdelay $0x4  }
0x467: {  	v6 =	vadd.s32 v1, v6  }
0x468: {  	v7 =	vshra.s32 v6, $0x7  }
0x469: {  	v7 =	vmul.u32 $0xCD, v7;
	_ =	sdelay $0x1  }
0x46a: {  	v7 =	vshra.s32 v7, $0xC  }
0x46b: {  	(xrf1) =	vunique.msk.u32 $0xffff, v7;
	_ =	sdelay $0x9  }
0x46c: {  	v8 =	vld.idx.msk [tilespmem:v7+s22+$0x0], $0xffff;
	_ =	sdelay $0x3  }
0x46d: {  	_, v9, vm0 =	vpop (xrf1)  }
0x46e: {  	v8 =	vadd.s32 v9, v8  }
0x46f: {  	s30 =	sadd.s32 $0xFFFFFFE0, s0;
	v8 =	vadd.s32 $0xFFFFFFFF, v8  }
0x470: {  	v61 =	vmov s30  }
0x471: {  	v10 =	vshll.u32 v61, $0x11  }
0x472: {  	v10 =	vor.u32 v4, v10  }
0x473: {  	v6 =	vor.u32 v10, v6  }
0x474: {  	[tilespmem:v8+s23+$0x0] =	vst.idx.msk $0xffff, v6  }
0x475: {  	[tilespmem:v7+s22+$0x0] =	vst.idx.add.s32.msk vm0, v9  }
0x476: {  	v6 =	vld [tilespmem:s1+$0x20];
	_ =	sdelay $0x4  }
0x477: {  	v6 =	vadd.s32 v1, v6  }
0x478: {  	v7 =	vshra.s32 v6, $0x7  }
0x479: {  	v7 =	vmul.u32 $0xCD, v7;
	_ =	sdelay $0x1  }
0x47a: {  	v7 =	vshra.s32 v7, $0xC  }
0x47b: {  	(xrf1) =	vunique.msk.u32 $0xffff, v7;
	_ =	sdelay $0x9  }
0x47c: {  	v8 =	vld.idx.msk [tilespmem:v7+s22+$0x0], $0xffff;
	_ =	sdelay $0x3  }
0x47d: {  	_, v9, vm0 =	vpop (xrf1)  }
0x47e: {  	v8 =	vadd.s32 v9, v8  }
0x47f: {  	s31 =	sadd.s32 $0xFFFFFFF0, s0;
	v8 =	vadd.s32 $0xFFFFFFFF, v8  }
0x480: {  	v62 =	vmov s31  }
0x481: {  	v10 =	vshll.u32 v62, $0x11  }
0x482: {  	v10 =	vor.u32 v4, v10  }
0x483: {  	v6 =	vor.u32 v10, v6  }
0x484: {  	[tilespmem:v8+s23+$0x0] =	vst.idx.msk $0xffff, v6  }
0x485: {  	[tilespmem:v7+s22+$0x0] =	vst.idx.add.s32.msk vm0, v9  }
0x486: {  	v6 =	vld [tilespmem:s1+$0x30];
	_ =	sdelay $0x4  }
0x487: {  	v6 =	vadd.s32 v1, v6  }
0x488: {  	v7 =	vshra.s32 v6, $0x7  }
0x489: {  	v7 =	vmul.u32 $0xCD, v7;
	_ =	sdelay $0x1  }
0x48a: {  	v7 =	vshra.s32 v7, $0xC  }
0x48b: {  	(xrf1) =	vunique.msk.u32 $0xffff, v7;
	_ =	sdelay $0x9  }
0x48c: {  	v8 =	vld.idx.msk [tilespmem:v7+s22+$0x0], $0xffff;
	_ =	sdelay $0x3  }
0x48d: {  	_, v9, vm0 =	vpop (xrf1)  }
0x48e: {  	v8 =	vadd.s32 v9, v8  }
0x48f: {  	v8 =	vadd.s32 $0xFFFFFFFF, v8  }
0x490: {  	v63 =	vmov s0;
	p1 =	sne.s32 s0, $0x1FF0  }
.Ltmp30:
0x491: {  	v10 =	vshll.u32 v63, $0x11;
	(pc) =	sbr.rel @p1 .LBB2_37-.Ltmp30, $4  }
0x492: {  	v10 =	vor.u32 v4, v10  }
0x493: {  	v6 =	vor.u32 v10, v6  }
0x494: {  	[tilespmem:v8+s23+$0x0] =	vst.idx.msk $0xffff, v6  }
0x495: {  	s0 =	sadd.s32 $0x80, s0;
	s1 =	sadd.s32 $0x80, s1;
	[tilespmem:v7+s22+$0x0] =	vst.idx.add.s32.msk vm0, v9  }
.Ltmp31:
0x496: {  	(pc) =	sbr.rel .LBB2_39-.Ltmp31, $2  }
0x497: {  	_ =	sdelay $0x2  }
0x498: {  	s30 =	simm.s32 $0x0  }
.LBB2_46:
0x499: {  	_ =	sdelay $0x4  }
0x49a: {  	[tilespmem:v9+s26+$0x0] =	vst.idx.msk vm0, v8  }
.LBB2_47:
0x49b: {  	s30 =	sadd.s32 $0x1, s30  }
0x49c: {  	p1 =	sne.s32 s30, $0x14  }
.Ltmp32:
0x49d: {  	_ = 	snop;
	(pc) =	sbr.rel @!p1 .LBB2_48-.Ltmp32, $1  }
0x49e: {  	_ =	sdelay $0x3  }
.LBB2_39:
0x49f: {  	s0 =	sshll.u32 s30, $0x1;
	s1 =	sshllo.u32 s30, $0x1  }
0x4a0: {  	s31 =	smul.u32 $0xA00, s1;
	v6 =	vmov s0  }
0x4a1: {  	v6 =	vbroadcast v6, $0x0  }
0x4a2: {  	s17 =	sadd.s32 s31, s11  }
0x4a3: {  	[tilespmem:s24], [sflag:$0x2] =	stream.linear.gather [hbm4b:s17+s2], $0x5000, $0x38;
	[tilespmem:$0x1F180] =	vst v63  }
0x4a4: {  	_ =	swait.ge [sflag:s3], $0x5000  }
0x4a5: {  	[sflag:s3] =	ssyncset.done $0x0  }
0x4a6: {  	[sflag:s3] =	ssyncadd.s32 $0xFFFFB000  }
0x4a7: {  	v7 =	vld.idx.msk [tilespmem:v6+s25+$0x0], $0xffff  }
0x4a8: {  	v6 =	vld.idx.msk [tilespmem:v6+s22+$0x0], $0xffff;
	_ =	sdelay $0x3  }
0x4a9: {  	v7 =	vxor.u32 $0x80000000, v7  }
0x4aa: {  	v6 =	vxor.u32 $0x80000000, v6;
	(xrf0) =	vmax.scan.msk.u32 $0xffff, v7  }
0x4ab: {  	(xrf0) =	vmax.scan.msk.u32 $0xffff, v6;
	_ =	sdelay $0x4  }
0x4ac: {  	v6, _, _ =	vpop (xrf0)  }
0x4ad: {  	(v2sf) =	vpush v6, $0xF;
	v6, _, _ =	vpop (xrf0)  }
0x4ae: {  	(v2sf) =	vpush v6, $0xF;
	_ =	sdelay $0xd  }
0x4af: {  	s12 =	spop (v2sf)  }
0x4b0: {  	s5 =	spop (v2sf)  }
0x4b1: {  	s0 =	sxor.u32 $0x80000000, s12;
	s17 =	sxor.u32 $0x80000000, s5  }
0x4b2: {  	s5 =	ssub.s32 s17, s0  }
0x4b3: {  	s5 =	sadd.s32 $0xF, s5  }
0x4b4: {  	s14 =	sand.u32 $0xF, s5  }
0x4b5: {  	p2 =	slt.s32 s5, $0x1;
	p1 =	sne.s32 s14, $0x0;
	s14 =	sshra.s32 s5, $0x1F  }
0x4b6: {  	s14 =	sshrl.u32 s14, $0x1C;
	p1 =	por !p2, !p1  }
0x4b7: {  	s5 =	sadd.s32 s14, s5;
	p1 =	por !p1, !p1;
	s14 =	simm.s32 $0x1  }
0x4b8: {  	s5 =	sshra.s32 s5, $0x4;
	s14 =	simm.s32 @!p1 $0x0  }
0x4b9: {  	s14 =	ssub.s32 s5, s14  }
0x4ba: {  	p1 =	slt.s32 s14, $0x1  }
.Ltmp33:
0x4bb: {  	_ = 	snop;
	(pc) =	sbr.rel @p1 .LBB2_43-.Ltmp33, $1  }
0x4bc: {  	_ =	sdelay $0x3  }
0x4bd: {  	s5 =	sshll.u32 s12, $0x2  }
0x4be: {  	s5 =	sshra.s32 s5, $0x2  }
0x4bf: {  	s12 =	sadd.s32 $0x1C000, s5  }
0x4c0: {  	v8 =	vld [tilespmem:s12+$0x0];
	_ =	sdelay $0x2  }
0x4c1: {  	s5 =	smul.u32 $0xFFFFEC00, s30;
	_ =	sdelay $0x1  }
0x4c2: {  	v6 =	vmov s5;
	v9 =	vand.u32 $0x1FF80, v8  }
0x4c3: {  	v7 =	vmov s17;
	v10 =	vadd.s32 s0, v2;
	v9 =	vadd.s32 v6, v9  }
0x4c4: {  	vm0 =	vlt.s32 v10, v7;
	v10 =	vand.u32 $0x7F, v8;
	v9 =	vshll.u32 v9, $0x3  }
0x4c5: {  	v9 =	vor.u32 v10, v9;
	_ =	sdelay $0x2  }
0x4c6: {  	v10 =	vshrl.u32 v8, $0x11;
	v8 =	vshrl.u32 v8, $0xE  }
0x4c7: {  	v10 =	vand.u32 $0x7F, v10;
	v8 =	vand.u32 $0x3FC00, v8  }
0x4c8: {  	v10 =	vor.u32 v10, v8;
	v8 =	vld.idx.msk [tilespmem:v9+s19+$0x0], vm0  }
0x4c9: {  	v11 =	vor.u32 $0x80, v9;
	_ =	sdelay $0x3  }
0x4ca: {  	[tilespmem:v10+s26+$0x0] =	vst.idx.msk vm0, v8  }
0x4cb: {  	v8 =	vld.idx.msk [tilespmem:v11+s19+$0x0], vm0;
	v11 =	vor.u32 $0x80, v10  }
0x4cc: {  	v12 =	vor.u32 $0x100, v9;
	_ =	sdelay $0x3  }
0x4cd: {  	[tilespmem:v11+s26+$0x0] =	vst.idx.msk vm0, v8  }
0x4ce: {  	v11 =	vor.u32 $0x100, v10;
	v8 =	vld.idx.msk [tilespmem:v12+s19+$0x0], vm0  }
0x4cf: {  	v60 =	vor.u32 $0x180, v9;
	_ =	sdelay $0x3  }
0x4d0: {  	[tilespmem:v11+s26+$0x0] =	vst.idx.msk vm0, v8  }
0x4d1: {  	v11 =	vor.u32 $0x180, v10;
	v8 =	vld.idx.msk [tilespmem:v60+s19+$0x0], vm0  }
0x4d2: {  	v61 =	vor.u32 $0x200, v9;
	_ =	sdelay $0x3  }
0x4d3: {  	[tilespmem:v11+s26+$0x0] =	vst.idx.msk vm0, v8  }
0x4d4: {  	v11 =	vor.u32 $0x200, v10;
	v8 =	vld.idx.msk [tilespmem:v61+s19+$0x0], vm0  }
0x4d5: {  	v62 =	vor.u32 $0x280, v9;
	_ =	sdelay $0x3  }
0x4d6: {  	[tilespmem:v11+s26+$0x0] =	vst.idx.msk vm0, v8  }
0x4d7: {  	v11 =	vor.u32 $0x280, v10;
	v8 =	vld.idx.msk [tilespmem:v62+s19+$0x0], vm0  }
0x4d8: {  	v63 =	vor.u32 $0x300, v9;
	_ =	sdelay $0x3  }
0x4d9: {  	[tilespmem:v11+s26+$0x0] =	vst.idx.msk vm0, v8  }
0x4da: {  	v11 =	vor.u32 $0x300, v10;
	v8 =	vld.idx.msk [tilespmem:v63+s19+$0x0], vm0  }
0x4db: {  	p1 =	sne.s32 s14, $0x1;
	v9 =	vor.u32 $0x380, v9  }
.Ltmp34:
0x4dc: {  	_ = 	snop;
	(pc) =	sbr.rel @!p1 .LBB2_42-.Ltmp34, $3  }
0x4dd: {  	_ =	sdelay $0x1  }
0x4de: {  	[tilespmem:v11+s26+$0x0] =	vst.idx.msk vm0, v8  }
0x4df: {  	s14 =	sadd.s32 $0xFFFFFFFF, s14;
	v8 =	vld.idx.msk [tilespmem:v9+s19+$0x0], vm0;
	v9 =	vor.u32 $0x380, v10  }
.LBB2_41:
0x4e0: {  	_ =	sdelay $0x3  }
0x4e1: {  	p1 =	sne.s32 s14, $0x1;
	s12 =	sadd.s32 $0x10, s12;
	s0 =	sadd.s32 $0x10, s0;
	[tilespmem:v9+s26+$0x0] =	vst.idx.msk vm0, v8  }
0x4e2: {  	s14 =	sadd.s32 $0xFFFFFFFF, s14;
	v8 =	vld [tilespmem:s12+$0x0];
	_ =	sdelay $0x4  }
0x4e3: {  	v9 =	vand.u32 $0x1FF80, v8;
	v10 =	vshrl.u32 v8, $0x11;
	v11 =	vshrl.u32 v8, $0xE  }
0x4e4: {  	v12 =	vadd.s32 s0, v2;
	v9 =	vadd.s32 v6, v9;
	v10 =	vand.u32 $0x7F, v10  }
0x4e5: {  	vm0 =	vlt.s32 v12, v7;
	v8 =	vand.u32 $0x7F, v8;
	v9 =	vshll.u32 v9, $0x3  }
0x4e6: {  	v8 =	vor.u32 v8, v9;
	v9 =	vand.u32 $0x3FC00, v11  }
0x4e7: {  	v9 =	vor.u32 v10, v9;
	_ =	sdelay $0x3  }
0x4e8: {  	v10 =	vld.idx.msk [tilespmem:v8+s19+$0x0], vm0;
	_ =	sdelay $0x1  }
0x4e9: {  	v11 =	vor.u32 $0x80, v8;
	_ =	sdelay $0x3  }
0x4ea: {  	[tilespmem:v9+s26+$0x0] =	vst.idx.msk vm0, v10  }
0x4eb: {  	v10 =	vld.idx.msk [tilespmem:v11+s19+$0x0], vm0  }
0x4ec: {  	v11 =	vor.u32 $0x80, v9  }
0x4ed: {  	v12 =	vor.u32 $0x100, v8;
	_ =	sdelay $0x3  }
0x4ee: {  	[tilespmem:v11+s26+$0x0] =	vst.idx.msk vm0, v10  }
0x4ef: {  	v10 =	vld.idx.msk [tilespmem:v12+s19+$0x0], vm0  }
0x4f0: {  	v11 =	vor.u32 $0x100, v9  }
0x4f1: {  	v12 =	vor.u32 $0x180, v8;
	_ =	sdelay $0x3  }
0x4f2: {  	[tilespmem:v11+s26+$0x0] =	vst.idx.msk vm0, v10  }
0x4f3: {  	v10 =	vld.idx.msk [tilespmem:v12+s19+$0x0], vm0  }
0x4f4: {  	v11 =	vor.u32 $0x180, v9  }
0x4f5: {  	v12 =	vor.u32 $0x200, v8;
	_ =	sdelay $0x3  }
0x4f6: {  	[tilespmem:v11+s26+$0x0] =	vst.idx.msk vm0, v10  }
0x4f7: {  	v10 =	vld.idx.msk [tilespmem:v12+s19+$0x0], vm0  }
0x4f8: {  	v11 =	vor.u32 $0x200, v9  }
0x4f9: {  	v12 =	vor.u32 $0x280, v8;
	_ =	sdelay $0x3  }
0x4fa: {  	[tilespmem:v11+s26+$0x0] =	vst.idx.msk vm0, v10  }
0x4fb: {  	v10 =	vld.idx.msk [tilespmem:v12+s19+$0x0], vm0  }
0x4fc: {  	v11 =	vor.u32 $0x280, v9  }
0x4fd: {  	v12 =	vor.u32 $0x300, v8;
	_ =	sdelay $0x3  }
0x4fe: {  	[tilespmem:v11+s26+$0x0] =	vst.idx.msk vm0, v10  }
0x4ff: {  	v10 =	vld.idx.msk [tilespmem:v12+s19+$0x0], vm0  }
0x500: {  	v11 =	vor.u32 $0x300, v9  }
0x501: {  	v8 =	vor.u32 $0x380, v8;
	_ =	sdelay $0x1  }
.Ltmp35:
0x502: {  	(pc) =	sbr.rel @p1 .LBB2_41-.Ltmp35, $4  }
0x503: {  	_ = 	snop  }
0x504: {  	[tilespmem:v11+s26+$0x0] =	vst.idx.msk vm0, v10  }
0x505: {  	v8 =	vld.idx.msk [tilespmem:v8+s19+$0x0], vm0  }
0x506: {  	v9 =	vor.u32 $0x380, v9  }
.LBB2_42:
0x507: {  	_ =	sdelay $0x4  }
0x508: {  	[tilespmem:v9+s26+$0x0] =	vst.idx.msk vm0, v8  }
.LBB2_43:
0x509: {  	s0 =	smul.u32 $0x1400, s30;
	_ =	sdelay $0x1  }
0x50a: {  	v6 =	vmov s1;
	s0 =	sadd.s32 s0, s13  }
0x50b: {  	[tilespmem:s19], [sflag:$0x1] =	stream.linear.gather [hbm4b:s0+s2], $0x5000, $0x38;
	[tilespmem:$0x1F180] =	vst v63  }
0x50c: {  	_ =	swait.ge [sflag:s28], $0x5000  }
0x50d: {  	[sflag:s28] =	ssyncset.done $0x0  }
0x50e: {  	[sflag:s28] =	ssyncadd.s32 $0xFFFFB000  }
0x50f: {  	v7 =	vld.idx.msk [tilespmem:v6+s25+$0x0], $0xffff  }
0x510: {  	v6 =	vld.idx.msk [tilespmem:v6+s22+$0x0], $0xffff;
	_ =	sdelay $0x3  }
0x511: {  	v7 =	vxor.u32 $0x80000000, v7  }
0x512: {  	v6 =	vxor.u32 $0x80000000, v6;
	(xrf0) =	vmax.scan.msk.u32 $0xffff, v7  }
0x513: {  	(xrf0) =	vmax.scan.msk.u32 $0xffff, v6;
	_ =	sdelay $0x4  }
0x514: {  	v6, _, _ =	vpop (xrf0)  }
0x515: {  	(v2sf) =	vpush v6, $0xF;
	v6, _, _ =	vpop (xrf0)  }
0x516: {  	(v2sf) =	vpush v6, $0xF;
	_ =	sdelay $0xd  }
0x517: {  	s1 =	spop (v2sf)  }
0x518: {  	s5 =	spop (v2sf)  }
0x519: {  	s0 =	sxor.u32 $0x80000000, s1;
	s14 =	sxor.u32 $0x80000000, s5  }
0x51a: {  	s5 =	ssub.s32 s14, s0  }
0x51b: {  	s5 =	sadd.s32 $0xF, s5  }
0x51c: {  	s12 =	sand.u32 $0xF, s5  }
0x51d: {  	s17 =	sshra.s32 s5, $0x1F;
	p2 =	slt.s32 s5, $0x1;
	p1 =	sne.s32 s12, $0x0  }
0x51e: {  	s12 =	sshrl.u32 s17, $0x1C;
	p1 =	por !p2, !p1  }
0x51f: {  	s5 =	sadd.s32 s12, s5;
	s12 =	simm.s32 $0x1;
	p1 =	por !p1, !p1  }
0x520: {  	s5 =	sshra.s32 s5, $0x4;
	s12 =	simm.s32 @!p1 $0x0  }
0x521: {  	s12 =	ssub.s32 s5, s12  }
0x522: {  	p1 =	slt.s32 s12, $0x1  }
.Ltmp36:
0x523: {  	_ = 	snop;
	(pc) =	sbr.rel @p1 .LBB2_47-.Ltmp36, $1  }
0x524: {  	_ =	sdelay $0x3  }
0x525: {  	s1 =	sshll.u32 s1, $0x2  }
0x526: {  	s1 =	sshra.s32 s1, $0x2  }
0x527: {  	s1 =	sadd.s32 $0x1C000, s1  }
0x528: {  	v8 =	vld [tilespmem:s1+$0x0];
	_ =	sdelay $0x4  }
0x529: {  	v6 =	vmov s31;
	v9 =	vand.u32 $0x1FF80, v8  }
0x52a: {  	v7 =	vmov s14;
	v10 =	vadd.s32 s0, v2;
	v9 =	vsub.s32 v9, v6  }
0x52b: {  	vm0 =	vlt.s32 v10, v7;
	v10 =	vand.u32 $0x7F, v8;
	v9 =	vshll.u32 v9, $0x3  }
0x52c: {  	v9 =	vor.u32 v10, v9;
	_ =	sdelay $0x2  }
0x52d: {  	v10 =	vshrl.u32 v8, $0x11;
	v8 =	vshrl.u32 v8, $0xE  }
0x52e: {  	v10 =	vand.u32 $0x7F, v10;
	v8 =	vand.u32 $0x3FC00, v8  }
0x52f: {  	v10 =	vor.u32 v10, v8;
	v8 =	vld.idx.msk [tilespmem:v9+s24+$0x0], vm0  }
0x530: {  	v11 =	vor.u32 $0x80, v9;
	_ =	sdelay $0x3  }
0x531: {  	[tilespmem:v10+s26+$0x0] =	vst.idx.msk vm0, v8  }
0x532: {  	v8 =	vld.idx.msk [tilespmem:v11+s24+$0x0], vm0;
	v11 =	vor.u32 $0x80, v10  }
0x533: {  	v12 =	vor.u32 $0x100, v9;
	_ =	sdelay $0x3  }
0x534: {  	[tilespmem:v11+s26+$0x0] =	vst.idx.msk vm0, v8  }
0x535: {  	v11 =	vor.u32 $0x100, v10;
	v8 =	vld.idx.msk [tilespmem:v12+s24+$0x0], vm0  }
0x536: {  	v60 =	vor.u32 $0x180, v9;
	_ =	sdelay $0x3  }
0x537: {  	[tilespmem:v11+s26+$0x0] =	vst.idx.msk vm0, v8  }
0x538: {  	v11 =	vor.u32 $0x180, v10;
	v8 =	vld.idx.msk [tilespmem:v60+s24+$0x0], vm0  }
0x539: {  	v61 =	vor.u32 $0x200, v9;
	_ =	sdelay $0x3  }
0x53a: {  	[tilespmem:v11+s26+$0x0] =	vst.idx.msk vm0, v8  }
0x53b: {  	v11 =	vor.u32 $0x200, v10;
	v8 =	vld.idx.msk [tilespmem:v61+s24+$0x0], vm0  }
0x53c: {  	v62 =	vor.u32 $0x280, v9;
	_ =	sdelay $0x3  }
0x53d: {  	[tilespmem:v11+s26+$0x0] =	vst.idx.msk vm0, v8  }
0x53e: {  	v11 =	vor.u32 $0x280, v10;
	v8 =	vld.idx.msk [tilespmem:v62+s24+$0x0], vm0  }
0x53f: {  	v63 =	vor.u32 $0x300, v9;
	_ =	sdelay $0x3  }
0x540: {  	[tilespmem:v11+s26+$0x0] =	vst.idx.msk vm0, v8  }
0x541: {  	v11 =	vor.u32 $0x300, v10;
	v8 =	vld.idx.msk [tilespmem:v63+s24+$0x0], vm0  }
0x542: {  	v9 =	vor.u32 $0x380, v9;
	_ =	sdelay $0x3  }
0x543: {  	p1 =	sne.s32 s12, $0x1;
	[tilespmem:v11+s26+$0x0] =	vst.idx.msk vm0, v8  }
.Ltmp37:
0x544: {  	v8 =	vld.idx.msk [tilespmem:v9+s24+$0x0], vm0;
	v9 =	vor.u32 $0x380, v10;
	(pc) =	sbr.rel @!p1 .LBB2_46-.Ltmp37, $2  }
0x545: {  	_ =	sdelay $0x2  }
0x546: {  	s12 =	sadd.s32 $0xFFFFFFFF, s12  }
.LBB2_45:
0x547: {  	p1 =	sne.s32 s12, $0x1;
	[tilespmem:v9+s26+$0x0] =	vst.idx.msk vm0, v8;
	s1 =	sadd.s32 $0x10, s1;
	s0 =	sadd.s32 $0x10, s0  }
0x548: {  	s12 =	sadd.s32 $0xFFFFFFFF, s12;
	v8 =	vld [tilespmem:s1+$0x0];
	_ =	sdelay $0x4  }
0x549: {  	v9 =	vand.u32 $0x1FF80, v8;
	v10 =	vshrl.u32 v8, $0x11;
	v11 =	vshrl.u32 v8, $0xE  }
0x54a: {  	v12 =	vadd.s32 s0, v2;
	v9 =	vsub.s32 v9, v6;
	v10 =	vand.u32 $0x7F, v10  }
0x54b: {  	vm0 =	vlt.s32 v12, v7;
	v8 =	vand.u32 $0x7F, v8;
	v9 =	vshll.u32 v9, $0x3  }
0x54c: {  	v8 =	vor.u32 v8, v9;
	v9 =	vand.u32 $0x3FC00, v11  }
0x54d: {  	v9 =	vor.u32 v10, v9;
	_ =	sdelay $0x3  }
0x54e: {  	v10 =	vld.idx.msk [tilespmem:v8+s24+$0x0], vm0;
	_ =	sdelay $0x1  }
0x54f: {  	v11 =	vor.u32 $0x80, v8;
	_ =	sdelay $0x3  }
0x550: {  	[tilespmem:v9+s26+$0x0] =	vst.idx.msk vm0, v10  }
0x551: {  	v10 =	vld.idx.msk [tilespmem:v11+s24+$0x0], vm0  }
0x552: {  	v11 =	vor.u32 $0x80, v9  }
0x553: {  	v12 =	vor.u32 $0x100, v8;
	_ =	sdelay $0x3  }
0x554: {  	[tilespmem:v11+s26+$0x0] =	vst.idx.msk vm0, v10  }
0x555: {  	v10 =	vld.idx.msk [tilespmem:v12+s24+$0x0], vm0  }
0x556: {  	v11 =	vor.u32 $0x100, v9  }
0x557: {  	v12 =	vor.u32 $0x180, v8;
	_ =	sdelay $0x3  }
0x558: {  	[tilespmem:v11+s26+$0x0] =	vst.idx.msk vm0, v10  }
0x559: {  	v10 =	vld.idx.msk [tilespmem:v12+s24+$0x0], vm0  }
0x55a: {  	v11 =	vor.u32 $0x180, v9  }
0x55b: {  	v12 =	vor.u32 $0x200, v8;
	_ =	sdelay $0x3  }
0x55c: {  	[tilespmem:v11+s26+$0x0] =	vst.idx.msk vm0, v10  }
0x55d: {  	v10 =	vld.idx.msk [tilespmem:v12+s24+$0x0], vm0  }
0x55e: {  	v11 =	vor.u32 $0x200, v9  }
0x55f: {  	v12 =	vor.u32 $0x280, v8;
	_ =	sdelay $0x3  }
0x560: {  	[tilespmem:v11+s26+$0x0] =	vst.idx.msk vm0, v10  }
0x561: {  	v10 =	vld.idx.msk [tilespmem:v12+s24+$0x0], vm0  }
0x562: {  	v11 =	vor.u32 $0x280, v9  }
0x563: {  	v12 =	vor.u32 $0x300, v8;
	_ =	sdelay $0x3  }
0x564: {  	[tilespmem:v11+s26+$0x0] =	vst.idx.msk vm0, v10  }
0x565: {  	v10 =	vld.idx.msk [tilespmem:v12+s24+$0x0], vm0  }
0x566: {  	v11 =	vor.u32 $0x300, v9  }
0x567: {  	v8 =	vor.u32 $0x380, v8;
	_ =	sdelay $0x1  }
.Ltmp38:
0x568: {  	(pc) =	sbr.rel @p1 .LBB2_45-.Ltmp38, $4  }
0x569: {  	_ = 	snop  }
0x56a: {  	[tilespmem:v11+s26+$0x0] =	vst.idx.msk vm0, v10  }
0x56b: {  	v8 =	vld.idx.msk [tilespmem:v8+s24+$0x0], vm0  }
0x56c: {  	v9 =	vor.u32 $0x380, v9  }
.Ltmp39:
0x56d: {  	_ = 	snop;
	(pc) =	sbr.rel .LBB2_46-.Ltmp39, $1  }
0x56e: {  	_ =	sdelay $0x3  }
.LBB2_48:
0x56f: {  	_ = 	snop  }
0x570: {  	_ =	swait.ge [sflag:s3], $0x5000  }
0x571: {  	[sflag:s3] =	ssyncset.done $0x0  }
0x572: {  	[sflag:s3] =	ssyncadd.s32 $0xFFFFB000  }
0x573: {  	v6 =	vld.idx.msk [tilespmem:v5+s25+$0x0], $0xffff  }
0x574: {  	v7 =	vld.idx.msk [tilespmem:v5+s22+$0x0], $0xffff;
	_ =	sdelay $0x3  }
0x575: {  	v6 =	vxor.u32 $0x80000000, v6  }
0x576: {  	(xrf0) =	vmax.scan.msk.u32 $0xffff, v6;
	v6 =	vxor.u32 $0x80000000, v7  }
0x577: {  	(xrf0) =	vmax.scan.msk.u32 $0xffff, v6;
	_ =	sdelay $0x4  }
0x578: {  	v6, _, _ =	vpop (xrf0)  }
0x579: {  	(v2sf) =	vpush v6, $0xF;
	v6, _, _ =	vpop (xrf0)  }
0x57a: {  	(v2sf) =	vpush v6, $0xF;
	_ =	sdelay $0xd  }
0x57b: {  	s1 =	spop (v2sf)  }
0x57c: {  	s5 =	spop (v2sf)  }
0x57d: {  	s0 =	sxor.u32 $0x80000000, s1;
	s14 =	sxor.u32 $0x80000000, s5  }
0x57e: {  	s5 =	ssub.s32 s14, s0  }
0x57f: {  	s5 =	sadd.s32 $0xF, s5  }
0x580: {  	s12 =	sand.u32 $0xF, s5  }
0x581: {  	s31 =	sshra.s32 s5, $0x1F;
	p2 =	slt.s32 s5, $0x1;
	p1 =	sne.s32 s12, $0x0  }
0x582: {  	s12 =	sshrl.u32 s31, $0x1C;
	p1 =	por !p2, !p1  }
0x583: {  	s5 =	sadd.s32 s12, s5;
	s12 =	simm.s32 $0x1;
	p1 =	por !p1, !p1  }
0x584: {  	s5 =	sshra.s32 s5, $0x4;
	s12 =	simm.s32 @!p1 $0x0  }
0x585: {  	s12 =	ssub.s32 s5, s12  }
0x586: {  	p1 =	slt.s32 s12, $0x1  }
.Ltmp40:
0x587: {  	_ = 	snop;
	(pc) =	sbr.rel @p1 .LBB2_52-.Ltmp40, $1  }
0x588: {  	_ =	sdelay $0x3  }
0x589: {  	s1 =	sshll.u32 s1, $0x2  }
0x58a: {  	s1 =	sshra.s32 s1, $0x2  }
0x58b: {  	s1 =	sadd.s32 $0x1C000, s1  }
0x58c: {  	v7 =	vld [tilespmem:s1+$0x0];
	_ =	sdelay $0x4  }
0x58d: {  	v6 =	vmov s14;
	v8 =	vshll.u32 v7, $0x3  }
0x58e: {  	v9 =	vadd.s32 s0, v2;
	v10 =	vand.u32 $0x7F, v7;
	v8 =	vand.u32 $0xFFC00, v8  }
0x58f: {  	vm0 =	vlt.s32 v9, v6;
	v8 =	vor.u32 v10, v8  }
0x590: {  	v9 =	vadd.s32 $0xFFF38000, v8;
	_ =	sdelay $0x2  }
0x591: {  	v10 =	vshrl.u32 v7, $0x11;
	v7 =	vshrl.u32 v7, $0xE  }
0x592: {  	v10 =	vand.u32 $0x7F, v10;
	v7 =	vand.u32 $0x3FC00, v7  }
0x593: {  	v10 =	vor.u32 v10, v7;
	v7 =	vld.idx.msk [tilespmem:v9+s19+$0x0], vm0  }
0x594: {  	v9 =	vadd.s32 $0xFFF38080, v8;
	_ =	sdelay $0x3  }
0x595: {  	[tilespmem:v10+s26+$0x0] =	vst.idx.msk vm0, v7  }
0x596: {  	v7 =	vld.idx.msk [tilespmem:v9+s19+$0x0], vm0;
	v9 =	vor.u32 $0x80, v10  }
0x597: {  	v11 =	vadd.s32 $0xFFF38100, v8;
	_ =	sdelay $0x3  }
0x598: {  	[tilespmem:v9+s26+$0x0] =	vst.idx.msk vm0, v7  }
0x599: {  	v9 =	vor.u32 $0x100, v10;
	v7 =	vld.idx.msk [tilespmem:v11+s19+$0x0], vm0  }
0x59a: {  	v11 =	vadd.s32 $0xFFF38180, v8;
	_ =	sdelay $0x3  }
0x59b: {  	[tilespmem:v9+s26+$0x0] =	vst.idx.msk vm0, v7  }
0x59c: {  	v9 =	vor.u32 $0x180, v10;
	v7 =	vld.idx.msk [tilespmem:v11+s19+$0x0], vm0  }
0x59d: {  	v11 =	vadd.s32 $0xFFF38200, v8;
	_ =	sdelay $0x3  }
0x59e: {  	[tilespmem:v9+s26+$0x0] =	vst.idx.msk vm0, v7  }
0x59f: {  	v9 =	vor.u32 $0x200, v10;
	v7 =	vld.idx.msk [tilespmem:v11+s19+$0x0], vm0  }
0x5a0: {  	v11 =	vadd.s32 $0xFFF38280, v8;
	_ =	sdelay $0x3  }
0x5a1: {  	[tilespmem:v9+s26+$0x0] =	vst.idx.msk vm0, v7  }
0x5a2: {  	v9 =	vor.u32 $0x280, v10;
	v7 =	vld.idx.msk [tilespmem:v11+s19+$0x0], vm0  }
0x5a3: {  	v11 =	vadd.s32 $0xFFF38300, v8;
	_ =	sdelay $0x3  }
0x5a4: {  	[tilespmem:v9+s26+$0x0] =	vst.idx.msk vm0, v7  }
0x5a5: {  	v9 =	vor.u32 $0x300, v10;
	v7 =	vld.idx.msk [tilespmem:v11+s19+$0x0], vm0  }
0x5a6: {  	p1 =	sne.s32 s12, $0x1;
	v8 =	vadd.s32 $0xFFF38380, v8  }
.Ltmp41:
0x5a7: {  	_ = 	snop;
	(pc) =	sbr.rel @!p1 .LBB2_51-.Ltmp41, $3  }
0x5a8: {  	_ =	sdelay $0x1  }
0x5a9: {  	[tilespmem:v9+s26+$0x0] =	vst.idx.msk vm0, v7  }
0x5aa: {  	s12 =	sadd.s32 $0xFFFFFFFF, s12;
	v7 =	vld.idx.msk [tilespmem:v8+s19+$0x0], vm0;
	v8 =	vor.u32 $0x380, v10  }
.LBB2_50:
0x5ab: {  	_ =	sdelay $0x3  }
0x5ac: {  	p1 =	sne.s32 s12, $0x1;
	s1 =	sadd.s32 $0x10, s1;
	s0 =	sadd.s32 $0x10, s0;
	[tilespmem:v8+s26+$0x0] =	vst.idx.msk vm0, v7  }
0x5ad: {  	s12 =	sadd.s32 $0xFFFFFFFF, s12;
	v7 =	vld [tilespmem:s1+$0x0];
	_ =	sdelay $0x4  }
0x5ae: {  	v8 =	vshrl.u32 v7, $0x11;
	v9 =	vshll.u32 v7, $0x3;
	v10 =	vshrl.u32 v7, $0xE  }
0x5af: {  	v11 =	vadd.s32 s0, v2;
	v7 =	vand.u32 $0x7F, v7;
	v9 =	vand.u32 $0xFFC00, v9  }
0x5b0: {  	vm0 =	vlt.s32 v11, v6;
	v8 =	vand.u32 $0x7F, v8;
	v7 =	vor.u32 v7, v9  }
0x5b1: {  	v10 =	vand.u32 $0x3FC00, v10;
	v9 =	vadd.s32 $0xFFF38000, v7  }
0x5b2: {  	v8 =	vor.u32 v8, v10;
	_ =	sdelay $0x3  }
0x5b3: {  	v9 =	vld.idx.msk [tilespmem:v9+s19+$0x0], vm0;
	_ =	sdelay $0x1  }
0x5b4: {  	v10 =	vadd.s32 $0xFFF38080, v7;
	_ =	sdelay $0x3  }
0x5b5: {  	[tilespmem:v8+s26+$0x0] =	vst.idx.msk vm0, v9  }
0x5b6: {  	v9 =	vld.idx.msk [tilespmem:v10+s19+$0x0], vm0  }
0x5b7: {  	v10 =	vor.u32 $0x80, v8  }
0x5b8: {  	v11 =	vadd.s32 $0xFFF38100, v7;
	_ =	sdelay $0x3  }
0x5b9: {  	[tilespmem:v10+s26+$0x0] =	vst.idx.msk vm0, v9  }
0x5ba: {  	v9 =	vld.idx.msk [tilespmem:v11+s19+$0x0], vm0  }
0x5bb: {  	v10 =	vor.u32 $0x100, v8  }
0x5bc: {  	v11 =	vadd.s32 $0xFFF38180, v7;
	_ =	sdelay $0x3  }
0x5bd: {  	[tilespmem:v10+s26+$0x0] =	vst.idx.msk vm0, v9  }
0x5be: {  	v9 =	vld.idx.msk [tilespmem:v11+s19+$0x0], vm0  }
0x5bf: {  	v10 =	vor.u32 $0x180, v8  }
0x5c0: {  	v11 =	vadd.s32 $0xFFF38200, v7;
	_ =	sdelay $0x3  }
0x5c1: {  	[tilespmem:v10+s26+$0x0] =	vst.idx.msk vm0, v9  }
0x5c2: {  	v9 =	vld.idx.msk [tilespmem:v11+s19+$0x0], vm0  }
0x5c3: {  	v10 =	vor.u32 $0x200, v8  }
0x5c4: {  	v11 =	vadd.s32 $0xFFF38280, v7;
	_ =	sdelay $0x3  }
0x5c5: {  	[tilespmem:v10+s26+$0x0] =	vst.idx.msk vm0, v9  }
0x5c6: {  	v9 =	vld.idx.msk [tilespmem:v11+s19+$0x0], vm0  }
0x5c7: {  	v10 =	vor.u32 $0x280, v8  }
0x5c8: {  	v11 =	vadd.s32 $0xFFF38300, v7;
	_ =	sdelay $0x3  }
0x5c9: {  	[tilespmem:v10+s26+$0x0] =	vst.idx.msk vm0, v9  }
0x5ca: {  	v9 =	vld.idx.msk [tilespmem:v11+s19+$0x0], vm0  }
0x5cb: {  	v10 =	vor.u32 $0x300, v8  }
0x5cc: {  	v7 =	vadd.s32 $0xFFF38380, v7;
	_ =	sdelay $0x1  }
.Ltmp42:
0x5cd: {  	(pc) =	sbr.rel @p1 .LBB2_50-.Ltmp42, $4  }
0x5ce: {  	_ = 	snop  }
0x5cf: {  	[tilespmem:v10+s26+$0x0] =	vst.idx.msk vm0, v9  }
0x5d0: {  	v7 =	vld.idx.msk [tilespmem:v7+s19+$0x0], vm0  }
0x5d1: {  	v8 =	vor.u32 $0x380, v8  }
.LBB2_51:
0x5d2: {  	_ =	sdelay $0x4  }
0x5d3: {  	[tilespmem:v8+s26+$0x0] =	vst.idx.msk vm0, v7  }
.LBB2_52:
0x5d4: {  	s30 =	simm.s32 $0x0;
	s0 =	rddreg [dreg:$0x6]  }
0x5d5: {  	[hbm4b:s0+s30] =	stream.linear.scatter [tilespmem:s26], [sflag:$0x3], $0x10000, $0x38;
	[tilespmem:$0x1F180] =	vst v63  }
.Ltmp43:
0x5d6: {  	_ = 	snop;
	(pc) =	sbr.rel .LBB2_53-.Ltmp43, $4  }
0x5d7: {  	_ =	swait.ge [sflag:s20], $0x10000  }
0x5d8: {  	[sflag:s20] =	ssyncset.done $0x0  }
0x5d9: {  	[sflag:s20] =	ssyncadd.s32 $0xFFFF0000  }
0x5da: {  	[tilespmem:s19], [sflag:$0x1] =	stream.linear.gather [hbm4b:s15+s30], $0x5000, $0x38;
	[tilespmem:$0x1F180] =	vst v63  }
.LBB2_60:
0x5db: {  	_ =	sdelay $0x4  }
0x5dc: {  	[tilespmem:v9+s26+$0x0] =	vst.idx.msk vm0, v8  }
.LBB2_61:
0x5dd: {  	s30 =	sadd.s32 $0x1, s30  }
0x5de: {  	p1 =	sne.s32 s30, $0x14  }
.Ltmp44:
0x5df: {  	_ = 	snop;
	(pc) =	sbr.rel @!p1 .LBB2_62-.Ltmp44, $1  }
0x5e0: {  	_ =	sdelay $0x3  }
.LBB2_53:
0x5e1: {  	s0 =	sshll.u32 s30, $0x1;
	s1 =	sshllo.u32 s30, $0x1  }
0x5e2: {  	s31 =	smul.u32 $0xA00, s1;
	v6 =	vmov s0  }
0x5e3: {  	v6 =	vbroadcast v6, $0x0  }
0x5e4: {  	s17 =	sadd.s32 s31, s15  }
0x5e5: {  	[tilespmem:s24], [sflag:$0x2] =	stream.linear.gather [hbm4b:s17+s2], $0x5000, $0x38;
	[tilespmem:$0x1F180] =	vst v63  }
0x5e6: {  	_ =	swait.ge [sflag:s3], $0x5000  }
0x5e7: {  	[sflag:s3] =	ssyncset.done $0x0  }
0x5e8: {  	[sflag:s3] =	ssyncadd.s32 $0xFFFFB000  }
0x5e9: {  	v7 =	vld.idx.msk [tilespmem:v6+s25+$0x0], $0xffff  }
0x5ea: {  	v6 =	vld.idx.msk [tilespmem:v6+s22+$0x0], $0xffff;
	_ =	sdelay $0x3  }
0x5eb: {  	v7 =	vxor.u32 $0x80000000, v7  }
0x5ec: {  	v6 =	vxor.u32 $0x80000000, v6;
	(xrf0) =	vmax.scan.msk.u32 $0xffff, v7  }
0x5ed: {  	(xrf0) =	vmax.scan.msk.u32 $0xffff, v6;
	_ =	sdelay $0x4  }
0x5ee: {  	v6, _, _ =	vpop (xrf0)  }
0x5ef: {  	(v2sf) =	vpush v6, $0xF;
	v6, _, _ =	vpop (xrf0)  }
0x5f0: {  	(v2sf) =	vpush v6, $0xF;
	_ =	sdelay $0xd  }
0x5f1: {  	s12 =	spop (v2sf)  }
0x5f2: {  	s5 =	spop (v2sf)  }
0x5f3: {  	s0 =	sxor.u32 $0x80000000, s12;
	s17 =	sxor.u32 $0x80000000, s5  }
0x5f4: {  	s5 =	ssub.s32 s17, s0  }
0x5f5: {  	s5 =	sadd.s32 $0xF, s5  }
0x5f6: {  	s14 =	sand.u32 $0xF, s5  }
0x5f7: {  	p2 =	slt.s32 s5, $0x1;
	p1 =	sne.s32 s14, $0x0;
	s14 =	sshra.s32 s5, $0x1F  }
0x5f8: {  	s14 =	sshrl.u32 s14, $0x1C;
	p1 =	por !p2, !p1  }
0x5f9: {  	s5 =	sadd.s32 s14, s5;
	p1 =	por !p1, !p1;
	s14 =	simm.s32 $0x1  }
0x5fa: {  	s5 =	sshra.s32 s5, $0x4;
	s14 =	simm.s32 @!p1 $0x0  }
0x5fb: {  	s14 =	ssub.s32 s5, s14  }
0x5fc: {  	p1 =	slt.s32 s14, $0x1  }
.Ltmp45:
0x5fd: {  	_ = 	snop;
	(pc) =	sbr.rel @p1 .LBB2_57-.Ltmp45, $1  }
0x5fe: {  	_ =	sdelay $0x3  }
0x5ff: {  	s5 =	sshll.u32 s12, $0x2  }
0x600: {  	s5 =	sshra.s32 s5, $0x2  }
0x601: {  	s12 =	sadd.s32 $0x1C000, s5  }
0x602: {  	v8 =	vld [tilespmem:s12+$0x0];
	_ =	sdelay $0x2  }
0x603: {  	s5 =	smul.u32 $0xFFFFEC00, s30;
	_ =	sdelay $0x1  }
0x604: {  	v6 =	vmov s5;
	v9 =	vand.u32 $0x1FF80, v8  }
0x605: {  	v7 =	vmov s17;
	v10 =	vadd.s32 s0, v2;
	v9 =	vadd.s32 v6, v9  }
0x606: {  	vm0 =	vlt.s32 v10, v7;
	v10 =	vand.u32 $0x7F, v8;
	v9 =	vshll.u32 v9, $0x3  }
0x607: {  	v9 =	vor.u32 v10, v9;
	_ =	sdelay $0x2  }
0x608: {  	v10 =	vshrl.u32 v8, $0x11;
	v8 =	vshrl.u32 v8, $0xE  }
0x609: {  	v10 =	vand.u32 $0x7F, v10;
	v8 =	vand.u32 $0x3FC00, v8  }
0x60a: {  	v10 =	vor.u32 v10, v8;
	v8 =	vld.idx.msk [tilespmem:v9+s19+$0x0], vm0  }
0x60b: {  	v11 =	vor.u32 $0x80, v9;
	_ =	sdelay $0x3  }
0x60c: {  	[tilespmem:v10+s26+$0x0] =	vst.idx.msk vm0, v8  }
0x60d: {  	v8 =	vld.idx.msk [tilespmem:v11+s19+$0x0], vm0;
	v11 =	vor.u32 $0x80, v10  }
0x60e: {  	v12 =	vor.u32 $0x100, v9;
	_ =	sdelay $0x3  }
0x60f: {  	[tilespmem:v11+s26+$0x0] =	vst.idx.msk vm0, v8  }
0x610: {  	v11 =	vor.u32 $0x100, v10;
	v8 =	vld.idx.msk [tilespmem:v12+s19+$0x0], vm0  }
0x611: {  	v60 =	vor.u32 $0x180, v9;
	_ =	sdelay $0x3  }
0x612: {  	[tilespmem:v11+s26+$0x0] =	vst.idx.msk vm0, v8  }
0x613: {  	v11 =	vor.u32 $0x180, v10;
	v8 =	vld.idx.msk [tilespmem:v60+s19+$0x0], vm0  }
0x614: {  	v61 =	vor.u32 $0x200, v9;
	_ =	sdelay $0x3  }
0x615: {  	[tilespmem:v11+s26+$0x0] =	vst.idx.msk vm0, v8  }
0x616: {  	v11 =	vor.u32 $0x200, v10;
	v8 =	vld.idx.msk [tilespmem:v61+s19+$0x0], vm0  }
0x617: {  	v62 =	vor.u32 $0x280, v9;
	_ =	sdelay $0x3  }
0x618: {  	[tilespmem:v11+s26+$0x0] =	vst.idx.msk vm0, v8  }
0x619: {  	v11 =	vor.u32 $0x280, v10;
	v8 =	vld.idx.msk [tilespmem:v62+s19+$0x0], vm0  }
0x61a: {  	v63 =	vor.u32 $0x300, v9;
	_ =	sdelay $0x3  }
0x61b: {  	[tilespmem:v11+s26+$0x0] =	vst.idx.msk vm0, v8  }
0x61c: {  	v11 =	vor.u32 $0x300, v10;
	v8 =	vld.idx.msk [tilespmem:v63+s19+$0x0], vm0  }
0x61d: {  	p1 =	sne.s32 s14, $0x1;
	v9 =	vor.u32 $0x380, v9  }
.Ltmp46:
0x61e: {  	_ = 	snop;
	(pc) =	sbr.rel @!p1 .LBB2_56-.Ltmp46, $3  }
0x61f: {  	_ =	sdelay $0x1  }
0x620: {  	[tilespmem:v11+s26+$0x0] =	vst.idx.msk vm0, v8  }
0x621: {  	s14 =	sadd.s32 $0xFFFFFFFF, s14;
	v8 =	vld.idx.msk [tilespmem:v9+s19+$0x0], vm0;
	v9 =	vor.u32 $0x380, v10  }
.LBB2_55:
0x622: {  	_ =	sdelay $0x3  }
0x623: {  	p1 =	sne.s32 s14, $0x1;
	s12 =	sadd.s32 $0x10, s12;
	s0 =	sadd.s32 $0x10, s0;
	[tilespmem:v9+s26+$0x0] =	vst.idx.msk vm0, v8  }
0x624: {  	s14 =	sadd.s32 $0xFFFFFFFF, s14;
	v8 =	vld [tilespmem:s12+$0x0];
	_ =	sdelay $0x4  }
0x625: {  	v9 =	vand.u32 $0x1FF80, v8;
	v10 =	vshrl.u32 v8, $0x11;
	v11 =	vshrl.u32 v8, $0xE  }
0x626: {  	v12 =	vadd.s32 s0, v2;
	v9 =	vadd.s32 v6, v9;
	v10 =	vand.u32 $0x7F, v10  }
0x627: {  	vm0 =	vlt.s32 v12, v7;
	v8 =	vand.u32 $0x7F, v8;
	v9 =	vshll.u32 v9, $0x3  }
0x628: {  	v8 =	vor.u32 v8, v9;
	v9 =	vand.u32 $0x3FC00, v11  }
0x629: {  	v9 =	vor.u32 v10, v9;
	_ =	sdelay $0x3  }
0x62a: {  	v10 =	vld.idx.msk [tilespmem:v8+s19+$0x0], vm0;
	_ =	sdelay $0x1  }
0x62b: {  	v11 =	vor.u32 $0x80, v8;
	_ =	sdelay $0x3  }
0x62c: {  	[tilespmem:v9+s26+$0x0] =	vst.idx.msk vm0, v10  }
0x62d: {  	v10 =	vld.idx.msk [tilespmem:v11+s19+$0x0], vm0  }
0x62e: {  	v11 =	vor.u32 $0x80, v9  }
0x62f: {  	v12 =	vor.u32 $0x100, v8;
	_ =	sdelay $0x3  }
0x630: {  	[tilespmem:v11+s26+$0x0] =	vst.idx.msk vm0, v10  }
0x631: {  	v10 =	vld.idx.msk [tilespmem:v12+s19+$0x0], vm0  }
0x632: {  	v11 =	vor.u32 $0x100, v9  }
0x633: {  	v12 =	vor.u32 $0x180, v8;
	_ =	sdelay $0x3  }
0x634: {  	[tilespmem:v11+s26+$0x0] =	vst.idx.msk vm0, v10  }
0x635: {  	v10 =	vld.idx.msk [tilespmem:v12+s19+$0x0], vm0  }
0x636: {  	v11 =	vor.u32 $0x180, v9  }
0x637: {  	v12 =	vor.u32 $0x200, v8;
	_ =	sdelay $0x3  }
0x638: {  	[tilespmem:v11+s26+$0x0] =	vst.idx.msk vm0, v10  }
0x639: {  	v10 =	vld.idx.msk [tilespmem:v12+s19+$0x0], vm0  }
0x63a: {  	v11 =	vor.u32 $0x200, v9  }
0x63b: {  	v12 =	vor.u32 $0x280, v8;
	_ =	sdelay $0x3  }
0x63c: {  	[tilespmem:v11+s26+$0x0] =	vst.idx.msk vm0, v10  }
0x63d: {  	v10 =	vld.idx.msk [tilespmem:v12+s19+$0x0], vm0  }
0x63e: {  	v11 =	vor.u32 $0x280, v9  }
0x63f: {  	v12 =	vor.u32 $0x300, v8;
	_ =	sdelay $0x3  }
0x640: {  	[tilespmem:v11+s26+$0x0] =	vst.idx.msk vm0, v10  }
0x641: {  	v10 =	vld.idx.msk [tilespmem:v12+s19+$0x0], vm0  }
0x642: {  	v11 =	vor.u32 $0x300, v9  }
0x643: {  	v8 =	vor.u32 $0x380, v8;
	_ =	sdelay $0x1  }
.Ltmp47:
0x644: {  	(pc) =	sbr.rel @p1 .LBB2_55-.Ltmp47, $4  }
0x645: {  	_ = 	snop  }
0x646: {  	[tilespmem:v11+s26+$0x0] =	vst.idx.msk vm0, v10  }
0x647: {  	v8 =	vld.idx.msk [tilespmem:v8+s19+$0x0], vm0  }
0x648: {  	v9 =	vor.u32 $0x380, v9  }
.LBB2_56:
0x649: {  	_ =	sdelay $0x4  }
0x64a: {  	[tilespmem:v9+s26+$0x0] =	vst.idx.msk vm0, v8  }
.LBB2_57:
0x64b: {  	s0 =	smul.u32 $0x1400, s30;
	_ =	sdelay $0x1  }
0x64c: {  	v6 =	vmov s1;
	s0 =	sadd.s32 s0, s16  }
0x64d: {  	[tilespmem:s19], [sflag:$0x1] =	stream.linear.gather [hbm4b:s0+s2], $0x5000, $0x38;
	[tilespmem:$0x1F180] =	vst v63  }
0x64e: {  	_ =	swait.ge [sflag:s28], $0x5000  }
0x64f: {  	[sflag:s28] =	ssyncset.done $0x0  }
0x650: {  	[sflag:s28] =	ssyncadd.s32 $0xFFFFB000  }
0x651: {  	v7 =	vld.idx.msk [tilespmem:v6+s25+$0x0], $0xffff  }
0x652: {  	v6 =	vld.idx.msk [tilespmem:v6+s22+$0x0], $0xffff;
	_ =	sdelay $0x3  }
0x653: {  	v7 =	vxor.u32 $0x80000000, v7  }
0x654: {  	v6 =	vxor.u32 $0x80000000, v6;
	(xrf0) =	vmax.scan.msk.u32 $0xffff, v7  }
0x655: {  	(xrf0) =	vmax.scan.msk.u32 $0xffff, v6;
	_ =	sdelay $0x4  }
0x656: {  	v6, _, _ =	vpop (xrf0)  }
0x657: {  	(v2sf) =	vpush v6, $0xF;
	v6, _, _ =	vpop (xrf0)  }
0x658: {  	(v2sf) =	vpush v6, $0xF;
	_ =	sdelay $0xd  }
0x659: {  	s1 =	spop (v2sf)  }
0x65a: {  	s5 =	spop (v2sf)  }
0x65b: {  	s0 =	sxor.u32 $0x80000000, s1;
	s14 =	sxor.u32 $0x80000000, s5  }
0x65c: {  	s5 =	ssub.s32 s14, s0  }
0x65d: {  	s5 =	sadd.s32 $0xF, s5  }
0x65e: {  	s12 =	sand.u32 $0xF, s5  }
0x65f: {  	s17 =	sshra.s32 s5, $0x1F;
	p2 =	slt.s32 s5, $0x1;
	p1 =	sne.s32 s12, $0x0  }
0x660: {  	s12 =	sshrl.u32 s17, $0x1C;
	p1 =	por !p2, !p1  }
0x661: {  	s5 =	sadd.s32 s12, s5;
	s12 =	simm.s32 $0x1;
	p1 =	por !p1, !p1  }
0x662: {  	s5 =	sshra.s32 s5, $0x4;
	s12 =	simm.s32 @!p1 $0x0  }
0x663: {  	s12 =	ssub.s32 s5, s12  }
0x664: {  	p1 =	slt.s32 s12, $0x1  }
.Ltmp48:
0x665: {  	_ = 	snop;
	(pc) =	sbr.rel @p1 .LBB2_61-.Ltmp48, $1  }
0x666: {  	_ =	sdelay $0x3  }
0x667: {  	s1 =	sshll.u32 s1, $0x2  }
0x668: {  	s1 =	sshra.s32 s1, $0x2  }
0x669: {  	s1 =	sadd.s32 $0x1C000, s1  }
0x66a: {  	v8 =	vld [tilespmem:s1+$0x0];
	_ =	sdelay $0x4  }
0x66b: {  	v6 =	vmov s31;
	v9 =	vand.u32 $0x1FF80, v8  }
0x66c: {  	v7 =	vmov s14;
	v10 =	vadd.s32 s0, v2;
	v9 =	vsub.s32 v9, v6  }
0x66d: {  	vm0 =	vlt.s32 v10, v7;
	v10 =	vand.u32 $0x7F, v8;
	v9 =	vshll.u32 v9, $0x3  }
0x66e: {  	v9 =	vor.u32 v10, v9;
	_ =	sdelay $0x2  }
0x66f: {  	v10 =	vshrl.u32 v8, $0x11;
	v8 =	vshrl.u32 v8, $0xE  }
0x670: {  	v10 =	vand.u32 $0x7F, v10;
	v8 =	vand.u32 $0x3FC00, v8  }
0x671: {  	v10 =	vor.u32 v10, v8;
	v8 =	vld.idx.msk [tilespmem:v9+s24+$0x0], vm0  }
0x672: {  	v11 =	vor.u32 $0x80, v9;
	_ =	sdelay $0x3  }
0x673: {  	[tilespmem:v10+s26+$0x0] =	vst.idx.msk vm0, v8  }
0x674: {  	v8 =	vld.idx.msk [tilespmem:v11+s24+$0x0], vm0;
	v11 =	vor.u32 $0x80, v10  }
0x675: {  	v12 =	vor.u32 $0x100, v9;
	_ =	sdelay $0x3  }
0x676: {  	[tilespmem:v11+s26+$0x0] =	vst.idx.msk vm0, v8  }
0x677: {  	v11 =	vor.u32 $0x100, v10;
	v8 =	vld.idx.msk [tilespmem:v12+s24+$0x0], vm0  }
0x678: {  	v60 =	vor.u32 $0x180, v9;
	_ =	sdelay $0x3  }
0x679: {  	[tilespmem:v11+s26+$0x0] =	vst.idx.msk vm0, v8  }
0x67a: {  	v11 =	vor.u32 $0x180, v10;
	v8 =	vld.idx.msk [tilespmem:v60+s24+$0x0], vm0  }
0x67b: {  	v61 =	vor.u32 $0x200, v9;
	_ =	sdelay $0x3  }
0x67c: {  	[tilespmem:v11+s26+$0x0] =	vst.idx.msk vm0, v8  }
0x67d: {  	v11 =	vor.u32 $0x200, v10;
	v8 =	vld.idx.msk [tilespmem:v61+s24+$0x0], vm0  }
0x67e: {  	v62 =	vor.u32 $0x280, v9;
	_ =	sdelay $0x3  }
0x67f: {  	[tilespmem:v11+s26+$0x0] =	vst.idx.msk vm0, v8  }
0x680: {  	v11 =	vor.u32 $0x280, v10;
	v8 =	vld.idx.msk [tilespmem:v62+s24+$0x0], vm0  }
0x681: {  	v63 =	vor.u32 $0x300, v9;
	_ =	sdelay $0x3  }
0x682: {  	[tilespmem:v11+s26+$0x0] =	vst.idx.msk vm0, v8  }
0x683: {  	v11 =	vor.u32 $0x300, v10;
	v8 =	vld.idx.msk [tilespmem:v63+s24+$0x0], vm0  }
0x684: {  	v9 =	vor.u32 $0x380, v9;
	_ =	sdelay $0x3  }
0x685: {  	p1 =	sne.s32 s12, $0x1;
	[tilespmem:v11+s26+$0x0] =	vst.idx.msk vm0, v8  }
.Ltmp49:
0x686: {  	v8 =	vld.idx.msk [tilespmem:v9+s24+$0x0], vm0;
	v9 =	vor.u32 $0x380, v10;
	(pc) =	sbr.rel @!p1 .LBB2_60-.Ltmp49, $2  }
0x687: {  	_ =	sdelay $0x2  }
0x688: {  	s12 =	sadd.s32 $0xFFFFFFFF, s12  }
.LBB2_59:
0x689: {  	p1 =	sne.s32 s12, $0x1;
	[tilespmem:v9+s26+$0x0] =	vst.idx.msk vm0, v8;
	s1 =	sadd.s32 $0x10, s1;
	s0 =	sadd.s32 $0x10, s0  }
0x68a: {  	s12 =	sadd.s32 $0xFFFFFFFF, s12;
	v8 =	vld [tilespmem:s1+$0x0];
	_ =	sdelay $0x4  }
0x68b: {  	v9 =	vand.u32 $0x1FF80, v8;
	v10 =	vshrl.u32 v8, $0x11;
	v11 =	vshrl.u32 v8, $0xE  }
0x68c: {  	v12 =	vadd.s32 s0, v2;
	v9 =	vsub.s32 v9, v6;
	v10 =	vand.u32 $0x7F, v10  }
0x68d: {  	vm0 =	vlt.s32 v12, v7;
	v8 =	vand.u32 $0x7F, v8;
	v9 =	vshll.u32 v9, $0x3  }
0x68e: {  	v8 =	vor.u32 v8, v9;
	v9 =	vand.u32 $0x3FC00, v11  }
0x68f: {  	v9 =	vor.u32 v10, v9;
	_ =	sdelay $0x3  }
0x690: {  	v10 =	vld.idx.msk [tilespmem:v8+s24+$0x0], vm0;
	_ =	sdelay $0x1  }
0x691: {  	v11 =	vor.u32 $0x80, v8;
	_ =	sdelay $0x3  }
0x692: {  	[tilespmem:v9+s26+$0x0] =	vst.idx.msk vm0, v10  }
0x693: {  	v10 =	vld.idx.msk [tilespmem:v11+s24+$0x0], vm0  }
0x694: {  	v11 =	vor.u32 $0x80, v9  }
0x695: {  	v12 =	vor.u32 $0x100, v8;
	_ =	sdelay $0x3  }
0x696: {  	[tilespmem:v11+s26+$0x0] =	vst.idx.msk vm0, v10  }
0x697: {  	v10 =	vld.idx.msk [tilespmem:v12+s24+$0x0], vm0  }
0x698: {  	v11 =	vor.u32 $0x100, v9  }
0x699: {  	v12 =	vor.u32 $0x180, v8;
	_ =	sdelay $0x3  }
0x69a: {  	[tilespmem:v11+s26+$0x0] =	vst.idx.msk vm0, v10  }
0x69b: {  	v10 =	vld.idx.msk [tilespmem:v12+s24+$0x0], vm0  }
0x69c: {  	v11 =	vor.u32 $0x180, v9  }
0x69d: {  	v12 =	vor.u32 $0x200, v8;
	_ =	sdelay $0x3  }
0x69e: {  	[tilespmem:v11+s26+$0x0] =	vst.idx.msk vm0, v10  }
0x69f: {  	v10 =	vld.idx.msk [tilespmem:v12+s24+$0x0], vm0  }
0x6a0: {  	v11 =	vor.u32 $0x200, v9  }
0x6a1: {  	v12 =	vor.u32 $0x280, v8;
	_ =	sdelay $0x3  }
0x6a2: {  	[tilespmem:v11+s26+$0x0] =	vst.idx.msk vm0, v10  }
0x6a3: {  	v10 =	vld.idx.msk [tilespmem:v12+s24+$0x0], vm0  }
0x6a4: {  	v11 =	vor.u32 $0x280, v9  }
0x6a5: {  	v12 =	vor.u32 $0x300, v8;
	_ =	sdelay $0x3  }
0x6a6: {  	[tilespmem:v11+s26+$0x0] =	vst.idx.msk vm0, v10  }
0x6a7: {  	v10 =	vld.idx.msk [tilespmem:v12+s24+$0x0], vm0  }
0x6a8: {  	v11 =	vor.u32 $0x300, v9  }
0x6a9: {  	v8 =	vor.u32 $0x380, v8;
	_ =	sdelay $0x1  }
.Ltmp50:
0x6aa: {  	(pc) =	sbr.rel @p1 .LBB2_59-.Ltmp50, $4  }
0x6ab: {  	_ = 	snop  }
0x6ac: {  	[tilespmem:v11+s26+$0x0] =	vst.idx.msk vm0, v10  }
0x6ad: {  	v8 =	vld.idx.msk [tilespmem:v8+s24+$0x0], vm0  }
0x6ae: {  	v9 =	vor.u32 $0x380, v9  }
.Ltmp51:
0x6af: {  	_ = 	snop;
	(pc) =	sbr.rel .LBB2_60-.Ltmp51, $1  }
0x6b0: {  	_ =	sdelay $0x3  }
.LBB2_62:
0x6b1: {  	_ = 	snop  }
0x6b2: {  	_ =	swait.ge [sflag:s3], $0x5000  }
0x6b3: {  	[sflag:s3] =	ssyncset.done $0x0  }
0x6b4: {  	[sflag:s3] =	ssyncadd.s32 $0xFFFFB000  }
0x6b5: {  	v6 =	vld.idx.msk [tilespmem:v5+s25+$0x0], $0xffff  }
0x6b6: {  	v7 =	vld.idx.msk [tilespmem:v5+s22+$0x0], $0xffff;
	_ =	sdelay $0x3  }
0x6b7: {  	v6 =	vxor.u32 $0x80000000, v6  }
0x6b8: {  	(xrf0) =	vmax.scan.msk.u32 $0xffff, v6;
	v6 =	vxor.u32 $0x80000000, v7  }
0x6b9: {  	(xrf0) =	vmax.scan.msk.u32 $0xffff, v6;
	_ =	sdelay $0x4  }
0x6ba: {  	v6, _, _ =	vpop (xrf0)  }
0x6bb: {  	(v2sf) =	vpush v6, $0xF;
	v6, _, _ =	vpop (xrf0)  }
0x6bc: {  	(v2sf) =	vpush v6, $0xF;
	_ =	sdelay $0xd  }
0x6bd: {  	s1 =	spop (v2sf)  }
0x6be: {  	s5 =	spop (v2sf)  }
0x6bf: {  	s0 =	sxor.u32 $0x80000000, s1;
	s14 =	sxor.u32 $0x80000000, s5  }
0x6c0: {  	s5 =	ssub.s32 s14, s0  }
0x6c1: {  	s5 =	sadd.s32 $0xF, s5  }
0x6c2: {  	s12 =	sand.u32 $0xF, s5  }
0x6c3: {  	s31 =	sshra.s32 s5, $0x1F;
	p2 =	slt.s32 s5, $0x1;
	p1 =	sne.s32 s12, $0x0  }
0x6c4: {  	s12 =	sshrl.u32 s31, $0x1C;
	p1 =	por !p2, !p1  }
0x6c5: {  	s5 =	sadd.s32 s12, s5;
	s12 =	simm.s32 $0x1;
	p1 =	por !p1, !p1  }
0x6c6: {  	s5 =	sshra.s32 s5, $0x4;
	s12 =	simm.s32 @!p1 $0x0  }
0x6c7: {  	s12 =	ssub.s32 s5, s12  }
0x6c8: {  	p1 =	slt.s32 s12, $0x1  }
.Ltmp52:
0x6c9: {  	_ = 	snop;
	(pc) =	sbr.rel @p1 .LBB2_66-.Ltmp52, $1  }
0x6ca: {  	_ =	sdelay $0x3  }
0x6cb: {  	s1 =	sshll.u32 s1, $0x2  }
0x6cc: {  	s1 =	sshra.s32 s1, $0x2  }
0x6cd: {  	s1 =	sadd.s32 $0x1C000, s1  }
0x6ce: {  	v7 =	vld [tilespmem:s1+$0x0];
	_ =	sdelay $0x4  }
0x6cf: {  	v6 =	vmov s14;
	v8 =	vshll.u32 v7, $0x3  }
0x6d0: {  	v9 =	vadd.s32 s0, v2;
	v10 =	vand.u32 $0x7F, v7;
	v8 =	vand.u32 $0xFFC00, v8  }
0x6d1: {  	vm0 =	vlt.s32 v9, v6;
	v8 =	vor.u32 v10, v8  }
0x6d2: {  	v9 =	vadd.s32 $0xFFF38000, v8;
	_ =	sdelay $0x2  }
0x6d3: {  	v10 =	vshrl.u32 v7, $0x11;
	v7 =	vshrl.u32 v7, $0xE  }
0x6d4: {  	v10 =	vand.u32 $0x7F, v10;
	v7 =	vand.u32 $0x3FC00, v7  }
0x6d5: {  	v10 =	vor.u32 v10, v7;
	v7 =	vld.idx.msk [tilespmem:v9+s19+$0x0], vm0  }
0x6d6: {  	v9 =	vadd.s32 $0xFFF38080, v8;
	_ =	sdelay $0x3  }
0x6d7: {  	[tilespmem:v10+s26+$0x0] =	vst.idx.msk vm0, v7  }
0x6d8: {  	v7 =	vld.idx.msk [tilespmem:v9+s19+$0x0], vm0;
	v9 =	vor.u32 $0x80, v10  }
0x6d9: {  	v11 =	vadd.s32 $0xFFF38100, v8;
	_ =	sdelay $0x3  }
0x6da: {  	[tilespmem:v9+s26+$0x0] =	vst.idx.msk vm0, v7  }
0x6db: {  	v9 =	vor.u32 $0x100, v10;
	v7 =	vld.idx.msk [tilespmem:v11+s19+$0x0], vm0  }
0x6dc: {  	v11 =	vadd.s32 $0xFFF38180, v8;
	_ =	sdelay $0x3  }
0x6dd: {  	[tilespmem:v9+s26+$0x0] =	vst.idx.msk vm0, v7  }
0x6de: {  	v9 =	vor.u32 $0x180, v10;
	v7 =	vld.idx.msk [tilespmem:v11+s19+$0x0], vm0  }
0x6df: {  	v11 =	vadd.s32 $0xFFF38200, v8;
	_ =	sdelay $0x3  }
0x6e0: {  	[tilespmem:v9+s26+$0x0] =	vst.idx.msk vm0, v7  }
0x6e1: {  	v9 =	vor.u32 $0x200, v10;
	v7 =	vld.idx.msk [tilespmem:v11+s19+$0x0], vm0  }
0x6e2: {  	v11 =	vadd.s32 $0xFFF38280, v8;
	_ =	sdelay $0x3  }
0x6e3: {  	[tilespmem:v9+s26+$0x0] =	vst.idx.msk vm0, v7  }
0x6e4: {  	v9 =	vor.u32 $0x280, v10;
	v7 =	vld.idx.msk [tilespmem:v11+s19+$0x0], vm0  }
0x6e5: {  	v11 =	vadd.s32 $0xFFF38300, v8;
	_ =	sdelay $0x3  }
0x6e6: {  	[tilespmem:v9+s26+$0x0] =	vst.idx.msk vm0, v7  }
0x6e7: {  	v9 =	vor.u32 $0x300, v10;
	v7 =	vld.idx.msk [tilespmem:v11+s19+$0x0], vm0  }
0x6e8: {  	v8 =	vadd.s32 $0xFFF38380, v8;
	_ =	sdelay $0x3  }
0x6e9: {  	p1 =	sne.s32 s12, $0x1;
	[tilespmem:v9+s26+$0x0] =	vst.idx.msk vm0, v7  }
.Ltmp53:
0x6ea: {  	v7 =	vld.idx.msk [tilespmem:v8+s19+$0x0], vm0;
	v8 =	vor.u32 $0x380, v10;
	(pc) =	sbr.rel @!p1 .LBB2_65-.Ltmp53, $2  }
0x6eb: {  	_ =	sdelay $0x2  }
0x6ec: {  	s12 =	sadd.s32 $0xFFFFFFFF, s12  }
.LBB2_64:
0x6ed: {  	p1 =	sne.s32 s12, $0x1;
	[tilespmem:v8+s26+$0x0] =	vst.idx.msk vm0, v7;
	s1 =	sadd.s32 $0x10, s1;
	s0 =	sadd.s32 $0x10, s0  }
0x6ee: {  	s12 =	sadd.s32 $0xFFFFFFFF, s12;
	v7 =	vld [tilespmem:s1+$0x0];
	_ =	sdelay $0x4  }
0x6ef: {  	v8 =	vshrl.u32 v7, $0x11;
	v9 =	vshll.u32 v7, $0x3;
	v10 =	vshrl.u32 v7, $0xE  }
0x6f0: {  	v11 =	vadd.s32 s0, v2;
	v7 =	vand.u32 $0x7F, v7;
	v9 =	vand.u32 $0xFFC00, v9  }
0x6f1: {  	vm0 =	vlt.s32 v11, v6;
	v8 =	vand.u32 $0x7F, v8;
	v7 =	vor.u32 v7, v9  }
0x6f2: {  	v10 =	vand.u32 $0x3FC00, v10;
	v9 =	vadd.s32 $0xFFF38000, v7  }
0x6f3: {  	v8 =	vor.u32 v8, v10;
	_ =	sdelay $0x3  }
0x6f4: {  	v9 =	vld.idx.msk [tilespmem:v9+s19+$0x0], vm0;
	_ =	sdelay $0x1  }
0x6f5: {  	v10 =	vadd.s32 $0xFFF38080, v7;
	_ =	sdelay $0x3  }
0x6f6: {  	[tilespmem:v8+s26+$0x0] =	vst.idx.msk vm0, v9  }
0x6f7: {  	v9 =	vld.idx.msk [tilespmem:v10+s19+$0x0], vm0  }
0x6f8: {  	v10 =	vor.u32 $0x80, v8  }
0x6f9: {  	v11 =	vadd.s32 $0xFFF38100, v7;
	_ =	sdelay $0x3  }
0x6fa: {  	[tilespmem:v10+s26+$0x0] =	vst.idx.msk vm0, v9  }
0x6fb: {  	v9 =	vld.idx.msk [tilespmem:v11+s19+$0x0], vm0  }
0x6fc: {  	v10 =	vor.u32 $0x100, v8  }
0x6fd: {  	v11 =	vadd.s32 $0xFFF38180, v7;
	_ =	sdelay $0x3  }
0x6fe: {  	[tilespmem:v10+s26+$0x0] =	vst.idx.msk vm0, v9  }
0x6ff: {  	v9 =	vld.idx.msk [tilespmem:v11+s19+$0x0], vm0  }
0x700: {  	v10 =	vor.u32 $0x180, v8  }
0x701: {  	v11 =	vadd.s32 $0xFFF38200, v7;
	_ =	sdelay $0x3  }
0x702: {  	[tilespmem:v10+s26+$0x0] =	vst.idx.msk vm0, v9  }
0x703: {  	v9 =	vld.idx.msk [tilespmem:v11+s19+$0x0], vm0  }
0x704: {  	v10 =	vor.u32 $0x200, v8  }
0x705: {  	v11 =	vadd.s32 $0xFFF38280, v7;
	_ =	sdelay $0x3  }
0x706: {  	[tilespmem:v10+s26+$0x0] =	vst.idx.msk vm0, v9  }
0x707: {  	v9 =	vld.idx.msk [tilespmem:v11+s19+$0x0], vm0  }
0x708: {  	v10 =	vor.u32 $0x280, v8  }
0x709: {  	v11 =	vadd.s32 $0xFFF38300, v7;
	_ =	sdelay $0x3  }
0x70a: {  	[tilespmem:v10+s26+$0x0] =	vst.idx.msk vm0, v9  }
0x70b: {  	v9 =	vld.idx.msk [tilespmem:v11+s19+$0x0], vm0  }
0x70c: {  	v10 =	vor.u32 $0x300, v8  }
0x70d: {  	v7 =	vadd.s32 $0xFFF38380, v7;
	_ =	sdelay $0x1  }
.Ltmp54:
0x70e: {  	(pc) =	sbr.rel @p1 .LBB2_64-.Ltmp54, $4  }
0x70f: {  	_ = 	snop  }
0x710: {  	[tilespmem:v10+s26+$0x0] =	vst.idx.msk vm0, v9  }
0x711: {  	v7 =	vld.idx.msk [tilespmem:v7+s19+$0x0], vm0  }
0x712: {  	v8 =	vor.u32 $0x380, v8  }
.Ltmp55:
0x713: {  	_ = 	snop;
	(pc) =	sbr.rel .LBB2_65-.Ltmp55, $1  }
0x714: {  	_ =	sdelay $0x3  }
.LBB2_68:
0x715: {  	_ =	sfence.sel $0x180000  }
0x716: {  	[bflag:$0x0] =	sbarrier.arrive $0xFFFF  }
0x717: {  	_ =	strace $0x90000047  }
0x718: {  	s0 =	stileid.u32;
	[bflag:$0x2] =	sbarrier.arrive $0xFFFF  }
0x719: {  	p0 =	sne.s32 s0, $0x0;
	s0 =	rddreg [dreg:$0x3]  }
0x71a: {  	s0 =	sadd.s32 @!p0 $0x100000, s0  }
0x71b: {  	[sflag:s0] =	ssyncadd.tile.s32 @!p0 $0x1;
	_ =	shalt  }
.Lfunc_end2:
_tile_overlayer_lowered:
.L_overlay_start_2:
0x71c: {  	(tag) =	ssettag $0x2  }
0x71d: {  	s0 =	rddreg [dreg:$0x0];
	s2 =	stileid.u32  }
0x71e: {  	s1 =	rddreg [dreg:$0x1];
	p0 =	sne.s32 s2, $0x0  }
0x71f: {  	s3 =	rddreg [dreg:$0x2];
	[bflag:$0x3] =	sbarrier.arrive $0xFFFF;
	s2 =	simm.s32 @!p0 $0x1C03  }
0x720: {  	[timem:s3], [sflag:s2] =	dma.local @!p0 [hbm:s0], s1  }
0x721: {  	s0 =	simm.s32 @!p0 $0x3  }
0x722: {  	_ =	swait.ge @!p0 [sflag:s0], s1  }
0x723: {  	s1 =	ssub.s32 @!p0 $0x0, s1;
	[sflag:s0] =	ssyncset.done @!p0 $0x0  }
0x724: {  	[sflag:s0] =	ssyncadd.s32 @!p0 s1  }
0x725: {  	[bflag:$0x3] =	sbarrier.arrive $0xFFFF  }
0x726: {  	_ =	shalt  }

</sc_bundles>
